<compile_context>
chip_gen: v7x
topology: tpu7x:2x2x1
jax: 0.10.2.dev20260603
libtpu: 0.0.44.dev20260713+nightly
codegen_flags: <defaults>
</compile_context>

<pallas_src>
import functools

import jax
import jax.numpy as jnp
from jax import lax
from jax.experimental import pallas as pl
from jax.experimental.pallas import tpu as pltpu
from jax.experimental.pallas import tpu_sc as plsc

N = 10000
E = 320000
D = 128

NC = 2
NS = 16
B = 128

NCH = E // B
CH_BASE = NCH // NS
CH_REM = NCH % NS
NRCH = N // B
NR_REM = N - NRCH * B
RC_BASE = NRCH // NS
RC_REM = NRCH % NS

ZB = 1000
NZT = N // ZB

_mesh = plsc.VectorSubcoreMesh(
    core_axis_name="c", subcore_axis_name="s", num_cores=NC, num_subcores=NS)



EBP = 64
NECP = 320
RS = 4
IQ = 8
EPTP = NECP * EBP
EP = EPTP * NS
NPAD = EP - E
ND = 8
NA = N + ND
DEB = 128
DNEC = EPTP // DEB


@functools.partial(
    pl.kernel,
    out_type=jax.ShapeDtypeStruct((NC * N,), jnp.float32),
    mesh=_mesh,
    scratch_types=[
        pltpu.VMEM((DNEC, DEB), jnp.int32),
        pltpu.VMEM((DEB,), jnp.float32),
        pltpu.VMEM((ZB,), jnp.float32),
        pltpu.VMEM_SHARED((NA,), jnp.float32),
        pltpu.SemaphoreType.DMA,
        pltpu.SemaphoreType.DMA,
    ],
)
def _deg_kernel(dstr_hbm, consts_hbm, out_hbm, dst_all, ones_v, zero_v,
                acc_sh, isem, ssem):
    c = lax.axis_index("c")
    s = lax.axis_index("s")

    pltpu.async_copy(dstr_hbm.at[c, s], dst_all, isem)

    pltpu.sync_copy(consts_hbm.at[pl.ds(0, DEB)], ones_v)
    pltpu.sync_copy(consts_hbm.at[pl.ds(DEB, ZB)], zero_v)

    @pl.when(s < NZT)
    def _():
        pltpu.sync_copy(zero_v, acc_sh.at[pl.ds(s * ZB, ZB)])

    @pl.when(s == NZT)
    def _():
        pltpu.sync_copy(zero_v.at[pl.ds(0, ND)], acc_sh.at[pl.ds(N, ND)])

    pltpu.make_async_copy(dstr_hbm.at[c, s], dst_all, isem).wait()
    plsc.subcore_barrier()

    def step(i, carry):
        pltpu.sync_copy(ones_v, acc_sh.at[dst_all.at[i]], add=True)
        return carry

    lax.fori_loop(0, DNEC, step, 0)
    plsc.subcore_barrier()

    @pl.when(s < NZT)
    def _():
        pltpu.sync_copy(acc_sh.at[pl.ds(s * ZB, ZB)], zero_v)
        pltpu.sync_copy(zero_v, out_hbm.at[pl.ds(c * N + s * ZB, ZB)])


@functools.partial(
    pl.kernel,
    out_type=jax.ShapeDtypeStruct((NC * N, D), jnp.float32),
    mesh=_mesh,
    scratch_types=[
        pltpu.VMEM((IQ, EBP), jnp.int32),
        pltpu.VMEM((IQ, EBP), jnp.int32),
        pltpu.VMEM((B, D), jnp.float32),
        pltpu.VMEM(((RS * EBP) - B, D), jnp.float32),
        pltpu.VMEM_SHARED((NA, D), jnp.float32),
        [pltpu.SemaphoreType.DMA] * IQ,
        [pltpu.SemaphoreType.DMA] * RS,
    ],
)
def _scatter_kernel(g_hbm, srcr_hbm, dstr_hbm, out_hbm,
                    srcq, dstq, rows0, rows1, acc_sh, isems, gsems):
    c = lax.axis_index("c")
    s = lax.axis_index("s")

    nrc = RC_BASE + jnp.where(s < RC_REM, 1, 0)

    def init_step(i, carry):
        r = (s + i * NS) * B
        pltpu.sync_copy(g_hbm.at[pl.ds(c * N + r, B)], rows0)
        pltpu.sync_copy(rows0, acc_sh.at[pl.ds(r, B)])
        return carry

    lax.fori_loop(0, nrc, init_step, 0)

    @pl.when(s == NS - 1)
    def _():
        r = NRCH * B
        pltpu.sync_copy(g_hbm.at[pl.ds(c * N + r, NR_REM)],
                        rows0.at[pl.ds(0, NR_REM)])
        pltpu.sync_copy(rows0.at[pl.ds(0, NR_REM)],
                        acc_sh.at[pl.ds(r, NR_REM)])

    plsc.subcore_barrier()

    ebase = c * EP + s * EPTP
    n0 = B // EBP
    slots = tuple(rows0.at[pl.ds(r * EBP, EBP)] for r in range(n0)) + \
        tuple(rows1.at[pl.ds(r * EBP, EBP)] for r in range(RS - n0))

    def idx_start(i, q):
        off = ebase + i * EBP
        pltpu.async_copy(srcr_hbm.at[pl.ds(off, EBP)], srcq.at[q], isems[q])
        pltpu.async_copy(dstr_hbm.at[pl.ds(off, EBP)], dstq.at[q], isems[q])

    def idx_wait(q):
        pltpu.make_async_copy(srcr_hbm.at[pl.ds(0, EBP)], srcq.at[q],
                              isems[q]).wait()
        pltpu.make_async_copy(dstr_hbm.at[pl.ds(0, EBP)], dstq.at[q],
                              isems[q]).wait()

    def g_start(q, rb):
        pltpu.async_copy(g_hbm.at[srcq.at[q]], slots[rb], gsems[rb])

    def g_wait(q, rb):
        pltpu.make_async_copy(g_hbm.at[srcq.at[q]], slots[rb],
                              gsems[rb]).wait()

    def scat(q, rb):
        pltpu.sync_copy(slots[rb], acc_sh.at[dstq.at[q]], add=True)

    for k in range(IQ):
        idx_start(k, k)
    for k in range(RS):
        idx_wait(k)
        g_start(k, k)

    def group(g, carry):
        i0 = IQ * g
        for k in range(IQ):
            i = i0 + k
            rb = k % RS
            g_wait(k, rb)
            scat(k, rb)

            @pl.when(i + IQ < NECP)
            def _():
                idx_start(i + IQ, k)

            if k < IQ - RS:
                idx_wait((k + RS) % IQ)
                g_start((k + RS) % IQ, rb)
            else:
                @pl.when(i + RS < NECP)
                def _():
                    idx_wait((k + RS) % IQ)
                    g_start((k + RS) % IQ, rb)
        return carry

    lax.fori_loop(0, NECP // IQ, group, 0)

    plsc.subcore_barrier()

    def out_step(i, carry):
        r = (s + i * NS) * B
        pltpu.sync_copy(acc_sh.at[pl.ds(r, B)], rows0)
        pltpu.sync_copy(rows0, out_hbm.at[pl.ds(c * N + r, B)])
        return carry

    lax.fori_loop(0, nrc, out_step, 0)

    @pl.when(s == NS - 1)
    def _():
        r = NRCH * B
        pltpu.sync_copy(acc_sh.at[pl.ds(r, NR_REM)],
                        rows0.at[pl.ds(0, NR_REM)])
        pltpu.sync_copy(rows0.at[pl.ds(0, NR_REM)],
                        out_hbm.at[pl.ds(c * N + r, NR_REM)])



BN = 1000
NB = (NC * N) // BN


def _prep_body(deg_ref, x_ref, w_ref, g_ref):
    dinv = lax.rsqrt(deg_ref[...] + 1.0)
    h = jnp.dot(x_ref[...], w_ref[...], preferred_element_type=jnp.float32)
    g_ref[...] = h * dinv


def _mid_body(deg_ref, s_ref, b_ref, w_ref, g_ref):
    dinv = lax.rsqrt(deg_ref[...] + 1.0)
    o = jnp.maximum(s_ref[...] * dinv + b_ref[...], 0.0)
    g_ref[...] = jnp.dot(o, w_ref[...],
                         preferred_element_type=jnp.float32) * dinv


def _fin_body(deg_ref, s_ref, b_ref, o_ref):
    dinv = lax.rsqrt(deg_ref[...] + 1.0)
    o_ref[...] = s_ref[...] * dinv + b_ref[...]


_deg_spec = pl.BlockSpec((BN, 1), lambda i: (i, 0))
_row_spec = pl.BlockSpec((BN, D), lambda i: (i, 0))
_w_spec = pl.BlockSpec((D, D), lambda i: (0, 0))
_b_spec = pl.BlockSpec((1, D), lambda i: (0, 0))
_out_sds = jax.ShapeDtypeStruct((NC * N, D), jnp.float32)

_prep = pl.pallas_call(
    _prep_body, grid=(NB,),
    in_specs=[_deg_spec, _row_spec, _w_spec],
    out_specs=_row_spec, out_shape=_out_sds)

_mid = pl.pallas_call(
    _mid_body, grid=(NB,),
    in_specs=[_deg_spec, _row_spec, _b_spec, _w_spec],
    out_specs=_row_spec, out_shape=_out_sds)

_fin = pl.pallas_call(
    _fin_body, grid=(NB,),
    in_specs=[_deg_spec, _row_spec, _b_spec],
    out_specs=_row_spec, out_shape=_out_sds)



def kernel(x1, edge_index1, x2, edge_index2, W1, b1, W2, b2):
    pad_src = jnp.arange(NPAD, dtype=jnp.int32) % N
    pad_dst = N + (jnp.arange(NPAD, dtype=jnp.int32) % ND)
    src = jnp.concatenate([edge_index1[0], pad_src,
                           edge_index2[0] + N, pad_src + N])
    dst = jnp.concatenate([edge_index1[1], pad_dst,
                           edge_index2[1], pad_dst])
    dst4 = dst.reshape(NC, NS, DNEC, DEB)
    xs = jnp.concatenate([x1, x2], axis=0)
    b1r = b1.reshape(1, D)
    b2r = b2.reshape(1, D)

    consts = jnp.concatenate([jnp.ones((DEB,), jnp.float32),
                              jnp.zeros((ZB,), jnp.float32)])
    counts = _deg_kernel(dst4, consts)
    degc = counts.reshape(NC * N, 1)

    g = _prep(degc, xs, W1)
    s1 = _scatter_kernel(g, src, dst)
    g2 = _mid(degc, s1, b1r, W2)
    s2 = _scatter_kernel(g2, src, dst)
    out = _fin(degc, s2, b2r)

    return out[:N], out[N:]

# --- scband reference (transcript-rebuilt; emitter-appended) ---
"""Pipeline reference for scband-model-58093727646297 (READ-ONLY COPY).

The authoritative reference and input builder live on the scoring server;
editing this copy changes nothing except your own understanding.
"""

import jax, jax.numpy as jnp
import numpy as np

N = 10000
E = 320000
D = 128


def setup_inputs(seed: int = 0) -> dict:
    key = jax.random.key(seed)
    ks = jax.random.split(key, 8)
    x1 = jax.random.normal(ks[0], (N, D), dtype=jnp.float32)
    edge_index1 = jax.random.randint(ks[1], (2, E), 0, N, dtype=jnp.int32)
    x2 = jax.random.normal(ks[2], (N, D), dtype=jnp.float32)
    edge_index2 = jax.random.randint(ks[3], (2, E), 0, N, dtype=jnp.int32)
    # Backbone GCN params: 2 layers (in_dim=128 -> hid=128 -> out=128)
    W1 = jax.random.normal(ks[4], (D, D), dtype=jnp.float32) * (1.0 / np.sqrt(D))
    b1 = jnp.zeros((D,), dtype=jnp.float32)
    W2 = jax.random.normal(ks[5], (D, D), dtype=jnp.float32) * (1.0 / np.sqrt(D))
    b2 = jnp.zeros((D,), dtype=jnp.float32)
    return {"x1": x1, "edge_index1": edge_index1, "x2": x2, "edge_index2": edge_index2,
            "W1": W1, "b1": b1, "W2": W2, "b2": b2}


def _gcn_conv(x, edge_index, W, b):
    # GCNConv with added self-loops and symmetric normalization (PyG semantics)
    n = x.shape[0]
    loops = jnp.arange(n, dtype=edge_index.dtype)
    src = jnp.concatenate([edge_index[0], loops])
    dst = jnp.concatenate([edge_index[1], loops])
    deg = jnp.zeros((n,), dtype=x.dtype).at[dst].add(1.0)
    dinv = jax.lax.rsqrt(deg)  # deg >= 1 because of self-loops
    norm = dinv[src] * dinv[dst]
    h = x @ W
    msg = h[src] * norm[:, None]
    out = jnp.zeros((n, h.shape[1]), dtype=x.dtype).at[dst].add(msg)
    return out + b


def _backbone(x, edge_index, W1, b1, W2, b2):
    # GCN with n_layers=2: relu(conv1(x, ei)) then conv2
    h = jax.nn.relu(_gcn_conv(x, edge_index, W1, b1))
    return _gcn_conv(h, edge_index, W2, b2)


def reference(x1, edge_index1, x2, edge_index2, W1, b1, W2, b2):
    u = _backbone(x1, edge_index1, W1, b1, W2, b2)
    v = _backbone(x2, edge_index2, W1, b1, W2, b2)
    return (u, v)

if __name__ == "__main__":
    import jax
    _d = setup_inputs()
    print(jax.jit(kernel)(*tuple(_d.values())))

</pallas_src>

<mosaic_0001>
#map = affine_map<(d0, d1) -> (0, 0)>
#map1 = affine_map<(d0, d1) -> (0)>
module attributes {stable_mosaic.version = 14 : i64} {
  func.func @_scatter_kernel(%arg0: i32, %arg1: i32, %arg2: memref<20000x128xf32, #tpu.memory_space<hbm>>, %arg3: memref<655360xi32, #tpu.memory_space<hbm>>, %arg4: memref<655360xi32, #tpu.memory_space<hbm>>, %arg5: memref<20000x128xf32, #tpu.memory_space<hbm>>, %arg6: memref<8x64xi32, #tpu.memory_space<vmem>>, %arg7: memref<8x64xi32, #tpu.memory_space<vmem>>, %arg8: memref<128x128xf32, #tpu.memory_space<vmem>>, %arg9: memref<128x128xf32, #tpu.memory_space<vmem>>, %arg10: memref<10008x128xf32, #tpu.memory_space<vmem_shared>>, %arg11: memref<!tpu.dma_semaphore, #tpu.memory_space<semaphore_mem>>, %arg12: memref<!tpu.dma_semaphore, #tpu.memory_space<semaphore_mem>>, %arg13: memref<!tpu.dma_semaphore, #tpu.memory_space<semaphore_mem>>, %arg14: memref<!tpu.dma_semaphore, #tpu.memory_space<semaphore_mem>>, %arg15: memref<!tpu.dma_semaphore, #tpu.memory_space<semaphore_mem>>, %arg16: memref<!tpu.dma_semaphore, #tpu.memory_space<semaphore_mem>>, %arg17: memref<!tpu.dma_semaphore, #tpu.memory_space<semaphore_mem>>, %arg18: memref<!tpu.dma_semaphore, #tpu.memory_space<semaphore_mem>>, %arg19: memref<!tpu.dma_semaphore, #tpu.memory_space<semaphore_mem>>, %arg20: memref<!tpu.dma_semaphore, #tpu.memory_space<semaphore_mem>>, %arg21: memref<!tpu.dma_semaphore, #tpu.memory_space<semaphore_mem>>, %arg22: memref<!tpu.dma_semaphore, #tpu.memory_space<semaphore_mem>>) attributes {dimension_semantics = [#tpu.dimension_semantics<core_parallel>, #tpu.dimension_semantics<subcore_parallel>], iteration_bounds = array<i64: 2, 16>, scalar_prefetch = 0 : i64, scratch_operands = 17 : i64, tpu.core_type = #tpu.core_type<sc_vector_subcore>, window_params = [{transform_indices = #map}, {transform_indices = #map1}, {transform_indices = #map1}, {transform_indices = #map}]} {
    %lt3A = arith.constant 14 : i32
    %lt3A_0 = arith.cmpi slt, %arg1, %lt3A : i32
    %jit3A = arith.constant 1 : i32
    %jit3A_1 = arith.constant 0 : i32
    %select_n3A = arith.select %lt3A_0, %jit3A, %jit3A_1 : i32
    %add3A = arith.constant 4 : i32
    %add3A_2 = arith.addi %add3A, %select_n3A : i32
    %while3A = arith.constant 0 : i32
    %while3A_3 = arith.constant 0 : i32
    %while3A_4 = arith.subi %add3A_2, %while3A_3 : i32
    %while3A_5 = arith.addi %while3A_3, %while3A_4 : i32
    %while3A_6 = arith.constant 1 : i32
    %while3A_7 = arith.divsi %while3A_4, %while3A_6 : i32
    %while3A_8 = arith.muli %while3A_7, %while3A_6 : i32
    %while3A_9 = arith.addi %while3A_3, %while3A_8 : i32
    %while3A_10 = arith.constant 1 : i32
    scf.for %while3A_325 = %while3A_3 to %while3A_9 step %while3A_10  : i32 {
      %mul3A_326 = arith.constant 16 : i32
      %mul3A_327 = arith.muli %while3A_325, %mul3A_326 : i32
      %add3A_328 = arith.addi %arg1, %mul3A_327 : i32
      %mul3A_329 = arith.constant 128 : i32
      %mul3A_330 = arith.muli %add3A_328, %mul3A_329 : i32
      %mul3A_331 = arith.constant 10000 : i32
      %mul3A_332 = arith.muli %arg0, %mul3A_331 : i32
      %add3A_333 = arith.addi %mul3A_332, %mul3A_330 : i32
      "tpu.region"() ({
        %run_scoped3A = tpu.sem_alloc : memref<!tpu.dma_semaphore, #tpu.memory_space<semaphore_mem>>
        %dma_start3A_334 = arith.constant 0 : i32
        %dma_start3A_335 = tpu.memref_slice %arg2[%add3A_333, %dma_start3A_334] : memref<20000x128xf32, #tpu.memory_space<hbm>> -> memref<128x128xf32, #tpu.memory_space<hbm>>
        %dma_start3A_336 = arith.constant 0 : i32
        %dma_start3A_337 = tpu.memref_slice %arg2[%add3A_333, %dma_start3A_336] : memref<20000x128xf32, #tpu.memory_space<hbm>> -> memref<128x128xf32, #tpu.memory_space<hbm>>
        tpu.enqueue_dma source(%dma_start3A_337 : memref<128x128xf32, #tpu.memory_space<hbm>>) target(%arg8 : memref<128x128xf32, #tpu.memory_space<vmem>>) target_semaphore(%run_scoped3A : memref<!tpu.dma_semaphore, #tpu.memory_space<semaphore_mem>>)
        %dma_wait3A_338 = arith.constant 0 : i32
        %dma_wait3A_339 = tpu.memref_slice %arg2[%add3A_333, %dma_wait3A_338] : memref<20000x128xf32, #tpu.memory_space<hbm>> -> memref<128x128xf32, #tpu.memory_space<hbm>>
        %dma_wait3A_340 = arith.constant 0 : i32
        %dma_wait3A_341 = tpu.memref_slice %arg2[%add3A_333, %dma_wait3A_340] : memref<20000x128xf32, #tpu.memory_space<hbm>> -> memref<128x128xf32, #tpu.memory_space<hbm>>
        tpu.wait_dma2 semaphore(%run_scoped3A : memref<!tpu.dma_semaphore, #tpu.memory_space<semaphore_mem>>) src(%dma_wait3A_341 : memref<128x128xf32, #tpu.memory_space<hbm>>) dst(%arg8 : memref<128x128xf32, #tpu.memory_space<vmem>>)
        tpu.yield
      }) : () -> ()
      "tpu.region"() ({
        %run_scoped3A = tpu.sem_alloc : memref<!tpu.dma_semaphore, #tpu.memory_space<semaphore_mem>>
        %dma_start3A_334 = arith.constant 0 : i32
        %dma_start3A_335 = tpu.memref_slice %arg10[%mul3A_330, %dma_start3A_334] : memref<10008x128xf32, #tpu.memory_space<vmem_shared>> -> memref<128x128xf32, #tpu.memory_space<vmem_shared>>
        %dma_start3A_336 = arith.constant 0 : i32
        %dma_start3A_337 = tpu.memref_slice %arg10[%mul3A_330, %dma_start3A_336] : memref<10008x128xf32, #tpu.memory_space<vmem_shared>> -> memref<128x128xf32, #tpu.memory_space<vmem_shared>>
        tpu.enqueue_dma source(%arg8 : memref<128x128xf32, #tpu.memory_space<vmem>>) target(%dma_start3A_337 : memref<128x128xf32, #tpu.memory_space<vmem_shared>>) target_semaphore(%run_scoped3A : memref<!tpu.dma_semaphore, #tpu.memory_space<semaphore_mem>>)
        %dma_wait3A_338 = arith.constant 0 : i32
        %dma_wait3A_339 = tpu.memref_slice %arg10[%mul3A_330, %dma_wait3A_338] : memref<10008x128xf32, #tpu.memory_space<vmem_shared>> -> memref<128x128xf32, #tpu.memory_space<vmem_shared>>
        %dma_wait3A_340 = arith.constant 0 : i32
        %dma_wait3A_341 = tpu.memref_slice %arg10[%mul3A_330, %dma_wait3A_340] : memref<10008x128xf32, #tpu.memory_space<vmem_shared>> -> memref<128x128xf32, #tpu.memory_space<vmem_shared>>
        tpu.wait_dma2 semaphore(%run_scoped3A : memref<!tpu.dma_semaphore, #tpu.memory_space<semaphore_mem>>) src(%arg8 : memref<128x128xf32, #tpu.memory_space<vmem>>) dst(%dma_wait3A_341 : memref<128x128xf32, #tpu.memory_space<vmem_shared>>)
        tpu.yield
      }) : () -> ()
    }
    %while3A_11 = arith.constant 1 : i32
    scf.for %while3A_325 = %while3A_9 to %while3A_5 step %while3A_11  : i32 {
      %mul3A_326 = arith.constant 16 : i32
      %mul3A_327 = arith.muli %while3A_325, %mul3A_326 : i32
      %add3A_328 = arith.addi %arg1, %mul3A_327 : i32
      %mul3A_329 = arith.constant 128 : i32
      %mul3A_330 = arith.muli %add3A_328, %mul3A_329 : i32
      %mul3A_331 = arith.constant 10000 : i32
      %mul3A_332 = arith.muli %arg0, %mul3A_331 : i32
      %add3A_333 = arith.addi %mul3A_332, %mul3A_330 : i32
      "tpu.region"() ({
        %run_scoped3A = tpu.sem_alloc : memref<!tpu.dma_semaphore, #tpu.memory_space<semaphore_mem>>
        %dma_start3A_334 = arith.constant 0 : i32
        %dma_start3A_335 = tpu.memref_slice %arg2[%add3A_333, %dma_start3A_334] : memref<20000x128xf32, #tpu.memory_space<hbm>> -> memref<128x128xf32, #tpu.memory_space<hbm>>
        %dma_start3A_336 = arith.constant 0 : i32
        %dma_start3A_337 = tpu.memref_slice %arg2[%add3A_333, %dma_start3A_336] : memref<20000x128xf32, #tpu.memory_space<hbm>> -> memref<128x128xf32, #tpu.memory_space<hbm>>
        tpu.enqueue_dma source(%dma_start3A_337 : memref<128x128xf32, #tpu.memory_space<hbm>>) target(%arg8 : memref<128x128xf32, #tpu.memory_space<vmem>>) target_semaphore(%run_scoped3A : memref<!tpu.dma_semaphore, #tpu.memory_space<semaphore_mem>>)
        %dma_wait3A_338 = arith.constant 0 : i32
        %dma_wait3A_339 = tpu.memref_slice %arg2[%add3A_333, %dma_wait3A_338] : memref<20000x128xf32, #tpu.memory_space<hbm>> -> memref<128x128xf32, #tpu.memory_space<hbm>>
        %dma_wait3A_340 = arith.constant 0 : i32
        %dma_wait3A_341 = tpu.memref_slice %arg2[%add3A_333, %dma_wait3A_340] : memref<20000x128xf32, #tpu.memory_space<hbm>> -> memref<128x128xf32, #tpu.memory_space<hbm>>
        tpu.wait_dma2 semaphore(%run_scoped3A : memref<!tpu.dma_semaphore, #tpu.memory_space<semaphore_mem>>) src(%dma_wait3A_341 : memref<128x128xf32, #tpu.memory_space<hbm>>) dst(%arg8 : memref<128x128xf32, #tpu.memory_space<vmem>>)
        tpu.yield
      }) : () -> ()
      "tpu.region"() ({
        %run_scoped3A = tpu.sem_alloc : memref<!tpu.dma_semaphore, #tpu.memory_space<semaphore_mem>>
        %dma_start3A_334 = arith.constant 0 : i32
        %dma_start3A_335 = tpu.memref_slice %arg10[%mul3A_330, %dma_start3A_334] : memref<10008x128xf32, #tpu.memory_space<vmem_shared>> -> memref<128x128xf32, #tpu.memory_space<vmem_shared>>
        %dma_start3A_336 = arith.constant 0 : i32
        %dma_start3A_337 = tpu.memref_slice %arg10[%mul3A_330, %dma_start3A_336] : memref<10008x128xf32, #tpu.memory_space<vmem_shared>> -> memref<128x128xf32, #tpu.memory_space<vmem_shared>>
        tpu.enqueue_dma source(%arg8 : memref<128x128xf32, #tpu.memory_space<vmem>>) target(%dma_start3A_337 : memref<128x128xf32, #tpu.memory_space<vmem_shared>>) target_semaphore(%run_scoped3A : memref<!tpu.dma_semaphore, #tpu.memory_space<semaphore_mem>>)
        %dma_wait3A_338 = arith.constant 0 : i32
        %dma_wait3A_339 = tpu.memref_slice %arg10[%mul3A_330, %dma_wait3A_338] : memref<10008x128xf32, #tpu.memory_space<vmem_shared>> -> memref<128x128xf32, #tpu.memory_space<vmem_shared>>
        %dma_wait3A_340 = arith.constant 0 : i32
        %dma_wait3A_341 = tpu.memref_slice %arg10[%mul3A_330, %dma_wait3A_340] : memref<10008x128xf32, #tpu.memory_space<vmem_shared>> -> memref<128x128xf32, #tpu.memory_space<vmem_shared>>
        tpu.wait_dma2 semaphore(%run_scoped3A : memref<!tpu.dma_semaphore, #tpu.memory_space<semaphore_mem>>) src(%arg8 : memref<128x128xf32, #tpu.memory_space<vmem>>) dst(%dma_wait3A_341 : memref<128x128xf32, #tpu.memory_space<vmem_shared>>)
        tpu.yield
      }) : () -> ()
    }
    %eq3A = arith.constant 15 : i32
    %eq3A_12 = arith.cmpi eq, %arg1, %eq3A : i32
    %convert_element_type3A = arith.extui %eq3A_12 : i1 to i32
    %cond3A = arith.constant 0 : i32
    %cond3A_13 = arith.cmpi ne, %convert_element_type3A, %cond3A : i32
    scf.if %cond3A_13 {
      %mul3A_325 = arith.constant 10000 : i32
      %mul3A_326 = arith.muli %arg0, %mul3A_325 : i32
      %add3A_327 = arith.constant 9984 : i32
      %add3A_328 = arith.addi %mul3A_326, %add3A_327 : i32
      "tpu.region"() ({
        %run_scoped3A = tpu.sem_alloc : memref<!tpu.dma_semaphore, #tpu.memory_space<semaphore_mem>>
        %dma_start3A_329 = arith.constant 0 : i32
        %dma_start3A_330 = arith.constant 0 : i32
        %dma_start3A_331 = tpu.memref_slice %arg8[%dma_start3A_329, %dma_start3A_330] : memref<128x128xf32, #tpu.memory_space<vmem>> -> memref<16x128xf32, #tpu.memory_space<vmem>>
        %dma_start3A_332 = arith.constant 0 : i32
        %dma_start3A_333 = tpu.memref_slice %arg2[%add3A_328, %dma_start3A_332] : memref<20000x128xf32, #tpu.memory_space<hbm>> -> memref<16x128xf32, #tpu.memory_space<hbm>>
        %dma_start3A_334 = arith.constant 0 : i32
        %dma_start3A_335 = arith.constant 0 : i32
        %dma_start3A_336 = tpu.memref_slice %arg8[%dma_start3A_334, %dma_start3A_335] : memref<128x128xf32, #tpu.memory_space<vmem>> -> memref<16x128xf32, #tpu.memory_space<vmem>>
        %dma_start3A_337 = arith.constant 0 : i32
        %dma_start3A_338 = tpu.memref_slice %arg2[%add3A_328, %dma_start3A_337] : memref<20000x128xf32, #tpu.memory_space<hbm>> -> memref<16x128xf32, #tpu.memory_space<hbm>>
        tpu.enqueue_dma source(%dma_start3A_338 : memref<16x128xf32, #tpu.memory_space<hbm>>) target(%dma_start3A_336 : memref<16x128xf32, #tpu.memory_space<vmem>>) target_semaphore(%run_scoped3A : memref<!tpu.dma_semaphore, #tpu.memory_space<semaphore_mem>>)
        %dma_wait3A_339 = arith.constant 0 : i32
        %dma_wait3A_340 = arith.constant 0 : i32
        %dma_wait3A_341 = tpu.memref_slice %arg8[%dma_wait3A_339, %dma_wait3A_340] : memref<128x128xf32, #tpu.memory_space<vmem>> -> memref<16x128xf32, #tpu.memory_space<vmem>>
        %dma_wait3A_342 = arith.constant 0 : i32
        %dma_wait3A_343 = tpu.memref_slice %arg2[%add3A_328, %dma_wait3A_342] : memref<20000x128xf32, #tpu.memory_space<hbm>> -> memref<16x128xf32, #tpu.memory_space<hbm>>
        %dma_wait3A_344 = arith.constant 0 : i32
        %dma_wait3A_345 = arith.constant 0 : i32
        %dma_wait3A_346 = tpu.memref_slice %arg8[%dma_wait3A_344, %dma_wait3A_345] : memref<128x128xf32, #tpu.memory_space<vmem>> -> memref<16x128xf32, #tpu.memory_space<vmem>>
        %dma_wait3A_347 = arith.constant 0 : i32
        %dma_wait3A_348 = tpu.memref_slice %arg2[%add3A_328, %dma_wait3A_347] : memref<20000x128xf32, #tpu.memory_space<hbm>> -> memref<16x128xf32, #tpu.memory_space<hbm>>
        tpu.wait_dma2 semaphore(%run_scoped3A : memref<!tpu.dma_semaphore, #tpu.memory_space<semaphore_mem>>) src(%dma_wait3A_348 : memref<16x128xf32, #tpu.memory_space<hbm>>) dst(%dma_wait3A_346 : memref<16x128xf32, #tpu.memory_space<vmem>>)
        tpu.yield
      }) : () -> ()
      "tpu.region"() ({
        %run_scoped3A = tpu.sem_alloc : memref<!tpu.dma_semaphore, #tpu.memory_space<semaphore_mem>>
        %dma_start3A_329 = arith.constant 0 : i32
        %dma_start3A_330 = arith.constant 0 : i32
        %dma_start3A_331 = tpu.memref_slice %arg8[%dma_start3A_329, %dma_start3A_330] : memref<128x128xf32, #tpu.memory_space<vmem>> -> memref<16x128xf32, #tpu.memory_space<vmem>>
        %dma_start3A_332 = arith.constant 9984 : i32
        %dma_start3A_333 = arith.constant 0 : i32
        %dma_start3A_334 = tpu.memref_slice %arg10[%dma_start3A_332, %dma_start3A_333] : memref<10008x128xf32, #tpu.memory_space<vmem_shared>> -> memref<16x128xf32, #tpu.memory_space<vmem_shared>>
        %dma_start3A_335 = arith.constant 9984 : i32
        %dma_start3A_336 = arith.constant 0 : i32
        %dma_start3A_337 = tpu.memref_slice %arg10[%dma_start3A_335, %dma_start3A_336] : memref<10008x128xf32, #tpu.memory_space<vmem_shared>> -> memref<16x128xf32, #tpu.memory_space<vmem_shared>>
        %dma_start3A_338 = arith.constant 0 : i32
        %dma_start3A_339 = arith.constant 0 : i32
        %dma_start3A_340 = tpu.memref_slice %arg8[%dma_start3A_338, %dma_start3A_339] : memref<128x128xf32, #tpu.memory_space<vmem>> -> memref<16x128xf32, #tpu.memory_space<vmem>>
        tpu.enqueue_dma source(%dma_start3A_340 : memref<16x128xf32, #tpu.memory_space<vmem>>) target(%dma_start3A_337 : memref<16x128xf32, #tpu.memory_space<vmem_shared>>) target_semaphore(%run_scoped3A : memref<!tpu.dma_semaphore, #tpu.memory_space<semaphore_mem>>)
        %dma_wait3A_341 = arith.constant 0 : i32
        %dma_wait3A_342 = arith.constant 0 : i32
        %dma_wait3A_343 = tpu.memref_slice %arg8[%dma_wait3A_341, %dma_wait3A_342] : memref<128x128xf32, #tpu.memory_space<vmem>> -> memref<16x128xf32, #tpu.memory_space<vmem>>
        %dma_wait3A_344 = arith.constant 9984 : i32
        %dma_wait3A_345 = arith.constant 0 : i32
        %dma_wait3A_346 = tpu.memref_slice %arg10[%dma_wait3A_344, %dma_wait3A_345] : memref<10008x128xf32, #tpu.memory_space<vmem_shared>> -> memref<16x128xf32, #tpu.memory_space<vmem_shared>>
        %dma_wait3A_347 = arith.constant 9984 : i32
        %dma_wait3A_348 = arith.constant 0 : i32
        %dma_wait3A_349 = tpu.memref_slice %arg10[%dma_wait3A_347, %dma_wait3A_348] : memref<10008x128xf32, #tpu.memory_space<vmem_shared>> -> memref<16x128xf32, #tpu.memory_space<vmem_shared>>
        %dma_wait3A_350 = arith.constant 0 : i32
        %dma_wait3A_351 = arith.constant 0 : i32
        %dma_wait3A_352 = tpu.memref_slice %arg8[%dma_wait3A_350, %dma_wait3A_351] : memref<128x128xf32, #tpu.memory_space<vmem>> -> memref<16x128xf32, #tpu.memory_space<vmem>>
        tpu.wait_dma2 semaphore(%run_scoped3A : memref<!tpu.dma_semaphore, #tpu.memory_space<semaphore_mem>>) src(%dma_wait3A_352 : memref<16x128xf32, #tpu.memory_space<vmem>>) dst(%dma_wait3A_349 : memref<16x128xf32, #tpu.memory_space<vmem_shared>>)
        tpu.yield
      }) : () -> ()
    } else {
    }
    %barrier3A = arith.constant 0 : index
    tpu.barrier barrier_id(%barrier3A)
    %mul3A = arith.constant 327680 : i32
    %mul3A_14 = arith.muli %arg0, %mul3A : i32
    %mul3A_15 = arith.constant 20480 : i32
    %mul3A_16 = arith.muli %arg1, %mul3A_15 : i32
    %add3A_17 = arith.addi %mul3A_14, %mul3A_16 : i32
    %add3A_18 = arith.constant 0 : i32
    %add3A_19 = arith.addi %add3A_17, %add3A_18 : i32
    %dma_start3A = arith.constant 0 : i32
    %dma_start3A_20 = arith.constant 0 : i32
    %dma_start3A_21 = tpu.memref_slice %arg6[%dma_start3A, %dma_start3A_20] : memref<8x64xi32, #tpu.memory_space<vmem>> -> memref<1x64xi32, #tpu.memory_space<vmem>>
    %dma_start3A_22 = tpu.memref_squeeze %dma_start3A_21 : memref<1x64xi32, #tpu.memory_space<vmem>> -> memref<64xi32, #tpu.memory_space<vmem>>
    %dma_start3A_23 = tpu.memref_slice %arg3[%add3A_19] : memref<655360xi32, #tpu.memory_space<hbm>> -> memref<64xi32, #tpu.memory_space<hbm>>
    %dma_start3A_24 = arith.constant 0 : i32
    %dma_start3A_25 = tpu.memref_slice %arg6[%dma_start3A, %dma_start3A_24] : memref<8x64xi32, #tpu.memory_space<vmem>> -> memref<1x64xi32, #tpu.memory_space<vmem>>
    %dma_start3A_26 = tpu.memref_squeeze %dma_start3A_25 : memref<1x64xi32, #tpu.memory_space<vmem>> -> memref<64xi32, #tpu.memory_space<vmem>>
    %dma_start3A_27 = tpu.memref_slice %arg3[%add3A_19] : memref<655360xi32, #tpu.memory_space<hbm>> -> memref<64xi32, #tpu.memory_space<hbm>>
    tpu.enqueue_dma source(%dma_start3A_27 : memref<64xi32, #tpu.memory_space<hbm>>) target(%dma_start3A_26 : memref<64xi32, #tpu.memory_space<vmem>>) target_semaphore(%arg11 : memref<!tpu.dma_semaphore, #tpu.memory_space<semaphore_mem>>)
    %dma_start3A_28 = arith.constant 0 : i32
    %dma_start3A_29 = arith.constant 0 : i32
    %dma_start3A_30 = tpu.memref_slice %arg7[%dma_start3A_28, %dma_start3A_29] : memref<8x64xi32, #tpu.memory_space<vmem>> -> memref<1x64xi32, #tpu.memory_space<vmem>>
    %dma_start3A_31 = tpu.memref_squeeze %dma_start3A_30 : memref<1x64xi32, #tpu.memory_space<vmem>> -> memref<64xi32, #tpu.memory_space<vmem>>
    %dma_start3A_32 = tpu.memref_slice %arg4[%add3A_19] : memref<655360xi32, #tpu.memory_space<hbm>> -> memref<64xi32, #tpu.memory_space<hbm>>
    %dma_start3A_33 = arith.constant 0 : i32
    %dma_start3A_34 = tpu.memref_slice %arg7[%dma_start3A_28, %dma_start3A_33] : memref<8x64xi32, #tpu.memory_space<vmem>> -> memref<1x64xi32, #tpu.memory_space<vmem>>
    %dma_start3A_35 = tpu.memref_squeeze %dma_start3A_34 : memref<1x64xi32, #tpu.memory_space<vmem>> -> memref<64xi32, #tpu.memory_space<vmem>>
    %dma_start3A_36 = tpu.memref_slice %arg4[%add3A_19] : memref<655360xi32, #tpu.memory_space<hbm>> -> memref<64xi32, #tpu.memory_space<hbm>>
    tpu.enqueue_dma source(%dma_start3A_36 : memref<64xi32, #tpu.memory_space<hbm>>) target(%dma_start3A_35 : memref<64xi32, #tpu.memory_space<vmem>>) target_semaphore(%arg11 : memref<!tpu.dma_semaphore, #tpu.memory_space<semaphore_mem>>)
    %add3A_37 = arith.constant 64 : i32
    %add3A_38 = arith.addi %add3A_17, %add3A_37 : i32
    %dma_start3A_39 = arith.constant 1 : i32
    %dma_start3A_40 = arith.constant 0 : i32
    %dma_start3A_41 = tpu.memref_slice %arg6[%dma_start3A_39, %dma_start3A_40] : memref<8x64xi32, #tpu.memory_space<vmem>> -> memref<1x64xi32, #tpu.memory_space<vmem>>
    %dma_start3A_42 = tpu.memref_squeeze %dma_start3A_41 : memref<1x64xi32, #tpu.memory_space<vmem>> -> memref<64xi32, #tpu.memory_space<vmem>>
    %dma_start3A_43 = tpu.memref_slice %arg3[%add3A_38] : memref<655360xi32, #tpu.memory_space<hbm>> -> memref<64xi32, #tpu.memory_space<hbm>>
    %dma_start3A_44 = arith.constant 0 : i32
    %dma_start3A_45 = tpu.memref_slice %arg6[%dma_start3A_39, %dma_start3A_44] : memref<8x64xi32, #tpu.memory_space<vmem>> -> memref<1x64xi32, #tpu.memory_space<vmem>>
    %dma_start3A_46 = tpu.memref_squeeze %dma_start3A_45 : memref<1x64xi32, #tpu.memory_space<vmem>> -> memref<64xi32, #tpu.memory_space<vmem>>
    %dma_start3A_47 = tpu.memref_slice %arg3[%add3A_38] : memref<655360xi32, #tpu.memory_space<hbm>> -> memref<64xi32, #tpu.memory_space<hbm>>
    tpu.enqueue_dma source(%dma_start3A_47 : memref<64xi32, #tpu.memory_space<hbm>>) target(%dma_start3A_46 : memref<64xi32, #tpu.memory_space<vmem>>) target_semaphore(%arg12 : memref<!tpu.dma_semaphore, #tpu.memory_space<semaphore_mem>>)
    %dma_start3A_48 = arith.constant 1 : i32
    %dma_start3A_49 = arith.constant 0 : i32
    %dma_start3A_50 = tpu.memref_slice %arg7[%dma_start3A_48, %dma_start3A_49] : memref<8x64xi32, #tpu.memory_space<vmem>> -> memref<1x64xi32, #tpu.memory_space<vmem>>
    %dma_start3A_51 = tpu.memref_squeeze %dma_start3A_50 : memref<1x64xi32, #tpu.memory_space<vmem>> -> memref<64xi32, #tpu.memory_space<vmem>>
    %dma_start3A_52 = tpu.memref_slice %arg4[%add3A_38] : memref<655360xi32, #tpu.memory_space<hbm>> -> memref<64xi32, #tpu.memory_space<hbm>>
    %dma_start3A_53 = arith.constant 0 : i32
    %dma_start3A_54 = tpu.memref_slice %arg7[%dma_start3A_48, %dma_start3A_53] : memref<8x64xi32, #tpu.memory_space<vmem>> -> memref<1x64xi32, #tpu.memory_space<vmem>>
    %dma_start3A_55 = tpu.memref_squeeze %dma_start3A_54 : memref<1x64xi32, #tpu.memory_space<vmem>> -> memref<64xi32, #tpu.memory_space<vmem>>
    %dma_start3A_56 = tpu.memref_slice %arg4[%add3A_38] : memref<655360xi32, #tpu.memory_space<hbm>> -> memref<64xi32, #tpu.memory_space<hbm>>
    tpu.enqueue_dma source(%dma_start3A_56 : memref<64xi32, #tpu.memory_space<hbm>>) target(%dma_start3A_55 : memref<64xi32, #tpu.memory_space<vmem>>) target_semaphore(%arg12 : memref<!tpu.dma_semaphore, #tpu.memory_space<semaphore_mem>>)
    %add3A_57 = arith.constant 128 : i32
    %add3A_58 = arith.addi %add3A_17, %add3A_57 : i32
    %dma_start3A_59 = arith.constant 2 : i32
    %dma_start3A_60 = arith.constant 0 : i32
    %dma_start3A_61 = tpu.memref_slice %arg6[%dma_start3A_59, %dma_start3A_60] : memref<8x64xi32, #tpu.memory_space<vmem>> -> memref<1x64xi32, #tpu.memory_space<vmem>>
    %dma_start3A_62 = tpu.memref_squeeze %dma_start3A_61 : memref<1x64xi32, #tpu.memory_space<vmem>> -> memref<64xi32, #tpu.memory_space<vmem>>
    %dma_start3A_63 = tpu.memref_slice %arg3[%add3A_58] : memref<655360xi32, #tpu.memory_space<hbm>> -> memref<64xi32, #tpu.memory_space<hbm>>
    %dma_start3A_64 = arith.constant 0 : i32
    %dma_start3A_65 = tpu.memref_slice %arg6[%dma_start3A_59, %dma_start3A_64] : memref<8x64xi32, #tpu.memory_space<vmem>> -> memref<1x64xi32, #tpu.memory_space<vmem>>
    %dma_start3A_66 = tpu.memref_squeeze %dma_start3A_65 : memref<1x64xi32, #tpu.memory_space<vmem>> -> memref<64xi32, #tpu.memory_space<vmem>>
    %dma_start3A_67 = tpu.memref_slice %arg3[%add3A_58] : memref<655360xi32, #tpu.memory_space<hbm>> -> memref<64xi32, #tpu.memory_space<hbm>>
    tpu.enqueue_dma source(%dma_start3A_67 : memref<64xi32, #tpu.memory_space<hbm>>) target(%dma_start3A_66 : memref<64xi32, #tpu.memory_space<vmem>>) target_semaphore(%arg13 : memref<!tpu.dma_semaphore, #tpu.memory_space<semaphore_mem>>)
    %dma_start3A_68 = arith.constant 2 : i32
    %dma_start3A_69 = arith.constant 0 : i32
    %dma_start3A_70 = tpu.memref_slice %arg7[%dma_start3A_68, %dma_start3A_69] : memref<8x64xi32, #tpu.memory_space<vmem>> -> memref<1x64xi32, #tpu.memory_space<vmem>>
    %dma_start3A_71 = tpu.memref_squeeze %dma_start3A_70 : memref<1x64xi32, #tpu.memory_space<vmem>> -> memref<64xi32, #tpu.memory_space<vmem>>
    %dma_start3A_72 = tpu.memref_slice %arg4[%add3A_58] : memref<655360xi32, #tpu.memory_space<hbm>> -> memref<64xi32, #tpu.memory_space<hbm>>
    %dma_start3A_73 = arith.constant 0 : i32
    %dma_start3A_74 = tpu.memref_slice %arg7[%dma_start3A_68, %dma_start3A_73] : memref<8x64xi32, #tpu.memory_space<vmem>> -> memref<1x64xi32, #tpu.memory_space<vmem>>
    %dma_start3A_75 = tpu.memref_squeeze %dma_start3A_74 : memref<1x64xi32, #tpu.memory_space<vmem>> -> memref<64xi32, #tpu.memory_space<vmem>>
    %dma_start3A_76 = tpu.memref_slice %arg4[%add3A_58] : memref<655360xi32, #tpu.memory_space<hbm>> -> memref<64xi32, #tpu.memory_space<hbm>>
    tpu.enqueue_dma source(%dma_start3A_76 : memref<64xi32, #tpu.memory_space<hbm>>) target(%dma_start3A_75 : memref<64xi32, #tpu.memory_space<vmem>>) target_semaphore(%arg13 : memref<!tpu.dma_semaphore, #tpu.memory_space<semaphore_mem>>)
    %add3A_77 = arith.constant 192 : i32
    %add3A_78 = arith.addi %add3A_17, %add3A_77 : i32
    %dma_start3A_79 = arith.constant 3 : i32
    %dma_start3A_80 = arith.constant 0 : i32
    %dma_start3A_81 = tpu.memref_slice %arg6[%dma_start3A_79, %dma_start3A_80] : memref<8x64xi32, #tpu.memory_space<vmem>> -> memref<1x64xi32, #tpu.memory_space<vmem>>
    %dma_start3A_82 = tpu.memref_squeeze %dma_start3A_81 : memref<1x64xi32, #tpu.memory_space<vmem>> -> memref<64xi32, #tpu.memory_space<vmem>>
    %dma_start3A_83 = tpu.memref_slice %arg3[%add3A_78] : memref<655360xi32, #tpu.memory_space<hbm>> -> memref<64xi32, #tpu.memory_space<hbm>>
    %dma_start3A_84 = arith.constant 0 : i32
    %dma_start3A_85 = tpu.memref_slice %arg6[%dma_start3A_79, %dma_start3A_84] : memref<8x64xi32, #tpu.memory_space<vmem>> -> memref<1x64xi32, #tpu.memory_space<vmem>>
    %dma_start3A_86 = tpu.memref_squeeze %dma_start3A_85 : memref<1x64xi32, #tpu.memory_space<vmem>> -> memref<64xi32, #tpu.memory_space<vmem>>
    %dma_start3A_87 = tpu.memref_slice %arg3[%add3A_78] : memref<655360xi32, #tpu.memory_space<hbm>> -> memref<64xi32, #tpu.memory_space<hbm>>
    tpu.enqueue_dma source(%dma_start3A_87 : memref<64xi32, #tpu.memory_space<hbm>>) target(%dma_start3A_86 : memref<64xi32, #tpu.memory_space<vmem>>) target_semaphore(%arg14 : memref<!tpu.dma_semaphore, #tpu.memory_space<semaphore_mem>>)
    %dma_start3A_88 = arith.constant 3 : i32
    %dma_start3A_89 = arith.constant 0 : i32
    %dma_start3A_90 = tpu.memref_slice %arg7[%dma_start3A_88, %dma_start3A_89] : memref<8x64xi32, #tpu.memory_space<vmem>> -> memref<1x64xi32, #tpu.memory_space<vmem>>
    %dma_start3A_91 = tpu.memref_squeeze %dma_start3A_90 : memref<1x64xi32, #tpu.memory_space<vmem>> -> memref<64xi32, #tpu.memory_space<vmem>>
    %dma_start3A_92 = tpu.memref_slice %arg4[%add3A_78] : memref<655360xi32, #tpu.memory_space<hbm>> -> memref<64xi32, #tpu.memory_space<hbm>>
    %dma_start3A_93 = arith.constant 0 : i32
    %dma_start3A_94 = tpu.memref_slice %arg7[%dma_start3A_88, %dma_start3A_93] : memref<8x64xi32, #tpu.memory_space<vmem>> -> memref<1x64xi32, #tpu.memory_space<vmem>>
    %dma_start3A_95 = tpu.memref_squeeze %dma_start3A_94 : memref<1x64xi32, #tpu.memory_space<vmem>> -> memref<64xi32, #tpu.memory_space<vmem>>
    %dma_start3A_96 = tpu.memref_slice %arg4[%add3A_78] : memref<655360xi32, #tpu.memory_space<hbm>> -> memref<64xi32, #tpu.memory_space<hbm>>
    tpu.enqueue_dma source(%dma_start3A_96 : memref<64xi32, #tpu.memory_space<hbm>>) target(%dma_start3A_95 : memref<64xi32, #tpu.memory_space<vmem>>) target_semaphore(%arg14 : memref<!tpu.dma_semaphore, #tpu.memory_space<semaphore_mem>>)
    %add3A_97 = arith.constant 256 : i32
    %add3A_98 = arith.addi %add3A_17, %add3A_97 : i32
    %dma_start3A_99 = arith.constant 4 : i32
    %dma_start3A_100 = arith.constant 0 : i32
    %dma_start3A_101 = tpu.memref_slice %arg6[%dma_start3A_99, %dma_start3A_100] : memref<8x64xi32, #tpu.memory_space<vmem>> -> memref<1x64xi32, #tpu.memory_space<vmem>>
    %dma_start3A_102 = tpu.memref_squeeze %dma_start3A_101 : memref<1x64xi32, #tpu.memory_space<vmem>> -> memref<64xi32, #tpu.memory_space<vmem>>
    %dma_start3A_103 = tpu.memref_slice %arg3[%add3A_98] : memref<655360xi32, #tpu.memory_space<hbm>> -> memref<64xi32, #tpu.memory_space<hbm>>
    %dma_start3A_104 = arith.constant 0 : i32
    %dma_start3A_105 = tpu.memref_slice %arg6[%dma_start3A_99, %dma_start3A_104] : memref<8x64xi32, #tpu.memory_space<vmem>> -> memref<1x64xi32, #tpu.memory_space<vmem>>
    %dma_start3A_106 = tpu.memref_squeeze %dma_start3A_105 : memref<1x64xi32, #tpu.memory_space<vmem>> -> memref<64xi32, #tpu.memory_space<vmem>>
    %dma_start3A_107 = tpu.memref_slice %arg3[%add3A_98] : memref<655360xi32, #tpu.memory_space<hbm>> -> memref<64xi32, #tpu.memory_space<hbm>>
    tpu.enqueue_dma source(%dma_start3A_107 : memref<64xi32, #tpu.memory_space<hbm>>) target(%dma_start3A_106 : memref<64xi32, #tpu.memory_space<vmem>>) target_semaphore(%arg15 : memref<!tpu.dma_semaphore, #tpu.memory_space<semaphore_mem>>)
    %dma_start3A_108 = arith.constant 4 : i32
    %dma_start3A_109 = arith.constant 0 : i32
    %dma_start3A_110 = tpu.memref_slice %arg7[%dma_start3A_108, %dma_start3A_109] : memref<8x64xi32, #tpu.memory_space<vmem>> -> memref<1x64xi32, #tpu.memory_space<vmem>>
    %dma_start3A_111 = tpu.memref_squeeze %dma_start3A_110 : memref<1x64xi32, #tpu.memory_space<vmem>> -> memref<64xi32, #tpu.memory_space<vmem>>
    %dma_start3A_112 = tpu.memref_slice %arg4[%add3A_98] : memref<655360xi32, #tpu.memory_space<hbm>> -> memref<64xi32, #tpu.memory_space<hbm>>
    %dma_start3A_113 = arith.constant 0 : i32
    %dma_start3A_114 = tpu.memref_slice %arg7[%dma_start3A_108, %dma_start3A_113] : memref<8x64xi32, #tpu.memory_space<vmem>> -> memref<1x64xi32, #tpu.memory_space<vmem>>
    %dma_start3A_115 = tpu.memref_squeeze %dma_start3A_114 : memref<1x64xi32, #tpu.memory_space<vmem>> -> memref<64xi32, #tpu.memory_space<vmem>>
    %dma_start3A_116 = tpu.memref_slice %arg4[%add3A_98] : memref<655360xi32, #tpu.memory_space<hbm>> -> memref<64xi32, #tpu.memory_space<hbm>>
    tpu.enqueue_dma source(%dma_start3A_116 : memref<64xi32, #tpu.memory_space<hbm>>) target(%dma_start3A_115 : memref<64xi32, #tpu.memory_space<vmem>>) target_semaphore(%arg15 : memref<!tpu.dma_semaphore, #tpu.memory_space<semaphore_mem>>)
    %add3A_117 = arith.constant 320 : i32
    %add3A_118 = arith.addi %add3A_17, %add3A_117 : i32
    %dma_start3A_119 = arith.constant 5 : i32
    %dma_start3A_120 = arith.constant 0 : i32
    %dma_start3A_121 = tpu.memref_slice %arg6[%dma_start3A_119, %dma_start3A_120] : memref<8x64xi32, #tpu.memory_space<vmem>> -> memref<1x64xi32, #tpu.memory_space<vmem>>
    %dma_start3A_122 = tpu.memref_squeeze %dma_start3A_121 : memref<1x64xi32, #tpu.memory_space<vmem>> -> memref<64xi32, #tpu.memory_space<vmem>>
    %dma_start3A_123 = tpu.memref_slice %arg3[%add3A_118] : memref<655360xi32, #tpu.memory_space<hbm>> -> memref<64xi32, #tpu.memory_space<hbm>>
    %dma_start3A_124 = arith.constant 0 : i32
    %dma_start3A_125 = tpu.memref_slice %arg6[%dma_start3A_119, %dma_start3A_124] : memref<8x64xi32, #tpu.memory_space<vmem>> -> memref<1x64xi32, #tpu.memory_space<vmem>>
    %dma_start3A_126 = tpu.memref_squeeze %dma_start3A_125 : memref<1x64xi32, #tpu.memory_space<vmem>> -> memref<64xi32, #tpu.memory_space<vmem>>
    %dma_start3A_127 = tpu.memref_slice %arg3[%add3A_118] : memref<655360xi32, #tpu.memory_space<hbm>> -> memref<64xi32, #tpu.memory_space<hbm>>
    tpu.enqueue_dma source(%dma_start3A_127 : memref<64xi32, #tpu.memory_space<hbm>>) target(%dma_start3A_126 : memref<64xi32, #tpu.memory_space<vmem>>) target_semaphore(%arg16 : memref<!tpu.dma_semaphore, #tpu.memory_space<semaphore_mem>>)
    %dma_start3A_128 = arith.constant 5 : i32
    %dma_start3A_129 = arith.constant 0 : i32
    %dma_start3A_130 = tpu.memref_slice %arg7[%dma_start3A_128, %dma_start3A_129] : memref<8x64xi32, #tpu.memory_space<vmem>> -> memref<1x64xi32, #tpu.memory_space<vmem>>
    %dma_start3A_131 = tpu.memref_squeeze %dma_start3A_130 : memref<1x64xi32, #tpu.memory_space<vmem>> -> memref<64xi32, #tpu.memory_space<vmem>>
    %dma_start3A_132 = tpu.memref_slice %arg4[%add3A_118] : memref<655360xi32, #tpu.memory_space<hbm>> -> memref<64xi32, #tpu.memory_space<hbm>>
    %dma_start3A_133 = arith.constant 0 : i32
    %dma_start3A_134 = tpu.memref_slice %arg7[%dma_start3A_128, %dma_start3A_133] : memref<8x64xi32, #tpu.memory_space<vmem>> -> memref<1x64xi32, #tpu.memory_space<vmem>>
    %dma_start3A_135 = tpu.memref_squeeze %dma_start3A_134 : memref<1x64xi32, #tpu.memory_space<vmem>> -> memref<64xi32, #tpu.memory_space<vmem>>
    %dma_start3A_136 = tpu.memref_slice %arg4[%add3A_118] : memref<655360xi32, #tpu.memory_space<hbm>> -> memref<64xi32, #tpu.memory_space<hbm>>
    tpu.enqueue_dma source(%dma_start3A_136 : memref<64xi32, #tpu.memory_space<hbm>>) target(%dma_start3A_135 : memref<64xi32, #tpu.memory_space<vmem>>) target_semaphore(%arg16 : memref<!tpu.dma_semaphore, #tpu.memory_space<semaphore_mem>>)
    %add3A_137 = arith.constant 384 : i32
    %add3A_138 = arith.addi %add3A_17, %add3A_137 : i32
    %dma_start3A_139 = arith.constant 6 : i32
    %dma_start3A_140 = arith.constant 0 : i32
    %dma_start3A_141 = tpu.memref_slice %arg6[%dma_start3A_139, %dma_start3A_140] : memref<8x64xi32, #tpu.memory_space<vmem>> -> memref<1x64xi32, #tpu.memory_space<vmem>>
    %dma_start3A_142 = tpu.memref_squeeze %dma_start3A_141 : memref<1x64xi32, #tpu.memory_space<vmem>> -> memref<64xi32, #tpu.memory_space<vmem>>
    %dma_start3A_143 = tpu.memref_slice %arg3[%add3A_138] : memref<655360xi32, #tpu.memory_space<hbm>> -> memref<64xi32, #tpu.memory_space<hbm>>
    %dma_start3A_144 = arith.constant 0 : i32
    %dma_start3A_145 = tpu.memref_slice %arg6[%dma_start3A_139, %dma_start3A_144] : memref<8x64xi32, #tpu.memory_space<vmem>> -> memref<1x64xi32, #tpu.memory_space<vmem>>
    %dma_start3A_146 = tpu.memref_squeeze %dma_start3A_145 : memref<1x64xi32, #tpu.memory_space<vmem>> -> memref<64xi32, #tpu.memory_space<vmem>>
    %dma_start3A_147 = tpu.memref_slice %arg3[%add3A_138] : memref<655360xi32, #tpu.memory_space<hbm>> -> memref<64xi32, #tpu.memory_space<hbm>>
    tpu.enqueue_dma source(%dma_start3A_147 : memref<64xi32, #tpu.memory_space<hbm>>) target(%dma_start3A_146 : memref<64xi32, #tpu.memory_space<vmem>>) target_semaphore(%arg17 : memref<!tpu.dma_semaphore, #tpu.memory_space<semaphore_mem>>)
    %dma_start3A_148 = arith.constant 6 : i32
    %dma_start3A_149 = arith.constant 0 : i32
    %dma_start3A_150 = tpu.memref_slice %arg7[%dma_start3A_148, %dma_start3A_149] : memref<8x64xi32, #tpu.memory_space<vmem>> -> memref<1x64xi32, #tpu.memory_space<vmem>>
    %dma_start3A_151 = tpu.memref_squeeze %dma_start3A_150 : memref<1x64xi32, #tpu.memory_space<vmem>> -> memref<64xi32, #tpu.memory_space<vmem>>
    %dma_start3A_152 = tpu.memref_slice %arg4[%add3A_138] : memref<655360xi32, #tpu.memory_space<hbm>> -> memref<64xi32, #tpu.memory_space<hbm>>
    %dma_start3A_153 = arith.constant 0 : i32
    %dma_start3A_154 = tpu.memref_slice %arg7[%dma_start3A_148, %dma_start3A_153] : memref<8x64xi32, #tpu.memory_space<vmem>> -> memref<1x64xi32, #tpu.memory_space<vmem>>
    %dma_start3A_155 = tpu.memref_squeeze %dma_start3A_154 : memref<1x64xi32, #tpu.memory_space<vmem>> -> memref<64xi32, #tpu.memory_space<vmem>>
    %dma_start3A_156 = tpu.memref_slice %arg4[%add3A_138] : memref<655360xi32, #tpu.memory_space<hbm>> -> memref<64xi32, #tpu.memory_space<hbm>>
    tpu.enqueue_dma source(%dma_start3A_156 : memref<64xi32, #tpu.memory_space<hbm>>) target(%dma_start3A_155 : memref<64xi32, #tpu.memory_space<vmem>>) target_semaphore(%arg17 : memref<!tpu.dma_semaphore, #tpu.memory_space<semaphore_mem>>)
    %add3A_157 = arith.constant 448 : i32
    %add3A_158 = arith.addi %add3A_17, %add3A_157 : i32
    %dma_start3A_159 = arith.constant 7 : i32
    %dma_start3A_160 = arith.constant 0 : i32
    %dma_start3A_161 = tpu.memref_slice %arg6[%dma_start3A_159, %dma_start3A_160] : memref<8x64xi32, #tpu.memory_space<vmem>> -> memref<1x64xi32, #tpu.memory_space<vmem>>
    %dma_start3A_162 = tpu.memref_squeeze %dma_start3A_161 : memref<1x64xi32, #tpu.memory_space<vmem>> -> memref<64xi32, #tpu.memory_space<vmem>>
    %dma_start3A_163 = tpu.memref_slice %arg3[%add3A_158] : memref<655360xi32, #tpu.memory_space<hbm>> -> memref<64xi32, #tpu.memory_space<hbm>>
    %dma_start3A_164 = arith.constant 0 : i32
    %dma_start3A_165 = tpu.memref_slice %arg6[%dma_start3A_159, %dma_start3A_164] : memref<8x64xi32, #tpu.memory_space<vmem>> -> memref<1x64xi32, #tpu.memory_space<vmem>>
    %dma_start3A_166 = tpu.memref_squeeze %dma_start3A_165 : memref<1x64xi32, #tpu.memory_space<vmem>> -> memref<64xi32, #tpu.memory_space<vmem>>
    %dma_start3A_167 = tpu.memref_slice %arg3[%add3A_158] : memref<655360xi32, #tpu.memory_space<hbm>> -> memref<64xi32, #tpu.memory_space<hbm>>
    tpu.enqueue_dma source(%dma_start3A_167 : memref<64xi32, #tpu.memory_space<hbm>>) target(%dma_start3A_166 : memref<64xi32, #tpu.memory_space<vmem>>) target_semaphore(%arg18 : memref<!tpu.dma_semaphore, #tpu.memory_space<semaphore_mem>>)
    %dma_start3A_168 = arith.constant 7 : i32
    %dma_start3A_169 = arith.constant 0 : i32
    %dma_start3A_170 = tpu.memref_slice %arg7[%dma_start3A_168, %dma_start3A_169] : memref<8x64xi32, #tpu.memory_space<vmem>> -> memref<1x64xi32, #tpu.memory_space<vmem>>
    %dma_start3A_171 = tpu.memref_squeeze %dma_start3A_170 : memref<1x64xi32, #tpu.memory_space<vmem>> -> memref<64xi32, #tpu.memory_space<vmem>>
    %dma_start3A_172 = tpu.memref_slice %arg4[%add3A_158] : memref<655360xi32, #tpu.memory_space<hbm>> -> memref<64xi32, #tpu.memory_space<hbm>>
    %dma_start3A_173 = arith.constant 0 : i32
    %dma_start3A_174 = tpu.memref_slice %arg7[%dma_start3A_168, %dma_start3A_173] : memref<8x64xi32, #tpu.memory_space<vmem>> -> memref<1x64xi32, #tpu.memory_space<vmem>>
    %dma_start3A_175 = tpu.memref_squeeze %dma_start3A_174 : memref<1x64xi32, #tpu.memory_space<vmem>> -> memref<64xi32, #tpu.memory_space<vmem>>
    %dma_start3A_176 = tpu.memref_slice %arg4[%add3A_158] : memref<655360xi32, #tpu.memory_space<hbm>> -> memref<64xi32, #tpu.memory_space<hbm>>
    tpu.enqueue_dma source(%dma_start3A_176 : memref<64xi32, #tpu.memory_space<hbm>>) target(%dma_start3A_175 : memref<64xi32, #tpu.memory_space<vmem>>) target_semaphore(%arg18 : memref<!tpu.dma_semaphore, #tpu.memory_space<semaphore_mem>>)
    %dma_wait3A = arith.constant 0 : i32
    %dma_wait3A_177 = arith.constant 0 : i32
    %dma_wait3A_178 = tpu.memref_slice %arg6[%dma_wait3A, %dma_wait3A_177] : memref<8x64xi32, #tpu.memory_space<vmem>> -> memref<1x64xi32, #tpu.memory_space<vmem>>
    %dma_wait3A_179 = tpu.memref_squeeze %dma_wait3A_178 : memref<1x64xi32, #tpu.memory_space<vmem>> -> memref<64xi32, #tpu.memory_space<vmem>>
    %dma_wait3A_180 = arith.constant 0 : i32
    %dma_wait3A_181 = tpu.memref_slice %arg3[%dma_wait3A_180] : memref<655360xi32, #tpu.memory_space<hbm>> -> memref<64xi32, #tpu.memory_space<hbm>>
    %dma_wait3A_182 = arith.constant 0 : i32
    %dma_wait3A_183 = tpu.memref_slice %arg6[%dma_wait3A, %dma_wait3A_182] : memref<8x64xi32, #tpu.memory_space<vmem>> -> memref<1x64xi32, #tpu.memory_space<vmem>>
    %dma_wait3A_184 = tpu.memref_squeeze %dma_wait3A_183 : memref<1x64xi32, #tpu.memory_space<vmem>> -> memref<64xi32, #tpu.memory_space<vmem>>
    %dma_wait3A_185 = arith.constant 0 : i32
    %dma_wait3A_186 = tpu.memref_slice %arg3[%dma_wait3A_185] : memref<655360xi32, #tpu.memory_space<hbm>> -> memref<64xi32, #tpu.memory_space<hbm>>
    tpu.wait_dma2 semaphore(%arg11 : memref<!tpu.dma_semaphore, #tpu.memory_space<semaphore_mem>>) src(%dma_wait3A_186 : memref<64xi32, #tpu.memory_space<hbm>>) dst(%dma_wait3A_184 : memref<64xi32, #tpu.memory_space<vmem>>)
    %dma_wait3A_187 = arith.constant 0 : i32
    %dma_wait3A_188 = arith.constant 0 : i32
    %dma_wait3A_189 = tpu.memref_slice %arg7[%dma_wait3A_187, %dma_wait3A_188] : memref<8x64xi32, #tpu.memory_space<vmem>> -> memref<1x64xi32, #tpu.memory_space<vmem>>
    %dma_wait3A_190 = tpu.memref_squeeze %dma_wait3A_189 : memref<1x64xi32, #tpu.memory_space<vmem>> -> memref<64xi32, #tpu.memory_space<vmem>>
    %dma_wait3A_191 = arith.constant 0 : i32
    %dma_wait3A_192 = tpu.memref_slice %arg4[%dma_wait3A_191] : memref<655360xi32, #tpu.memory_space<hbm>> -> memref<64xi32, #tpu.memory_space<hbm>>
    %dma_wait3A_193 = arith.constant 0 : i32
    %dma_wait3A_194 = tpu.memref_slice %arg7[%dma_wait3A_187, %dma_wait3A_193] : memref<8x64xi32, #tpu.memory_space<vmem>> -> memref<1x64xi32, #tpu.memory_space<vmem>>
    %dma_wait3A_195 = tpu.memref_squeeze %dma_wait3A_194 : memref<1x64xi32, #tpu.memory_space<vmem>> -> memref<64xi32, #tpu.memory_space<vmem>>
    %dma_wait3A_196 = arith.constant 0 : i32
    %dma_wait3A_197 = tpu.memref_slice %arg4[%dma_wait3A_196] : memref<655360xi32, #tpu.memory_space<hbm>> -> memref<64xi32, #tpu.memory_space<hbm>>
    tpu.wait_dma2 semaphore(%arg11 : memref<!tpu.dma_semaphore, #tpu.memory_space<semaphore_mem>>) src(%dma_wait3A_197 : memref<64xi32, #tpu.memory_space<hbm>>) dst(%dma_wait3A_195 : memref<64xi32, #tpu.memory_space<vmem>>)
    %dma_start3A_198 = arith.constant 0 : i32
    %dma_start3A_199 = arith.constant 0 : i32
    %dma_start3A_200 = arith.constant 0 : i32
    %dma_start3A_201 = tpu.memref_slice %arg8[%dma_start3A_199, %dma_start3A_200] : memref<128x128xf32, #tpu.memory_space<vmem>> -> memref<64x128xf32, #tpu.memory_space<vmem>>
    %dma_start3A_202 = arith.constant 0 : i32
    %dma_start3A_203 = tpu.memref_slice %arg6[%dma_start3A_198, %dma_start3A_202] : memref<8x64xi32, #tpu.memory_space<vmem>> -> memref<1x64xi32, #tpu.memory_space<vmem>>
    %dma_start3A_204 = tpu.memref_squeeze %dma_start3A_203 : memref<1x64xi32, #tpu.memory_space<vmem>> -> memref<64xi32, #tpu.memory_space<vmem>>
    %dma_start3A_205 = arith.constant 0 : i32
    %dma_start3A_206 = arith.constant 0 : i32
    %dma_start3A_207 = tpu.memref_slice %arg2[%dma_start3A_205, %dma_start3A_206] : memref<20000x128xf32, #tpu.memory_space<hbm>> -> memref<20000x128xf32, #tpu.memory_space<hbm>>
    tpu.enqueue_indirect_dma source(%dma_start3A_207 : memref<20000x128xf32, #tpu.memory_space<hbm>>) target(%dma_start3A_201 : memref<64x128xf32, #tpu.memory_space<vmem>>) offsets(%dma_start3A_204 : memref<64xi32, #tpu.memory_space<vmem>>) semaphore(%arg19 : memref<!tpu.dma_semaphore, #tpu.memory_space<semaphore_mem>>)
    %dma_wait3A_208 = arith.constant 1 : i32
    %dma_wait3A_209 = arith.constant 0 : i32
    %dma_wait3A_210 = tpu.memref_slice %arg6[%dma_wait3A_208, %dma_wait3A_209] : memref<8x64xi32, #tpu.memory_space<vmem>> -> memref<1x64xi32, #tpu.memory_space<vmem>>
    %dma_wait3A_211 = tpu.memref_squeeze %dma_wait3A_210 : memref<1x64xi32, #tpu.memory_space<vmem>> -> memref<64xi32, #tpu.memory_space<vmem>>
    %dma_wait3A_212 = arith.constant 0 : i32
    %dma_wait3A_213 = tpu.memref_slice %arg3[%dma_wait3A_212] : memref<655360xi32, #tpu.memory_space<hbm>> -> memref<64xi32, #tpu.memory_space<hbm>>
    %dma_wait3A_214 = arith.constant 0 : i32
    %dma_wait3A_215 = tpu.memref_slice %arg6[%dma_wait3A_208, %dma_wait3A_214] : memref<8x64xi32, #tpu.memory_space<vmem>> -> memref<1x64xi32, #tpu.memory_space<vmem>>
    %dma_wait3A_216 = tpu.memref_squeeze %dma_wait3A_215 : memref<1x64xi32, #tpu.memory_space<vmem>> -> memref<64xi32, #tpu.memory_space<vmem>>
    %dma_wait3A_217 = arith.constant 0 : i32
    %dma_wait3A_218 = tpu.memref_slice %arg3[%dma_wait3A_217] : memref<655360xi32, #tpu.memory_space<hbm>> -> memref<64xi32, #tpu.memory_space<hbm>>
    tpu.wait_dma2 semaphore(%arg12 : memref<!tpu.dma_semaphore, #tpu.memory_space<semaphore_mem>>) src(%dma_wait3A_218 : memref<64xi32, #tpu.memory_space<hbm>>) dst(%dma_wait3A_216 : memref<64xi32, #tpu.memory_space<vmem>>)
    %dma_wait3A_219 = arith.constant 1 : i32
    %dma_wait3A_220 = arith.constant 0 : i32
    %dma_wait3A_221 = tpu.memref_slice %arg7[%dma_wait3A_219, %dma_wait3A_220] : memref<8x64xi32, #tpu.memory_space<vmem>> -> memref<1x64xi32, #tpu.memory_space<vmem>>
    %dma_wait3A_222 = tpu.memref_squeeze %dma_wait3A_221 : memref<1x64xi32, #tpu.memory_space<vmem>> -> memref<64xi32, #tpu.memory_space<vmem>>
    %dma_wait3A_223 = arith.constant 0 : i32
    %dma_wait3A_224 = tpu.memref_slice %arg4[%dma_wait3A_223] : memref<655360xi32, #tpu.memory_space<hbm>> -> memref<64xi32, #tpu.memory_space<hbm>>
    %dma_wait3A_225 = arith.constant 0 : i32
    %dma_wait3A_226 = tpu.memref_slice %arg7[%dma_wait3A_219, %dma_wait3A_225] : memref<8x64xi32, #tpu.memory_space<vmem>> -> memref<1x64xi32, #tpu.memory_space<vmem>>
    %dma_wait3A_227 = tpu.memref_squeeze %dma_wait3A_226 : memref<1x64xi32, #tpu.memory_space<vmem>> -> memref<64xi32, #tpu.memory_space<vmem>>
    %dma_wait3A_228 = arith.constant 0 : i32
    %dma_wait3A_229 = tpu.memref_slice %arg4[%dma_wait3A_228] : memref<655360xi32, #tpu.memory_space<hbm>> -> memref<64xi32, #tpu.memory_space<hbm>>
    tpu.wait_dma2 semaphore(%arg12 : memref<!tpu.dma_semaphore, #tpu.memory_space<semaphore_mem>>) src(%dma_wait3A_229 : memref<64xi32, #tpu.memory_space<hbm>>) dst(%dma_wait3A_227 : memref<64xi32, #tpu.memory_space<vmem>>)
    %dma_start3A_230 = arith.constant 1 : i32
    %dma_start3A_231 = arith.constant 64 : i32
    %dma_start3A_232 = arith.constant 0 : i32
    %dma_start3A_233 = tpu.memref_slice %arg8[%dma_start3A_231, %dma_start3A_232] : memref<128x128xf32, #tpu.memory_space<vmem>> -> memref<64x128xf32, #tpu.memory_space<vmem>>
    %dma_start3A_234 = arith.constant 0 : i32
    %dma_start3A_235 = tpu.memref_slice %arg6[%dma_start3A_230, %dma_start3A_234] : memref<8x64xi32, #tpu.memory_space<vmem>> -> memref<1x64xi32, #tpu.memory_space<vmem>>
    %dma_start3A_236 = tpu.memref_squeeze %dma_start3A_235 : memref<1x64xi32, #tpu.memory_space<vmem>> -> memref<64xi32, #tpu.memory_space<vmem>>
    %dma_start3A_237 = arith.constant 0 : i32
    %dma_start3A_238 = arith.constant 0 : i32
    %dma_start3A_239 = tpu.memref_slice %arg2[%dma_start3A_237, %dma_start3A_238] : memref<20000x128xf32, #tpu.memory_space<hbm>> -> memref<20000x128xf32, #tpu.memory_space<hbm>>
    tpu.enqueue_indirect_dma source(%dma_start3A_239 : memref<20000x128xf32, #tpu.memory_space<hbm>>) target(%dma_start3A_233 : memref<64x128xf32, #tpu.memory_space<vmem>>) offsets(%dma_start3A_236 : memref<64xi32, #tpu.memory_space<vmem>>) semaphore(%arg20 : memref<!tpu.dma_semaphore, #tpu.memory_space<semaphore_mem>>)
    %dma_wait3A_240 = arith.constant 2 : i32
    %dma_wait3A_241 = arith.constant 0 : i32
    %dma_wait3A_242 = tpu.memref_slice %arg6[%dma_wait3A_240, %dma_wait3A_241] : memref<8x64xi32, #tpu.memory_space<vmem>> -> memref<1x64xi32, #tpu.memory_space<vmem>>
    %dma_wait3A_243 = tpu.memref_squeeze %dma_wait3A_242 : memref<1x64xi32, #tpu.memory_space<vmem>> -> memref<64xi32, #tpu.memory_space<vmem>>
    %dma_wait3A_244 = arith.constant 0 : i32
    %dma_wait3A_245 = tpu.memref_slice %arg3[%dma_wait3A_244] : memref<655360xi32, #tpu.memory_space<hbm>> -> memref<64xi32, #tpu.memory_space<hbm>>
    %dma_wait3A_246 = arith.constant 0 : i32
    %dma_wait3A_247 = tpu.memref_slice %arg6[%dma_wait3A_240, %dma_wait3A_246] : memref<8x64xi32, #tpu.memory_space<vmem>> -> memref<1x64xi32, #tpu.memory_space<vmem>>
    %dma_wait3A_248 = tpu.memref_squeeze %dma_wait3A_247 : memref<1x64xi32, #tpu.memory_space<vmem>> -> memref<64xi32, #tpu.memory_space<vmem>>
    %dma_wait3A_249 = arith.constant 0 : i32
    %dma_wait3A_250 = tpu.memref_slice %arg3[%dma_wait3A_249] : memref<655360xi32, #tpu.memory_space<hbm>> -> memref<64xi32, #tpu.memory_space<hbm>>
    tpu.wait_dma2 semaphore(%arg13 : memref<!tpu.dma_semaphore, #tpu.memory_space<semaphore_mem>>) src(%dma_wait3A_250 : memref<64xi32, #tpu.memory_space<hbm>>) dst(%dma_wait3A_248 : memref<64xi32, #tpu.memory_space<vmem>>)
    %dma_wait3A_251 = arith.constant 2 : i32
    %dma_wait3A_252 = arith.constant 0 : i32
    %dma_wait3A_253 = tpu.memref_slice %arg7[%dma_wait3A_251, %dma_wait3A_252] : memref<8x64xi32, #tpu.memory_space<vmem>> -> memref<1x64xi32, #tpu.memory_space<vmem>>
    %dma_wait3A_254 = tpu.memref_squeeze %dma_wait3A_253 : memref<1x64xi32, #tpu.memory_space<vmem>> -> memref<64xi32, #tpu.memory_space<vmem>>
    %dma_wait3A_255 = arith.constant 0 : i32
    %dma_wait3A_256 = tpu.memref_slice %arg4[%dma_wait3A_255] : memref<655360xi32, #tpu.memory_space<hbm>> -> memref<64xi32, #tpu.memory_space<hbm>>
    %dma_wait3A_257 = arith.constant 0 : i32
    %dma_wait3A_258 = tpu.memref_slice %arg7[%dma_wait3A_251, %dma_wait3A_257] : memref<8x64xi32, #tpu.memory_space<vmem>> -> memref<1x64xi32, #tpu.memory_space<vmem>>
    %dma_wait3A_259 = tpu.memref_squeeze %dma_wait3A_258 : memref<1x64xi32, #tpu.memory_space<vmem>> -> memref<64xi32, #tpu.memory_space<vmem>>
    %dma_wait3A_260 = arith.constant 0 : i32
    %dma_wait3A_261 = tpu.memref_slice %arg4[%dma_wait3A_260] : memref<655360xi32, #tpu.memory_space<hbm>> -> memref<64xi32, #tpu.memory_space<hbm>>
    tpu.wait_dma2 semaphore(%arg13 : memref<!tpu.dma_semaphore, #tpu.memory_space<semaphore_mem>>) src(%dma_wait3A_261 : memref<64xi32, #tpu.memory_space<hbm>>) dst(%dma_wait3A_259 : memref<64xi32, #tpu.memory_space<vmem>>)
    %dma_start3A_262 = arith.constant 2 : i32
    %dma_start3A_263 = arith.constant 0 : i32
    %dma_start3A_264 = arith.constant 0 : i32
    %dma_start3A_265 = tpu.memref_slice %arg9[%dma_start3A_263, %dma_start3A_264] : memref<128x128xf32, #tpu.memory_space<vmem>> -> memref<64x128xf32, #tpu.memory_space<vmem>>
    %dma_start3A_266 = arith.constant 0 : i32
    %dma_start3A_267 = tpu.memref_slice %arg6[%dma_start3A_262, %dma_start3A_266] : memref<8x64xi32, #tpu.memory_space<vmem>> -> memref<1x64xi32, #tpu.memory_space<vmem>>
    %dma_start3A_268 = tpu.memref_squeeze %dma_start3A_267 : memref<1x64xi32, #tpu.memory_space<vmem>> -> memref<64xi32, #tpu.memory_space<vmem>>
    %dma_start3A_269 = arith.constant 0 : i32
    %dma_start3A_270 = arith.constant 0 : i32
    %dma_start3A_271 = tpu.memref_slice %arg2[%dma_start3A_269, %dma_start3A_270] : memref<20000x128xf32, #tpu.memory_space<hbm>> -> memref<20000x128xf32, #tpu.memory_space<hbm>>
    tpu.enqueue_indirect_dma source(%dma_start3A_271 : memref<20000x128xf32, #tpu.memory_space<hbm>>) target(%dma_start3A_265 : memref<64x128xf32, #tpu.memory_space<vmem>>) offsets(%dma_start3A_268 : memref<64xi32, #tpu.memory_space<vmem>>) semaphore(%arg21 : memref<!tpu.dma_semaphore, #tpu.memory_space<semaphore_mem>>)
    %dma_wait3A_272 = arith.constant 3 : i32
    %dma_wait3A_273 = arith.constant 0 : i32
    %dma_wait3A_274 = tpu.memref_slice %arg6[%dma_wait3A_272, %dma_wait3A_273] : memref<8x64xi32, #tpu.memory_space<vmem>> -> memref<1x64xi32, #tpu.memory_space<vmem>>
    %dma_wait3A_275 = tpu.memref_squeeze %dma_wait3A_274 : memref<1x64xi32, #tpu.memory_space<vmem>> -> memref<64xi32, #tpu.memory_space<vmem>>
    %dma_wait3A_276 = arith.constant 0 : i32
    %dma_wait3A_277 = tpu.memref_slice %arg3[%dma_wait3A_276] : memref<655360xi32, #tpu.memory_space<hbm>> -> memref<64xi32, #tpu.memory_space<hbm>>
    %dma_wait3A_278 = arith.constant 0 : i32
    %dma_wait3A_279 = tpu.memref_slice %arg6[%dma_wait3A_272, %dma_wait3A_278] : memref<8x64xi32, #tpu.memory_space<vmem>> -> memref<1x64xi32, #tpu.memory_space<vmem>>
    %dma_wait3A_280 = tpu.memref_squeeze %dma_wait3A_279 : memref<1x64xi32, #tpu.memory_space<vmem>> -> memref<64xi32, #tpu.memory_space<vmem>>
    %dma_wait3A_281 = arith.constant 0 : i32
    %dma_wait3A_282 = tpu.memref_slice %arg3[%dma_wait3A_281] : memref<655360xi32, #tpu.memory_space<hbm>> -> memref<64xi32, #tpu.memory_space<hbm>>
    tpu.wait_dma2 semaphore(%arg14 : memref<!tpu.dma_semaphore, #tpu.memory_space<semaphore_mem>>) src(%dma_wait3A_282 : memref<64xi32, #tpu.memory_space<hbm>>) dst(%dma_wait3A_280 : memref<64xi32, #tpu.memory_space<vmem>>)
    %dma_wait3A_283 = arith.constant 3 : i32
    %dma_wait3A_284 = arith.constant 0 : i32
    %dma_wait3A_285 = tpu.memref_slice %arg7[%dma_wait3A_283, %dma_wait3A_284] : memref<8x64xi32, #tpu.memory_space<vmem>> -> memref<1x64xi32, #tpu.memory_space<vmem>>
    %dma_wait3A_286 = tpu.memref_squeeze %dma_wait3A_285 : memref<1x64xi32, #tpu.memory_space<vmem>> -> memref<64xi32, #tpu.memory_space<vmem>>
    %dma_wait3A_287 = arith.constant 0 : i32
    %dma_wait3A_288 = tpu.memref_slice %arg4[%dma_wait3A_287] : memref<655360xi32, #tpu.memory_space<hbm>> -> memref<64xi32, #tpu.memory_space<hbm>>
    %dma_wait3A_289 = arith.constant 0 : i32
    %dma_wait3A_290 = tpu.memref_slice %arg7[%dma_wait3A_283, %dma_wait3A_289] : memref<8x64xi32, #tpu.memory_space<vmem>> -> memref<1x64xi32, #tpu.memory_space<vmem>>
    %dma_wait3A_291 = tpu.memref_squeeze %dma_wait3A_290 : memref<1x64xi32, #tpu.memory_space<vmem>> -> memref<64xi32, #tpu.memory_space<vmem>>
    %dma_wait3A_292 = arith.constant 0 : i32
    %dma_wait3A_293 = tpu.memref_slice %arg4[%dma_wait3A_292] : memref<655360xi32, #tpu.memory_space<hbm>> -> memref<64xi32, #tpu.memory_space<hbm>>
    tpu.wait_dma2 semaphore(%arg14 : memref<!tpu.dma_semaphore, #tpu.memory_space<semaphore_mem>>) src(%dma_wait3A_293 : memref<64xi32, #tpu.memory_space<hbm>>) dst(%dma_wait3A_291 : memref<64xi32, #tpu.memory_space<vmem>>)
    %dma_start3A_294 = arith.constant 3 : i32
    %dma_start3A_295 = arith.constant 64 : i32
    %dma_start3A_296 = arith.constant 0 : i32
    %dma_start3A_297 = tpu.memref_slice %arg9[%dma_start3A_295, %dma_start3A_296] : memref<128x128xf32, #tpu.memory_space<vmem>> -> memref<64x128xf32, #tpu.memory_space<vmem>>
    %dma_start3A_298 = arith.constant 0 : i32
    %dma_start3A_299 = tpu.memref_slice %arg6[%dma_start3A_294, %dma_start3A_298] : memref<8x64xi32, #tpu.memory_space<vmem>> -> memref<1x64xi32, #tpu.memory_space<vmem>>
    %dma_start3A_300 = tpu.memref_squeeze %dma_start3A_299 : memref<1x64xi32, #tpu.memory_space<vmem>> -> memref<64xi32, #tpu.memory_space<vmem>>
    %dma_start3A_301 = arith.constant 0 : i32
    %dma_start3A_302 = arith.constant 0 : i32
    %dma_start3A_303 = tpu.memref_slice %arg2[%dma_start3A_301, %dma_start3A_302] : memref<20000x128xf32, #tpu.memory_space<hbm>> -> memref<20000x128xf32, #tpu.memory_space<hbm>>
    tpu.enqueue_indirect_dma source(%dma_start3A_303 : memref<20000x128xf32, #tpu.memory_space<hbm>>) target(%dma_start3A_297 : memref<64x128xf32, #tpu.memory_space<vmem>>) offsets(%dma_start3A_300 : memref<64xi32, #tpu.memory_space<vmem>>) semaphore(%arg22 : memref<!tpu.dma_semaphore, #tpu.memory_space<semaphore_mem>>)
    %scan3A = arith.constant 0 : i32
    %scan3A_304 = arith.constant 0 : i32
    %scan3A_305 = arith.constant 40 : i32
    %scan3A_306 = arith.addi %scan3A_304, %scan3A_305 : i32
    %scan3A_307 = arith.constant 1 : i32
    scf.for %scan3A_325 = %scan3A_304 to %scan3A_306 step %scan3A_307  : i32 {
      %mul3A_326 = arith.constant 8 : i32
      %mul3A_327 = arith.muli %mul3A_326, %scan3A_325 : i32
      %add3A_328 = arith.constant 0 : i32
      %add3A_329 = arith.addi %mul3A_327, %add3A_328 : i32
      %dma_wait3A_330 = arith.constant 0 : i32
      %dma_wait3A_331 = arith.constant 0 : i32
      %dma_wait3A_332 = arith.constant 0 : i32
      %dma_wait3A_333 = tpu.memref_slice %arg8[%dma_wait3A_331, %dma_wait3A_332] : memref<128x128xf32, #tpu.memory_space<vmem>> -> memref<64x128xf32, #tpu.memory_space<vmem>>
      %dma_wait3A_334 = arith.constant 0 : i32
      %dma_wait3A_335 = tpu.memref_slice %arg6[%dma_wait3A_330, %dma_wait3A_334] : memref<8x64xi32, #tpu.memory_space<vmem>> -> memref<1x64xi32, #tpu.memory_space<vmem>>
      %dma_wait3A_336 = tpu.memref_squeeze %dma_wait3A_335 : memref<1x64xi32, #tpu.memory_space<vmem>> -> memref<64xi32, #tpu.memory_space<vmem>>
      %dma_wait3A_337 = arith.constant 0 : i32
      %dma_wait3A_338 = arith.constant 0 : i32
      %dma_wait3A_339 = tpu.memref_slice %arg2[%dma_wait3A_337, %dma_wait3A_338] : memref<20000x128xf32, #tpu.memory_space<hbm>> -> memref<20000x128xf32, #tpu.memory_space<hbm>>
      tpu.wait_indirect_dma semaphore(%arg19 : memref<!tpu.dma_semaphore, #tpu.memory_space<semaphore_mem>>) src(%dma_wait3A_339 : memref<20000x128xf32, #tpu.memory_space<hbm>>) dst(%dma_wait3A_333 : memref<64x128xf32, #tpu.memory_space<vmem>>)
      %run_scoped3A = arith.constant 0 : i32
      "tpu.region"() ({
        %run_scoped3A_643 = tpu.sem_alloc : memref<!tpu.dma_semaphore, #tpu.memory_space<semaphore_mem>>
        %dma_start3A_644 = arith.constant 0 : i32
        %dma_start3A_645 = arith.constant 0 : i32
        %dma_start3A_646 = tpu.memref_slice %arg8[%dma_start3A_644, %dma_start3A_645] : memref<128x128xf32, #tpu.memory_space<vmem>> -> memref<64x128xf32, #tpu.memory_space<vmem>>
        %dma_start3A_647 = arith.constant 0 : i32
        %dma_start3A_648 = tpu.memref_slice %arg7[%run_scoped3A, %dma_start3A_647] : memref<8x64xi32, #tpu.memory_space<vmem>> -> memref<1x64xi32, #tpu.memory_space<vmem>>
        %dma_start3A_649 = tpu.memref_squeeze %dma_start3A_648 : memref<1x64xi32, #tpu.memory_space<vmem>> -> memref<64xi32, #tpu.memory_space<vmem>>
        %dma_start3A_650 = arith.constant 0 : i32
        %dma_start3A_651 = arith.constant 0 : i32
        %dma_start3A_652 = tpu.memref_slice %arg10[%dma_start3A_650, %dma_start3A_651] : memref<10008x128xf32, #tpu.memory_space<vmem_shared>> -> memref<10008x128xf32, #tpu.memory_space<vmem_shared>>
        tpu.enqueue_indirect_dma source(%dma_start3A_646 : memref<64x128xf32, #tpu.memory_space<vmem>>) target(%dma_start3A_652 : memref<10008x128xf32, #tpu.memory_space<vmem_shared>>) offsets(%dma_start3A_649 : memref<64xi32, #tpu.memory_space<vmem>>) semaphore(%run_scoped3A_643 : memref<!tpu.dma_semaphore, #tpu.memory_space<semaphore_mem>>) {add = true}
        %dma_wait3A_653 = arith.constant 0 : i32
        %dma_wait3A_654 = arith.constant 0 : i32
        %dma_wait3A_655 = tpu.memref_slice %arg8[%dma_wait3A_653, %dma_wait3A_654] : memref<128x128xf32, #tpu.memory_space<vmem>> -> memref<64x128xf32, #tpu.memory_space<vmem>>
        %dma_wait3A_656 = arith.constant 0 : i32
        %dma_wait3A_657 = tpu.memref_slice %arg7[%run_scoped3A, %dma_wait3A_656] : memref<8x64xi32, #tpu.memory_space<vmem>> -> memref<1x64xi32, #tpu.memory_space<vmem>>
        %dma_wait3A_658 = tpu.memref_squeeze %dma_wait3A_657 : memref<1x64xi32, #tpu.memory_space<vmem>> -> memref<64xi32, #tpu.memory_space<vmem>>
        %dma_wait3A_659 = arith.constant 0 : i32
        %dma_wait3A_660 = arith.constant 0 : i32
        %dma_wait3A_661 = tpu.memref_slice %arg10[%dma_wait3A_659, %dma_wait3A_660] : memref<10008x128xf32, #tpu.memory_space<vmem_shared>> -> memref<10008x128xf32, #tpu.memory_space<vmem_shared>>
        tpu.wait_indirect_dma semaphore(%run_scoped3A_643 : memref<!tpu.dma_semaphore, #tpu.memory_space<semaphore_mem>>) src(%dma_wait3A_655 : memref<64x128xf32, #tpu.memory_space<vmem>>) dst(%dma_wait3A_661 : memref<10008x128xf32, #tpu.memory_space<vmem_shared>>)
        tpu.yield
      }) : () -> ()
      %add3A_340 = arith.constant 8 : i32
      %add3A_341 = arith.addi %add3A_329, %add3A_340 : i32
      %lt3A_342 = arith.constant 320 : i32
      %lt3A_343 = arith.cmpi slt, %add3A_341, %lt3A_342 : i32
      %convert_element_type3A_344 = arith.extui %lt3A_343 : i1 to i32
      %cond3A_345 = arith.constant 0 : i32
      %cond3A_346 = arith.cmpi ne, %convert_element_type3A_344, %cond3A_345 : i32
      scf.if %cond3A_346 {
        %add3A_643 = arith.constant 8 : i32
        %add3A_644 = arith.addi %add3A_329, %add3A_643 : i32
        %mul3A_645 = arith.constant 64 : i32
        %mul3A_646 = arith.muli %add3A_644, %mul3A_645 : i32
        %add3A_647 = arith.addi %add3A_17, %mul3A_646 : i32
        %dma_start3A_648 = arith.constant 0 : i32
        %dma_start3A_649 = arith.constant 0 : i32
        %dma_start3A_650 = tpu.memref_slice %arg6[%dma_start3A_648, %dma_start3A_649] : memref<8x64xi32, #tpu.memory_space<vmem>> -> memref<1x64xi32, #tpu.memory_space<vmem>>
        %dma_start3A_651 = tpu.memref_squeeze %dma_start3A_650 : memref<1x64xi32, #tpu.memory_space<vmem>> -> memref<64xi32, #tpu.memory_space<vmem>>
        %dma_start3A_652 = tpu.memref_slice %arg3[%add3A_647] : memref<655360xi32, #tpu.memory_space<hbm>> -> memref<64xi32, #tpu.memory_space<hbm>>
        %dma_start3A_653 = arith.constant 0 : i32
        %dma_start3A_654 = tpu.memref_slice %arg6[%dma_start3A_648, %dma_start3A_653] : memref<8x64xi32, #tpu.memory_space<vmem>> -> memref<1x64xi32, #tpu.memory_space<vmem>>
        %dma_start3A_655 = tpu.memref_squeeze %dma_start3A_654 : memref<1x64xi32, #tpu.memory_space<vmem>> -> memref<64xi32, #tpu.memory_space<vmem>>
        %dma_start3A_656 = tpu.memref_slice %arg3[%add3A_647] : memref<655360xi32, #tpu.memory_space<hbm>> -> memref<64xi32, #tpu.memory_space<hbm>>
        tpu.enqueue_dma source(%dma_start3A_656 : memref<64xi32, #tpu.memory_space<hbm>>) target(%dma_start3A_655 : memref<64xi32, #tpu.memory_space<vmem>>) target_semaphore(%arg11 : memref<!tpu.dma_semaphore, #tpu.memory_space<semaphore_mem>>)
        %dma_start3A_657 = arith.constant 0 : i32
        %dma_start3A_658 = arith.constant 0 : i32
        %dma_start3A_659 = tpu.memref_slice %arg7[%dma_start3A_657, %dma_start3A_658] : memref<8x64xi32, #tpu.memory_space<vmem>> -> memref<1x64xi32, #tpu.memory_space<vmem>>
        %dma_start3A_660 = tpu.memref_squeeze %dma_start3A_659 : memref<1x64xi32, #tpu.memory_space<vmem>> -> memref<64xi32, #tpu.memory_space<vmem>>
        %dma_start3A_661 = tpu.memref_slice %arg4[%add3A_647] : memref<655360xi32, #tpu.memory_space<hbm>> -> memref<64xi32, #tpu.memory_space<hbm>>
        %dma_start3A_662 = arith.constant 0 : i32
        %dma_start3A_663 = tpu.memref_slice %arg7[%dma_start3A_657, %dma_start3A_662] : memref<8x64xi32, #tpu.memory_space<vmem>> -> memref<1x64xi32, #tpu.memory_space<vmem>>
        %dma_start3A_664 = tpu.memref_squeeze %dma_start3A_663 : memref<1x64xi32, #tpu.memory_space<vmem>> -> memref<64xi32, #tpu.memory_space<vmem>>
        %dma_start3A_665 = tpu.memref_slice %arg4[%add3A_647] : memref<655360xi32, #tpu.memory_space<hbm>> -> memref<64xi32, #tpu.memory_space<hbm>>
        tpu.enqueue_dma source(%dma_start3A_665 : memref<64xi32, #tpu.memory_space<hbm>>) target(%dma_start3A_664 : memref<64xi32, #tpu.memory_space<vmem>>) target_semaphore(%arg11 : memref<!tpu.dma_semaphore, #tpu.memory_space<semaphore_mem>>)
      } else {
      }
      %dma_wait3A_347 = arith.constant 4 : i32
      %dma_wait3A_348 = arith.constant 0 : i32
      %dma_wait3A_349 = tpu.memref_slice %arg6[%dma_wait3A_347, %dma_wait3A_348] : memref<8x64xi32, #tpu.memory_space<vmem>> -> memref<1x64xi32, #tpu.memory_space<vmem>>
      %dma_wait3A_350 = tpu.memref_squeeze %dma_wait3A_349 : memref<1x64xi32, #tpu.memory_space<vmem>> -> memref<64xi32, #tpu.memory_space<vmem>>
      %dma_wait3A_351 = arith.constant 0 : i32
      %dma_wait3A_352 = tpu.memref_slice %arg3[%dma_wait3A_351] : memref<655360xi32, #tpu.memory_space<hbm>> -> memref<64xi32, #tpu.memory_space<hbm>>
      %dma_wait3A_353 = arith.constant 0 : i32
      %dma_wait3A_354 = tpu.memref_slice %arg6[%dma_wait3A_347, %dma_wait3A_353] : memref<8x64xi32, #tpu.memory_space<vmem>> -> memref<1x64xi32, #tpu.memory_space<vmem>>
      %dma_wait3A_355 = tpu.memref_squeeze %dma_wait3A_354 : memref<1x64xi32, #tpu.memory_space<vmem>> -> memref<64xi32, #tpu.memory_space<vmem>>
      %dma_wait3A_356 = arith.constant 0 : i32
      %dma_wait3A_357 = tpu.memref_slice %arg3[%dma_wait3A_356] : memref<655360xi32, #tpu.memory_space<hbm>> -> memref<64xi32, #tpu.memory_space<hbm>>
      tpu.wait_dma2 semaphore(%arg15 : memref<!tpu.dma_semaphore, #tpu.memory_space<semaphore_mem>>) src(%dma_wait3A_357 : memref<64xi32, #tpu.memory_space<hbm>>) dst(%dma_wait3A_355 : memref<64xi32, #tpu.memory_space<vmem>>)
      %dma_wait3A_358 = arith.constant 4 : i32
      %dma_wait3A_359 = arith.constant 0 : i32
      %dma_wait3A_360 = tpu.memref_slice %arg7[%dma_wait3A_358, %dma_wait3A_359] : memref<8x64xi32, #tpu.memory_space<vmem>> -> memref<1x64xi32, #tpu.memory_space<vmem>>
      %dma_wait3A_361 = tpu.memref_squeeze %dma_wait3A_360 : memref<1x64xi32, #tpu.memory_space<vmem>> -> memref<64xi32, #tpu.memory_space<vmem>>
      %dma_wait3A_362 = arith.constant 0 : i32
      %dma_wait3A_363 = tpu.memref_slice %arg4[%dma_wait3A_362] : memref<655360xi32, #tpu.memory_space<hbm>> -> memref<64xi32, #tpu.memory_space<hbm>>
      %dma_wait3A_364 = arith.constant 0 : i32
      %dma_wait3A_365 = tpu.memref_slice %arg7[%dma_wait3A_358, %dma_wait3A_364] : memref<8x64xi32, #tpu.memory_space<vmem>> -> memref<1x64xi32, #tpu.memory_space<vmem>>
      %dma_wait3A_366 = tpu.memref_squeeze %dma_wait3A_365 : memref<1x64xi32, #tpu.memory_space<vmem>> -> memref<64xi32, #tpu.memory_space<vmem>>
      %dma_wait3A_367 = arith.constant 0 : i32
      %dma_wait3A_368 = tpu.memref_slice %arg4[%dma_wait3A_367] : memref<655360xi32, #tpu.memory_space<hbm>> -> memref<64xi32, #tpu.memory_space<hbm>>
      tpu.wait_dma2 semaphore(%arg15 : memref<!tpu.dma_semaphore, #tpu.memory_space<semaphore_mem>>) src(%dma_wait3A_368 : memref<64xi32, #tpu.memory_space<hbm>>) dst(%dma_wait3A_366 : memref<64xi32, #tpu.memory_space<vmem>>)
      %dma_start3A_369 = arith.constant 4 : i32
      %dma_start3A_370 = arith.constant 0 : i32
      %dma_start3A_371 = arith.constant 0 : i32
      %dma_start3A_372 = tpu.memref_slice %arg8[%dma_start3A_370, %dma_start3A_371] : memref<128x128xf32, #tpu.memory_space<vmem>> -> memref<64x128xf32, #tpu.memory_space<vmem>>
      %dma_start3A_373 = arith.constant 0 : i32
      %dma_start3A_374 = tpu.memref_slice %arg6[%dma_start3A_369, %dma_start3A_373] : memref<8x64xi32, #tpu.memory_space<vmem>> -> memref<1x64xi32, #tpu.memory_space<vmem>>
      %dma_start3A_375 = tpu.memref_squeeze %dma_start3A_374 : memref<1x64xi32, #tpu.memory_space<vmem>> -> memref<64xi32, #tpu.memory_space<vmem>>
      %dma_start3A_376 = arith.constant 0 : i32
      %dma_start3A_377 = arith.constant 0 : i32
      %dma_start3A_378 = tpu.memref_slice %arg2[%dma_start3A_376, %dma_start3A_377] : memref<20000x128xf32, #tpu.memory_space<hbm>> -> memref<20000x128xf32, #tpu.memory_space<hbm>>
      tpu.enqueue_indirect_dma source(%dma_start3A_378 : memref<20000x128xf32, #tpu.memory_space<hbm>>) target(%dma_start3A_372 : memref<64x128xf32, #tpu.memory_space<vmem>>) offsets(%dma_start3A_375 : memref<64xi32, #tpu.memory_space<vmem>>) semaphore(%arg19 : memref<!tpu.dma_semaphore, #tpu.memory_space<semaphore_mem>>)
      %add3A_379 = arith.constant 1 : i32
      %add3A_380 = arith.addi %mul3A_327, %add3A_379 : i32
      %dma_wait3A_381 = arith.constant 1 : i32
      %dma_wait3A_382 = arith.constant 64 : i32
      %dma_wait3A_383 = arith.constant 0 : i32
      %dma_wait3A_384 = tpu.memref_slice %arg8[%dma_wait3A_382, %dma_wait3A_383] : memref<128x128xf32, #tpu.memory_space<vmem>> -> memref<64x128xf32, #tpu.memory_space<vmem>>
      %dma_wait3A_385 = arith.constant 0 : i32
      %dma_wait3A_386 = tpu.memref_slice %arg6[%dma_wait3A_381, %dma_wait3A_385] : memref<8x64xi32, #tpu.memory_space<vmem>> -> memref<1x64xi32, #tpu.memory_space<vmem>>
      %dma_wait3A_387 = tpu.memref_squeeze %dma_wait3A_386 : memref<1x64xi32, #tpu.memory_space<vmem>> -> memref<64xi32, #tpu.memory_space<vmem>>
      %dma_wait3A_388 = arith.constant 0 : i32
      %dma_wait3A_389 = arith.constant 0 : i32
      %dma_wait3A_390 = tpu.memref_slice %arg2[%dma_wait3A_388, %dma_wait3A_389] : memref<20000x128xf32, #tpu.memory_space<hbm>> -> memref<20000x128xf32, #tpu.memory_space<hbm>>
      tpu.wait_indirect_dma semaphore(%arg20 : memref<!tpu.dma_semaphore, #tpu.memory_space<semaphore_mem>>) src(%dma_wait3A_390 : memref<20000x128xf32, #tpu.memory_space<hbm>>) dst(%dma_wait3A_384 : memref<64x128xf32, #tpu.memory_space<vmem>>)
      %run_scoped3A_391 = arith.constant 1 : i32
      "tpu.region"() ({
        %run_scoped3A_643 = tpu.sem_alloc : memref<!tpu.dma_semaphore, #tpu.memory_space<semaphore_mem>>
        %dma_start3A_644 = arith.constant 64 : i32
        %dma_start3A_645 = arith.constant 0 : i32
        %dma_start3A_646 = tpu.memref_slice %arg8[%dma_start3A_644, %dma_start3A_645] : memref<128x128xf32, #tpu.memory_space<vmem>> -> memref<64x128xf32, #tpu.memory_space<vmem>>
        %dma_start3A_647 = arith.constant 0 : i32
        %dma_start3A_648 = tpu.memref_slice %arg7[%run_scoped3A_391, %dma_start3A_647] : memref<8x64xi32, #tpu.memory_space<vmem>> -> memref<1x64xi32, #tpu.memory_space<vmem>>
        %dma_start3A_649 = tpu.memref_squeeze %dma_start3A_648 : memref<1x64xi32, #tpu.memory_space<vmem>> -> memref<64xi32, #tpu.memory_space<vmem>>
        %dma_start3A_650 = arith.constant 0 : i32
        %dma_start3A_651 = arith.constant 0 : i32
        %dma_start3A_652 = tpu.memref_slice %arg10[%dma_start3A_650, %dma_start3A_651] : memref<10008x128xf32, #tpu.memory_space<vmem_shared>> -> memref<10008x128xf32, #tpu.memory_space<vmem_shared>>
        tpu.enqueue_indirect_dma source(%dma_start3A_646 : memref<64x128xf32, #tpu.memory_space<vmem>>) target(%dma_start3A_652 : memref<10008x128xf32, #tpu.memory_space<vmem_shared>>) offsets(%dma_start3A_649 : memref<64xi32, #tpu.memory_space<vmem>>) semaphore(%run_scoped3A_643 : memref<!tpu.dma_semaphore, #tpu.memory_space<semaphore_mem>>) {add = true}
        %dma_wait3A_653 = arith.constant 64 : i32
        %dma_wait3A_654 = arith.constant 0 : i32
        %dma_wait3A_655 = tpu.memref_slice %arg8[%dma_wait3A_653, %dma_wait3A_654] : memref<128x128xf32, #tpu.memory_space<vmem>> -> memref<64x128xf32, #tpu.memory_space<vmem>>
        %dma_wait3A_656 = arith.constant 0 : i32
        %dma_wait3A_657 = tpu.memref_slice %arg7[%run_scoped3A_391, %dma_wait3A_656] : memref<8x64xi32, #tpu.memory_space<vmem>> -> memref<1x64xi32, #tpu.memory_space<vmem>>
        %dma_wait3A_658 = tpu.memref_squeeze %dma_wait3A_657 : memref<1x64xi32, #tpu.memory_space<vmem>> -> memref<64xi32, #tpu.memory_space<vmem>>
        %dma_wait3A_659 = arith.constant 0 : i32
        %dma_wait3A_660 = arith.constant 0 : i32
        %dma_wait3A_661 = tpu.memref_slice %arg10[%dma_wait3A_659, %dma_wait3A_660] : memref<10008x128xf32, #tpu.memory_space<vmem_shared>> -> memref<10008x128xf32, #tpu.memory_space<vmem_shared>>
        tpu.wait_indirect_dma semaphore(%run_scoped3A_643 : memref<!tpu.dma_semaphore, #tpu.memory_space<semaphore_mem>>) src(%dma_wait3A_655 : memref<64x128xf32, #tpu.memory_space<vmem>>) dst(%dma_wait3A_661 : memref<10008x128xf32, #tpu.memory_space<vmem_shared>>)
        tpu.yield
      }) : () -> ()
      %add3A_392 = arith.constant 8 : i32
      %add3A_393 = arith.addi %add3A_380, %add3A_392 : i32
      %lt3A_394 = arith.constant 320 : i32
      %lt3A_395 = arith.cmpi slt, %add3A_393, %lt3A_394 : i32
      %convert_element_type3A_396 = arith.extui %lt3A_395 : i1 to i32
      %cond3A_397 = arith.constant 0 : i32
      %cond3A_398 = arith.cmpi ne, %convert_element_type3A_396, %cond3A_397 : i32
      scf.if %cond3A_398 {
        %add3A_643 = arith.constant 8 : i32
        %add3A_644 = arith.addi %add3A_380, %add3A_643 : i32
        %mul3A_645 = arith.constant 64 : i32
        %mul3A_646 = arith.muli %add3A_644, %mul3A_645 : i32
        %add3A_647 = arith.addi %add3A_17, %mul3A_646 : i32
        %dma_start3A_648 = arith.constant 1 : i32
        %dma_start3A_649 = arith.constant 0 : i32
        %dma_start3A_650 = tpu.memref_slice %arg6[%dma_start3A_648, %dma_start3A_649] : memref<8x64xi32, #tpu.memory_space<vmem>> -> memref<1x64xi32, #tpu.memory_space<vmem>>
        %dma_start3A_651 = tpu.memref_squeeze %dma_start3A_650 : memref<1x64xi32, #tpu.memory_space<vmem>> -> memref<64xi32, #tpu.memory_space<vmem>>
        %dma_start3A_652 = tpu.memref_slice %arg3[%add3A_647] : memref<655360xi32, #tpu.memory_space<hbm>> -> memref<64xi32, #tpu.memory_space<hbm>>
        %dma_start3A_653 = arith.constant 0 : i32
        %dma_start3A_654 = tpu.memref_slice %arg6[%dma_start3A_648, %dma_start3A_653] : memref<8x64xi32, #tpu.memory_space<vmem>> -> memref<1x64xi32, #tpu.memory_space<vmem>>
        %dma_start3A_655 = tpu.memref_squeeze %dma_start3A_654 : memref<1x64xi32, #tpu.memory_space<vmem>> -> memref<64xi32, #tpu.memory_space<vmem>>
        %dma_start3A_656 = tpu.memref_slice %arg3[%add3A_647] : memref<655360xi32, #tpu.memory_space<hbm>> -> memref<64xi32, #tpu.memory_space<hbm>>
        tpu.enqueue_dma source(%dma_start3A_656 : memref<64xi32, #tpu.memory_space<hbm>>) target(%dma_start3A_655 : memref<64xi32, #tpu.memory_space<vmem>>) target_semaphore(%arg12 : memref<!tpu.dma_semaphore, #tpu.memory_space<semaphore_mem>>)
        %dma_start3A_657 = arith.constant 1 : i32
        %dma_start3A_658 = arith.constant 0 : i32
        %dma_start3A_659 = tpu.memref_slice %arg7[%dma_start3A_657, %dma_start3A_658] : memref<8x64xi32, #tpu.memory_space<vmem>> -> memref<1x64xi32, #tpu.memory_space<vmem>>
        %dma_start3A_660 = tpu.memref_squeeze %dma_start3A_659 : memref<1x64xi32, #tpu.memory_space<vmem>> -> memref<64xi32, #tpu.memory_space<vmem>>
        %dma_start3A_661 = tpu.memref_slice %arg4[%add3A_647] : memref<655360xi32, #tpu.memory_space<hbm>> -> memref<64xi32, #tpu.memory_space<hbm>>
        %dma_start3A_662 = arith.constant 0 : i32
        %dma_start3A_663 = tpu.memref_slice %arg7[%dma_start3A_657, %dma_start3A_662] : memref<8x64xi32, #tpu.memory_space<vmem>> -> memref<1x64xi32, #tpu.memory_space<vmem>>
        %dma_start3A_664 = tpu.memref_squeeze %dma_start3A_663 : memref<1x64xi32, #tpu.memory_space<vmem>> -> memref<64xi32, #tpu.memory_space<vmem>>
        %dma_start3A_665 = tpu.memref_slice %arg4[%add3A_647] : memref<655360xi32, #tpu.memory_space<hbm>> -> memref<64xi32, #tpu.memory_space<hbm>>
        tpu.enqueue_dma source(%dma_start3A_665 : memref<64xi32, #tpu.memory_space<hbm>>) target(%dma_start3A_664 : memref<64xi32, #tpu.memory_space<vmem>>) target_semaphore(%arg12 : memref<!tpu.dma_semaphore, #tpu.memory_space<semaphore_mem>>)
      } else {
      }
      %dma_wait3A_399 = arith.constant 5 : i32
      %dma_wait3A_400 = arith.constant 0 : i32
      %dma_wait3A_401 = tpu.memref_slice %arg6[%dma_wait3A_399, %dma_wait3A_400] : memref<8x64xi32, #tpu.memory_space<vmem>> -> memref<1x64xi32, #tpu.memory_space<vmem>>
      %dma_wait3A_402 = tpu.memref_squeeze %dma_wait3A_401 : memref<1x64xi32, #tpu.memory_space<vmem>> -> memref<64xi32, #tpu.memory_space<vmem>>
      %dma_wait3A_403 = arith.constant 0 : i32
      %dma_wait3A_404 = tpu.memref_slice %arg3[%dma_wait3A_403] : memref<655360xi32, #tpu.memory_space<hbm>> -> memref<64xi32, #tpu.memory_space<hbm>>
      %dma_wait3A_405 = arith.constant 0 : i32
      %dma_wait3A_406 = tpu.memref_slice %arg6[%dma_wait3A_399, %dma_wait3A_405] : memref<8x64xi32, #tpu.memory_space<vmem>> -> memref<1x64xi32, #tpu.memory_space<vmem>>
      %dma_wait3A_407 = tpu.memref_squeeze %dma_wait3A_406 : memref<1x64xi32, #tpu.memory_space<vmem>> -> memref<64xi32, #tpu.memory_space<vmem>>
      %dma_wait3A_408 = arith.constant 0 : i32
      %dma_wait3A_409 = tpu.memref_slice %arg3[%dma_wait3A_408] : memref<655360xi32, #tpu.memory_space<hbm>> -> memref<64xi32, #tpu.memory_space<hbm>>
      tpu.wait_dma2 semaphore(%arg16 : memref<!tpu.dma_semaphore, #tpu.memory_space<semaphore_mem>>) src(%dma_wait3A_409 : memref<64xi32, #tpu.memory_space<hbm>>) dst(%dma_wait3A_407 : memref<64xi32, #tpu.memory_space<vmem>>)
      %dma_wait3A_410 = arith.constant 5 : i32
      %dma_wait3A_411 = arith.constant 0 : i32
      %dma_wait3A_412 = tpu.memref_slice %arg7[%dma_wait3A_410, %dma_wait3A_411] : memref<8x64xi32, #tpu.memory_space<vmem>> -> memref<1x64xi32, #tpu.memory_space<vmem>>
      %dma_wait3A_413 = tpu.memref_squeeze %dma_wait3A_412 : memref<1x64xi32, #tpu.memory_space<vmem>> -> memref<64xi32, #tpu.memory_space<vmem>>
      %dma_wait3A_414 = arith.constant 0 : i32
      %dma_wait3A_415 = tpu.memref_slice %arg4[%dma_wait3A_414] : memref<655360xi32, #tpu.memory_space<hbm>> -> memref<64xi32, #tpu.memory_space<hbm>>
      %dma_wait3A_416 = arith.constant 0 : i32
      %dma_wait3A_417 = tpu.memref_slice %arg7[%dma_wait3A_410, %dma_wait3A_416] : memref<8x64xi32, #tpu.memory_space<vmem>> -> memref<1x64xi32, #tpu.memory_space<vmem>>
      %dma_wait3A_418 = tpu.memref_squeeze %dma_wait3A_417 : memref<1x64xi32, #tpu.memory_space<vmem>> -> memref<64xi32, #tpu.memory_space<vmem>>
      %dma_wait3A_419 = arith.constant 0 : i32
      %dma_wait3A_420 = tpu.memref_slice %arg4[%dma_wait3A_419] : memref<655360xi32, #tpu.memory_space<hbm>> -> memref<64xi32, #tpu.memory_space<hbm>>
      tpu.wait_dma2 semaphore(%arg16 : memref<!tpu.dma_semaphore, #tpu.memory_space<semaphore_mem>>) src(%dma_wait3A_420 : memref<64xi32, #tpu.memory_space<hbm>>) dst(%dma_wait3A_418 : memref<64xi32, #tpu.memory_space<vmem>>)
      %dma_start3A_421 = arith.constant 5 : i32
      %dma_start3A_422 = arith.constant 64 : i32
      %dma_start3A_423 = arith.constant 0 : i32
      %dma_start3A_424 = tpu.memref_slice %arg8[%dma_start3A_422, %dma_start3A_423] : memref<128x128xf32, #tpu.memory_space<vmem>> -> memref<64x128xf32, #tpu.memory_space<vmem>>
      %dma_start3A_425 = arith.constant 0 : i32
      %dma_start3A_426 = tpu.memref_slice %arg6[%dma_start3A_421, %dma_start3A_425] : memref<8x64xi32, #tpu.memory_space<vmem>> -> memref<1x64xi32, #tpu.memory_space<vmem>>
      %dma_start3A_427 = tpu.memref_squeeze %dma_start3A_426 : memref<1x64xi32, #tpu.memory_space<vmem>> -> memref<64xi32, #tpu.memory_space<vmem>>
      %dma_start3A_428 = arith.constant 0 : i32
      %dma_start3A_429 = arith.constant 0 : i32
      %dma_start3A_430 = tpu.memref_slice %arg2[%dma_start3A_428, %dma_start3A_429] : memref<20000x128xf32, #tpu.memory_space<hbm>> -> memref<20000x128xf32, #tpu.memory_space<hbm>>
      tpu.enqueue_indirect_dma source(%dma_start3A_430 : memref<20000x128xf32, #tpu.memory_space<hbm>>) target(%dma_start3A_424 : memref<64x128xf32, #tpu.memory_space<vmem>>) offsets(%dma_start3A_427 : memref<64xi32, #tpu.memory_space<vmem>>) semaphore(%arg20 : memref<!tpu.dma_semaphore, #tpu.memory_space<semaphore_mem>>)
      %add3A_431 = arith.constant 2 : i32
      %add3A_432 = arith.addi %mul3A_327, %add3A_431 : i32
      %dma_wait3A_433 = arith.constant 2 : i32
      %dma_wait3A_434 = arith.constant 0 : i32
      %dma_wait3A_435 = arith.constant 0 : i32
      %dma_wait3A_436 = tpu.memref_slice %arg9[%dma_wait3A_434, %dma_wait3A_435] : memref<128x128xf32, #tpu.memory_space<vmem>> -> memref<64x128xf32, #tpu.memory_space<vmem>>
      %dma_wait3A_437 = arith.constant 0 : i32
      %dma_wait3A_438 = tpu.memref_slice %arg6[%dma_wait3A_433, %dma_wait3A_437] : memref<8x64xi32, #tpu.memory_space<vmem>> -> memref<1x64xi32, #tpu.memory_space<vmem>>
      %dma_wait3A_439 = tpu.memref_squeeze %dma_wait3A_438 : memref<1x64xi32, #tpu.memory_space<vmem>> -> memref<64xi32, #tpu.memory_space<vmem>>
      %dma_wait3A_440 = arith.constant 0 : i32
      %dma_wait3A_441 = arith.constant 0 : i32
      %dma_wait3A_442 = tpu.memref_slice %arg2[%dma_wait3A_440, %dma_wait3A_441] : memref<20000x128xf32, #tpu.memory_space<hbm>> -> memref<20000x128xf32, #tpu.memory_space<hbm>>
      tpu.wait_indirect_dma semaphore(%arg21 : memref<!tpu.dma_semaphore, #tpu.memory_space<semaphore_mem>>) src(%dma_wait3A_442 : memref<20000x128xf32, #tpu.memory_space<hbm>>) dst(%dma_wait3A_436 : memref<64x128xf32, #tpu.memory_space<vmem>>)
      %run_scoped3A_443 = arith.constant 2 : i32
      "tpu.region"() ({
        %run_scoped3A_643 = tpu.sem_alloc : memref<!tpu.dma_semaphore, #tpu.memory_space<semaphore_mem>>
        %dma_start3A_644 = arith.constant 0 : i32
        %dma_start3A_645 = arith.constant 0 : i32
        %dma_start3A_646 = tpu.memref_slice %arg9[%dma_start3A_644, %dma_start3A_645] : memref<128x128xf32, #tpu.memory_space<vmem>> -> memref<64x128xf32, #tpu.memory_space<vmem>>
        %dma_start3A_647 = arith.constant 0 : i32
        %dma_start3A_648 = tpu.memref_slice %arg7[%run_scoped3A_443, %dma_start3A_647] : memref<8x64xi32, #tpu.memory_space<vmem>> -> memref<1x64xi32, #tpu.memory_space<vmem>>
        %dma_start3A_649 = tpu.memref_squeeze %dma_start3A_648 : memref<1x64xi32, #tpu.memory_space<vmem>> -> memref<64xi32, #tpu.memory_space<vmem>>
        %dma_start3A_650 = arith.constant 0 : i32
        %dma_start3A_651 = arith.constant 0 : i32
        %dma_start3A_652 = tpu.memref_slice %arg10[%dma_start3A_650, %dma_start3A_651] : memref<10008x128xf32, #tpu.memory_space<vmem_shared>> -> memref<10008x128xf32, #tpu.memory_space<vmem_shared>>
        tpu.enqueue_indirect_dma source(%dma_start3A_646 : memref<64x128xf32, #tpu.memory_space<vmem>>) target(%dma_start3A_652 : memref<10008x128xf32, #tpu.memory_space<vmem_shared>>) offsets(%dma_start3A_649 : memref<64xi32, #tpu.memory_space<vmem>>) semaphore(%run_scoped3A_643 : memref<!tpu.dma_semaphore, #tpu.memory_space<semaphore_mem>>) {add = true}
        %dma_wait3A_653 = arith.constant 0 : i32
        %dma_wait3A_654 = arith.constant 0 : i32
        %dma_wait3A_655 = tpu.memref_slice %arg9[%dma_wait3A_653, %dma_wait3A_654] : memref<128x128xf32, #tpu.memory_space<vmem>> -> memref<64x128xf32, #tpu.memory_space<vmem>>
        %dma_wait3A_656 = arith.constant 0 : i32
        %dma_wait3A_657 = tpu.memref_slice %arg7[%run_scoped3A_443, %dma_wait3A_656] : memref<8x64xi32, #tpu.memory_space<vmem>> -> memref<1x64xi32, #tpu.memory_space<vmem>>
        %dma_wait3A_658 = tpu.memref_squeeze %dma_wait3A_657 : memref<1x64xi32, #tpu.memory_space<vmem>> -> memref<64xi32, #tpu.memory_space<vmem>>
        %dma_wait3A_659 = arith.constant 0 : i32
        %dma_wait3A_660 = arith.constant 0 : i32
        %dma_wait3A_661 = tpu.memref_slice %arg10[%dma_wait3A_659, %dma_wait3A_660] : memref<10008x128xf32, #tpu.memory_space<vmem_shared>> -> memref<10008x128xf32, #tpu.memory_space<vmem_shared>>
        tpu.wait_indirect_dma semaphore(%run_scoped3A_643 : memref<!tpu.dma_semaphore, #tpu.memory_space<semaphore_mem>>) src(%dma_wait3A_655 : memref<64x128xf32, #tpu.memory_space<vmem>>) dst(%dma_wait3A_661 : memref<10008x128xf32, #tpu.memory_space<vmem_shared>>)
        tpu.yield
      }) : () -> ()
      %add3A_444 = arith.constant 8 : i32
      %add3A_445 = arith.addi %add3A_432, %add3A_444 : i32
      %lt3A_446 = arith.constant 320 : i32
      %lt3A_447 = arith.cmpi slt, %add3A_445, %lt3A_446 : i32
      %convert_element_type3A_448 = arith.extui %lt3A_447 : i1 to i32
      %cond3A_449 = arith.constant 0 : i32
      %cond3A_450 = arith.cmpi ne, %convert_element_type3A_448, %cond3A_449 : i32
      scf.if %cond3A_450 {
        %add3A_643 = arith.constant 8 : i32
        %add3A_644 = arith.addi %add3A_432, %add3A_643 : i32
        %mul3A_645 = arith.constant 64 : i32
        %mul3A_646 = arith.muli %add3A_644, %mul3A_645 : i32
        %add3A_647 = arith.addi %add3A_17, %mul3A_646 : i32
        %dma_start3A_648 = arith.constant 2 : i32
        %dma_start3A_649 = arith.constant 0 : i32
        %dma_start3A_650 = tpu.memref_slice %arg6[%dma_start3A_648, %dma_start3A_649] : memref<8x64xi32, #tpu.memory_space<vmem>> -> memref<1x64xi32, #tpu.memory_space<vmem>>
        %dma_start3A_651 = tpu.memref_squeeze %dma_start3A_650 : memref<1x64xi32, #tpu.memory_space<vmem>> -> memref<64xi32, #tpu.memory_space<vmem>>
        %dma_start3A_652 = tpu.memref_slice %arg3[%add3A_647] : memref<655360xi32, #tpu.memory_space<hbm>> -> memref<64xi32, #tpu.memory_space<hbm>>
        %dma_start3A_653 = arith.constant 0 : i32
        %dma_start3A_654 = tpu.memref_slice %arg6[%dma_start3A_648, %dma_start3A_653] : memref<8x64xi32, #tpu.memory_space<vmem>> -> memref<1x64xi32, #tpu.memory_space<vmem>>
        %dma_start3A_655 = tpu.memref_squeeze %dma_start3A_654 : memref<1x64xi32, #tpu.memory_space<vmem>> -> memref<64xi32, #tpu.memory_space<vmem>>
        %dma_start3A_656 = tpu.memref_slice %arg3[%add3A_647] : memref<655360xi32, #tpu.memory_space<hbm>> -> memref<64xi32, #tpu.memory_space<hbm>>
        tpu.enqueue_dma source(%dma_start3A_656 : memref<64xi32, #tpu.memory_space<hbm>>) target(%dma_start3A_655 : memref<64xi32, #tpu.memory_space<vmem>>) target_semaphore(%arg13 : memref<!tpu.dma_semaphore, #tpu.memory_space<semaphore_mem>>)
        %dma_start3A_657 = arith.constant 2 : i32
        %dma_start3A_658 = arith.constant 0 : i32
        %dma_start3A_659 = tpu.memref_slice %arg7[%dma_start3A_657, %dma_start3A_658] : memref<8x64xi32, #tpu.memory_space<vmem>> -> memref<1x64xi32, #tpu.memory_space<vmem>>
        %dma_start3A_660 = tpu.memref_squeeze %dma_start3A_659 : memref<1x64xi32, #tpu.memory_space<vmem>> -> memref<64xi32, #tpu.memory_space<vmem>>
        %dma_start3A_661 = tpu.memref_slice %arg4[%add3A_647] : memref<655360xi32, #tpu.memory_space<hbm>> -> memref<64xi32, #tpu.memory_space<hbm>>
        %dma_start3A_662 = arith.constant 0 : i32
        %dma_start3A_663 = tpu.memref_slice %arg7[%dma_start3A_657, %dma_start3A_662] : memref<8x64xi32, #tpu.memory_space<vmem>> -> memref<1x64xi32, #tpu.memory_space<vmem>>
        %dma_start3A_664 = tpu.memref_squeeze %dma_start3A_663 : memref<1x64xi32, #tpu.memory_space<vmem>> -> memref<64xi32, #tpu.memory_space<vmem>>
        %dma_start3A_665 = tpu.memref_slice %arg4[%add3A_647] : memref<655360xi32, #tpu.memory_space<hbm>> -> memref<64xi32, #tpu.memory_space<hbm>>
        tpu.enqueue_dma source(%dma_start3A_665 : memref<64xi32, #tpu.memory_space<hbm>>) target(%dma_start3A_664 : memref<64xi32, #tpu.memory_space<vmem>>) target_semaphore(%arg13 : memref<!tpu.dma_semaphore, #tpu.memory_space<semaphore_mem>>)
      } else {
      }
      %dma_wait3A_451 = arith.constant 6 : i32
      %dma_wait3A_452 = arith.constant 0 : i32
      %dma_wait3A_453 = tpu.memref_slice %arg6[%dma_wait3A_451, %dma_wait3A_452] : memref<8x64xi32, #tpu.memory_space<vmem>> -> memref<1x64xi32, #tpu.memory_space<vmem>>
      %dma_wait3A_454 = tpu.memref_squeeze %dma_wait3A_453 : memref<1x64xi32, #tpu.memory_space<vmem>> -> memref<64xi32, #tpu.memory_space<vmem>>
      %dma_wait3A_455 = arith.constant 0 : i32
      %dma_wait3A_456 = tpu.memref_slice %arg3[%dma_wait3A_455] : memref<655360xi32, #tpu.memory_space<hbm>> -> memref<64xi32, #tpu.memory_space<hbm>>
      %dma_wait3A_457 = arith.constant 0 : i32
      %dma_wait3A_458 = tpu.memref_slice %arg6[%dma_wait3A_451, %dma_wait3A_457] : memref<8x64xi32, #tpu.memory_space<vmem>> -> memref<1x64xi32, #tpu.memory_space<vmem>>
      %dma_wait3A_459 = tpu.memref_squeeze %dma_wait3A_458 : memref<1x64xi32, #tpu.memory_space<vmem>> -> memref<64xi32, #tpu.memory_space<vmem>>
      %dma_wait3A_460 = arith.constant 0 : i32
      %dma_wait3A_461 = tpu.memref_slice %arg3[%dma_wait3A_460] : memref<655360xi32, #tpu.memory_space<hbm>> -> memref<64xi32, #tpu.memory_space<hbm>>
      tpu.wait_dma2 semaphore(%arg17 : memref<!tpu.dma_semaphore, #tpu.memory_space<semaphore_mem>>) src(%dma_wait3A_461 : memref<64xi32, #tpu.memory_space<hbm>>) dst(%dma_wait3A_459 : memref<64xi32, #tpu.memory_space<vmem>>)
      %dma_wait3A_462 = arith.constant 6 : i32
      %dma_wait3A_463 = arith.constant 0 : i32
      %dma_wait3A_464 = tpu.memref_slice %arg7[%dma_wait3A_462, %dma_wait3A_463] : memref<8x64xi32, #tpu.memory_space<vmem>> -> memref<1x64xi32, #tpu.memory_space<vmem>>
      %dma_wait3A_465 = tpu.memref_squeeze %dma_wait3A_464 : memref<1x64xi32, #tpu.memory_space<vmem>> -> memref<64xi32, #tpu.memory_space<vmem>>
      %dma_wait3A_466 = arith.constant 0 : i32
      %dma_wait3A_467 = tpu.memref_slice %arg4[%dma_wait3A_466] : memref<655360xi32, #tpu.memory_space<hbm>> -> memref<64xi32, #tpu.memory_space<hbm>>
      %dma_wait3A_468 = arith.constant 0 : i32
      %dma_wait3A_469 = tpu.memref_slice %arg7[%dma_wait3A_462, %dma_wait3A_468] : memref<8x64xi32, #tpu.memory_space<vmem>> -> memref<1x64xi32, #tpu.memory_space<vmem>>
      %dma_wait3A_470 = tpu.memref_squeeze %dma_wait3A_469 : memref<1x64xi32, #tpu.memory_space<vmem>> -> memref<64xi32, #tpu.memory_space<vmem>>
      %dma_wait3A_471 = arith.constant 0 : i32
      %dma_wait3A_472 = tpu.memref_slice %arg4[%dma_wait3A_471] : memref<655360xi32, #tpu.memory_space<hbm>> -> memref<64xi32, #tpu.memory_space<hbm>>
      tpu.wait_dma2 semaphore(%arg17 : memref<!tpu.dma_semaphore, #tpu.memory_space<semaphore_mem>>) src(%dma_wait3A_472 : memref<64xi32, #tpu.memory_space<hbm>>) dst(%dma_wait3A_470 : memref<64xi32, #tpu.memory_space<vmem>>)
      %dma_start3A_473 = arith.constant 6 : i32
      %dma_start3A_474 = arith.constant 0 : i32
      %dma_start3A_475 = arith.constant 0 : i32
      %dma_start3A_476 = tpu.memref_slice %arg9[%dma_start3A_474, %dma_start3A_475] : memref<128x128xf32, #tpu.memory_space<vmem>> -> memref<64x128xf32, #tpu.memory_space<vmem>>
      %dma_start3A_477 = arith.constant 0 : i32
      %dma_start3A_478 = tpu.memref_slice %arg6[%dma_start3A_473, %dma_start3A_477] : memref<8x64xi32, #tpu.memory_space<vmem>> -> memref<1x64xi32, #tpu.memory_space<vmem>>
      %dma_start3A_479 = tpu.memref_squeeze %dma_start3A_478 : memref<1x64xi32, #tpu.memory_space<vmem>> -> memref<64xi32, #tpu.memory_space<vmem>>
      %dma_start3A_480 = arith.constant 0 : i32
      %dma_start3A_481 = arith.constant 0 : i32
      %dma_start3A_482 = tpu.memref_slice %arg2[%dma_start3A_480, %dma_start3A_481] : memref<20000x128xf32, #tpu.memory_space<hbm>> -> memref<20000x128xf32, #tpu.memory_space<hbm>>
      tpu.enqueue_indirect_dma source(%dma_start3A_482 : memref<20000x128xf32, #tpu.memory_space<hbm>>) target(%dma_start3A_476 : memref<64x128xf32, #tpu.memory_space<vmem>>) offsets(%dma_start3A_479 : memref<64xi32, #tpu.memory_space<vmem>>) semaphore(%arg21 : memref<!tpu.dma_semaphore, #tpu.memory_space<semaphore_mem>>)
      %add3A_483 = arith.constant 3 : i32
      %add3A_484 = arith.addi %mul3A_327, %add3A_483 : i32
      %dma_wait3A_485 = arith.constant 3 : i32
      %dma_wait3A_486 = arith.constant 64 : i32
      %dma_wait3A_487 = arith.constant 0 : i32
      %dma_wait3A_488 = tpu.memref_slice %arg9[%dma_wait3A_486, %dma_wait3A_487] : memref<128x128xf32, #tpu.memory_space<vmem>> -> memref<64x128xf32, #tpu.memory_space<vmem>>
      %dma_wait3A_489 = arith.constant 0 : i32
      %dma_wait3A_490 = tpu.memref_slice %arg6[%dma_wait3A_485, %dma_wait3A_489] : memref<8x64xi32, #tpu.memory_space<vmem>> -> memref<1x64xi32, #tpu.memory_space<vmem>>
      %dma_wait3A_491 = tpu.memref_squeeze %dma_wait3A_490 : memref<1x64xi32, #tpu.memory_space<vmem>> -> memref<64xi32, #tpu.memory_space<vmem>>
      %dma_wait3A_492 = arith.constant 0 : i32
      %dma_wait3A_493 = arith.constant 0 : i32
      %dma_wait3A_494 = tpu.memref_slice %arg2[%dma_wait3A_492, %dma_wait3A_493] : memref<20000x128xf32, #tpu.memory_space<hbm>> -> memref<20000x128xf32, #tpu.memory_space<hbm>>
      tpu.wait_indirect_dma semaphore(%arg22 : memref<!tpu.dma_semaphore, #tpu.memory_space<semaphore_mem>>) src(%dma_wait3A_494 : memref<20000x128xf32, #tpu.memory_space<hbm>>) dst(%dma_wait3A_488 : memref<64x128xf32, #tpu.memory_space<vmem>>)
      %run_scoped3A_495 = arith.constant 3 : i32
      "tpu.region"() ({
        %run_scoped3A_643 = tpu.sem_alloc : memref<!tpu.dma_semaphore, #tpu.memory_space<semaphore_mem>>
        %dma_start3A_644 = arith.constant 64 : i32
        %dma_start3A_645 = arith.constant 0 : i32
        %dma_start3A_646 = tpu.memref_slice %arg9[%dma_start3A_644, %dma_start3A_645] : memref<128x128xf32, #tpu.memory_space<vmem>> -> memref<64x128xf32, #tpu.memory_space<vmem>>
        %dma_start3A_647 = arith.constant 0 : i32
        %dma_start3A_648 = tpu.memref_slice %arg7[%run_scoped3A_495, %dma_start3A_647] : memref<8x64xi32, #tpu.memory_space<vmem>> -> memref<1x64xi32, #tpu.memory_space<vmem>>
        %dma_start3A_649 = tpu.memref_squeeze %dma_start3A_648 : memref<1x64xi32, #tpu.memory_space<vmem>> -> memref<64xi32, #tpu.memory_space<vmem>>
        %dma_start3A_650 = arith.constant 0 : i32
        %dma_start3A_651 = arith.constant 0 : i32
        %dma_start3A_652 = tpu.memref_slice %arg10[%dma_start3A_650, %dma_start3A_651] : memref<10008x128xf32, #tpu.memory_space<vmem_shared>> -> memref<10008x128xf32, #tpu.memory_space<vmem_shared>>
        tpu.enqueue_indirect_dma source(%dma_start3A_646 : memref<64x128xf32, #tpu.memory_space<vmem>>) target(%dma_start3A_652 : memref<10008x128xf32, #tpu.memory_space<vmem_shared>>) offsets(%dma_start3A_649 : memref<64xi32, #tpu.memory_space<vmem>>) semaphore(%run_scoped3A_643 : memref<!tpu.dma_semaphore, #tpu.memory_space<semaphore_mem>>) {add = true}
        %dma_wait3A_653 = arith.constant 64 : i32
        %dma_wait3A_654 = arith.constant 0 : i32
        %dma_wait3A_655 = tpu.memref_slice %arg9[%dma_wait3A_653, %dma_wait3A_654] : memref<128x128xf32, #tpu.memory_space<vmem>> -> memref<64x128xf32, #tpu.memory_space<vmem>>
        %dma_wait3A_656 = arith.constant 0 : i32
        %dma_wait3A_657 = tpu.memref_slice %arg7[%run_scoped3A_495, %dma_wait3A_656] : memref<8x64xi32, #tpu.memory_space<vmem>> -> memref<1x64xi32, #tpu.memory_space<vmem>>
        %dma_wait3A_658 = tpu.memref_squeeze %dma_wait3A_657 : memref<1x64xi32, #tpu.memory_space<vmem>> -> memref<64xi32, #tpu.memory_space<vmem>>
        %dma_wait3A_659 = arith.constant 0 : i32
        %dma_wait3A_660 = arith.constant 0 : i32
        %dma_wait3A_661 = tpu.memref_slice %arg10[%dma_wait3A_659, %dma_wait3A_660] : memref<10008x128xf32, #tpu.memory_space<vmem_shared>> -> memref<10008x128xf32, #tpu.memory_space<vmem_shared>>
        tpu.wait_indirect_dma semaphore(%run_scoped3A_643 : memref<!tpu.dma_semaphore, #tpu.memory_space<semaphore_mem>>) src(%dma_wait3A_655 : memref<64x128xf32, #tpu.memory_space<vmem>>) dst(%dma_wait3A_661 : memref<10008x128xf32, #tpu.memory_space<vmem_shared>>)
        tpu.yield
      }) : () -> ()
      %add3A_496 = arith.constant 8 : i32
      %add3A_497 = arith.addi %add3A_484, %add3A_496 : i32
      %lt3A_498 = arith.constant 320 : i32
      %lt3A_499 = arith.cmpi slt, %add3A_497, %lt3A_498 : i32
      %convert_element_type3A_500 = arith.extui %lt3A_499 : i1 to i32
      %cond3A_501 = arith.constant 0 : i32
      %cond3A_502 = arith.cmpi ne, %convert_element_type3A_500, %cond3A_501 : i32
      scf.if %cond3A_502 {
        %add3A_643 = arith.constant 8 : i32
        %add3A_644 = arith.addi %add3A_484, %add3A_643 : i32
        %mul3A_645 = arith.constant 64 : i32
        %mul3A_646 = arith.muli %add3A_644, %mul3A_645 : i32
        %add3A_647 = arith.addi %add3A_17, %mul3A_646 : i32
        %dma_start3A_648 = arith.constant 3 : i32
        %dma_start3A_649 = arith.constant 0 : i32
        %dma_start3A_650 = tpu.memref_slice %arg6[%dma_start3A_648, %dma_start3A_649] : memref<8x64xi32, #tpu.memory_space<vmem>> -> memref<1x64xi32, #tpu.memory_space<vmem>>
        %dma_start3A_651 = tpu.memref_squeeze %dma_start3A_650 : memref<1x64xi32, #tpu.memory_space<vmem>> -> memref<64xi32, #tpu.memory_space<vmem>>
        %dma_start3A_652 = tpu.memref_slice %arg3[%add3A_647] : memref<655360xi32, #tpu.memory_space<hbm>> -> memref<64xi32, #tpu.memory_space<hbm>>
        %dma_start3A_653 = arith.constant 0 : i32
        %dma_start3A_654 = tpu.memref_slice %arg6[%dma_start3A_648, %dma_start3A_653] : memref<8x64xi32, #tpu.memory_space<vmem>> -> memref<1x64xi32, #tpu.memory_space<vmem>>
        %dma_start3A_655 = tpu.memref_squeeze %dma_start3A_654 : memref<1x64xi32, #tpu.memory_space<vmem>> -> memref<64xi32, #tpu.memory_space<vmem>>
        %dma_start3A_656 = tpu.memref_slice %arg3[%add3A_647] : memref<655360xi32, #tpu.memory_space<hbm>> -> memref<64xi32, #tpu.memory_space<hbm>>
        tpu.enqueue_dma source(%dma_start3A_656 : memref<64xi32, #tpu.memory_space<hbm>>) target(%dma_start3A_655 : memref<64xi32, #tpu.memory_space<vmem>>) target_semaphore(%arg14 : memref<!tpu.dma_semaphore, #tpu.memory_space<semaphore_mem>>)
        %dma_start3A_657 = arith.constant 3 : i32
        %dma_start3A_658 = arith.constant 0 : i32
        %dma_start3A_659 = tpu.memref_slice %arg7[%dma_start3A_657, %dma_start3A_658] : memref<8x64xi32, #tpu.memory_space<vmem>> -> memref<1x64xi32, #tpu.memory_space<vmem>>
        %dma_start3A_660 = tpu.memref_squeeze %dma_start3A_659 : memref<1x64xi32, #tpu.memory_space<vmem>> -> memref<64xi32, #tpu.memory_space<vmem>>
        %dma_start3A_661 = tpu.memref_slice %arg4[%add3A_647] : memref<655360xi32, #tpu.memory_space<hbm>> -> memref<64xi32, #tpu.memory_space<hbm>>
        %dma_start3A_662 = arith.constant 0 : i32
        %dma_start3A_663 = tpu.memref_slice %arg7[%dma_start3A_657, %dma_start3A_662] : memref<8x64xi32, #tpu.memory_space<vmem>> -> memref<1x64xi32, #tpu.memory_space<vmem>>
        %dma_start3A_664 = tpu.memref_squeeze %dma_start3A_663 : memref<1x64xi32, #tpu.memory_space<vmem>> -> memref<64xi32, #tpu.memory_space<vmem>>
        %dma_start3A_665 = tpu.memref_slice %arg4[%add3A_647] : memref<655360xi32, #tpu.memory_space<hbm>> -> memref<64xi32, #tpu.memory_space<hbm>>
        tpu.enqueue_dma source(%dma_start3A_665 : memref<64xi32, #tpu.memory_space<hbm>>) target(%dma_start3A_664 : memref<64xi32, #tpu.memory_space<vmem>>) target_semaphore(%arg14 : memref<!tpu.dma_semaphore, #tpu.memory_space<semaphore_mem>>)
      } else {
      }
      %dma_wait3A_503 = arith.constant 7 : i32
      %dma_wait3A_504 = arith.constant 0 : i32
      %dma_wait3A_505 = tpu.memref_slice %arg6[%dma_wait3A_503, %dma_wait3A_504] : memref<8x64xi32, #tpu.memory_space<vmem>> -> memref<1x64xi32, #tpu.memory_space<vmem>>
      %dma_wait3A_506 = tpu.memref_squeeze %dma_wait3A_505 : memref<1x64xi32, #tpu.memory_space<vmem>> -> memref<64xi32, #tpu.memory_space<vmem>>
      %dma_wait3A_507 = arith.constant 0 : i32
      %dma_wait3A_508 = tpu.memref_slice %arg3[%dma_wait3A_507] : memref<655360xi32, #tpu.memory_space<hbm>> -> memref<64xi32, #tpu.memory_space<hbm>>
      %dma_wait3A_509 = arith.constant 0 : i32
      %dma_wait3A_510 = tpu.memref_slice %arg6[%dma_wait3A_503, %dma_wait3A_509] : memref<8x64xi32, #tpu.memory_space<vmem>> -> memref<1x64xi32, #tpu.memory_space<vmem>>
      %dma_wait3A_511 = tpu.memref_squeeze %dma_wait3A_510 : memref<1x64xi32, #tpu.memory_space<vmem>> -> memref<64xi32, #tpu.memory_space<vmem>>
      %dma_wait3A_512 = arith.constant 0 : i32
      %dma_wait3A_513 = tpu.memref_slice %arg3[%dma_wait3A_512] : memref<655360xi32, #tpu.memory_space<hbm>> -> memref<64xi32, #tpu.memory_space<hbm>>
      tpu.wait_dma2 semaphore(%arg18 : memref<!tpu.dma_semaphore, #tpu.memory_space<semaphore_mem>>) src(%dma_wait3A_513 : memref<64xi32, #tpu.memory_space<hbm>>) dst(%dma_wait3A_511 : memref<64xi32, #tpu.memory_space<vmem>>)
      %dma_wait3A_514 = arith.constant 7 : i32
      %dma_wait3A_515 = arith.constant 0 : i32
      %dma_wait3A_516 = tpu.memref_slice %arg7[%dma_wait3A_514, %dma_wait3A_515] : memref<8x64xi32, #tpu.memory_space<vmem>> -> memref<1x64xi32, #tpu.memory_space<vmem>>
      %dma_wait3A_517 = tpu.memref_squeeze %dma_wait3A_516 : memref<1x64xi32, #tpu.memory_space<vmem>> -> memref<64xi32, #tpu.memory_space<vmem>>
      %dma_wait3A_518 = arith.constant 0 : i32
      %dma_wait3A_519 = tpu.memref_slice %arg4[%dma_wait3A_518] : memref<655360xi32, #tpu.memory_space<hbm>> -> memref<64xi32, #tpu.memory_space<hbm>>
      %dma_wait3A_520 = arith.constant 0 : i32
      %dma_wait3A_521 = tpu.memref_slice %arg7[%dma_wait3A_514, %dma_wait3A_520] : memref<8x64xi32, #tpu.memory_space<vmem>> -> memref<1x64xi32, #tpu.memory_space<vmem>>
      %dma_wait3A_522 = tpu.memref_squeeze %dma_wait3A_521 : memref<1x64xi32, #tpu.memory_space<vmem>> -> memref<64xi32, #tpu.memory_space<vmem>>
      %dma_wait3A_523 = arith.constant 0 : i32
      %dma_wait3A_524 = tpu.memref_slice %arg4[%dma_wait3A_523] : memref<655360xi32, #tpu.memory_space<hbm>> -> memref<64xi32, #tpu.memory_space<hbm>>
      tpu.wait_dma2 semaphore(%arg18 : memref<!tpu.dma_semaphore, #tpu.memory_space<semaphore_mem>>) src(%dma_wait3A_524 : memref<64xi32, #tpu.memory_space<hbm>>) dst(%dma_wait3A_522 : memref<64xi32, #tpu.memory_space<vmem>>)
      %dma_start3A_525 = arith.constant 7 : i32
      %dma_start3A_526 = arith.constant 64 : i32
      %dma_start3A_527 = arith.constant 0 : i32
      %dma_start3A_528 = tpu.memref_slice %arg9[%dma_start3A_526, %dma_start3A_527] : memref<128x128xf32, #tpu.memory_space<vmem>> -> memref<64x128xf32, #tpu.memory_space<vmem>>
      %dma_start3A_529 = arith.constant 0 : i32
      %dma_start3A_530 = tpu.memref_slice %arg6[%dma_start3A_525, %dma_start3A_529] : memref<8x64xi32, #tpu.memory_space<vmem>> -> memref<1x64xi32, #tpu.memory_space<vmem>>
      %dma_start3A_531 = tpu.memref_squeeze %dma_start3A_530 : memref<1x64xi32, #tpu.memory_space<vmem>> -> memref<64xi32, #tpu.memory_space<vmem>>
      %dma_start3A_532 = arith.constant 0 : i32
      %dma_start3A_533 = arith.constant 0 : i32
      %dma_start3A_534 = tpu.memref_slice %arg2[%dma_start3A_532, %dma_start3A_533] : memref<20000x128xf32, #tpu.memory_space<hbm>> -> memref<20000x128xf32, #tpu.memory_space<hbm>>
      tpu.enqueue_indirect_dma source(%dma_start3A_534 : memref<20000x128xf32, #tpu.memory_space<hbm>>) target(%dma_start3A_528 : memref<64x128xf32, #tpu.memory_space<vmem>>) offsets(%dma_start3A_531 : memref<64xi32, #tpu.memory_space<vmem>>) semaphore(%arg22 : memref<!tpu.dma_semaphore, #tpu.memory_space<semaphore_mem>>)
      %add3A_535 = arith.constant 4 : i32
      %add3A_536 = arith.addi %mul3A_327, %add3A_535 : i32
      %dma_wait3A_537 = arith.constant 4 : i32
      %dma_wait3A_538 = arith.constant 0 : i32
      %dma_wait3A_539 = arith.constant 0 : i32
      %dma_wait3A_540 = tpu.memref_slice %arg8[%dma_wait3A_538, %dma_wait3A_539] : memref<128x128xf32, #tpu.memory_space<vmem>> -> memref<64x128xf32, #tpu.memory_space<vmem>>
      %dma_wait3A_541 = arith.constant 0 : i32
      %dma_wait3A_542 = tpu.memref_slice %arg6[%dma_wait3A_537, %dma_wait3A_541] : memref<8x64xi32, #tpu.memory_space<vmem>> -> memref<1x64xi32, #tpu.memory_space<vmem>>
      %dma_wait3A_543 = tpu.memref_squeeze %dma_wait3A_542 : memref<1x64xi32, #tpu.memory_space<vmem>> -> memref<64xi32, #tpu.memory_space<vmem>>
      %dma_wait3A_544 = arith.constant 0 : i32
      %dma_wait3A_545 = arith.constant 0 : i32
      %dma_wait3A_546 = tpu.memref_slice %arg2[%dma_wait3A_544, %dma_wait3A_545] : memref<20000x128xf32, #tpu.memory_space<hbm>> -> memref<20000x128xf32, #tpu.memory_space<hbm>>
      tpu.wait_indirect_dma semaphore(%arg19 : memref<!tpu.dma_semaphore, #tpu.memory_space<semaphore_mem>>) src(%dma_wait3A_546 : memref<20000x128xf32, #tpu.memory_space<hbm>>) dst(%dma_wait3A_540 : memref<64x128xf32, #tpu.memory_space<vmem>>)
      %run_scoped3A_547 = arith.constant 4 : i32
      "tpu.region"() ({
        %run_scoped3A_643 = tpu.sem_alloc : memref<!tpu.dma_semaphore, #tpu.memory_space<semaphore_mem>>
        %dma_start3A_644 = arith.constant 0 : i32
        %dma_start3A_645 = arith.constant 0 : i32
        %dma_start3A_646 = tpu.memref_slice %arg8[%dma_start3A_644, %dma_start3A_645] : memref<128x128xf32, #tpu.memory_space<vmem>> -> memref<64x128xf32, #tpu.memory_space<vmem>>
        %dma_start3A_647 = arith.constant 0 : i32
        %dma_start3A_648 = tpu.memref_slice %arg7[%run_scoped3A_547, %dma_start3A_647] : memref<8x64xi32, #tpu.memory_space<vmem>> -> memref<1x64xi32, #tpu.memory_space<vmem>>
        %dma_start3A_649 = tpu.memref_squeeze %dma_start3A_648 : memref<1x64xi32, #tpu.memory_space<vmem>> -> memref<64xi32, #tpu.memory_space<vmem>>
        %dma_start3A_650 = arith.constant 0 : i32
        %dma_start3A_651 = arith.constant 0 : i32
        %dma_start3A_652 = tpu.memref_slice %arg10[%dma_start3A_650, %dma_start3A_651] : memref<10008x128xf32, #tpu.memory_space<vmem_shared>> -> memref<10008x128xf32, #tpu.memory_space<vmem_shared>>
        tpu.enqueue_indirect_dma source(%dma_start3A_646 : memref<64x128xf32, #tpu.memory_space<vmem>>) target(%dma_start3A_652 : memref<10008x128xf32, #tpu.memory_space<vmem_shared>>) offsets(%dma_start3A_649 : memref<64xi32, #tpu.memory_space<vmem>>) semaphore(%run_scoped3A_643 : memref<!tpu.dma_semaphore, #tpu.memory_space<semaphore_mem>>) {add = true}
        %dma_wait3A_653 = arith.constant 0 : i32
        %dma_wait3A_654 = arith.constant 0 : i32
        %dma_wait3A_655 = tpu.memref_slice %arg8[%dma_wait3A_653, %dma_wait3A_654] : memref<128x128xf32, #tpu.memory_space<vmem>> -> memref<64x128xf32, #tpu.memory_space<vmem>>
        %dma_wait3A_656 = arith.constant 0 : i32
        %dma_wait3A_657 = tpu.memref_slice %arg7[%run_scoped3A_547, %dma_wait3A_656] : memref<8x64xi32, #tpu.memory_space<vmem>> -> memref<1x64xi32, #tpu.memory_space<vmem>>
        %dma_wait3A_658 = tpu.memref_squeeze %dma_wait3A_657 : memref<1x64xi32, #tpu.memory_space<vmem>> -> memref<64xi32, #tpu.memory_space<vmem>>
        %dma_wait3A_659 = arith.constant 0 : i32
        %dma_wait3A_660 = arith.constant 0 : i32
        %dma_wait3A_661 = tpu.memref_slice %arg10[%dma_wait3A_659, %dma_wait3A_660] : memref<10008x128xf32, #tpu.memory_space<vmem_shared>> -> memref<10008x128xf32, #tpu.memory_space<vmem_shared>>
        tpu.wait_indirect_dma semaphore(%run_scoped3A_643 : memref<!tpu.dma_semaphore, #tpu.memory_space<semaphore_mem>>) src(%dma_wait3A_655 : memref<64x128xf32, #tpu.memory_space<vmem>>) dst(%dma_wait3A_661 : memref<10008x128xf32, #tpu.memory_space<vmem_shared>>)
        tpu.yield
      }) : () -> ()
      %add3A_548 = arith.constant 8 : i32
      %add3A_549 = arith.addi %add3A_536, %add3A_548 : i32
      %lt3A_550 = arith.constant 320 : i32
      %lt3A_551 = arith.cmpi slt, %add3A_549, %lt3A_550 : i32
      %convert_element_type3A_552 = arith.extui %lt3A_551 : i1 to i32
      %cond3A_553 = arith.constant 0 : i32
      %cond3A_554 = arith.cmpi ne, %convert_element_type3A_552, %cond3A_553 : i32
      scf.if %cond3A_554 {
        %add3A_643 = arith.constant 8 : i32
        %add3A_644 = arith.addi %add3A_536, %add3A_643 : i32
        %mul3A_645 = arith.constant 64 : i32
        %mul3A_646 = arith.muli %add3A_644, %mul3A_645 : i32
        %add3A_647 = arith.addi %add3A_17, %mul3A_646 : i32
        %dma_start3A_648 = arith.constant 4 : i32
        %dma_start3A_649 = arith.constant 0 : i32
        %dma_start3A_650 = tpu.memref_slice %arg6[%dma_start3A_648, %dma_start3A_649] : memref<8x64xi32, #tpu.memory_space<vmem>> -> memref<1x64xi32, #tpu.memory_space<vmem>>
        %dma_start3A_651 = tpu.memref_squeeze %dma_start3A_650 : memref<1x64xi32, #tpu.memory_space<vmem>> -> memref<64xi32, #tpu.memory_space<vmem>>
        %dma_start3A_652 = tpu.memref_slice %arg3[%add3A_647] : memref<655360xi32, #tpu.memory_space<hbm>> -> memref<64xi32, #tpu.memory_space<hbm>>
        %dma_start3A_653 = arith.constant 0 : i32
        %dma_start3A_654 = tpu.memref_slice %arg6[%dma_start3A_648, %dma_start3A_653] : memref<8x64xi32, #tpu.memory_space<vmem>> -> memref<1x64xi32, #tpu.memory_space<vmem>>
        %dma_start3A_655 = tpu.memref_squeeze %dma_start3A_654 : memref<1x64xi32, #tpu.memory_space<vmem>> -> memref<64xi32, #tpu.memory_space<vmem>>
        %dma_start3A_656 = tpu.memref_slice %arg3[%add3A_647] : memref<655360xi32, #tpu.memory_space<hbm>> -> memref<64xi32, #tpu.memory_space<hbm>>
        tpu.enqueue_dma source(%dma_start3A_656 : memref<64xi32, #tpu.memory_space<hbm>>) target(%dma_start3A_655 : memref<64xi32, #tpu.memory_space<vmem>>) target_semaphore(%arg15 : memref<!tpu.dma_semaphore, #tpu.memory_space<semaphore_mem>>)
        %dma_start3A_657 = arith.constant 4 : i32
        %dma_start3A_658 = arith.constant 0 : i32
        %dma_start3A_659 = tpu.memref_slice %arg7[%dma_start3A_657, %dma_start3A_658] : memref<8x64xi32, #tpu.memory_space<vmem>> -> memref<1x64xi32, #tpu.memory_space<vmem>>
        %dma_start3A_660 = tpu.memref_squeeze %dma_start3A_659 : memref<1x64xi32, #tpu.memory_space<vmem>> -> memref<64xi32, #tpu.memory_space<vmem>>
        %dma_start3A_661 = tpu.memref_slice %arg4[%add3A_647] : memref<655360xi32, #tpu.memory_space<hbm>> -> memref<64xi32, #tpu.memory_space<hbm>>
        %dma_start3A_662 = arith.constant 0 : i32
        %dma_start3A_663 = tpu.memref_slice %arg7[%dma_start3A_657, %dma_start3A_662] : memref<8x64xi32, #tpu.memory_space<vmem>> -> memref<1x64xi32, #tpu.memory_space<vmem>>
        %dma_start3A_664 = tpu.memref_squeeze %dma_start3A_663 : memref<1x64xi32, #tpu.memory_space<vmem>> -> memref<64xi32, #tpu.memory_space<vmem>>
        %dma_start3A_665 = tpu.memref_slice %arg4[%add3A_647] : memref<655360xi32, #tpu.memory_space<hbm>> -> memref<64xi32, #tpu.memory_space<hbm>>
        tpu.enqueue_dma source(%dma_start3A_665 : memref<64xi32, #tpu.memory_space<hbm>>) target(%dma_start3A_664 : memref<64xi32, #tpu.memory_space<vmem>>) target_semaphore(%arg15 : memref<!tpu.dma_semaphore, #tpu.memory_space<semaphore_mem>>)
      } else {
      }
      %add3A_555 = arith.constant 4 : i32
      %add3A_556 = arith.addi %add3A_536, %add3A_555 : i32
      %lt3A_557 = arith.constant 320 : i32
      %lt3A_558 = arith.cmpi slt, %add3A_556, %lt3A_557 : i32
      %convert_element_type3A_559 = arith.extui %lt3A_558 : i1 to i32
      %cond3A_560 = arith.constant 0 : i32
      %cond3A_561 = arith.cmpi ne, %convert_element_type3A_559, %cond3A_560 : i32
      scf.if %cond3A_561 {
        %dma_wait3A_643 = arith.constant 0 : i32
        %dma_wait3A_644 = arith.constant 0 : i32
        %dma_wait3A_645 = tpu.memref_slice %arg6[%dma_wait3A_643, %dma_wait3A_644] : memref<8x64xi32, #tpu.memory_space<vmem>> -> memref<1x64xi32, #tpu.memory_space<vmem>>
        %dma_wait3A_646 = tpu.memref_squeeze %dma_wait3A_645 : memref<1x64xi32, #tpu.memory_space<vmem>> -> memref<64xi32, #tpu.memory_space<vmem>>
        %dma_wait3A_647 = arith.constant 0 : i32
        %dma_wait3A_648 = tpu.memref_slice %arg3[%dma_wait3A_647] : memref<655360xi32, #tpu.memory_space<hbm>> -> memref<64xi32, #tpu.memory_space<hbm>>
        %dma_wait3A_649 = arith.constant 0 : i32
        %dma_wait3A_650 = tpu.memref_slice %arg6[%dma_wait3A_643, %dma_wait3A_649] : memref<8x64xi32, #tpu.memory_space<vmem>> -> memref<1x64xi32, #tpu.memory_space<vmem>>
        %dma_wait3A_651 = tpu.memref_squeeze %dma_wait3A_650 : memref<1x64xi32, #tpu.memory_space<vmem>> -> memref<64xi32, #tpu.memory_space<vmem>>
        %dma_wait3A_652 = arith.constant 0 : i32
        %dma_wait3A_653 = tpu.memref_slice %arg3[%dma_wait3A_652] : memref<655360xi32, #tpu.memory_space<hbm>> -> memref<64xi32, #tpu.memory_space<hbm>>
        tpu.wait_dma2 semaphore(%arg11 : memref<!tpu.dma_semaphore, #tpu.memory_space<semaphore_mem>>) src(%dma_wait3A_653 : memref<64xi32, #tpu.memory_space<hbm>>) dst(%dma_wait3A_651 : memref<64xi32, #tpu.memory_space<vmem>>)
        %dma_wait3A_654 = arith.constant 0 : i32
        %dma_wait3A_655 = arith.constant 0 : i32
        %dma_wait3A_656 = tpu.memref_slice %arg7[%dma_wait3A_654, %dma_wait3A_655] : memref<8x64xi32, #tpu.memory_space<vmem>> -> memref<1x64xi32, #tpu.memory_space<vmem>>
        %dma_wait3A_657 = tpu.memref_squeeze %dma_wait3A_656 : memref<1x64xi32, #tpu.memory_space<vmem>> -> memref<64xi32, #tpu.memory_space<vmem>>
        %dma_wait3A_658 = arith.constant 0 : i32
        %dma_wait3A_659 = tpu.memref_slice %arg4[%dma_wait3A_658] : memref<655360xi32, #tpu.memory_space<hbm>> -> memref<64xi32, #tpu.memory_space<hbm>>
        %dma_wait3A_660 = arith.constant 0 : i32
        %dma_wait3A_661 = tpu.memref_slice %arg7[%dma_wait3A_654, %dma_wait3A_660] : memref<8x64xi32, #tpu.memory_space<vmem>> -> memref<1x64xi32, #tpu.memory_space<vmem>>
        %dma_wait3A_662 = tpu.memref_squeeze %dma_wait3A_661 : memref<1x64xi32, #tpu.memory_space<vmem>> -> memref<64xi32, #tpu.memory_space<vmem>>
        %dma_wait3A_663 = arith.constant 0 : i32
        %dma_wait3A_664 = tpu.memref_slice %arg4[%dma_wait3A_663] : memref<655360xi32, #tpu.memory_space<hbm>> -> memref<64xi32, #tpu.memory_space<hbm>>
        tpu.wait_dma2 semaphore(%arg11 : memref<!tpu.dma_semaphore, #tpu.memory_space<semaphore_mem>>) src(%dma_wait3A_664 : memref<64xi32, #tpu.memory_space<hbm>>) dst(%dma_wait3A_662 : memref<64xi32, #tpu.memory_space<vmem>>)
        %dma_start3A_665 = arith.constant 0 : i32
        %dma_start3A_666 = arith.constant 0 : i32
        %dma_start3A_667 = arith.constant 0 : i32
        %dma_start3A_668 = tpu.memref_slice %arg8[%dma_start3A_666, %dma_start3A_667] : memref<128x128xf32, #tpu.memory_space<vmem>> -> memref<64x128xf32, #tpu.memory_space<vmem>>
        %dma_start3A_669 = arith.constant 0 : i32
        %dma_start3A_670 = tpu.memref_slice %arg6[%dma_start3A_665, %dma_start3A_669] : memref<8x64xi32, #tpu.memory_space<vmem>> -> memref<1x64xi32, #tpu.memory_space<vmem>>
        %dma_start3A_671 = tpu.memref_squeeze %dma_start3A_670 : memref<1x64xi32, #tpu.memory_space<vmem>> -> memref<64xi32, #tpu.memory_space<vmem>>
        %dma_start3A_672 = arith.constant 0 : i32
        %dma_start3A_673 = arith.constant 0 : i32
        %dma_start3A_674 = tpu.memref_slice %arg2[%dma_start3A_672, %dma_start3A_673] : memref<20000x128xf32, #tpu.memory_space<hbm>> -> memref<20000x128xf32, #tpu.memory_space<hbm>>
        tpu.enqueue_indirect_dma source(%dma_start3A_674 : memref<20000x128xf32, #tpu.memory_space<hbm>>) target(%dma_start3A_668 : memref<64x128xf32, #tpu.memory_space<vmem>>) offsets(%dma_start3A_671 : memref<64xi32, #tpu.memory_space<vmem>>) semaphore(%arg19 : memref<!tpu.dma_semaphore, #tpu.memory_space<semaphore_mem>>)
      } else {
      }
      %add3A_562 = arith.constant 5 : i32
      %add3A_563 = arith.addi %mul3A_327, %add3A_562 : i32
      %dma_wait3A_564 = arith.constant 5 : i32
      %dma_wait3A_565 = arith.constant 64 : i32
      %dma_wait3A_566 = arith.constant 0 : i32
      %dma_wait3A_567 = tpu.memref_slice %arg8[%dma_wait3A_565, %dma_wait3A_566] : memref<128x128xf32, #tpu.memory_space<vmem>> -> memref<64x128xf32, #tpu.memory_space<vmem>>
      %dma_wait3A_568 = arith.constant 0 : i32
      %dma_wait3A_569 = tpu.memref_slice %arg6[%dma_wait3A_564, %dma_wait3A_568] : memref<8x64xi32, #tpu.memory_space<vmem>> -> memref<1x64xi32, #tpu.memory_space<vmem>>
      %dma_wait3A_570 = tpu.memref_squeeze %dma_wait3A_569 : memref<1x64xi32, #tpu.memory_space<vmem>> -> memref<64xi32, #tpu.memory_space<vmem>>
      %dma_wait3A_571 = arith.constant 0 : i32
      %dma_wait3A_572 = arith.constant 0 : i32
      %dma_wait3A_573 = tpu.memref_slice %arg2[%dma_wait3A_571, %dma_wait3A_572] : memref<20000x128xf32, #tpu.memory_space<hbm>> -> memref<20000x128xf32, #tpu.memory_space<hbm>>
      tpu.wait_indirect_dma semaphore(%arg20 : memref<!tpu.dma_semaphore, #tpu.memory_space<semaphore_mem>>) src(%dma_wait3A_573 : memref<20000x128xf32, #tpu.memory_space<hbm>>) dst(%dma_wait3A_567 : memref<64x128xf32, #tpu.memory_space<vmem>>)
      %run_scoped3A_574 = arith.constant 5 : i32
      "tpu.region"() ({
        %run_scoped3A_643 = tpu.sem_alloc : memref<!tpu.dma_semaphore, #tpu.memory_space<semaphore_mem>>
        %dma_start3A_644 = arith.constant 64 : i32
        %dma_start3A_645 = arith.constant 0 : i32
        %dma_start3A_646 = tpu.memref_slice %arg8[%dma_start3A_644, %dma_start3A_645] : memref<128x128xf32, #tpu.memory_space<vmem>> -> memref<64x128xf32, #tpu.memory_space<vmem>>
        %dma_start3A_647 = arith.constant 0 : i32
        %dma_start3A_648 = tpu.memref_slice %arg7[%run_scoped3A_574, %dma_start3A_647] : memref<8x64xi32, #tpu.memory_space<vmem>> -> memref<1x64xi32, #tpu.memory_space<vmem>>
        %dma_start3A_649 = tpu.memref_squeeze %dma_start3A_648 : memref<1x64xi32, #tpu.memory_space<vmem>> -> memref<64xi32, #tpu.memory_space<vmem>>
        %dma_start3A_650 = arith.constant 0 : i32
        %dma_start3A_651 = arith.constant 0 : i32
        %dma_start3A_652 = tpu.memref_slice %arg10[%dma_start3A_650, %dma_start3A_651] : memref<10008x128xf32, #tpu.memory_space<vmem_shared>> -> memref<10008x128xf32, #tpu.memory_space<vmem_shared>>
        tpu.enqueue_indirect_dma source(%dma_start3A_646 : memref<64x128xf32, #tpu.memory_space<vmem>>) target(%dma_start3A_652 : memref<10008x128xf32, #tpu.memory_space<vmem_shared>>) offsets(%dma_start3A_649 : memref<64xi32, #tpu.memory_space<vmem>>) semaphore(%run_scoped3A_643 : memref<!tpu.dma_semaphore, #tpu.memory_space<semaphore_mem>>) {add = true}
        %dma_wait3A_653 = arith.constant 64 : i32
        %dma_wait3A_654 = arith.constant 0 : i32
        %dma_wait3A_655 = tpu.memref_slice %arg8[%dma_wait3A_653, %dma_wait3A_654] : memref<128x128xf32, #tpu.memory_space<vmem>> -> memref<64x128xf32, #tpu.memory_space<vmem>>
        %dma_wait3A_656 = arith.constant 0 : i32
        %dma_wait3A_657 = tpu.memref_slice %arg7[%run_scoped3A_574, %dma_wait3A_656] : memref<8x64xi32, #tpu.memory_space<vmem>> -> memref<1x64xi32, #tpu.memory_space<vmem>>
        %dma_wait3A_658 = tpu.memref_squeeze %dma_wait3A_657 : memref<1x64xi32, #tpu.memory_space<vmem>> -> memref<64xi32, #tpu.memory_space<vmem>>
        %dma_wait3A_659 = arith.constant 0 : i32
        %dma_wait3A_660 = arith.constant 0 : i32
        %dma_wait3A_661 = tpu.memref_slice %arg10[%dma_wait3A_659, %dma_wait3A_660] : memref<10008x128xf32, #tpu.memory_space<vmem_shared>> -> memref<10008x128xf32, #tpu.memory_space<vmem_shared>>
        tpu.wait_indirect_dma semaphore(%run_scoped3A_643 : memref<!tpu.dma_semaphore, #tpu.memory_space<semaphore_mem>>) src(%dma_wait3A_655 : memref<64x128xf32, #tpu.memory_space<vmem>>) dst(%dma_wait3A_661 : memref<10008x128xf32, #tpu.memory_space<vmem_shared>>)
        tpu.yield
      }) : () -> ()
      %add3A_575 = arith.constant 8 : i32
      %add3A_576 = arith.addi %add3A_563, %add3A_575 : i32
      %lt3A_577 = arith.constant 320 : i32
      %lt3A_578 = arith.cmpi slt, %add3A_576, %lt3A_577 : i32
      %convert_element_type3A_579 = arith.extui %lt3A_578 : i1 to i32
      %cond3A_580 = arith.constant 0 : i32
      %cond3A_581 = arith.cmpi ne, %convert_element_type3A_579, %cond3A_580 : i32
      scf.if %cond3A_581 {
        %add3A_643 = arith.constant 8 : i32
        %add3A_644 = arith.addi %add3A_563, %add3A_643 : i32
        %mul3A_645 = arith.constant 64 : i32
        %mul3A_646 = arith.muli %add3A_644, %mul3A_645 : i32
        %add3A_647 = arith.addi %add3A_17, %mul3A_646 : i32
        %dma_start3A_648 = arith.constant 5 : i32
        %dma_start3A_649 = arith.constant 0 : i32
        %dma_start3A_650 = tpu.memref_slice %arg6[%dma_start3A_648, %dma_start3A_649] : memref<8x64xi32, #tpu.memory_space<vmem>> -> memref<1x64xi32, #tpu.memory_space<vmem>>
        %dma_start3A_651 = tpu.memref_squeeze %dma_start3A_650 : memref<1x64xi32, #tpu.memory_space<vmem>> -> memref<64xi32, #tpu.memory_space<vmem>>
        %dma_start3A_652 = tpu.memref_slice %arg3[%add3A_647] : memref<655360xi32, #tpu.memory_space<hbm>> -> memref<64xi32, #tpu.memory_space<hbm>>
        %dma_start3A_653 = arith.constant 0 : i32
        %dma_start3A_654 = tpu.memref_slice %arg6[%dma_start3A_648, %dma_start3A_653] : memref<8x64xi32, #tpu.memory_space<vmem>> -> memref<1x64xi32, #tpu.memory_space<vmem>>
        %dma_start3A_655 = tpu.memref_squeeze %dma_start3A_654 : memref<1x64xi32, #tpu.memory_space<vmem>> -> memref<64xi32, #tpu.memory_space<vmem>>
        %dma_start3A_656 = tpu.memref_slice %arg3[%add3A_647] : memref<655360xi32, #tpu.memory_space<hbm>> -> memref<64xi32, #tpu.memory_space<hbm>>
        tpu.enqueue_dma source(%dma_start3A_656 : memref<64xi32, #tpu.memory_space<hbm>>) target(%dma_start3A_655 : memref<64xi32, #tpu.memory_space<vmem>>) target_semaphore(%arg16 : memref<!tpu.dma_semaphore, #tpu.memory_space<semaphore_mem>>)
        %dma_start3A_657 = arith.constant 5 : i32
        %dma_start3A_658 = arith.constant 0 : i32
        %dma_start3A_659 = tpu.memref_slice %arg7[%dma_start3A_657, %dma_start3A_658] : memref<8x64xi32, #tpu.memory_space<vmem>> -> memref<1x64xi32, #tpu.memory_space<vmem>>
        %dma_start3A_660 = tpu.memref_squeeze %dma_start3A_659 : memref<1x64xi32, #tpu.memory_space<vmem>> -> memref<64xi32, #tpu.memory_space<vmem>>
        %dma_start3A_661 = tpu.memref_slice %arg4[%add3A_647] : memref<655360xi32, #tpu.memory_space<hbm>> -> memref<64xi32, #tpu.memory_space<hbm>>
        %dma_start3A_662 = arith.constant 0 : i32
        %dma_start3A_663 = tpu.memref_slice %arg7[%dma_start3A_657, %dma_start3A_662] : memref<8x64xi32, #tpu.memory_space<vmem>> -> memref<1x64xi32, #tpu.memory_space<vmem>>
        %dma_start3A_664 = tpu.memref_squeeze %dma_start3A_663 : memref<1x64xi32, #tpu.memory_space<vmem>> -> memref<64xi32, #tpu.memory_space<vmem>>
        %dma_start3A_665 = tpu.memref_slice %arg4[%add3A_647] : memref<655360xi32, #tpu.memory_space<hbm>> -> memref<64xi32, #tpu.memory_space<hbm>>
        tpu.enqueue_dma source(%dma_start3A_665 : memref<64xi32, #tpu.memory_space<hbm>>) target(%dma_start3A_664 : memref<64xi32, #tpu.memory_space<vmem>>) target_semaphore(%arg16 : memref<!tpu.dma_semaphore, #tpu.memory_space<semaphore_mem>>)
      } else {
      }
      %add3A_582 = arith.constant 4 : i32
      %add3A_583 = arith.addi %add3A_563, %add3A_582 : i32
      %lt3A_584 = arith.constant 320 : i32
      %lt3A_585 = arith.cmpi slt, %add3A_583, %lt3A_584 : i32
      %convert_element_type3A_586 = arith.extui %lt3A_585 : i1 to i32
      %cond3A_587 = arith.constant 0 : i32
      %cond3A_588 = arith.cmpi ne, %convert_element_type3A_586, %cond3A_587 : i32
      scf.if %cond3A_588 {
        %dma_wait3A_643 = arith.constant 1 : i32
        %dma_wait3A_644 = arith.constant 0 : i32
        %dma_wait3A_645 = tpu.memref_slice %arg6[%dma_wait3A_643, %dma_wait3A_644] : memref<8x64xi32, #tpu.memory_space<vmem>> -> memref<1x64xi32, #tpu.memory_space<vmem>>
        %dma_wait3A_646 = tpu.memref_squeeze %dma_wait3A_645 : memref<1x64xi32, #tpu.memory_space<vmem>> -> memref<64xi32, #tpu.memory_space<vmem>>
        %dma_wait3A_647 = arith.constant 0 : i32
        %dma_wait3A_648 = tpu.memref_slice %arg3[%dma_wait3A_647] : memref<655360xi32, #tpu.memory_space<hbm>> -> memref<64xi32, #tpu.memory_space<hbm>>
        %dma_wait3A_649 = arith.constant 0 : i32
        %dma_wait3A_650 = tpu.memref_slice %arg6[%dma_wait3A_643, %dma_wait3A_649] : memref<8x64xi32, #tpu.memory_space<vmem>> -> memref<1x64xi32, #tpu.memory_space<vmem>>
        %dma_wait3A_651 = tpu.memref_squeeze %dma_wait3A_650 : memref<1x64xi32, #tpu.memory_space<vmem>> -> memref<64xi32, #tpu.memory_space<vmem>>
        %dma_wait3A_652 = arith.constant 0 : i32
        %dma_wait3A_653 = tpu.memref_slice %arg3[%dma_wait3A_652] : memref<655360xi32, #tpu.memory_space<hbm>> -> memref<64xi32, #tpu.memory_space<hbm>>
        tpu.wait_dma2 semaphore(%arg12 : memref<!tpu.dma_semaphore, #tpu.memory_space<semaphore_mem>>) src(%dma_wait3A_653 : memref<64xi32, #tpu.memory_space<hbm>>) dst(%dma_wait3A_651 : memref<64xi32, #tpu.memory_space<vmem>>)
        %dma_wait3A_654 = arith.constant 1 : i32
        %dma_wait3A_655 = arith.constant 0 : i32
        %dma_wait3A_656 = tpu.memref_slice %arg7[%dma_wait3A_654, %dma_wait3A_655] : memref<8x64xi32, #tpu.memory_space<vmem>> -> memref<1x64xi32, #tpu.memory_space<vmem>>
        %dma_wait3A_657 = tpu.memref_squeeze %dma_wait3A_656 : memref<1x64xi32, #tpu.memory_space<vmem>> -> memref<64xi32, #tpu.memory_space<vmem>>
        %dma_wait3A_658 = arith.constant 0 : i32
        %dma_wait3A_659 = tpu.memref_slice %arg4[%dma_wait3A_658] : memref<655360xi32, #tpu.memory_space<hbm>> -> memref<64xi32, #tpu.memory_space<hbm>>
        %dma_wait3A_660 = arith.constant 0 : i32
        %dma_wait3A_661 = tpu.memref_slice %arg7[%dma_wait3A_654, %dma_wait3A_660] : memref<8x64xi32, #tpu.memory_space<vmem>> -> memref<1x64xi32, #tpu.memory_space<vmem>>
        %dma_wait3A_662 = tpu.memref_squeeze %dma_wait3A_661 : memref<1x64xi32, #tpu.memory_space<vmem>> -> memref<64xi32, #tpu.memory_space<vmem>>
        %dma_wait3A_663 = arith.constant 0 : i32
        %dma_wait3A_664 = tpu.memref_slice %arg4[%dma_wait3A_663] : memref<655360xi32, #tpu.memory_space<hbm>> -> memref<64xi32, #tpu.memory_space<hbm>>
        tpu.wait_dma2 semaphore(%arg12 : memref<!tpu.dma_semaphore, #tpu.memory_space<semaphore_mem>>) src(%dma_wait3A_664 : memref<64xi32, #tpu.memory_space<hbm>>) dst(%dma_wait3A_662 : memref<64xi32, #tpu.memory_space<vmem>>)
        %dma_start3A_665 = arith.constant 1 : i32
        %dma_start3A_666 = arith.constant 64 : i32
        %dma_start3A_667 = arith.constant 0 : i32
        %dma_start3A_668 = tpu.memref_slice %arg8[%dma_start3A_666, %dma_start3A_667] : memref<128x128xf32, #tpu.memory_space<vmem>> -> memref<64x128xf32, #tpu.memory_space<vmem>>
        %dma_start3A_669 = arith.constant 0 : i32
        %dma_start3A_670 = tpu.memref_slice %arg6[%dma_start3A_665, %dma_start3A_669] : memref<8x64xi32, #tpu.memory_space<vmem>> -> memref<1x64xi32, #tpu.memory_space<vmem>>
        %dma_start3A_671 = tpu.memref_squeeze %dma_start3A_670 : memref<1x64xi32, #tpu.memory_space<vmem>> -> memref<64xi32, #tpu.memory_space<vmem>>
        %dma_start3A_672 = arith.constant 0 : i32
        %dma_start3A_673 = arith.constant 0 : i32
        %dma_start3A_674 = tpu.memref_slice %arg2[%dma_start3A_672, %dma_start3A_673] : memref<20000x128xf32, #tpu.memory_space<hbm>> -> memref<20000x128xf32, #tpu.memory_space<hbm>>
        tpu.enqueue_indirect_dma source(%dma_start3A_674 : memref<20000x128xf32, #tpu.memory_space<hbm>>) target(%dma_start3A_668 : memref<64x128xf32, #tpu.memory_space<vmem>>) offsets(%dma_start3A_671 : memref<64xi32, #tpu.memory_space<vmem>>) semaphore(%arg20 : memref<!tpu.dma_semaphore, #tpu.memory_space<semaphore_mem>>)
      } else {
      }
      %add3A_589 = arith.constant 6 : i32
      %add3A_590 = arith.addi %mul3A_327, %add3A_589 : i32
      %dma_wait3A_591 = arith.constant 6 : i32
      %dma_wait3A_592 = arith.constant 0 : i32
      %dma_wait3A_593 = arith.constant 0 : i32
      %dma_wait3A_594 = tpu.memref_slice %arg9[%dma_wait3A_592, %dma_wait3A_593] : memref<128x128xf32, #tpu.memory_space<vmem>> -> memref<64x128xf32, #tpu.memory_space<vmem>>
      %dma_wait3A_595 = arith.constant 0 : i32
      %dma_wait3A_596 = tpu.memref_slice %arg6[%dma_wait3A_591, %dma_wait3A_595] : memref<8x64xi32, #tpu.memory_space<vmem>> -> memref<1x64xi32, #tpu.memory_space<vmem>>
      %dma_wait3A_597 = tpu.memref_squeeze %dma_wait3A_596 : memref<1x64xi32, #tpu.memory_space<vmem>> -> memref<64xi32, #tpu.memory_space<vmem>>
      %dma_wait3A_598 = arith.constant 0 : i32
      %dma_wait3A_599 = arith.constant 0 : i32
      %dma_wait3A_600 = tpu.memref_slice %arg2[%dma_wait3A_598, %dma_wait3A_599] : memref<20000x128xf32, #tpu.memory_space<hbm>> -> memref<20000x128xf32, #tpu.memory_space<hbm>>
      tpu.wait_indirect_dma semaphore(%arg21 : memref<!tpu.dma_semaphore, #tpu.memory_space<semaphore_mem>>) src(%dma_wait3A_600 : memref<20000x128xf32, #tpu.memory_space<hbm>>) dst(%dma_wait3A_594 : memref<64x128xf32, #tpu.memory_space<vmem>>)
      %run_scoped3A_601 = arith.constant 6 : i32
      "tpu.region"() ({
        %run_scoped3A_643 = tpu.sem_alloc : memref<!tpu.dma_semaphore, #tpu.memory_space<semaphore_mem>>
        %dma_start3A_644 = arith.constant 0 : i32
        %dma_start3A_645 = arith.constant 0 : i32
        %dma_start3A_646 = tpu.memref_slice %arg9[%dma_start3A_644, %dma_start3A_645] : memref<128x128xf32, #tpu.memory_space<vmem>> -> memref<64x128xf32, #tpu.memory_space<vmem>>
        %dma_start3A_647 = arith.constant 0 : i32
        %dma_start3A_648 = tpu.memref_slice %arg7[%run_scoped3A_601, %dma_start3A_647] : memref<8x64xi32, #tpu.memory_space<vmem>> -> memref<1x64xi32, #tpu.memory_space<vmem>>
        %dma_start3A_649 = tpu.memref_squeeze %dma_start3A_648 : memref<1x64xi32, #tpu.memory_space<vmem>> -> memref<64xi32, #tpu.memory_space<vmem>>
        %dma_start3A_650 = arith.constant 0 : i32
        %dma_start3A_651 = arith.constant 0 : i32
        %dma_start3A_652 = tpu.memref_slice %arg10[%dma_start3A_650, %dma_start3A_651] : memref<10008x128xf32, #tpu.memory_space<vmem_shared>> -> memref<10008x128xf32, #tpu.memory_space<vmem_shared>>
        tpu.enqueue_indirect_dma source(%dma_start3A_646 : memref<64x128xf32, #tpu.memory_space<vmem>>) target(%dma_start3A_652 : memref<10008x128xf32, #tpu.memory_space<vmem_shared>>) offsets(%dma_start3A_649 : memref<64xi32, #tpu.memory_space<vmem>>) semaphore(%run_scoped3A_643 : memref<!tpu.dma_semaphore, #tpu.memory_space<semaphore_mem>>) {add = true}
        %dma_wait3A_653 = arith.constant 0 : i32
        %dma_wait3A_654 = arith.constant 0 : i32
        %dma_wait3A_655 = tpu.memref_slice %arg9[%dma_wait3A_653, %dma_wait3A_654] : memref<128x128xf32, #tpu.memory_space<vmem>> -> memref<64x128xf32, #tpu.memory_space<vmem>>
        %dma_wait3A_656 = arith.constant 0 : i32
        %dma_wait3A_657 = tpu.memref_slice %arg7[%run_scoped3A_601, %dma_wait3A_656] : memref<8x64xi32, #tpu.memory_space<vmem>> -> memref<1x64xi32, #tpu.memory_space<vmem>>
        %dma_wait3A_658 = tpu.memref_squeeze %dma_wait3A_657 : memref<1x64xi32, #tpu.memory_space<vmem>> -> memref<64xi32, #tpu.memory_space<vmem>>
        %dma_wait3A_659 = arith.constant 0 : i32
        %dma_wait3A_660 = arith.constant 0 : i32
        %dma_wait3A_661 = tpu.memref_slice %arg10[%dma_wait3A_659, %dma_wait3A_660] : memref<10008x128xf32, #tpu.memory_space<vmem_shared>> -> memref<10008x128xf32, #tpu.memory_space<vmem_shared>>
        tpu.wait_indirect_dma semaphore(%run_scoped3A_643 : memref<!tpu.dma_semaphore, #tpu.memory_space<semaphore_mem>>) src(%dma_wait3A_655 : memref<64x128xf32, #tpu.memory_space<vmem>>) dst(%dma_wait3A_661 : memref<10008x128xf32, #tpu.memory_space<vmem_shared>>)
        tpu.yield
      }) : () -> ()
      %add3A_602 = arith.constant 8 : i32
      %add3A_603 = arith.addi %add3A_590, %add3A_602 : i32
      %lt3A_604 = arith.constant 320 : i32
      %lt3A_605 = arith.cmpi slt, %add3A_603, %lt3A_604 : i32
      %convert_element_type3A_606 = arith.extui %lt3A_605 : i1 to i32
      %cond3A_607 = arith.constant 0 : i32
      %cond3A_608 = arith.cmpi ne, %convert_element_type3A_606, %cond3A_607 : i32
      scf.if %cond3A_608 {
        %add3A_643 = arith.constant 8 : i32
        %add3A_644 = arith.addi %add3A_590, %add3A_643 : i32
        %mul3A_645 = arith.constant 64 : i32
        %mul3A_646 = arith.muli %add3A_644, %mul3A_645 : i32
        %add3A_647 = arith.addi %add3A_17, %mul3A_646 : i32
        %dma_start3A_648 = arith.constant 6 : i32
        %dma_start3A_649 = arith.constant 0 : i32
        %dma_start3A_650 = tpu.memref_slice %arg6[%dma_start3A_648, %dma_start3A_649] : memref<8x64xi32, #tpu.memory_space<vmem>> -> memref<1x64xi32, #tpu.memory_space<vmem>>
        %dma_start3A_651 = tpu.memref_squeeze %dma_start3A_650 : memref<1x64xi32, #tpu.memory_space<vmem>> -> memref<64xi32, #tpu.memory_space<vmem>>
        %dma_start3A_652 = tpu.memref_slice %arg3[%add3A_647] : memref<655360xi32, #tpu.memory_space<hbm>> -> memref<64xi32, #tpu.memory_space<hbm>>
        %dma_start3A_653 = arith.constant 0 : i32
        %dma_start3A_654 = tpu.memref_slice %arg6[%dma_start3A_648, %dma_start3A_653] : memref<8x64xi32, #tpu.memory_space<vmem>> -> memref<1x64xi32, #tpu.memory_space<vmem>>
        %dma_start3A_655 = tpu.memref_squeeze %dma_start3A_654 : memref<1x64xi32, #tpu.memory_space<vmem>> -> memref<64xi32, #tpu.memory_space<vmem>>
        %dma_start3A_656 = tpu.memref_slice %arg3[%add3A_647] : memref<655360xi32, #tpu.memory_space<hbm>> -> memref<64xi32, #tpu.memory_space<hbm>>
        tpu.enqueue_dma source(%dma_start3A_656 : memref<64xi32, #tpu.memory_space<hbm>>) target(%dma_start3A_655 : memref<64xi32, #tpu.memory_space<vmem>>) target_semaphore(%arg17 : memref<!tpu.dma_semaphore, #tpu.memory_space<semaphore_mem>>)
        %dma_start3A_657 = arith.constant 6 : i32
        %dma_start3A_658 = arith.constant 0 : i32
        %dma_start3A_659 = tpu.memref_slice %arg7[%dma_start3A_657, %dma_start3A_658] : memref<8x64xi32, #tpu.memory_space<vmem>> -> memref<1x64xi32, #tpu.memory_space<vmem>>
        %dma_start3A_660 = tpu.memref_squeeze %dma_start3A_659 : memref<1x64xi32, #tpu.memory_space<vmem>> -> memref<64xi32, #tpu.memory_space<vmem>>
        %dma_start3A_661 = tpu.memref_slice %arg4[%add3A_647] : memref<655360xi32, #tpu.memory_space<hbm>> -> memref<64xi32, #tpu.memory_space<hbm>>
        %dma_start3A_662 = arith.constant 0 : i32
        %dma_start3A_663 = tpu.memref_slice %arg7[%dma_start3A_657, %dma_start3A_662] : memref<8x64xi32, #tpu.memory_space<vmem>> -> memref<1x64xi32, #tpu.memory_space<vmem>>
        %dma_start3A_664 = tpu.memref_squeeze %dma_start3A_663 : memref<1x64xi32, #tpu.memory_space<vmem>> -> memref<64xi32, #tpu.memory_space<vmem>>
        %dma_start3A_665 = tpu.memref_slice %arg4[%add3A_647] : memref<655360xi32, #tpu.memory_space<hbm>> -> memref<64xi32, #tpu.memory_space<hbm>>
        tpu.enqueue_dma source(%dma_start3A_665 : memref<64xi32, #tpu.memory_space<hbm>>) target(%dma_start3A_664 : memref<64xi32, #tpu.memory_space<vmem>>) target_semaphore(%arg17 : memref<!tpu.dma_semaphore, #tpu.memory_space<semaphore_mem>>)
      } else {
      }
      %add3A_609 = arith.constant 4 : i32
      %add3A_610 = arith.addi %add3A_590, %add3A_609 : i32
      %lt3A_611 = arith.constant 320 : i32
      %lt3A_612 = arith.cmpi slt, %add3A_610, %lt3A_611 : i32
      %convert_element_type3A_613 = arith.extui %lt3A_612 : i1 to i32
      %cond3A_614 = arith.constant 0 : i32
      %cond3A_615 = arith.cmpi ne, %convert_element_type3A_613, %cond3A_614 : i32
      scf.if %cond3A_615 {
        %dma_wait3A_643 = arith.constant 2 : i32
        %dma_wait3A_644 = arith.constant 0 : i32
        %dma_wait3A_645 = tpu.memref_slice %arg6[%dma_wait3A_643, %dma_wait3A_644] : memref<8x64xi32, #tpu.memory_space<vmem>> -> memref<1x64xi32, #tpu.memory_space<vmem>>
        %dma_wait3A_646 = tpu.memref_squeeze %dma_wait3A_645 : memref<1x64xi32, #tpu.memory_space<vmem>> -> memref<64xi32, #tpu.memory_space<vmem>>
        %dma_wait3A_647 = arith.constant 0 : i32
        %dma_wait3A_648 = tpu.memref_slice %arg3[%dma_wait3A_647] : memref<655360xi32, #tpu.memory_space<hbm>> -> memref<64xi32, #tpu.memory_space<hbm>>
        %dma_wait3A_649 = arith.constant 0 : i32
        %dma_wait3A_650 = tpu.memref_slice %arg6[%dma_wait3A_643, %dma_wait3A_649] : memref<8x64xi32, #tpu.memory_space<vmem>> -> memref<1x64xi32, #tpu.memory_space<vmem>>
        %dma_wait3A_651 = tpu.memref_squeeze %dma_wait3A_650 : memref<1x64xi32, #tpu.memory_space<vmem>> -> memref<64xi32, #tpu.memory_space<vmem>>
        %dma_wait3A_652 = arith.constant 0 : i32
        %dma_wait3A_653 = tpu.memref_slice %arg3[%dma_wait3A_652] : memref<655360xi32, #tpu.memory_space<hbm>> -> memref<64xi32, #tpu.memory_space<hbm>>
        tpu.wait_dma2 semaphore(%arg13 : memref<!tpu.dma_semaphore, #tpu.memory_space<semaphore_mem>>) src(%dma_wait3A_653 : memref<64xi32, #tpu.memory_space<hbm>>) dst(%dma_wait3A_651 : memref<64xi32, #tpu.memory_space<vmem>>)
        %dma_wait3A_654 = arith.constant 2 : i32
        %dma_wait3A_655 = arith.constant 0 : i32
        %dma_wait3A_656 = tpu.memref_slice %arg7[%dma_wait3A_654, %dma_wait3A_655] : memref<8x64xi32, #tpu.memory_space<vmem>> -> memref<1x64xi32, #tpu.memory_space<vmem>>
        %dma_wait3A_657 = tpu.memref_squeeze %dma_wait3A_656 : memref<1x64xi32, #tpu.memory_space<vmem>> -> memref<64xi32, #tpu.memory_space<vmem>>
        %dma_wait3A_658 = arith.constant 0 : i32
        %dma_wait3A_659 = tpu.memref_slice %arg4[%dma_wait3A_658] : memref<655360xi32, #tpu.memory_space<hbm>> -> memref<64xi32, #tpu.memory_space<hbm>>
        %dma_wait3A_660 = arith.constant 0 : i32
        %dma_wait3A_661 = tpu.memref_slice %arg7[%dma_wait3A_654, %dma_wait3A_660] : memref<8x64xi32, #tpu.memory_space<vmem>> -> memref<1x64xi32, #tpu.memory_space<vmem>>
        %dma_wait3A_662 = tpu.memref_squeeze %dma_wait3A_661 : memref<1x64xi32, #tpu.memory_space<vmem>> -> memref<64xi32, #tpu.memory_space<vmem>>
        %dma_wait3A_663 = arith.constant 0 : i32
        %dma_wait3A_664 = tpu.memref_slice %arg4[%dma_wait3A_663] : memref<655360xi32, #tpu.memory_space<hbm>> -> memref<64xi32, #tpu.memory_space<hbm>>
        tpu.wait_dma2 semaphore(%arg13 : memref<!tpu.dma_semaphore, #tpu.memory_space<semaphore_mem>>) src(%dma_wait3A_664 : memref<64xi32, #tpu.memory_space<hbm>>) dst(%dma_wait3A_662 : memref<64xi32, #tpu.memory_space<vmem>>)
        %dma_start3A_665 = arith.constant 2 : i32
        %dma_start3A_666 = arith.constant 0 : i32
        %dma_start3A_667 = arith.constant 0 : i32
        %dma_start3A_668 = tpu.memref_slice %arg9[%dma_start3A_666, %dma_start3A_667] : memref<128x128xf32, #tpu.memory_space<vmem>> -> memref<64x128xf32, #tpu.memory_space<vmem>>
        %dma_start3A_669 = arith.constant 0 : i32
        %dma_start3A_670 = tpu.memref_slice %arg6[%dma_start3A_665, %dma_start3A_669] : memref<8x64xi32, #tpu.memory_space<vmem>> -> memref<1x64xi32, #tpu.memory_space<vmem>>
        %dma_start3A_671 = tpu.memref_squeeze %dma_start3A_670 : memref<1x64xi32, #tpu.memory_space<vmem>> -> memref<64xi32, #tpu.memory_space<vmem>>
        %dma_start3A_672 = arith.constant 0 : i32
        %dma_start3A_673 = arith.constant 0 : i32
        %dma_start3A_674 = tpu.memref_slice %arg2[%dma_start3A_672, %dma_start3A_673] : memref<20000x128xf32, #tpu.memory_space<hbm>> -> memref<20000x128xf32, #tpu.memory_space<hbm>>
        tpu.enqueue_indirect_dma source(%dma_start3A_674 : memref<20000x128xf32, #tpu.memory_space<hbm>>) target(%dma_start3A_668 : memref<64x128xf32, #tpu.memory_space<vmem>>) offsets(%dma_start3A_671 : memref<64xi32, #tpu.memory_space<vmem>>) semaphore(%arg21 : memref<!tpu.dma_semaphore, #tpu.memory_space<semaphore_mem>>)
      } else {
      }
      %add3A_616 = arith.constant 7 : i32
      %add3A_617 = arith.addi %mul3A_327, %add3A_616 : i32
      %dma_wait3A_618 = arith.constant 7 : i32
      %dma_wait3A_619 = arith.constant 64 : i32
      %dma_wait3A_620 = arith.constant 0 : i32
      %dma_wait3A_621 = tpu.memref_slice %arg9[%dma_wait3A_619, %dma_wait3A_620] : memref<128x128xf32, #tpu.memory_space<vmem>> -> memref<64x128xf32, #tpu.memory_space<vmem>>
      %dma_wait3A_622 = arith.constant 0 : i32
      %dma_wait3A_623 = tpu.memref_slice %arg6[%dma_wait3A_618, %dma_wait3A_622] : memref<8x64xi32, #tpu.memory_space<vmem>> -> memref<1x64xi32, #tpu.memory_space<vmem>>
      %dma_wait3A_624 = tpu.memref_squeeze %dma_wait3A_623 : memref<1x64xi32, #tpu.memory_space<vmem>> -> memref<64xi32, #tpu.memory_space<vmem>>
      %dma_wait3A_625 = arith.constant 0 : i32
      %dma_wait3A_626 = arith.constant 0 : i32
      %dma_wait3A_627 = tpu.memref_slice %arg2[%dma_wait3A_625, %dma_wait3A_626] : memref<20000x128xf32, #tpu.memory_space<hbm>> -> memref<20000x128xf32, #tpu.memory_space<hbm>>
      tpu.wait_indirect_dma semaphore(%arg22 : memref<!tpu.dma_semaphore, #tpu.memory_space<semaphore_mem>>) src(%dma_wait3A_627 : memref<20000x128xf32, #tpu.memory_space<hbm>>) dst(%dma_wait3A_621 : memref<64x128xf32, #tpu.memory_space<vmem>>)
      %run_scoped3A_628 = arith.constant 7 : i32
      "tpu.region"() ({
        %run_scoped3A_643 = tpu.sem_alloc : memref<!tpu.dma_semaphore, #tpu.memory_space<semaphore_mem>>
        %dma_start3A_644 = arith.constant 64 : i32
        %dma_start3A_645 = arith.constant 0 : i32
        %dma_start3A_646 = tpu.memref_slice %arg9[%dma_start3A_644, %dma_start3A_645] : memref<128x128xf32, #tpu.memory_space<vmem>> -> memref<64x128xf32, #tpu.memory_space<vmem>>
        %dma_start3A_647 = arith.constant 0 : i32
        %dma_start3A_648 = tpu.memref_slice %arg7[%run_scoped3A_628, %dma_start3A_647] : memref<8x64xi32, #tpu.memory_space<vmem>> -> memref<1x64xi32, #tpu.memory_space<vmem>>
        %dma_start3A_649 = tpu.memref_squeeze %dma_start3A_648 : memref<1x64xi32, #tpu.memory_space<vmem>> -> memref<64xi32, #tpu.memory_space<vmem>>
        %dma_start3A_650 = arith.constant 0 : i32
        %dma_start3A_651 = arith.constant 0 : i32
        %dma_start3A_652 = tpu.memref_slice %arg10[%dma_start3A_650, %dma_start3A_651] : memref<10008x128xf32, #tpu.memory_space<vmem_shared>> -> memref<10008x128xf32, #tpu.memory_space<vmem_shared>>
        tpu.enqueue_indirect_dma source(%dma_start3A_646 : memref<64x128xf32, #tpu.memory_space<vmem>>) target(%dma_start3A_652 : memref<10008x128xf32, #tpu.memory_space<vmem_shared>>) offsets(%dma_start3A_649 : memref<64xi32, #tpu.memory_space<vmem>>) semaphore(%run_scoped3A_643 : memref<!tpu.dma_semaphore, #tpu.memory_space<semaphore_mem>>) {add = true}
        %dma_wait3A_653 = arith.constant 64 : i32
        %dma_wait3A_654 = arith.constant 0 : i32
        %dma_wait3A_655 = tpu.memref_slice %arg9[%dma_wait3A_653, %dma_wait3A_654] : memref<128x128xf32, #tpu.memory_space<vmem>> -> memref<64x128xf32, #tpu.memory_space<vmem>>
        %dma_wait3A_656 = arith.constant 0 : i32
        %dma_wait3A_657 = tpu.memref_slice %arg7[%run_scoped3A_628, %dma_wait3A_656] : memref<8x64xi32, #tpu.memory_space<vmem>> -> memref<1x64xi32, #tpu.memory_space<vmem>>
        %dma_wait3A_658 = tpu.memref_squeeze %dma_wait3A_657 : memref<1x64xi32, #tpu.memory_space<vmem>> -> memref<64xi32, #tpu.memory_space<vmem>>
        %dma_wait3A_659 = arith.constant 0 : i32
        %dma_wait3A_660 = arith.constant 0 : i32
        %dma_wait3A_661 = tpu.memref_slice %arg10[%dma_wait3A_659, %dma_wait3A_660] : memref<10008x128xf32, #tpu.memory_space<vmem_shared>> -> memref<10008x128xf32, #tpu.memory_space<vmem_shared>>
        tpu.wait_indirect_dma semaphore(%run_scoped3A_643 : memref<!tpu.dma_semaphore, #tpu.memory_space<semaphore_mem>>) src(%dma_wait3A_655 : memref<64x128xf32, #tpu.memory_space<vmem>>) dst(%dma_wait3A_661 : memref<10008x128xf32, #tpu.memory_space<vmem_shared>>)
        tpu.yield
      }) : () -> ()
      %add3A_629 = arith.constant 8 : i32
      %add3A_630 = arith.addi %add3A_617, %add3A_629 : i32
      %lt3A_631 = arith.constant 320 : i32
      %lt3A_632 = arith.cmpi slt, %add3A_630, %lt3A_631 : i32
      %convert_element_type3A_633 = arith.extui %lt3A_632 : i1 to i32
      %cond3A_634 = arith.constant 0 : i32
      %cond3A_635 = arith.cmpi ne, %convert_element_type3A_633, %cond3A_634 : i32
      scf.if %cond3A_635 {
        %add3A_643 = arith.constant 8 : i32
        %add3A_644 = arith.addi %add3A_617, %add3A_643 : i32
        %mul3A_645 = arith.constant 64 : i32
        %mul3A_646 = arith.muli %add3A_644, %mul3A_645 : i32
        %add3A_647 = arith.addi %add3A_17, %mul3A_646 : i32
        %dma_start3A_648 = arith.constant 7 : i32
        %dma_start3A_649 = arith.constant 0 : i32
        %dma_start3A_650 = tpu.memref_slice %arg6[%dma_start3A_648, %dma_start3A_649] : memref<8x64xi32, #tpu.memory_space<vmem>> -> memref<1x64xi32, #tpu.memory_space<vmem>>
        %dma_start3A_651 = tpu.memref_squeeze %dma_start3A_650 : memref<1x64xi32, #tpu.memory_space<vmem>> -> memref<64xi32, #tpu.memory_space<vmem>>
        %dma_start3A_652 = tpu.memref_slice %arg3[%add3A_647] : memref<655360xi32, #tpu.memory_space<hbm>> -> memref<64xi32, #tpu.memory_space<hbm>>
        %dma_start3A_653 = arith.constant 0 : i32
        %dma_start3A_654 = tpu.memref_slice %arg6[%dma_start3A_648, %dma_start3A_653] : memref<8x64xi32, #tpu.memory_space<vmem>> -> memref<1x64xi32, #tpu.memory_space<vmem>>
        %dma_start3A_655 = tpu.memref_squeeze %dma_start3A_654 : memref<1x64xi32, #tpu.memory_space<vmem>> -> memref<64xi32, #tpu.memory_space<vmem>>
        %dma_start3A_656 = tpu.memref_slice %arg3[%add3A_647] : memref<655360xi32, #tpu.memory_space<hbm>> -> memref<64xi32, #tpu.memory_space<hbm>>
        tpu.enqueue_dma source(%dma_start3A_656 : memref<64xi32, #tpu.memory_space<hbm>>) target(%dma_start3A_655 : memref<64xi32, #tpu.memory_space<vmem>>) target_semaphore(%arg18 : memref<!tpu.dma_semaphore, #tpu.memory_space<semaphore_mem>>)
        %dma_start3A_657 = arith.constant 7 : i32
        %dma_start3A_658 = arith.constant 0 : i32
        %dma_start3A_659 = tpu.memref_slice %arg7[%dma_start3A_657, %dma_start3A_658] : memref<8x64xi32, #tpu.memory_space<vmem>> -> memref<1x64xi32, #tpu.memory_space<vmem>>
        %dma_start3A_660 = tpu.memref_squeeze %dma_start3A_659 : memref<1x64xi32, #tpu.memory_space<vmem>> -> memref<64xi32, #tpu.memory_space<vmem>>
        %dma_start3A_661 = tpu.memref_slice %arg4[%add3A_647] : memref<655360xi32, #tpu.memory_space<hbm>> -> memref<64xi32, #tpu.memory_space<hbm>>
        %dma_start3A_662 = arith.constant 0 : i32
        %dma_start3A_663 = tpu.memref_slice %arg7[%dma_start3A_657, %dma_start3A_662] : memref<8x64xi32, #tpu.memory_space<vmem>> -> memref<1x64xi32, #tpu.memory_space<vmem>>
        %dma_start3A_664 = tpu.memref_squeeze %dma_start3A_663 : memref<1x64xi32, #tpu.memory_space<vmem>> -> memref<64xi32, #tpu.memory_space<vmem>>
        %dma_start3A_665 = tpu.memref_slice %arg4[%add3A_647] : memref<655360xi32, #tpu.memory_space<hbm>> -> memref<64xi32, #tpu.memory_space<hbm>>
        tpu.enqueue_dma source(%dma_start3A_665 : memref<64xi32, #tpu.memory_space<hbm>>) target(%dma_start3A_664 : memref<64xi32, #tpu.memory_space<vmem>>) target_semaphore(%arg18 : memref<!tpu.dma_semaphore, #tpu.memory_space<semaphore_mem>>)
      } else {
      }
      %add3A_636 = arith.constant 4 : i32
      %add3A_637 = arith.addi %add3A_617, %add3A_636 : i32
      %lt3A_638 = arith.constant 320 : i32
      %lt3A_639 = arith.cmpi slt, %add3A_637, %lt3A_638 : i32
      %convert_element_type3A_640 = arith.extui %lt3A_639 : i1 to i32
      %cond3A_641 = arith.constant 0 : i32
      %cond3A_642 = arith.cmpi ne, %convert_element_type3A_640, %cond3A_641 : i32
      scf.if %cond3A_642 {
        %dma_wait3A_643 = arith.constant 3 : i32
        %dma_wait3A_644 = arith.constant 0 : i32
        %dma_wait3A_645 = tpu.memref_slice %arg6[%dma_wait3A_643, %dma_wait3A_644] : memref<8x64xi32, #tpu.memory_space<vmem>> -> memref<1x64xi32, #tpu.memory_space<vmem>>
        %dma_wait3A_646 = tpu.memref_squeeze %dma_wait3A_645 : memref<1x64xi32, #tpu.memory_space<vmem>> -> memref<64xi32, #tpu.memory_space<vmem>>
        %dma_wait3A_647 = arith.constant 0 : i32
        %dma_wait3A_648 = tpu.memref_slice %arg3[%dma_wait3A_647] : memref<655360xi32, #tpu.memory_space<hbm>> -> memref<64xi32, #tpu.memory_space<hbm>>
        %dma_wait3A_649 = arith.constant 0 : i32
        %dma_wait3A_650 = tpu.memref_slice %arg6[%dma_wait3A_643, %dma_wait3A_649] : memref<8x64xi32, #tpu.memory_space<vmem>> -> memref<1x64xi32, #tpu.memory_space<vmem>>
        %dma_wait3A_651 = tpu.memref_squeeze %dma_wait3A_650 : memref<1x64xi32, #tpu.memory_space<vmem>> -> memref<64xi32, #tpu.memory_space<vmem>>
        %dma_wait3A_652 = arith.constant 0 : i32
        %dma_wait3A_653 = tpu.memref_slice %arg3[%dma_wait3A_652] : memref<655360xi32, #tpu.memory_space<hbm>> -> memref<64xi32, #tpu.memory_space<hbm>>
        tpu.wait_dma2 semaphore(%arg14 : memref<!tpu.dma_semaphore, #tpu.memory_space<semaphore_mem>>) src(%dma_wait3A_653 : memref<64xi32, #tpu.memory_space<hbm>>) dst(%dma_wait3A_651 : memref<64xi32, #tpu.memory_space<vmem>>)
        %dma_wait3A_654 = arith.constant 3 : i32
        %dma_wait3A_655 = arith.constant 0 : i32
        %dma_wait3A_656 = tpu.memref_slice %arg7[%dma_wait3A_654, %dma_wait3A_655] : memref<8x64xi32, #tpu.memory_space<vmem>> -> memref<1x64xi32, #tpu.memory_space<vmem>>
        %dma_wait3A_657 = tpu.memref_squeeze %dma_wait3A_656 : memref<1x64xi32, #tpu.memory_space<vmem>> -> memref<64xi32, #tpu.memory_space<vmem>>
        %dma_wait3A_658 = arith.constant 0 : i32
        %dma_wait3A_659 = tpu.memref_slice %arg4[%dma_wait3A_658] : memref<655360xi32, #tpu.memory_space<hbm>> -> memref<64xi32, #tpu.memory_space<hbm>>
        %dma_wait3A_660 = arith.constant 0 : i32
        %dma_wait3A_661 = tpu.memref_slice %arg7[%dma_wait3A_654, %dma_wait3A_660] : memref<8x64xi32, #tpu.memory_space<vmem>> -> memref<1x64xi32, #tpu.memory_space<vmem>>
        %dma_wait3A_662 = tpu.memref_squeeze %dma_wait3A_661 : memref<1x64xi32, #tpu.memory_space<vmem>> -> memref<64xi32, #tpu.memory_space<vmem>>
        %dma_wait3A_663 = arith.constant 0 : i32
        %dma_wait3A_664 = tpu.memref_slice %arg4[%dma_wait3A_663] : memref<655360xi32, #tpu.memory_space<hbm>> -> memref<64xi32, #tpu.memory_space<hbm>>
        tpu.wait_dma2 semaphore(%arg14 : memref<!tpu.dma_semaphore, #tpu.memory_space<semaphore_mem>>) src(%dma_wait3A_664 : memref<64xi32, #tpu.memory_space<hbm>>) dst(%dma_wait3A_662 : memref<64xi32, #tpu.memory_space<vmem>>)
        %dma_start3A_665 = arith.constant 3 : i32
        %dma_start3A_666 = arith.constant 64 : i32
        %dma_start3A_667 = arith.constant 0 : i32
        %dma_start3A_668 = tpu.memref_slice %arg9[%dma_start3A_666, %dma_start3A_667] : memref<128x128xf32, #tpu.memory_space<vmem>> -> memref<64x128xf32, #tpu.memory_space<vmem>>
        %dma_start3A_669 = arith.constant 0 : i32
        %dma_start3A_670 = tpu.memref_slice %arg6[%dma_start3A_665, %dma_start3A_669] : memref<8x64xi32, #tpu.memory_space<vmem>> -> memref<1x64xi32, #tpu.memory_space<vmem>>
        %dma_start3A_671 = tpu.memref_squeeze %dma_start3A_670 : memref<1x64xi32, #tpu.memory_space<vmem>> -> memref<64xi32, #tpu.memory_space<vmem>>
        %dma_start3A_672 = arith.constant 0 : i32
        %dma_start3A_673 = arith.constant 0 : i32
        %dma_start3A_674 = tpu.memref_slice %arg2[%dma_start3A_672, %dma_start3A_673] : memref<20000x128xf32, #tpu.memory_space<hbm>> -> memref<20000x128xf32, #tpu.memory_space<hbm>>
        tpu.enqueue_indirect_dma source(%dma_start3A_674 : memref<20000x128xf32, #tpu.memory_space<hbm>>) target(%dma_start3A_668 : memref<64x128xf32, #tpu.memory_space<vmem>>) offsets(%dma_start3A_671 : memref<64xi32, #tpu.memory_space<vmem>>) semaphore(%arg22 : memref<!tpu.dma_semaphore, #tpu.memory_space<semaphore_mem>>)
      } else {
      }
    }
    %scan3A_308 = arith.constant 40 : i32
    %barrier3A_309 = arith.constant 0 : index
    tpu.barrier barrier_id(%barrier3A_309)
    %while3A_310 = arith.constant 0 : i32
    %while3A_311 = arith.constant 0 : i32
    %while3A_312 = arith.subi %add3A_2, %while3A_311 : i32
    %while3A_313 = arith.addi %while3A_311, %while3A_312 : i32
    %while3A_314 = arith.constant 1 : i32
    %while3A_315 = arith.divsi %while3A_312, %while3A_314 : i32
    %while3A_316 = arith.muli %while3A_315, %while3A_314 : i32
    %while3A_317 = arith.addi %while3A_311, %while3A_316 : i32
    %while3A_318 = arith.constant 1 : i32
    scf.for %while3A_325 = %while3A_311 to %while3A_317 step %while3A_318  : i32 {
      %mul3A_326 = arith.constant 16 : i32
      %mul3A_327 = arith.muli %while3A_325, %mul3A_326 : i32
      %add3A_328 = arith.addi %arg1, %mul3A_327 : i32
      %mul3A_329 = arith.constant 128 : i32
      %mul3A_330 = arith.muli %add3A_328, %mul3A_329 : i32
      "tpu.region"() ({
        %run_scoped3A = tpu.sem_alloc : memref<!tpu.dma_semaphore, #tpu.memory_space<semaphore_mem>>
        %dma_start3A_334 = arith.constant 0 : i32
        %dma_start3A_335 = tpu.memref_slice %arg10[%mul3A_330, %dma_start3A_334] : memref<10008x128xf32, #tpu.memory_space<vmem_shared>> -> memref<128x128xf32, #tpu.memory_space<vmem_shared>>
        %dma_start3A_336 = arith.constant 0 : i32
        %dma_start3A_337 = tpu.memref_slice %arg10[%mul3A_330, %dma_start3A_336] : memref<10008x128xf32, #tpu.memory_space<vmem_shared>> -> memref<128x128xf32, #tpu.memory_space<vmem_shared>>
        tpu.enqueue_dma source(%dma_start3A_337 : memref<128x128xf32, #tpu.memory_space<vmem_shared>>) target(%arg8 : memref<128x128xf32, #tpu.memory_space<vmem>>) target_semaphore(%run_scoped3A : memref<!tpu.dma_semaphore, #tpu.memory_space<semaphore_mem>>)
        %dma_wait3A_338 = arith.constant 0 : i32
        %dma_wait3A_339 = tpu.memref_slice %arg10[%mul3A_330, %dma_wait3A_338] : memref<10008x128xf32, #tpu.memory_space<vmem_shared>> -> memref<128x128xf32, #tpu.memory_space<vmem_shared>>
        %dma_wait3A_340 = arith.constant 0 : i32
        %dma_wait3A_341 = tpu.memref_slice %arg10[%mul3A_330, %dma_wait3A_340] : memref<10008x128xf32, #tpu.memory_space<vmem_shared>> -> memref<128x128xf32, #tpu.memory_space<vmem_shared>>
        tpu.wait_dma2 semaphore(%run_scoped3A : memref<!tpu.dma_semaphore, #tpu.memory_space<semaphore_mem>>) src(%dma_wait3A_341 : memref<128x128xf32, #tpu.memory_space<vmem_shared>>) dst(%arg8 : memref<128x128xf32, #tpu.memory_space<vmem>>)
        tpu.yield
      }) : () -> ()
      %mul3A_331 = arith.constant 10000 : i32
      %mul3A_332 = arith.muli %arg0, %mul3A_331 : i32
      %add3A_333 = arith.addi %mul3A_332, %mul3A_330 : i32
      "tpu.region"() ({
        %run_scoped3A = tpu.sem_alloc : memref<!tpu.dma_semaphore, #tpu.memory_space<semaphore_mem>>
        %dma_start3A_334 = arith.constant 0 : i32
        %dma_start3A_335 = tpu.memref_slice %arg5[%add3A_333, %dma_start3A_334] : memref<20000x128xf32, #tpu.memory_space<hbm>> -> memref<128x128xf32, #tpu.memory_space<hbm>>
        %dma_start3A_336 = arith.constant 0 : i32
        %dma_start3A_337 = tpu.memref_slice %arg5[%add3A_333, %dma_start3A_336] : memref<20000x128xf32, #tpu.memory_space<hbm>> -> memref<128x128xf32, #tpu.memory_space<hbm>>
        tpu.enqueue_dma source(%arg8 : memref<128x128xf32, #tpu.memory_space<vmem>>) target(%dma_start3A_337 : memref<128x128xf32, #tpu.memory_space<hbm>>) target_semaphore(%run_scoped3A : memref<!tpu.dma_semaphore, #tpu.memory_space<semaphore_mem>>)
        %dma_wait3A_338 = arith.constant 0 : i32
        %dma_wait3A_339 = tpu.memref_slice %arg5[%add3A_333, %dma_wait3A_338] : memref<20000x128xf32, #tpu.memory_space<hbm>> -> memref<128x128xf32, #tpu.memory_space<hbm>>
        %dma_wait3A_340 = arith.constant 0 : i32
        %dma_wait3A_341 = tpu.memref_slice %arg5[%add3A_333, %dma_wait3A_340] : memref<20000x128xf32, #tpu.memory_space<hbm>> -> memref<128x128xf32, #tpu.memory_space<hbm>>
        tpu.wait_dma2 semaphore(%run_scoped3A : memref<!tpu.dma_semaphore, #tpu.memory_space<semaphore_mem>>) src(%arg8 : memref<128x128xf32, #tpu.memory_space<vmem>>) dst(%dma_wait3A_341 : memref<128x128xf32, #tpu.memory_space<hbm>>)
        tpu.yield
      }) : () -> ()
    }
    %while3A_319 = arith.constant 1 : i32
    scf.for %while3A_325 = %while3A_317 to %while3A_313 step %while3A_319  : i32 {
      %mul3A_326 = arith.constant 16 : i32
      %mul3A_327 = arith.muli %while3A_325, %mul3A_326 : i32
      %add3A_328 = arith.addi %arg1, %mul3A_327 : i32
      %mul3A_329 = arith.constant 128 : i32
      %mul3A_330 = arith.muli %add3A_328, %mul3A_329 : i32
      "tpu.region"() ({
        %run_scoped3A = tpu.sem_alloc : memref<!tpu.dma_semaphore, #tpu.memory_space<semaphore_mem>>
        %dma_start3A_334 = arith.constant 0 : i32
        %dma_start3A_335 = tpu.memref_slice %arg10[%mul3A_330, %dma_start3A_334] : memref<10008x128xf32, #tpu.memory_space<vmem_shared>> -> memref<128x128xf32, #tpu.memory_space<vmem_shared>>
        %dma_start3A_336 = arith.constant 0 : i32
        %dma_start3A_337 = tpu.memref_slice %arg10[%mul3A_330, %dma_start3A_336] : memref<10008x128xf32, #tpu.memory_space<vmem_shared>> -> memref<128x128xf32, #tpu.memory_space<vmem_shared>>
        tpu.enqueue_dma source(%dma_start3A_337 : memref<128x128xf32, #tpu.memory_space<vmem_shared>>) target(%arg8 : memref<128x128xf32, #tpu.memory_space<vmem>>) target_semaphore(%run_scoped3A : memref<!tpu.dma_semaphore, #tpu.memory_space<semaphore_mem>>)
        %dma_wait3A_338 = arith.constant 0 : i32
        %dma_wait3A_339 = tpu.memref_slice %arg10[%mul3A_330, %dma_wait3A_338] : memref<10008x128xf32, #tpu.memory_space<vmem_shared>> -> memref<128x128xf32, #tpu.memory_space<vmem_shared>>
        %dma_wait3A_340 = arith.constant 0 : i32
        %dma_wait3A_341 = tpu.memref_slice %arg10[%mul3A_330, %dma_wait3A_340] : memref<10008x128xf32, #tpu.memory_space<vmem_shared>> -> memref<128x128xf32, #tpu.memory_space<vmem_shared>>
        tpu.wait_dma2 semaphore(%run_scoped3A : memref<!tpu.dma_semaphore, #tpu.memory_space<semaphore_mem>>) src(%dma_wait3A_341 : memref<128x128xf32, #tpu.memory_space<vmem_shared>>) dst(%arg8 : memref<128x128xf32, #tpu.memory_space<vmem>>)
        tpu.yield
      }) : () -> ()
      %mul3A_331 = arith.constant 10000 : i32
      %mul3A_332 = arith.muli %arg0, %mul3A_331 : i32
      %add3A_333 = arith.addi %mul3A_332, %mul3A_330 : i32
      "tpu.region"() ({
        %run_scoped3A = tpu.sem_alloc : memref<!tpu.dma_semaphore, #tpu.memory_space<semaphore_mem>>
        %dma_start3A_334 = arith.constant 0 : i32
        %dma_start3A_335 = tpu.memref_slice %arg5[%add3A_333, %dma_start3A_334] : memref<20000x128xf32, #tpu.memory_space<hbm>> -> memref<128x128xf32, #tpu.memory_space<hbm>>
        %dma_start3A_336 = arith.constant 0 : i32
        %dma_start3A_337 = tpu.memref_slice %arg5[%add3A_333, %dma_start3A_336] : memref<20000x128xf32, #tpu.memory_space<hbm>> -> memref<128x128xf32, #tpu.memory_space<hbm>>
        tpu.enqueue_dma source(%arg8 : memref<128x128xf32, #tpu.memory_space<vmem>>) target(%dma_start3A_337 : memref<128x128xf32, #tpu.memory_space<hbm>>) target_semaphore(%run_scoped3A : memref<!tpu.dma_semaphore, #tpu.memory_space<semaphore_mem>>)
        %dma_wait3A_338 = arith.constant 0 : i32
        %dma_wait3A_339 = tpu.memref_slice %arg5[%add3A_333, %dma_wait3A_338] : memref<20000x128xf32, #tpu.memory_space<hbm>> -> memref<128x128xf32, #tpu.memory_space<hbm>>
        %dma_wait3A_340 = arith.constant 0 : i32
        %dma_wait3A_341 = tpu.memref_slice %arg5[%add3A_333, %dma_wait3A_340] : memref<20000x128xf32, #tpu.memory_space<hbm>> -> memref<128x128xf32, #tpu.memory_space<hbm>>
        tpu.wait_dma2 semaphore(%run_scoped3A : memref<!tpu.dma_semaphore, #tpu.memory_space<semaphore_mem>>) src(%arg8 : memref<128x128xf32, #tpu.memory_space<vmem>>) dst(%dma_wait3A_341 : memref<128x128xf32, #tpu.memory_space<hbm>>)
        tpu.yield
      }) : () -> ()
    }
    %eq3A_320 = arith.constant 15 : i32
    %eq3A_321 = arith.cmpi eq, %arg1, %eq3A_320 : i32
    %convert_element_type3A_322 = arith.extui %eq3A_321 : i1 to i32
    %cond3A_323 = arith.constant 0 : i32
    %cond3A_324 = arith.cmpi ne, %convert_element_type3A_322, %cond3A_323 : i32
    scf.if %cond3A_324 {
      "tpu.region"() ({
        %run_scoped3A = tpu.sem_alloc : memref<!tpu.dma_semaphore, #tpu.memory_space<semaphore_mem>>
        %dma_start3A_329 = arith.constant 0 : i32
        %dma_start3A_330 = arith.constant 0 : i32
        %dma_start3A_331 = tpu.memref_slice %arg8[%dma_start3A_329, %dma_start3A_330] : memref<128x128xf32, #tpu.memory_space<vmem>> -> memref<16x128xf32, #tpu.memory_space<vmem>>
        %dma_start3A_332 = arith.constant 9984 : i32
        %dma_start3A_333 = arith.constant 0 : i32
        %dma_start3A_334 = tpu.memref_slice %arg10[%dma_start3A_332, %dma_start3A_333] : memref<10008x128xf32, #tpu.memory_space<vmem_shared>> -> memref<16x128xf32, #tpu.memory_space<vmem_shared>>
        %dma_start3A_335 = arith.constant 0 : i32
        %dma_start3A_336 = arith.constant 0 : i32
        %dma_start3A_337 = tpu.memref_slice %arg8[%dma_start3A_335, %dma_start3A_336] : memref<128x128xf32, #tpu.memory_space<vmem>> -> memref<16x128xf32, #tpu.memory_space<vmem>>
        %dma_start3A_338 = arith.constant 9984 : i32
        %dma_start3A_339 = arith.constant 0 : i32
        %dma_start3A_340 = tpu.memref_slice %arg10[%dma_start3A_338, %dma_start3A_339] : memref<10008x128xf32, #tpu.memory_space<vmem_shared>> -> memref<16x128xf32, #tpu.memory_space<vmem_shared>>
        tpu.enqueue_dma source(%dma_start3A_340 : memref<16x128xf32, #tpu.memory_space<vmem_shared>>) target(%dma_start3A_337 : memref<16x128xf32, #tpu.memory_space<vmem>>) target_semaphore(%run_scoped3A : memref<!tpu.dma_semaphore, #tpu.memory_space<semaphore_mem>>)
        %dma_wait3A_341 = arith.constant 0 : i32
        %dma_wait3A_342 = arith.constant 0 : i32
        %dma_wait3A_343 = tpu.memref_slice %arg8[%dma_wait3A_341, %dma_wait3A_342] : memref<128x128xf32, #tpu.memory_space<vmem>> -> memref<16x128xf32, #tpu.memory_space<vmem>>
        %dma_wait3A_344 = arith.constant 9984 : i32
        %dma_wait3A_345 = arith.constant 0 : i32
        %dma_wait3A_346 = tpu.memref_slice %arg10[%dma_wait3A_344, %dma_wait3A_345] : memref<10008x128xf32, #tpu.memory_space<vmem_shared>> -> memref<16x128xf32, #tpu.memory_space<vmem_shared>>
        %dma_wait3A_347 = arith.constant 0 : i32
        %dma_wait3A_348 = arith.constant 0 : i32
        %dma_wait3A_349 = tpu.memref_slice %arg8[%dma_wait3A_347, %dma_wait3A_348] : memref<128x128xf32, #tpu.memory_space<vmem>> -> memref<16x128xf32, #tpu.memory_space<vmem>>
        %dma_wait3A_350 = arith.constant 9984 : i32
        %dma_wait3A_351 = arith.constant 0 : i32
        %dma_wait3A_352 = tpu.memref_slice %arg10[%dma_wait3A_350, %dma_wait3A_351] : memref<10008x128xf32, #tpu.memory_space<vmem_shared>> -> memref<16x128xf32, #tpu.memory_space<vmem_shared>>
        tpu.wait_dma2 semaphore(%run_scoped3A : memref<!tpu.dma_semaphore, #tpu.memory_space<semaphore_mem>>) src(%dma_wait3A_352 : memref<16x128xf32, #tpu.memory_space<vmem_shared>>) dst(%dma_wait3A_349 : memref<16x128xf32, #tpu.memory_space<vmem>>)
        tpu.yield
      }) : () -> ()
      %mul3A_325 = arith.constant 10000 : i32
      %mul3A_326 = arith.muli %arg0, %mul3A_325 : i32
      %add3A_327 = arith.constant 9984 : i32
      %add3A_328 = arith.addi %mul3A_326, %add3A_327 : i32
      "tpu.region"() ({
        %run_scoped3A = tpu.sem_alloc : memref<!tpu.dma_semaphore, #tpu.memory_space<semaphore_mem>>
        %dma_start3A_329 = arith.constant 0 : i32
        %dma_start3A_330 = arith.constant 0 : i32
        %dma_start3A_331 = tpu.memref_slice %arg8[%dma_start3A_329, %dma_start3A_330] : memref<128x128xf32, #tpu.memory_space<vmem>> -> memref<16x128xf32, #tpu.memory_space<vmem>>
        %dma_start3A_332 = arith.constant 0 : i32
        %dma_start3A_333 = tpu.memref_slice %arg5[%add3A_328, %dma_start3A_332] : memref<20000x128xf32, #tpu.memory_space<hbm>> -> memref<16x128xf32, #tpu.memory_space<hbm>>
        %dma_start3A_334 = arith.constant 0 : i32
        %dma_start3A_335 = tpu.memref_slice %arg5[%add3A_328, %dma_start3A_334] : memref<20000x128xf32, #tpu.memory_space<hbm>> -> memref<16x128xf32, #tpu.memory_space<hbm>>
        %dma_start3A_336 = arith.constant 0 : i32
        %dma_start3A_337 = arith.constant 0 : i32
        %dma_start3A_338 = tpu.memref_slice %arg8[%dma_start3A_336, %dma_start3A_337] : memref<128x128xf32, #tpu.memory_space<vmem>> -> memref<16x128xf32, #tpu.memory_space<vmem>>
        tpu.enqueue_dma source(%dma_start3A_338 : memref<16x128xf32, #tpu.memory_space<vmem>>) target(%dma_start3A_335 : memref<16x128xf32, #tpu.memory_space<hbm>>) target_semaphore(%run_scoped3A : memref<!tpu.dma_semaphore, #tpu.memory_space<semaphore_mem>>)
        %dma_wait3A_339 = arith.constant 0 : i32
        %dma_wait3A_340 = arith.constant 0 : i32
        %dma_wait3A_341 = tpu.memref_slice %arg8[%dma_wait3A_339, %dma_wait3A_340] : memref<128x128xf32, #tpu.memory_space<vmem>> -> memref<16x128xf32, #tpu.memory_space<vmem>>
        %dma_wait3A_342 = arith.constant 0 : i32
        %dma_wait3A_343 = tpu.memref_slice %arg5[%add3A_328, %dma_wait3A_342] : memref<20000x128xf32, #tpu.memory_space<hbm>> -> memref<16x128xf32, #tpu.memory_space<hbm>>
        %dma_wait3A_344 = arith.constant 0 : i32
        %dma_wait3A_345 = tpu.memref_slice %arg5[%add3A_328, %dma_wait3A_344] : memref<20000x128xf32, #tpu.memory_space<hbm>> -> memref<16x128xf32, #tpu.memory_space<hbm>>
        %dma_wait3A_346 = arith.constant 0 : i32
        %dma_wait3A_347 = arith.constant 0 : i32
        %dma_wait3A_348 = tpu.memref_slice %arg8[%dma_wait3A_346, %dma_wait3A_347] : memref<128x128xf32, #tpu.memory_space<vmem>> -> memref<16x128xf32, #tpu.memory_space<vmem>>
        tpu.wait_dma2 semaphore(%run_scoped3A : memref<!tpu.dma_semaphore, #tpu.memory_space<semaphore_mem>>) src(%dma_wait3A_348 : memref<16x128xf32, #tpu.memory_space<vmem>>) dst(%dma_wait3A_345 : memref<16x128xf32, #tpu.memory_space<hbm>>)
        tpu.yield
      }) : () -> ()
    } else {
    }
    return
  }
}

#map = affine_map<(d0, d1) -> (0, 0, 0, 0)>
#map1 = affine_map<(d0, d1) -> (0)>
module attributes {stable_mosaic.version = 14 : i64} {
  func.func @_deg_kernel(%arg0: i32, %arg1: i32, %arg2: memref<2x16x160x128xi32, #tpu.memory_space<hbm>>, %arg3: memref<1128xf32, #tpu.memory_space<hbm>>, %arg4: memref<20000xf32, #tpu.memory_space<hbm>>, %arg5: memref<160x128xi32, #tpu.memory_space<vmem>>, %arg6: memref<128xf32, #tpu.memory_space<vmem>>, %arg7: memref<1000xf32, #tpu.memory_space<vmem>>, %arg8: memref<10008xf32, #tpu.memory_space<vmem_shared>>, %arg9: memref<!tpu.dma_semaphore, #tpu.memory_space<semaphore_mem>>, %arg10: memref<!tpu.dma_semaphore, #tpu.memory_space<semaphore_mem>>) attributes {dimension_semantics = [#tpu.dimension_semantics<core_parallel>, #tpu.dimension_semantics<subcore_parallel>], iteration_bounds = array<i64: 2, 16>, scalar_prefetch = 0 : i64, scratch_operands = 6 : i64, tpu.core_type = #tpu.core_type<sc_vector_subcore>, window_params = [{transform_indices = #map}, {transform_indices = #map1}, {transform_indices = #map1}]} {
    %dma_start3A = arith.constant 0 : i32
    %dma_start3A_0 = arith.constant 0 : i32
    %dma_start3A_1 = tpu.memref_slice %arg2[%arg0, %arg1, %dma_start3A, %dma_start3A_0] : memref<2x16x160x128xi32, #tpu.memory_space<hbm>> -> memref<1x1x160x128xi32, #tpu.memory_space<hbm>>
    %dma_start3A_2 = tpu.memref_squeeze %dma_start3A_1 : memref<1x1x160x128xi32, #tpu.memory_space<hbm>> -> memref<160x128xi32, #tpu.memory_space<hbm>>
    %dma_start3A_3 = arith.constant 0 : i32
    %dma_start3A_4 = arith.constant 0 : i32
    %dma_start3A_5 = tpu.memref_slice %arg2[%arg0, %arg1, %dma_start3A_3, %dma_start3A_4] : memref<2x16x160x128xi32, #tpu.memory_space<hbm>> -> memref<1x1x160x128xi32, #tpu.memory_space<hbm>>
    %dma_start3A_6 = tpu.memref_squeeze %dma_start3A_5 : memref<1x1x160x128xi32, #tpu.memory_space<hbm>> -> memref<160x128xi32, #tpu.memory_space<hbm>>
    tpu.enqueue_dma source(%dma_start3A_6 : memref<160x128xi32, #tpu.memory_space<hbm>>) target(%arg5 : memref<160x128xi32, #tpu.memory_space<vmem>>) target_semaphore(%arg9 : memref<!tpu.dma_semaphore, #tpu.memory_space<semaphore_mem>>)
    "tpu.region"() ({
      %run_scoped3A = tpu.sem_alloc : memref<!tpu.dma_semaphore, #tpu.memory_space<semaphore_mem>>
      %dma_start3A_31 = arith.constant 0 : i32
      %dma_start3A_32 = tpu.memref_slice %arg3[%dma_start3A_31] : memref<1128xf32, #tpu.memory_space<hbm>> -> memref<128xf32, #tpu.memory_space<hbm>>
      %dma_start3A_33 = arith.constant 0 : i32
      %dma_start3A_34 = tpu.memref_slice %arg3[%dma_start3A_33] : memref<1128xf32, #tpu.memory_space<hbm>> -> memref<128xf32, #tpu.memory_space<hbm>>
      tpu.enqueue_dma source(%dma_start3A_34 : memref<128xf32, #tpu.memory_space<hbm>>) target(%arg6 : memref<128xf32, #tpu.memory_space<vmem>>) target_semaphore(%run_scoped3A : memref<!tpu.dma_semaphore, #tpu.memory_space<semaphore_mem>>)
      %dma_wait3A_35 = arith.constant 0 : i32
      %dma_wait3A_36 = tpu.memref_slice %arg3[%dma_wait3A_35] : memref<1128xf32, #tpu.memory_space<hbm>> -> memref<128xf32, #tpu.memory_space<hbm>>
      %dma_wait3A_37 = arith.constant 0 : i32
      %dma_wait3A_38 = tpu.memref_slice %arg3[%dma_wait3A_37] : memref<1128xf32, #tpu.memory_space<hbm>> -> memref<128xf32, #tpu.memory_space<hbm>>
      tpu.wait_dma2 semaphore(%run_scoped3A : memref<!tpu.dma_semaphore, #tpu.memory_space<semaphore_mem>>) src(%dma_wait3A_38 : memref<128xf32, #tpu.memory_space<hbm>>) dst(%arg6 : memref<128xf32, #tpu.memory_space<vmem>>)
      tpu.yield
    }) : () -> ()
    "tpu.region"() ({
      %run_scoped3A = tpu.sem_alloc : memref<!tpu.dma_semaphore, #tpu.memory_space<semaphore_mem>>
      %dma_start3A_31 = arith.constant 128 : i32
      %dma_start3A_32 = tpu.memref_slice %arg3[%dma_start3A_31] : memref<1128xf32, #tpu.memory_space<hbm>> -> memref<1000xf32, #tpu.memory_space<hbm>>
      %dma_start3A_33 = arith.constant 128 : i32
      %dma_start3A_34 = tpu.memref_slice %arg3[%dma_start3A_33] : memref<1128xf32, #tpu.memory_space<hbm>> -> memref<1000xf32, #tpu.memory_space<hbm>>
      tpu.enqueue_dma source(%dma_start3A_34 : memref<1000xf32, #tpu.memory_space<hbm>>) target(%arg7 : memref<1000xf32, #tpu.memory_space<vmem>>) target_semaphore(%run_scoped3A : memref<!tpu.dma_semaphore, #tpu.memory_space<semaphore_mem>>)
      %dma_wait3A_35 = arith.constant 128 : i32
      %dma_wait3A_36 = tpu.memref_slice %arg3[%dma_wait3A_35] : memref<1128xf32, #tpu.memory_space<hbm>> -> memref<1000xf32, #tpu.memory_space<hbm>>
      %dma_wait3A_37 = arith.constant 128 : i32
      %dma_wait3A_38 = tpu.memref_slice %arg3[%dma_wait3A_37] : memref<1128xf32, #tpu.memory_space<hbm>> -> memref<1000xf32, #tpu.memory_space<hbm>>
      tpu.wait_dma2 semaphore(%run_scoped3A : memref<!tpu.dma_semaphore, #tpu.memory_space<semaphore_mem>>) src(%dma_wait3A_38 : memref<1000xf32, #tpu.memory_space<hbm>>) dst(%arg7 : memref<1000xf32, #tpu.memory_space<vmem>>)
      tpu.yield
    }) : () -> ()
    %lt3A = arith.constant 10 : i32
    %lt3A_7 = arith.cmpi slt, %arg1, %lt3A : i32
    %convert_element_type3A = arith.extui %lt3A_7 : i1 to i32
    %cond3A = arith.constant 0 : i32
    %cond3A_8 = arith.cmpi ne, %convert_element_type3A, %cond3A : i32
    scf.if %cond3A_8 {
      %mul3A = arith.constant 1000 : i32
      %mul3A_31 = arith.muli %arg1, %mul3A : i32
      "tpu.region"() ({
        %run_scoped3A = tpu.sem_alloc : memref<!tpu.dma_semaphore, #tpu.memory_space<semaphore_mem>>
        %dma_start3A_32 = tpu.memref_slice %arg8[%mul3A_31] : memref<10008xf32, #tpu.memory_space<vmem_shared>> -> memref<1000xf32, #tpu.memory_space<vmem_shared>>
        %dma_start3A_33 = tpu.memref_slice %arg8[%mul3A_31] : memref<10008xf32, #tpu.memory_space<vmem_shared>> -> memref<1000xf32, #tpu.memory_space<vmem_shared>>
        tpu.enqueue_dma source(%arg7 : memref<1000xf32, #tpu.memory_space<vmem>>) target(%dma_start3A_33 : memref<1000xf32, #tpu.memory_space<vmem_shared>>) target_semaphore(%run_scoped3A : memref<!tpu.dma_semaphore, #tpu.memory_space<semaphore_mem>>)
        %dma_wait3A_34 = tpu.memref_slice %arg8[%mul3A_31] : memref<10008xf32, #tpu.memory_space<vmem_shared>> -> memref<1000xf32, #tpu.memory_space<vmem_shared>>
        %dma_wait3A_35 = tpu.memref_slice %arg8[%mul3A_31] : memref<10008xf32, #tpu.memory_space<vmem_shared>> -> memref<1000xf32, #tpu.memory_space<vmem_shared>>
        tpu.wait_dma2 semaphore(%run_scoped3A : memref<!tpu.dma_semaphore, #tpu.memory_space<semaphore_mem>>) src(%arg7 : memref<1000xf32, #tpu.memory_space<vmem>>) dst(%dma_wait3A_35 : memref<1000xf32, #tpu.memory_space<vmem_shared>>)
        tpu.yield
      }) : () -> ()
    } else {
    }
    %eq3A = arith.constant 10 : i32
    %eq3A_9 = arith.cmpi eq, %arg1, %eq3A : i32
    %convert_element_type3A_10 = arith.extui %eq3A_9 : i1 to i32
    %cond3A_11 = arith.constant 0 : i32
    %cond3A_12 = arith.cmpi ne, %convert_element_type3A_10, %cond3A_11 : i32
    scf.if %cond3A_12 {
      "tpu.region"() ({
        %run_scoped3A = tpu.sem_alloc : memref<!tpu.dma_semaphore, #tpu.memory_space<semaphore_mem>>
        %dma_start3A_31 = arith.constant 0 : i32
        %dma_start3A_32 = tpu.memref_slice %arg7[%dma_start3A_31] : memref<1000xf32, #tpu.memory_space<vmem>> -> memref<8xf32, #tpu.memory_space<vmem>>
        %dma_start3A_33 = arith.constant 10000 : i32
        %dma_start3A_34 = tpu.memref_slice %arg8[%dma_start3A_33] : memref<10008xf32, #tpu.memory_space<vmem_shared>> -> memref<8xf32, #tpu.memory_space<vmem_shared>>
        %dma_start3A_35 = arith.constant 10000 : i32
        %dma_start3A_36 = tpu.memref_slice %arg8[%dma_start3A_35] : memref<10008xf32, #tpu.memory_space<vmem_shared>> -> memref<8xf32, #tpu.memory_space<vmem_shared>>
        %dma_start3A_37 = arith.constant 0 : i32
        %dma_start3A_38 = tpu.memref_slice %arg7[%dma_start3A_37] : memref<1000xf32, #tpu.memory_space<vmem>> -> memref<8xf32, #tpu.memory_space<vmem>>
        tpu.enqueue_dma source(%dma_start3A_38 : memref<8xf32, #tpu.memory_space<vmem>>) target(%dma_start3A_36 : memref<8xf32, #tpu.memory_space<vmem_shared>>) target_semaphore(%run_scoped3A : memref<!tpu.dma_semaphore, #tpu.memory_space<semaphore_mem>>)
        %dma_wait3A_39 = arith.constant 0 : i32
        %dma_wait3A_40 = tpu.memref_slice %arg7[%dma_wait3A_39] : memref<1000xf32, #tpu.memory_space<vmem>> -> memref<8xf32, #tpu.memory_space<vmem>>
        %dma_wait3A_41 = arith.constant 10000 : i32
        %dma_wait3A_42 = tpu.memref_slice %arg8[%dma_wait3A_41] : memref<10008xf32, #tpu.memory_space<vmem_shared>> -> memref<8xf32, #tpu.memory_space<vmem_shared>>
        %dma_wait3A_43 = arith.constant 10000 : i32
        %dma_wait3A_44 = tpu.memref_slice %arg8[%dma_wait3A_43] : memref<10008xf32, #tpu.memory_space<vmem_shared>> -> memref<8xf32, #tpu.memory_space<vmem_shared>>
        %dma_wait3A_45 = arith.constant 0 : i32
        %dma_wait3A_46 = tpu.memref_slice %arg7[%dma_wait3A_45] : memref<1000xf32, #tpu.memory_space<vmem>> -> memref<8xf32, #tpu.memory_space<vmem>>
        tpu.wait_dma2 semaphore(%run_scoped3A : memref<!tpu.dma_semaphore, #tpu.memory_space<semaphore_mem>>) src(%dma_wait3A_46 : memref<8xf32, #tpu.memory_space<vmem>>) dst(%dma_wait3A_44 : memref<8xf32, #tpu.memory_space<vmem_shared>>)
        tpu.yield
      }) : () -> ()
    } else {
    }
    %dma_wait3A = arith.constant 0 : i32
    %dma_wait3A_13 = arith.constant 0 : i32
    %dma_wait3A_14 = tpu.memref_slice %arg2[%arg0, %arg1, %dma_wait3A, %dma_wait3A_13] : memref<2x16x160x128xi32, #tpu.memory_space<hbm>> -> memref<1x1x160x128xi32, #tpu.memory_space<hbm>>
    %dma_wait3A_15 = tpu.memref_squeeze %dma_wait3A_14 : memref<1x1x160x128xi32, #tpu.memory_space<hbm>> -> memref<160x128xi32, #tpu.memory_space<hbm>>
    %dma_wait3A_16 = arith.constant 0 : i32
    %dma_wait3A_17 = arith.constant 0 : i32
    %dma_wait3A_18 = tpu.memref_slice %arg2[%arg0, %arg1, %dma_wait3A_16, %dma_wait3A_17] : memref<2x16x160x128xi32, #tpu.memory_space<hbm>> -> memref<1x1x160x128xi32, #tpu.memory_space<hbm>>
    %dma_wait3A_19 = tpu.memref_squeeze %dma_wait3A_18 : memref<1x1x160x128xi32, #tpu.memory_space<hbm>> -> memref<160x128xi32, #tpu.memory_space<hbm>>
    tpu.wait_dma2 semaphore(%arg9 : memref<!tpu.dma_semaphore, #tpu.memory_space<semaphore_mem>>) src(%dma_wait3A_19 : memref<160x128xi32, #tpu.memory_space<hbm>>) dst(%arg5 : memref<160x128xi32, #tpu.memory_space<vmem>>)
    %barrier3A = arith.constant 0 : index
    tpu.barrier barrier_id(%barrier3A)
    %scan3A = arith.constant 0 : i32
    %scan3A_20 = arith.constant 0 : i32
    %scan3A_21 = arith.constant 160 : i32
    %scan3A_22 = arith.addi %scan3A_20, %scan3A_21 : i32
    %scan3A_23 = arith.constant 1 : i32
    scf.for %scan3A_31 = %scan3A_20 to %scan3A_22 step %scan3A_23  : i32 {
      "tpu.region"() ({
        %run_scoped3A = tpu.sem_alloc : memref<!tpu.dma_semaphore, #tpu.memory_space<semaphore_mem>>
        %dma_start3A_32 = arith.constant 0 : i32
        %dma_start3A_33 = tpu.memref_slice %arg5[%scan3A_31, %dma_start3A_32] : memref<160x128xi32, #tpu.memory_space<vmem>> -> memref<1x128xi32, #tpu.memory_space<vmem>>
        %dma_start3A_34 = tpu.memref_squeeze %dma_start3A_33 : memref<1x128xi32, #tpu.memory_space<vmem>> -> memref<128xi32, #tpu.memory_space<vmem>>
        %dma_start3A_35 = arith.constant 0 : i32
        %dma_start3A_36 = tpu.memref_slice %arg8[%dma_start3A_35] : memref<10008xf32, #tpu.memory_space<vmem_shared>> -> memref<10008xf32, #tpu.memory_space<vmem_shared>>
        tpu.enqueue_indirect_dma source(%arg6 : memref<128xf32, #tpu.memory_space<vmem>>) target(%dma_start3A_36 : memref<10008xf32, #tpu.memory_space<vmem_shared>>) offsets(%dma_start3A_34 : memref<128xi32, #tpu.memory_space<vmem>>) semaphore(%run_scoped3A : memref<!tpu.dma_semaphore, #tpu.memory_space<semaphore_mem>>) {add = true}
        %dma_wait3A_37 = arith.constant 0 : i32
        %dma_wait3A_38 = tpu.memref_slice %arg5[%scan3A_31, %dma_wait3A_37] : memref<160x128xi32, #tpu.memory_space<vmem>> -> memref<1x128xi32, #tpu.memory_space<vmem>>
        %dma_wait3A_39 = tpu.memref_squeeze %dma_wait3A_38 : memref<1x128xi32, #tpu.memory_space<vmem>> -> memref<128xi32, #tpu.memory_space<vmem>>
        %dma_wait3A_40 = arith.constant 0 : i32
        %dma_wait3A_41 = tpu.memref_slice %arg8[%dma_wait3A_40] : memref<10008xf32, #tpu.memory_space<vmem_shared>> -> memref<10008xf32, #tpu.memory_space<vmem_shared>>
        tpu.wait_indirect_dma semaphore(%run_scoped3A : memref<!tpu.dma_semaphore, #tpu.memory_space<semaphore_mem>>) src(%arg6 : memref<128xf32, #tpu.memory_space<vmem>>) dst(%dma_wait3A_41 : memref<10008xf32, #tpu.memory_space<vmem_shared>>)
        tpu.yield
      }) : () -> ()
    }
    %scan3A_24 = arith.constant 160 : i32
    %barrier3A_25 = arith.constant 0 : index
    tpu.barrier barrier_id(%barrier3A_25)
    %lt3A_26 = arith.constant 10 : i32
    %lt3A_27 = arith.cmpi slt, %arg1, %lt3A_26 : i32
    %convert_element_type3A_28 = arith.extui %lt3A_27 : i1 to i32
    %cond3A_29 = arith.constant 0 : i32
    %cond3A_30 = arith.cmpi ne, %convert_element_type3A_28, %cond3A_29 : i32
    scf.if %cond3A_30 {
      %mul3A = arith.constant 1000 : i32
      %mul3A_31 = arith.muli %arg1, %mul3A : i32
      "tpu.region"() ({
        %run_scoped3A = tpu.sem_alloc : memref<!tpu.dma_semaphore, #tpu.memory_space<semaphore_mem>>
        %dma_start3A_36 = tpu.memref_slice %arg8[%mul3A_31] : memref<10008xf32, #tpu.memory_space<vmem_shared>> -> memref<1000xf32, #tpu.memory_space<vmem_shared>>
        %dma_start3A_37 = tpu.memref_slice %arg8[%mul3A_31] : memref<10008xf32, #tpu.memory_space<vmem_shared>> -> memref<1000xf32, #tpu.memory_space<vmem_shared>>
        tpu.enqueue_dma source(%dma_start3A_37 : memref<1000xf32, #tpu.memory_space<vmem_shared>>) target(%arg7 : memref<1000xf32, #tpu.memory_space<vmem>>) target_semaphore(%run_scoped3A : memref<!tpu.dma_semaphore, #tpu.memory_space<semaphore_mem>>)
        %dma_wait3A_38 = tpu.memref_slice %arg8[%mul3A_31] : memref<10008xf32, #tpu.memory_space<vmem_shared>> -> memref<1000xf32, #tpu.memory_space<vmem_shared>>
        %dma_wait3A_39 = tpu.memref_slice %arg8[%mul3A_31] : memref<10008xf32, #tpu.memory_space<vmem_shared>> -> memref<1000xf32, #tpu.memory_space<vmem_shared>>
        tpu.wait_dma2 semaphore(%run_scoped3A : memref<!tpu.dma_semaphore, #tpu.memory_space<semaphore_mem>>) src(%dma_wait3A_39 : memref<1000xf32, #tpu.memory_space<vmem_shared>>) dst(%arg7 : memref<1000xf32, #tpu.memory_space<vmem>>)
        tpu.yield
      }) : () -> ()
      %mul3A_32 = arith.constant 10000 : i32
      %mul3A_33 = arith.muli %arg0, %mul3A_32 : i32
      %mul3A_34 = arith.constant 1000 : i32
      %mul3A_35 = arith.muli %arg1, %mul3A_34 : i32
      %add3A = arith.addi %mul3A_33, %mul3A_35 : i32
      "tpu.region"() ({
        %run_scoped3A = tpu.sem_alloc : memref<!tpu.dma_semaphore, #tpu.memory_space<semaphore_mem>>
        %dma_start3A_36 = tpu.memref_slice %arg4[%add3A] : memref<20000xf32, #tpu.memory_space<hbm>> -> memref<1000xf32, #tpu.memory_space<hbm>>
        %dma_start3A_37 = tpu.memref_slice %arg4[%add3A] : memref<20000xf32, #tpu.memory_space<hbm>> -> memref<1000xf32, #tpu.memory_space<hbm>>
        tpu.enqueue_dma source(%arg7 : memref<1000xf32, #tpu.memory_space<vmem>>) target(%dma_start3A_37 : memref<1000xf32, #tpu.memory_space<hbm>>) target_semaphore(%run_scoped3A : memref<!tpu.dma_semaphore, #tpu.memory_space<semaphore_mem>>)
        %dma_wait3A_38 = tpu.memref_slice %arg4[%add3A] : memref<20000xf32, #tpu.memory_space<hbm>> -> memref<1000xf32, #tpu.memory_space<hbm>>
        %dma_wait3A_39 = tpu.memref_slice %arg4[%add3A] : memref<20000xf32, #tpu.memory_space<hbm>> -> memref<1000xf32, #tpu.memory_space<hbm>>
        tpu.wait_dma2 semaphore(%run_scoped3A : memref<!tpu.dma_semaphore, #tpu.memory_space<semaphore_mem>>) src(%arg7 : memref<1000xf32, #tpu.memory_space<vmem>>) dst(%dma_wait3A_39 : memref<1000xf32, #tpu.memory_space<hbm>>)
        tpu.yield
      }) : () -> ()
    } else {
    }
    return
  }
}

#map = affine_map<(d0, d1) -> (0, 0)>
#map1 = affine_map<(d0, d1) -> (0)>
module attributes {stable_mosaic.version = 14 : i64} {
  func.func @_scatter_kernel(%arg0: i32, %arg1: i32, %arg2: memref<20000x128xf32, #tpu.memory_space<hbm>>, %arg3: memref<655360xi32, #tpu.memory_space<hbm>>, %arg4: memref<655360xi32, #tpu.memory_space<hbm>>, %arg5: memref<20000x128xf32, #tpu.memory_space<hbm>>, %arg6: memref<8x64xi32, #tpu.memory_space<vmem>>, %arg7: memref<8x64xi32, #tpu.memory_space<vmem>>, %arg8: memref<128x128xf32, #tpu.memory_space<vmem>>, %arg9: memref<128x128xf32, #tpu.memory_space<vmem>>, %arg10: memref<10008x128xf32, #tpu.memory_space<vmem_shared>>, %arg11: memref<!tpu.dma_semaphore, #tpu.memory_space<semaphore_mem>>, %arg12: memref<!tpu.dma_semaphore, #tpu.memory_space<semaphore_mem>>, %arg13: memref<!tpu.dma_semaphore, #tpu.memory_space<semaphore_mem>>, %arg14: memref<!tpu.dma_semaphore, #tpu.memory_space<semaphore_mem>>, %arg15: memref<!tpu.dma_semaphore, #tpu.memory_space<semaphore_mem>>, %arg16: memref<!tpu.dma_semaphore, #tpu.memory_space<semaphore_mem>>, %arg17: memref<!tpu.dma_semaphore, #tpu.memory_space<semaphore_mem>>, %arg18: memref<!tpu.dma_semaphore, #tpu.memory_space<semaphore_mem>>, %arg19: memref<!tpu.dma_semaphore, #tpu.memory_space<semaphore_mem>>, %arg20: memref<!tpu.dma_semaphore, #tpu.memory_space<semaphore_mem>>, %arg21: memref<!tpu.dma_semaphore, #tpu.memory_space<semaphore_mem>>, %arg22: memref<!tpu.dma_semaphore, #tpu.memory_space<semaphore_mem>>) attributes {dimension_semantics = [#tpu.dimension_semantics<core_parallel>, #tpu.dimension_semantics<subcore_parallel>], iteration_bounds = array<i64: 2, 16>, scalar_prefetch = 0 : i64, scratch_operands = 17 : i64, tpu.core_type = #tpu.core_type<sc_vector_subcore>, window_params = [{transform_indices = #map}, {transform_indices = #map1}, {transform_indices = #map1}, {transform_indices = #map}]} {
    %lt3A = arith.constant 14 : i32
    %lt3A_0 = arith.cmpi slt, %arg1, %lt3A : i32
    %jit3A = arith.constant 1 : i32
    %jit3A_1 = arith.constant 0 : i32
    %select_n3A = arith.select %lt3A_0, %jit3A, %jit3A_1 : i32
    %add3A = arith.constant 4 : i32
    %add3A_2 = arith.addi %add3A, %select_n3A : i32
    %while3A = arith.constant 0 : i32
    %while3A_3 = arith.constant 0 : i32
    %while3A_4 = arith.subi %add3A_2, %while3A_3 : i32
    %while3A_5 = arith.addi %while3A_3, %while3A_4 : i32
    %while3A_6 = arith.constant 1 : i32
    %while3A_7 = arith.divsi %while3A_4, %while3A_6 : i32
    %while3A_8 = arith.muli %while3A_7, %while3A_6 : i32
    %while3A_9 = arith.addi %while3A_3, %while3A_8 : i32
    %while3A_10 = arith.constant 1 : i32
    scf.for %while3A_325 = %while3A_3 to %while3A_9 step %while3A_10  : i32 {
      %mul3A_326 = arith.constant 16 : i32
      %mul3A_327 = arith.muli %while3A_325, %mul3A_326 : i32
      %add3A_328 = arith.addi %arg1, %mul3A_327 : i32
      %mul3A_329 = arith.constant 128 : i32
      %mul3A_330 = arith.muli %add3A_328, %mul3A_329 : i32
      %mul3A_331 = arith.constant 10000 : i32
      %mul3A_332 = arith.muli %arg0, %mul3A_331 : i32
      %add3A_333 = arith.addi %mul3A_332, %mul3A_330 : i32
      "tpu.region"() ({
        %run_scoped3A = tpu.sem_alloc : memref<!tpu.dma_semaphore, #tpu.memory_space<semaphore_mem>>
        %dma_start3A_334 = arith.constant 0 : i32
        %dma_start3A_335 = tpu.memref_slice %arg2[%add3A_333, %dma_start3A_334] : memref<20000x128xf32, #tpu.memory_space<hbm>> -> memref<128x128xf32, #tpu.memory_space<hbm>>
        %dma_start3A_336 = arith.constant 0 : i32
        %dma_start3A_337 = tpu.memref_slice %arg2[%add3A_333, %dma_start3A_336] : memref<20000x128xf32, #tpu.memory_space<hbm>> -> memref<128x128xf32, #tpu.memory_space<hbm>>
        tpu.enqueue_dma source(%dma_start3A_337 : memref<128x128xf32, #tpu.memory_space<hbm>>) target(%arg8 : memref<128x128xf32, #tpu.memory_space<vmem>>) target_semaphore(%run_scoped3A : memref<!tpu.dma_semaphore, #tpu.memory_space<semaphore_mem>>)
        %dma_wait3A_338 = arith.constant 0 : i32
        %dma_wait3A_339 = tpu.memref_slice %arg2[%add3A_333, %dma_wait3A_338] : memref<20000x128xf32, #tpu.memory_space<hbm>> -> memref<128x128xf32, #tpu.memory_space<hbm>>
        %dma_wait3A_340 = arith.constant 0 : i32
        %dma_wait3A_341 = tpu.memref_slice %arg2[%add3A_333, %dma_wait3A_340] : memref<20000x128xf32, #tpu.memory_space<hbm>> -> memref<128x128xf32, #tpu.memory_space<hbm>>
        tpu.wait_dma2 semaphore(%run_scoped3A : memref<!tpu.dma_semaphore, #tpu.memory_space<semaphore_mem>>) src(%dma_wait3A_341 : memref<128x128xf32, #tpu.memory_space<hbm>>) dst(%arg8 : memref<128x128xf32, #tpu.memory_space<vmem>>)
        tpu.yield
      }) : () -> ()
      "tpu.region"() ({
        %run_scoped3A = tpu.sem_alloc : memref<!tpu.dma_semaphore, #tpu.memory_space<semaphore_mem>>
        %dma_start3A_334 = arith.constant 0 : i32
        %dma_start3A_335 = tpu.memref_slice %arg10[%mul3A_330, %dma_start3A_334] : memref<10008x128xf32, #tpu.memory_space<vmem_shared>> -> memref<128x128xf32, #tpu.memory_space<vmem_shared>>
        %dma_start3A_336 = arith.constant 0 : i32
        %dma_start3A_337 = tpu.memref_slice %arg10[%mul3A_330, %dma_start3A_336] : memref<10008x128xf32, #tpu.memory_space<vmem_shared>> -> memref<128x128xf32, #tpu.memory_space<vmem_shared>>
        tpu.enqueue_dma source(%arg8 : memref<128x128xf32, #tpu.memory_space<vmem>>) target(%dma_start3A_337 : memref<128x128xf32, #tpu.memory_space<vmem_shared>>) target_semaphore(%run_scoped3A : memref<!tpu.dma_semaphore, #tpu.memory_space<semaphore_mem>>)
        %dma_wait3A_338 = arith.constant 0 : i32
        %dma_wait3A_339 = tpu.memref_slice %arg10[%mul3A_330, %dma_wait3A_338] : memref<10008x128xf32, #tpu.memory_space<vmem_shared>> -> memref<128x128xf32, #tpu.memory_space<vmem_shared>>
        %dma_wait3A_340 = arith.constant 0 : i32
        %dma_wait3A_341 = tpu.memref_slice %arg10[%mul3A_330, %dma_wait3A_340] : memref<10008x128xf32, #tpu.memory_space<vmem_shared>> -> memref<128x128xf32, #tpu.memory_space<vmem_shared>>
        tpu.wait_dma2 semaphore(%run_scoped3A : memref<!tpu.dma_semaphore, #tpu.memory_space<semaphore_mem>>) src(%arg8 : memref<128x128xf32, #tpu.memory_space<vmem>>) dst(%dma_wait3A_341 : memref<128x128xf32, #tpu.memory_space<vmem_shared>>)
        tpu.yield
      }) : () -> ()
    }
    %while3A_11 = arith.constant 1 : i32
    scf.for %while3A_325 = %while3A_9 to %while3A_5 step %while3A_11  : i32 {
      %mul3A_326 = arith.constant 16 : i32
      %mul3A_327 = arith.muli %while3A_325, %mul3A_326 : i32
      %add3A_328 = arith.addi %arg1, %mul3A_327 : i32
      %mul3A_329 = arith.constant 128 : i32
      %mul3A_330 = arith.muli %add3A_328, %mul3A_329 : i32
      %mul3A_331 = arith.constant 10000 : i32
      %mul3A_332 = arith.muli %arg0, %mul3A_331 : i32
      %add3A_333 = arith.addi %mul3A_332, %mul3A_330 : i32
      "tpu.region"() ({
        %run_scoped3A = tpu.sem_alloc : memref<!tpu.dma_semaphore, #tpu.memory_space<semaphore_mem>>
        %dma_start3A_334 = arith.constant 0 : i32
        %dma_start3A_335 = tpu.memref_slice %arg2[%add3A_333, %dma_start3A_334] : memref<20000x128xf32, #tpu.memory_space<hbm>> -> memref<128x128xf32, #tpu.memory_space<hbm>>
        %dma_start3A_336 = arith.constant 0 : i32
        %dma_start3A_337 = tpu.memref_slice %arg2[%add3A_333, %dma_start3A_336] : memref<20000x128xf32, #tpu.memory_space<hbm>> -> memref<128x128xf32, #tpu.memory_space<hbm>>
        tpu.enqueue_dma source(%dma_start3A_337 : memref<128x128xf32, #tpu.memory_space<hbm>>) target(%arg8 : memref<128x128xf32, #tpu.memory_space<vmem>>) target_semaphore(%run_scoped3A : memref<!tpu.dma_semaphore, #tpu.memory_space<semaphore_mem>>)
        %dma_wait3A_338 = arith.constant 0 : i32
        %dma_wait3A_339 = tpu.memref_slice %arg2[%add3A_333, %dma_wait3A_338] : memref<20000x128xf32, #tpu.memory_space<hbm>> -> memref<128x128xf32, #tpu.memory_space<hbm>>
        %dma_wait3A_340 = arith.constant 0 : i32
        %dma_wait3A_341 = tpu.memref_slice %arg2[%add3A_333, %dma_wait3A_340] : memref<20000x128xf32, #tpu.memory_space<hbm>> -> memref<128x128xf32, #tpu.memory_space<hbm>>
        tpu.wait_dma2 semaphore(%run_scoped3A : memref<!tpu.dma_semaphore, #tpu.memory_space<semaphore_mem>>) src(%dma_wait3A_341 : memref<128x128xf32, #tpu.memory_space<hbm>>) dst(%arg8 : memref<128x128xf32, #tpu.memory_space<vmem>>)
        tpu.yield
      }) : () -> ()
      "tpu.region"() ({
        %run_scoped3A = tpu.sem_alloc : memref<!tpu.dma_semaphore, #tpu.memory_space<semaphore_mem>>
        %dma_start3A_334 = arith.constant 0 : i32
        %dma_start3A_335 = tpu.memref_slice %arg10[%mul3A_330, %dma_start3A_334] : memref<10008x128xf32, #tpu.memory_space<vmem_shared>> -> memref<128x128xf32, #tpu.memory_space<vmem_shared>>
        %dma_start3A_336 = arith.constant 0 : i32
        %dma_start3A_337 = tpu.memref_slice %arg10[%mul3A_330, %dma_start3A_336] : memref<10008x128xf32, #tpu.memory_space<vmem_shared>> -> memref<128x128xf32, #tpu.memory_space<vmem_shared>>
        tpu.enqueue_dma source(%arg8 : memref<128x128xf32, #tpu.memory_space<vmem>>) target(%dma_start3A_337 : memref<128x128xf32, #tpu.memory_space<vmem_shared>>) target_semaphore(%run_scoped3A : memref<!tpu.dma_semaphore, #tpu.memory_space<semaphore_mem>>)
        %dma_wait3A_338 = arith.constant 0 : i32
        %dma_wait3A_339 = tpu.memref_slice %arg10[%mul3A_330, %dma_wait3A_338] : memref<10008x128xf32, #tpu.memory_space<vmem_shared>> -> memref<128x128xf32, #tpu.memory_space<vmem_shared>>
        %dma_wait3A_340 = arith.constant 0 : i32
        %dma_wait3A_341 = tpu.memref_slice %arg10[%mul3A_330, %dma_wait3A_340] : memref<10008x128xf32, #tpu.memory_space<vmem_shared>> -> memref<128x128xf32, #tpu.memory_space<vmem_shared>>
        tpu.wait_dma2 semaphore(%run_scoped3A : memref<!tpu.dma_semaphore, #tpu.memory_space<semaphore_mem>>) src(%arg8 : memref<128x128xf32, #tpu.memory_space<vmem>>) dst(%dma_wait3A_341 : memref<128x128xf32, #tpu.memory_space<vmem_shared>>)
        tpu.yield
      }) : () -> ()
    }
    %eq3A = arith.constant 15 : i32
    %eq3A_12 = arith.cmpi eq, %arg1, %eq3A : i32
    %convert_element_type3A = arith.extui %eq3A_12 : i1 to i32
    %cond3A = arith.constant 0 : i32
    %cond3A_13 = arith.cmpi ne, %convert_element_type3A, %cond3A : i32
    scf.if %cond3A_13 {
      %mul3A_325 = arith.constant 10000 : i32
      %mul3A_326 = arith.muli %arg0, %mul3A_325 : i32
      %add3A_327 = arith.constant 9984 : i32
      %add3A_328 = arith.addi %mul3A_326, %add3A_327 : i32
      "tpu.region"() ({
        %run_scoped3A = tpu.sem_alloc : memref<!tpu.dma_semaphore, #tpu.memory_space<semaphore_mem>>
        %dma_start3A_329 = arith.constant 0 : i32
        %dma_start3A_330 = arith.constant 0 : i32
        %dma_start3A_331 = tpu.memref_slice %arg8[%dma_start3A_329, %dma_start3A_330] : memref<128x128xf32, #tpu.memory_space<vmem>> -> memref<16x128xf32, #tpu.memory_space<vmem>>
        %dma_start3A_332 = arith.constant 0 : i32
        %dma_start3A_333 = tpu.memref_slice %arg2[%add3A_328, %dma_start3A_332] : memref<20000x128xf32, #tpu.memory_space<hbm>> -> memref<16x128xf32, #tpu.memory_space<hbm>>
        %dma_start3A_334 = arith.constant 0 : i32
        %dma_start3A_335 = arith.constant 0 : i32
        %dma_start3A_336 = tpu.memref_slice %arg8[%dma_start3A_334, %dma_start3A_335] : memref<128x128xf32, #tpu.memory_space<vmem>> -> memref<16x128xf32, #tpu.memory_space<vmem>>
        %dma_start3A_337 = arith.constant 0 : i32
        %dma_start3A_338 = tpu.memref_slice %arg2[%add3A_328, %dma_start3A_337] : memref<20000x128xf32, #tpu.memory_space<hbm>> -> memref<16x128xf32, #tpu.memory_space<hbm>>
        tpu.enqueue_dma source(%dma_start3A_338 : memref<16x128xf32, #tpu.memory_space<hbm>>) target(%dma_start3A_336 : memref<16x128xf32, #tpu.memory_space<vmem>>) target_semaphore(%run_scoped3A : memref<!tpu.dma_semaphore, #tpu.memory_space<semaphore_mem>>)
        %dma_wait3A_339 = arith.constant 0 : i32
        %dma_wait3A_340 = arith.constant 0 : i32
        %dma_wait3A_341 = tpu.memref_slice %arg8[%dma_wait3A_339, %dma_wait3A_340] : memref<128x128xf32, #tpu.memory_space<vmem>> -> memref<16x128xf32, #tpu.memory_space<vmem>>
        %dma_wait3A_342 = arith.constant 0 : i32
        %dma_wait3A_343 = tpu.memref_slice %arg2[%add3A_328, %dma_wait3A_342] : memref<20000x128xf32, #tpu.memory_space<hbm>> -> memref<16x128xf32, #tpu.memory_space<hbm>>
        %dma_wait3A_344 = arith.constant 0 : i32
        %dma_wait3A_345 = arith.constant 0 : i32
        %dma_wait3A_346 = tpu.memref_slice %arg8[%dma_wait3A_344, %dma_wait3A_345] : memref<128x128xf32, #tpu.memory_space<vmem>> -> memref<16x128xf32, #tpu.memory_space<vmem>>
        %dma_wait3A_347 = arith.constant 0 : i32
        %dma_wait3A_348 = tpu.memref_slice %arg2[%add3A_328, %dma_wait3A_347] : memref<20000x128xf32, #tpu.memory_space<hbm>> -> memref<16x128xf32, #tpu.memory_space<hbm>>
        tpu.wait_dma2 semaphore(%run_scoped3A : memref<!tpu.dma_semaphore, #tpu.memory_space<semaphore_mem>>) src(%dma_wait3A_348 : memref<16x128xf32, #tpu.memory_space<hbm>>) dst(%dma_wait3A_346 : memref<16x128xf32, #tpu.memory_space<vmem>>)
        tpu.yield
      }) : () -> ()
      "tpu.region"() ({
        %run_scoped3A = tpu.sem_alloc : memref<!tpu.dma_semaphore, #tpu.memory_space<semaphore_mem>>
        %dma_start3A_329 = arith.constant 0 : i32
        %dma_start3A_330 = arith.constant 0 : i32
        %dma_start3A_331 = tpu.memref_slice %arg8[%dma_start3A_329, %dma_start3A_330] : memref<128x128xf32, #tpu.memory_space<vmem>> -> memref<16x128xf32, #tpu.memory_space<vmem>>
        %dma_start3A_332 = arith.constant 9984 : i32
        %dma_start3A_333 = arith.constant 0 : i32
        %dma_start3A_334 = tpu.memref_slice %arg10[%dma_start3A_332, %dma_start3A_333] : memref<10008x128xf32, #tpu.memory_space<vmem_shared>> -> memref<16x128xf32, #tpu.memory_space<vmem_shared>>
        %dma_start3A_335 = arith.constant 9984 : i32
        %dma_start3A_336 = arith.constant 0 : i32
        %dma_start3A_337 = tpu.memref_slice %arg10[%dma_start3A_335, %dma_start3A_336] : memref<10008x128xf32, #tpu.memory_space<vmem_shared>> -> memref<16x128xf32, #tpu.memory_space<vmem_shared>>
        %dma_start3A_338 = arith.constant 0 : i32
        %dma_start3A_339 = arith.constant 0 : i32
        %dma_start3A_340 = tpu.memref_slice %arg8[%dma_start3A_338, %dma_start3A_339] : memref<128x128xf32, #tpu.memory_space<vmem>> -> memref<16x128xf32, #tpu.memory_space<vmem>>
        tpu.enqueue_dma source(%dma_start3A_340 : memref<16x128xf32, #tpu.memory_space<vmem>>) target(%dma_start3A_337 : memref<16x128xf32, #tpu.memory_space<vmem_shared>>) target_semaphore(%run_scoped3A : memref<!tpu.dma_semaphore, #tpu.memory_space<semaphore_mem>>)
        %dma_wait3A_341 = arith.constant 0 : i32
        %dma_wait3A_342 = arith.constant 0 : i32
        %dma_wait3A_343 = tpu.memref_slice %arg8[%dma_wait3A_341, %dma_wait3A_342] : memref<128x128xf32, #tpu.memory_space<vmem>> -> memref<16x128xf32, #tpu.memory_space<vmem>>
        %dma_wait3A_344 = arith.constant 9984 : i32
        %dma_wait3A_345 = arith.constant 0 : i32
        %dma_wait3A_346 = tpu.memref_slice %arg10[%dma_wait3A_344, %dma_wait3A_345] : memref<10008x128xf32, #tpu.memory_space<vmem_shared>> -> memref<16x128xf32, #tpu.memory_space<vmem_shared>>
        %dma_wait3A_347 = arith.constant 9984 : i32
        %dma_wait3A_348 = arith.constant 0 : i32
        %dma_wait3A_349 = tpu.memref_slice %arg10[%dma_wait3A_347, %dma_wait3A_348] : memref<10008x128xf32, #tpu.memory_space<vmem_shared>> -> memref<16x128xf32, #tpu.memory_space<vmem_shared>>
        %dma_wait3A_350 = arith.constant 0 : i32
        %dma_wait3A_351 = arith.constant 0 : i32
        %dma_wait3A_352 = tpu.memref_slice %arg8[%dma_wait3A_350, %dma_wait3A_351] : memref<128x128xf32, #tpu.memory_space<vmem>> -> memref<16x128xf32, #tpu.memory_space<vmem>>
        tpu.wait_dma2 semaphore(%run_scoped3A : memref<!tpu.dma_semaphore, #tpu.memory_space<semaphore_mem>>) src(%dma_wait3A_352 : memref<16x128xf32, #tpu.memory_space<vmem>>) dst(%dma_wait3A_349 : memref<16x128xf32, #tpu.memory_space<vmem_shared>>)
        tpu.yield
      }) : () -> ()
    } else {
    }
    %barrier3A = arith.constant 0 : index
    tpu.barrier barrier_id(%barrier3A)
    %mul3A = arith.constant 327680 : i32
    %mul3A_14 = arith.muli %arg0, %mul3A : i32
    %mul3A_15 = arith.constant 20480 : i32
    %mul3A_16 = arith.muli %arg1, %mul3A_15 : i32
    %add3A_17 = arith.addi %mul3A_14, %mul3A_16 : i32
    %add3A_18 = arith.constant 0 : i32
    %add3A_19 = arith.addi %add3A_17, %add3A_18 : i32
    %dma_start3A = arith.constant 0 : i32
    %dma_start3A_20 = arith.constant 0 : i32
    %dma_start3A_21 = tpu.memref_slice %arg6[%dma_start3A, %dma_start3A_20] : memref<8x64xi32, #tpu.memory_space<vmem>> -> memref<1x64xi32, #tpu.memory_space<vmem>>
    %dma_start3A_22 = tpu.memref_squeeze %dma_start3A_21 : memref<1x64xi32, #tpu.memory_space<vmem>> -> memref<64xi32, #tpu.memory_space<vmem>>
    %dma_start3A_23 = tpu.memref_slice %arg3[%add3A_19] : memref<655360xi32, #tpu.memory_space<hbm>> -> memref<64xi32, #tpu.memory_space<hbm>>
    %dma_start3A_24 = arith.constant 0 : i32
    %dma_start3A_25 = tpu.memref_slice %arg6[%dma_start3A, %dma_start3A_24] : memref<8x64xi32, #tpu.memory_space<vmem>> -> memref<1x64xi32, #tpu.memory_space<vmem>>
    %dma_start3A_26 = tpu.memref_squeeze %dma_start3A_25 : memref<1x64xi32, #tpu.memory_space<vmem>> -> memref<64xi32, #tpu.memory_space<vmem>>
    %dma_start3A_27 = tpu.memref_slice %arg3[%add3A_19] : memref<655360xi32, #tpu.memory_space<hbm>> -> memref<64xi32, #tpu.memory_space<hbm>>
    tpu.enqueue_dma source(%dma_start3A_27 : memref<64xi32, #tpu.memory_space<hbm>>) target(%dma_start3A_26 : memref<64xi32, #tpu.memory_space<vmem>>) target_semaphore(%arg11 : memref<!tpu.dma_semaphore, #tpu.memory_space<semaphore_mem>>)
    %dma_start3A_28 = arith.constant 0 : i32
    %dma_start3A_29 = arith.constant 0 : i32
    %dma_start3A_30 = tpu.memref_slice %arg7[%dma_start3A_28, %dma_start3A_29] : memref<8x64xi32, #tpu.memory_space<vmem>> -> memref<1x64xi32, #tpu.memory_space<vmem>>
    %dma_start3A_31 = tpu.memref_squeeze %dma_start3A_30 : memref<1x64xi32, #tpu.memory_space<vmem>> -> memref<64xi32, #tpu.memory_space<vmem>>
    %dma_start3A_32 = tpu.memref_slice %arg4[%add3A_19] : memref<655360xi32, #tpu.memory_space<hbm>> -> memref<64xi32, #tpu.memory_space<hbm>>
    %dma_start3A_33 = arith.constant 0 : i32
    %dma_start3A_34 = tpu.memref_slice %arg7[%dma_start3A_28, %dma_start3A_33] : memref<8x64xi32, #tpu.memory_space<vmem>> -> memref<1x64xi32, #tpu.memory_space<vmem>>
    %dma_start3A_35 = tpu.memref_squeeze %dma_start3A_34 : memref<1x64xi32, #tpu.memory_space<vmem>> -> memref<64xi32, #tpu.memory_space<vmem>>
    %dma_start3A_36 = tpu.memref_slice %arg4[%add3A_19] : memref<655360xi32, #tpu.memory_space<hbm>> -> memref<64xi32, #tpu.memory_space<hbm>>
    tpu.enqueue_dma source(%dma_start3A_36 : memref<64xi32, #tpu.memory_space<hbm>>) target(%dma_start3A_35 : memref<64xi32, #tpu.memory_space<vmem>>) target_semaphore(%arg11 : memref<!tpu.dma_semaphore, #tpu.memory_space<semaphore_mem>>)
    %add3A_37 = arith.constant 64 : i32
    %add3A_38 = arith.addi %add3A_17, %add3A_37 : i32
    %dma_start3A_39 = arith.constant 1 : i32
    %dma_start3A_40 = arith.constant 0 : i32
    %dma_start3A_41 = tpu.memref_slice %arg6[%dma_start3A_39, %dma_start3A_40] : memref<8x64xi32, #tpu.memory_space<vmem>> -> memref<1x64xi32, #tpu.memory_space<vmem>>
    %dma_start3A_42 = tpu.memref_squeeze %dma_start3A_41 : memref<1x64xi32, #tpu.memory_space<vmem>> -> memref<64xi32, #tpu.memory_space<vmem>>
    %dma_start3A_43 = tpu.memref_slice %arg3[%add3A_38] : memref<655360xi32, #tpu.memory_space<hbm>> -> memref<64xi32, #tpu.memory_space<hbm>>
    %dma_start3A_44 = arith.constant 0 : i32
    %dma_start3A_45 = tpu.memref_slice %arg6[%dma_start3A_39, %dma_start3A_44] : memref<8x64xi32, #tpu.memory_space<vmem>> -> memref<1x64xi32, #tpu.memory_space<vmem>>
    %dma_start3A_46 = tpu.memref_squeeze %dma_start3A_45 : memref<1x64xi32, #tpu.memory_space<vmem>> -> memref<64xi32, #tpu.memory_space<vmem>>
    %dma_start3A_47 = tpu.memref_slice %arg3[%add3A_38] : memref<655360xi32, #tpu.memory_space<hbm>> -> memref<64xi32, #tpu.memory_space<hbm>>
    tpu.enqueue_dma source(%dma_start3A_47 : memref<64xi32, #tpu.memory_space<hbm>>) target(%dma_start3A_46 : memref<64xi32, #tpu.memory_space<vmem>>) target_semaphore(%arg12 : memref<!tpu.dma_semaphore, #tpu.memory_space<semaphore_mem>>)
    %dma_start3A_48 = arith.constant 1 : i32
    %dma_start3A_49 = arith.constant 0 : i32
    %dma_start3A_50 = tpu.memref_slice %arg7[%dma_start3A_48, %dma_start3A_49] : memref<8x64xi32, #tpu.memory_space<vmem>> -> memref<1x64xi32, #tpu.memory_space<vmem>>
    %dma_start3A_51 = tpu.memref_squeeze %dma_start3A_50 : memref<1x64xi32, #tpu.memory_space<vmem>> -> memref<64xi32, #tpu.memory_space<vmem>>
    %dma_start3A_52 = tpu.memref_slice %arg4[%add3A_38] : memref<655360xi32, #tpu.memory_space<hbm>> -> memref<64xi32, #tpu.memory_space<hbm>>
    %dma_start3A_53 = arith.constant 0 : i32
    %dma_start3A_54 = tpu.memref_slice %arg7[%dma_start3A_48, %dma_start3A_53] : memref<8x64xi32, #tpu.memory_space<vmem>> -> memref<1x64xi32, #tpu.memory_space<vmem>>
    %dma_start3A_55 = tpu.memref_squeeze %dma_start3A_54 : memref<1x64xi32, #tpu.memory_space<vmem>> -> memref<64xi32, #tpu.memory_space<vmem>>
    %dma_start3A_56 = tpu.memref_slice %arg4[%add3A_38] : memref<655360xi32, #tpu.memory_space<hbm>> -> memref<64xi32, #tpu.memory_space<hbm>>
    tpu.enqueue_dma source(%dma_start3A_56 : memref<64xi32, #tpu.memory_space<hbm>>) target(%dma_start3A_55 : memref<64xi32, #tpu.memory_space<vmem>>) target_semaphore(%arg12 : memref<!tpu.dma_semaphore, #tpu.memory_space<semaphore_mem>>)
    %add3A_57 = arith.constant 128 : i32
    %add3A_58 = arith.addi %add3A_17, %add3A_57 : i32
    %dma_start3A_59 = arith.constant 2 : i32
    %dma_start3A_60 = arith.constant 0 : i32
    %dma_start3A_61 = tpu.memref_slice %arg6[%dma_start3A_59, %dma_start3A_60] : memref<8x64xi32, #tpu.memory_space<vmem>> -> memref<1x64xi32, #tpu.memory_space<vmem>>
    %dma_start3A_62 = tpu.memref_squeeze %dma_start3A_61 : memref<1x64xi32, #tpu.memory_space<vmem>> -> memref<64xi32, #tpu.memory_space<vmem>>
    %dma_start3A_63 = tpu.memref_slice %arg3[%add3A_58] : memref<655360xi32, #tpu.memory_space<hbm>> -> memref<64xi32, #tpu.memory_space<hbm>>
    %dma_start3A_64 = arith.constant 0 : i32
    %dma_start3A_65 = tpu.memref_slice %arg6[%dma_start3A_59, %dma_start3A_64] : memref<8x64xi32, #tpu.memory_space<vmem>> -> memref<1x64xi32, #tpu.memory_space<vmem>>
    %dma_start3A_66 = tpu.memref_squeeze %dma_start3A_65 : memref<1x64xi32, #tpu.memory_space<vmem>> -> memref<64xi32, #tpu.memory_space<vmem>>
    %dma_start3A_67 = tpu.memref_slice %arg3[%add3A_58] : memref<655360xi32, #tpu.memory_space<hbm>> -> memref<64xi32, #tpu.memory_space<hbm>>
    tpu.enqueue_dma source(%dma_start3A_67 : memref<64xi32, #tpu.memory_space<hbm>>) target(%dma_start3A_66 : memref<64xi32, #tpu.memory_space<vmem>>) target_semaphore(%arg13 : memref<!tpu.dma_semaphore, #tpu.memory_space<semaphore_mem>>)
    %dma_start3A_68 = arith.constant 2 : i32
    %dma_start3A_69 = arith.constant 0 : i32
    %dma_start3A_70 = tpu.memref_slice %arg7[%dma_start3A_68, %dma_start3A_69] : memref<8x64xi32, #tpu.memory_space<vmem>> -> memref<1x64xi32, #tpu.memory_space<vmem>>
    %dma_start3A_71 = tpu.memref_squeeze %dma_start3A_70 : memref<1x64xi32, #tpu.memory_space<vmem>> -> memref<64xi32, #tpu.memory_space<vmem>>
    %dma_start3A_72 = tpu.memref_slice %arg4[%add3A_58] : memref<655360xi32, #tpu.memory_space<hbm>> -> memref<64xi32, #tpu.memory_space<hbm>>
    %dma_start3A_73 = arith.constant 0 : i32
    %dma_start3A_74 = tpu.memref_slice %arg7[%dma_start3A_68, %dma_start3A_73] : memref<8x64xi32, #tpu.memory_space<vmem>> -> memref<1x64xi32, #tpu.memory_space<vmem>>
    %dma_start3A_75 = tpu.memref_squeeze %dma_start3A_74 : memref<1x64xi32, #tpu.memory_space<vmem>> -> memref<64xi32, #tpu.memory_space<vmem>>
    %dma_start3A_76 = tpu.memref_slice %arg4[%add3A_58] : memref<655360xi32, #tpu.memory_space<hbm>> -> memref<64xi32, #tpu.memory_space<hbm>>
    tpu.enqueue_dma source(%dma_start3A_76 : memref<64xi32, #tpu.memory_space<hbm>>) target(%dma_start3A_75 : memref<64xi32, #tpu.memory_space<vmem>>) target_semaphore(%arg13 : memref<!tpu.dma_semaphore, #tpu.memory_space<semaphore_mem>>)
    %add3A_77 = arith.constant 192 : i32
    %add3A_78 = arith.addi %add3A_17, %add3A_77 : i32
    %dma_start3A_79 = arith.constant 3 : i32
    %dma_start3A_80 = arith.constant 0 : i32
    %dma_start3A_81 = tpu.memref_slice %arg6[%dma_start3A_79, %dma_start3A_80] : memref<8x64xi32, #tpu.memory_space<vmem>> -> memref<1x64xi32, #tpu.memory_space<vmem>>
    %dma_start3A_82 = tpu.memref_squeeze %dma_start3A_81 : memref<1x64xi32, #tpu.memory_space<vmem>> -> memref<64xi32, #tpu.memory_space<vmem>>
    %dma_start3A_83 = tpu.memref_slice %arg3[%add3A_78] : memref<655360xi32, #tpu.memory_space<hbm>> -> memref<64xi32, #tpu.memory_space<hbm>>
    %dma_start3A_84 = arith.constant 0 : i32
    %dma_start3A_85 = tpu.memref_slice %arg6[%dma_start3A_79, %dma_start3A_84] : memref<8x64xi32, #tpu.memory_space<vmem>> -> memref<1x64xi32, #tpu.memory_space<vmem>>
    %dma_start3A_86 = tpu.memref_squeeze %dma_start3A_85 : memref<1x64xi32, #tpu.memory_space<vmem>> -> memref<64xi32, #tpu.memory_space<vmem>>
    %dma_start3A_87 = tpu.memref_slice %arg3[%add3A_78] : memref<655360xi32, #tpu.memory_space<hbm>> -> memref<64xi32, #tpu.memory_space<hbm>>
    tpu.enqueue_dma source(%dma_start3A_87 : memref<64xi32, #tpu.memory_space<hbm>>) target(%dma_start3A_86 : memref<64xi32, #tpu.memory_space<vmem>>) target_semaphore(%arg14 : memref<!tpu.dma_semaphore, #tpu.memory_space<semaphore_mem>>)
    %dma_start3A_88 = arith.constant 3 : i32
    %dma_start3A_89 = arith.constant 0 : i32
    %dma_start3A_90 = tpu.memref_slice %arg7[%dma_start3A_88, %dma_start3A_89] : memref<8x64xi32, #tpu.memory_space<vmem>> -> memref<1x64xi32, #tpu.memory_space<vmem>>
    %dma_start3A_91 = tpu.memref_squeeze %dma_start3A_90 : memref<1x64xi32, #tpu.memory_space<vmem>> -> memref<64xi32, #tpu.memory_space<vmem>>
    %dma_start3A_92 = tpu.memref_slice %arg4[%add3A_78] : memref<655360xi32, #tpu.memory_space<hbm>> -> memref<64xi32, #tpu.memory_space<hbm>>
    %dma_start3A_93 = arith.constant 0 : i32
    %dma_start3A_94 = tpu.memref_slice %arg7[%dma_start3A_88, %dma_start3A_93] : memref<8x64xi32, #tpu.memory_space<vmem>> -> memref<1x64xi32, #tpu.memory_space<vmem>>
    %dma_start3A_95 = tpu.memref_squeeze %dma_start3A_94 : memref<1x64xi32, #tpu.memory_space<vmem>> -> memref<64xi32, #tpu.memory_space<vmem>>
    %dma_start3A_96 = tpu.memref_slice %arg4[%add3A_78] : memref<655360xi32, #tpu.memory_space<hbm>> -> memref<64xi32, #tpu.memory_space<hbm>>
    tpu.enqueue_dma source(%dma_start3A_96 : memref<64xi32, #tpu.memory_space<hbm>>) target(%dma_start3A_95 : memref<64xi32, #tpu.memory_space<vmem>>) target_semaphore(%arg14 : memref<!tpu.dma_semaphore, #tpu.memory_space<semaphore_mem>>)
    %add3A_97 = arith.constant 256 : i32
    %add3A_98 = arith.addi %add3A_17, %add3A_97 : i32
    %dma_start3A_99 = arith.constant 4 : i32
    %dma_start3A_100 = arith.constant 0 : i32
    %dma_start3A_101 = tpu.memref_slice %arg6[%dma_start3A_99, %dma_start3A_100] : memref<8x64xi32, #tpu.memory_space<vmem>> -> memref<1x64xi32, #tpu.memory_space<vmem>>
    %dma_start3A_102 = tpu.memref_squeeze %dma_start3A_101 : memref<1x64xi32, #tpu.memory_space<vmem>> -> memref<64xi32, #tpu.memory_space<vmem>>
    %dma_start3A_103 = tpu.memref_slice %arg3[%add3A_98] : memref<655360xi32, #tpu.memory_space<hbm>> -> memref<64xi32, #tpu.memory_space<hbm>>
    %dma_start3A_104 = arith.constant 0 : i32
    %dma_start3A_105 = tpu.memref_slice %arg6[%dma_start3A_99, %dma_start3A_104] : memref<8x64xi32, #tpu.memory_space<vmem>> -> memref<1x64xi32, #tpu.memory_space<vmem>>
    %dma_start3A_106 = tpu.memref_squeeze %dma_start3A_105 : memref<1x64xi32, #tpu.memory_space<vmem>> -> memref<64xi32, #tpu.memory_space<vmem>>
    %dma_start3A_107 = tpu.memref_slice %arg3[%add3A_98] : memref<655360xi32, #tpu.memory_space<hbm>> -> memref<64xi32, #tpu.memory_space<hbm>>
    tpu.enqueue_dma source(%dma_start3A_107 : memref<64xi32, #tpu.memory_space<hbm>>) target(%dma_start3A_106 : memref<64xi32, #tpu.memory_space<vmem>>) target_semaphore(%arg15 : memref<!tpu.dma_semaphore, #tpu.memory_space<semaphore_mem>>)
    %dma_start3A_108 = arith.constant 4 : i32
    %dma_start3A_109 = arith.constant 0 : i32
    %dma_start3A_110 = tpu.memref_slice %arg7[%dma_start3A_108, %dma_start3A_109] : memref<8x64xi32, #tpu.memory_space<vmem>> -> memref<1x64xi32, #tpu.memory_space<vmem>>
    %dma_start3A_111 = tpu.memref_squeeze %dma_start3A_110 : memref<1x64xi32, #tpu.memory_space<vmem>> -> memref<64xi32, #tpu.memory_space<vmem>>
    %dma_start3A_112 = tpu.memref_slice %arg4[%add3A_98] : memref<655360xi32, #tpu.memory_space<hbm>> -> memref<64xi32, #tpu.memory_space<hbm>>
    %dma_start3A_113 = arith.constant 0 : i32
    %dma_start3A_114 = tpu.memref_slice %arg7[%dma_start3A_108, %dma_start3A_113] : memref<8x64xi32, #tpu.memory_space<vmem>> -> memref<1x64xi32, #tpu.memory_space<vmem>>
    %dma_start3A_115 = tpu.memref_squeeze %dma_start3A_114 : memref<1x64xi32, #tpu.memory_space<vmem>> -> memref<64xi32, #tpu.memory_space<vmem>>
    %dma_start3A_116 = tpu.memref_slice %arg4[%add3A_98] : memref<655360xi32, #tpu.memory_space<hbm>> -> memref<64xi32, #tpu.memory_space<hbm>>
    tpu.enqueue_dma source(%dma_start3A_116 : memref<64xi32, #tpu.memory_space<hbm>>) target(%dma_start3A_115 : memref<64xi32, #tpu.memory_space<vmem>>) target_semaphore(%arg15 : memref<!tpu.dma_semaphore, #tpu.memory_space<semaphore_mem>>)
    %add3A_117 = arith.constant 320 : i32
    %add3A_118 = arith.addi %add3A_17, %add3A_117 : i32
    %dma_start3A_119 = arith.constant 5 : i32
    %dma_start3A_120 = arith.constant 0 : i32
    %dma_start3A_121 = tpu.memref_slice %arg6[%dma_start3A_119, %dma_start3A_120] : memref<8x64xi32, #tpu.memory_space<vmem>> -> memref<1x64xi32, #tpu.memory_space<vmem>>
    %dma_start3A_122 = tpu.memref_squeeze %dma_start3A_121 : memref<1x64xi32, #tpu.memory_space<vmem>> -> memref<64xi32, #tpu.memory_space<vmem>>
    %dma_start3A_123 = tpu.memref_slice %arg3[%add3A_118] : memref<655360xi32, #tpu.memory_space<hbm>> -> memref<64xi32, #tpu.memory_space<hbm>>
    %dma_start3A_124 = arith.constant 0 : i32
    %dma_start3A_125 = tpu.memref_slice %arg6[%dma_start3A_119, %dma_start3A_124] : memref<8x64xi32, #tpu.memory_space<vmem>> -> memref<1x64xi32, #tpu.memory_space<vmem>>
    %dma_start3A_126 = tpu.memref_squeeze %dma_start3A_125 : memref<1x64xi32, #tpu.memory_space<vmem>> -> memref<64xi32, #tpu.memory_space<vmem>>
    %dma_start3A_127 = tpu.memref_slice %arg3[%add3A_118] : memref<655360xi32, #tpu.memory_space<hbm>> -> memref<64xi32, #tpu.memory_space<hbm>>
    tpu.enqueue_dma source(%dma_start3A_127 : memref<64xi32, #tpu.memory_space<hbm>>) target(%dma_start3A_126 : memref<64xi32, #tpu.memory_space<vmem>>) target_semaphore(%arg16 : memref<!tpu.dma_semaphore, #tpu.memory_space<semaphore_mem>>)
    %dma_start3A_128 = arith.constant 5 : i32
    %dma_start3A_129 = arith.constant 0 : i32
    %dma_start3A_130 = tpu.memref_slice %arg7[%dma_start3A_128, %dma_start3A_129] : memref<8x64xi32, #tpu.memory_space<vmem>> -> memref<1x64xi32, #tpu.memory_space<vmem>>
    %dma_start3A_131 = tpu.memref_squeeze %dma_start3A_130 : memref<1x64xi32, #tpu.memory_space<vmem>> -> memref<64xi32, #tpu.memory_space<vmem>>
    %dma_start3A_132 = tpu.memref_slice %arg4[%add3A_118] : memref<655360xi32, #tpu.memory_space<hbm>> -> memref<64xi32, #tpu.memory_space<hbm>>
    %dma_start3A_133 = arith.constant 0 : i32
    %dma_start3A_134 = tpu.memref_slice %arg7[%dma_start3A_128, %dma_start3A_133] : memref<8x64xi32, #tpu.memory_space<vmem>> -> memref<1x64xi32, #tpu.memory_space<vmem>>
    %dma_start3A_135 = tpu.memref_squeeze %dma_start3A_134 : memref<1x64xi32, #tpu.memory_space<vmem>> -> memref<64xi32, #tpu.memory_space<vmem>>
    %dma_start3A_136 = tpu.memref_slice %arg4[%add3A_118] : memref<655360xi32, #tpu.memory_space<hbm>> -> memref<64xi32, #tpu.memory_space<hbm>>
    tpu.enqueue_dma source(%dma_start3A_136 : memref<64xi32, #tpu.memory_space<hbm>>) target(%dma_start3A_135 : memref<64xi32, #tpu.memory_space<vmem>>) target_semaphore(%arg16 : memref<!tpu.dma_semaphore, #tpu.memory_space<semaphore_mem>>)
    %add3A_137 = arith.constant 384 : i32
    %add3A_138 = arith.addi %add3A_17, %add3A_137 : i32
    %dma_start3A_139 = arith.constant 6 : i32
    %dma_start3A_140 = arith.constant 0 : i32
    %dma_start3A_141 = tpu.memref_slice %arg6[%dma_start3A_139, %dma_start3A_140] : memref<8x64xi32, #tpu.memory_space<vmem>> -> memref<1x64xi32, #tpu.memory_space<vmem>>
    %dma_start3A_142 = tpu.memref_squeeze %dma_start3A_141 : memref<1x64xi32, #tpu.memory_space<vmem>> -> memref<64xi32, #tpu.memory_space<vmem>>
    %dma_start3A_143 = tpu.memref_slice %arg3[%add3A_138] : memref<655360xi32, #tpu.memory_space<hbm>> -> memref<64xi32, #tpu.memory_space<hbm>>
    %dma_start3A_144 = arith.constant 0 : i32
    %dma_start3A_145 = tpu.memref_slice %arg6[%dma_start3A_139, %dma_start3A_144] : memref<8x64xi32, #tpu.memory_space<vmem>> -> memref<1x64xi32, #tpu.memory_space<vmem>>
    %dma_start3A_146 = tpu.memref_squeeze %dma_start3A_145 : memref<1x64xi32, #tpu.memory_space<vmem>> -> memref<64xi32, #tpu.memory_space<vmem>>
    %dma_start3A_147 = tpu.memref_slice %arg3[%add3A_138] : memref<655360xi32, #tpu.memory_space<hbm>> -> memref<64xi32, #tpu.memory_space<hbm>>
    tpu.enqueue_dma source(%dma_start3A_147 : memref<64xi32, #tpu.memory_space<hbm>>) target(%dma_start3A_146 : memref<64xi32, #tpu.memory_space<vmem>>) target_semaphore(%arg17 : memref<!tpu.dma_semaphore, #tpu.memory_space<semaphore_mem>>)
    %dma_start3A_148 = arith.constant 6 : i32
    %dma_start3A_149 = arith.constant 0 : i32
    %dma_start3A_150 = tpu.memref_slice %arg7[%dma_start3A_148, %dma_start3A_149] : memref<8x64xi32, #tpu.memory_space<vmem>> -> memref<1x64xi32, #tpu.memory_space<vmem>>
    %dma_start3A_151 = tpu.memref_squeeze %dma_start3A_150 : memref<1x64xi32, #tpu.memory_space<vmem>> -> memref<64xi32, #tpu.memory_space<vmem>>
    %dma_start3A_152 = tpu.memref_slice %arg4[%add3A_138] : memref<655360xi32, #tpu.memory_space<hbm>> -> memref<64xi32, #tpu.memory_space<hbm>>
    %dma_start3A_153 = arith.constant 0 : i32
    %dma_start3A_154 = tpu.memref_slice %arg7[%dma_start3A_148, %dma_start3A_153] : memref<8x64xi32, #tpu.memory_space<vmem>> -> memref<1x64xi32, #tpu.memory_space<vmem>>
    %dma_start3A_155 = tpu.memref_squeeze %dma_start3A_154 : memref<1x64xi32, #tpu.memory_space<vmem>> -> memref<64xi32, #tpu.memory_space<vmem>>
    %dma_start3A_156 = tpu.memref_slice %arg4[%add3A_138] : memref<655360xi32, #tpu.memory_space<hbm>> -> memref<64xi32, #tpu.memory_space<hbm>>
    tpu.enqueue_dma source(%dma_start3A_156 : memref<64xi32, #tpu.memory_space<hbm>>) target(%dma_start3A_155 : memref<64xi32, #tpu.memory_space<vmem>>) target_semaphore(%arg17 : memref<!tpu.dma_semaphore, #tpu.memory_space<semaphore_mem>>)
    %add3A_157 = arith.constant 448 : i32
    %add3A_158 = arith.addi %add3A_17, %add3A_157 : i32
    %dma_start3A_159 = arith.constant 7 : i32
    %dma_start3A_160 = arith.constant 0 : i32
    %dma_start3A_161 = tpu.memref_slice %arg6[%dma_start3A_159, %dma_start3A_160] : memref<8x64xi32, #tpu.memory_space<vmem>> -> memref<1x64xi32, #tpu.memory_space<vmem>>
    %dma_start3A_162 = tpu.memref_squeeze %dma_start3A_161 : memref<1x64xi32, #tpu.memory_space<vmem>> -> memref<64xi32, #tpu.memory_space<vmem>>
    %dma_start3A_163 = tpu.memref_slice %arg3[%add3A_158] : memref<655360xi32, #tpu.memory_space<hbm>> -> memref<64xi32, #tpu.memory_space<hbm>>
    %dma_start3A_164 = arith.constant 0 : i32
    %dma_start3A_165 = tpu.memref_slice %arg6[%dma_start3A_159, %dma_start3A_164] : memref<8x64xi32, #tpu.memory_space<vmem>> -> memref<1x64xi32, #tpu.memory_space<vmem>>
    %dma_start3A_166 = tpu.memref_squeeze %dma_start3A_165 : memref<1x64xi32, #tpu.memory_space<vmem>> -> memref<64xi32, #tpu.memory_space<vmem>>
    %dma_start3A_167 = tpu.memref_slice %arg3[%add3A_158] : memref<655360xi32, #tpu.memory_space<hbm>> -> memref<64xi32, #tpu.memory_space<hbm>>
    tpu.enqueue_dma source(%dma_start3A_167 : memref<64xi32, #tpu.memory_space<hbm>>) target(%dma_start3A_166 : memref<64xi32, #tpu.memory_space<vmem>>) target_semaphore(%arg18 : memref<!tpu.dma_semaphore, #tpu.memory_space<semaphore_mem>>)
    %dma_start3A_168 = arith.constant 7 : i32
    %dma_start3A_169 = arith.constant 0 : i32
    %dma_start3A_170 = tpu.memref_slice %arg7[%dma_start3A_168, %dma_start3A_169] : memref<8x64xi32, #tpu.memory_space<vmem>> -> memref<1x64xi32, #tpu.memory_space<vmem>>
    %dma_start3A_171 = tpu.memref_squeeze %dma_start3A_170 : memref<1x64xi32, #tpu.memory_space<vmem>> -> memref<64xi32, #tpu.memory_space<vmem>>
    %dma_start3A_172 = tpu.memref_slice %arg4[%add3A_158] : memref<655360xi32, #tpu.memory_space<hbm>> -> memref<64xi32, #tpu.memory_space<hbm>>
    %dma_start3A_173 = arith.constant 0 : i32
    %dma_start3A_174 = tpu.memref_slice %arg7[%dma_start3A_168, %dma_start3A_173] : memref<8x64xi32, #tpu.memory_space<vmem>> -> memref<1x64xi32, #tpu.memory_space<vmem>>
    %dma_start3A_175 = tpu.memref_squeeze %dma_start3A_174 : memref<1x64xi32, #tpu.memory_space<vmem>> -> memref<64xi32, #tpu.memory_space<vmem>>
    %dma_start3A_176 = tpu.memref_slice %arg4[%add3A_158] : memref<655360xi32, #tpu.memory_space<hbm>> -> memref<64xi32, #tpu.memory_space<hbm>>
    tpu.enqueue_dma source(%dma_start3A_176 : memref<64xi32, #tpu.memory_space<hbm>>) target(%dma_start3A_175 : memref<64xi32, #tpu.memory_space<vmem>>) target_semaphore(%arg18 : memref<!tpu.dma_semaphore, #tpu.memory_space<semaphore_mem>>)
    %dma_wait3A = arith.constant 0 : i32
    %dma_wait3A_177 = arith.constant 0 : i32
    %dma_wait3A_178 = tpu.memref_slice %arg6[%dma_wait3A, %dma_wait3A_177] : memref<8x64xi32, #tpu.memory_space<vmem>> -> memref<1x64xi32, #tpu.memory_space<vmem>>
    %dma_wait3A_179 = tpu.memref_squeeze %dma_wait3A_178 : memref<1x64xi32, #tpu.memory_space<vmem>> -> memref<64xi32, #tpu.memory_space<vmem>>
    %dma_wait3A_180 = arith.constant 0 : i32
    %dma_wait3A_181 = tpu.memref_slice %arg3[%dma_wait3A_180] : memref<655360xi32, #tpu.memory_space<hbm>> -> memref<64xi32, #tpu.memory_space<hbm>>
    %dma_wait3A_182 = arith.constant 0 : i32
    %dma_wait3A_183 = tpu.memref_slice %arg6[%dma_wait3A, %dma_wait3A_182] : memref<8x64xi32, #tpu.memory_space<vmem>> -> memref<1x64xi32, #tpu.memory_space<vmem>>
    %dma_wait3A_184 = tpu.memref_squeeze %dma_wait3A_183 : memref<1x64xi32, #tpu.memory_space<vmem>> -> memref<64xi32, #tpu.memory_space<vmem>>
    %dma_wait3A_185 = arith.constant 0 : i32
    %dma_wait3A_186 = tpu.memref_slice %arg3[%dma_wait3A_185] : memref<655360xi32, #tpu.memory_space<hbm>> -> memref<64xi32, #tpu.memory_space<hbm>>
    tpu.wait_dma2 semaphore(%arg11 : memref<!tpu.dma_semaphore, #tpu.memory_space<semaphore_mem>>) src(%dma_wait3A_186 : memref<64xi32, #tpu.memory_space<hbm>>) dst(%dma_wait3A_184 : memref<64xi32, #tpu.memory_space<vmem>>)
    %dma_wait3A_187 = arith.constant 0 : i32
    %dma_wait3A_188 = arith.constant 0 : i32
    %dma_wait3A_189 = tpu.memref_slice %arg7[%dma_wait3A_187, %dma_wait3A_188] : memref<8x64xi32, #tpu.memory_space<vmem>> -> memref<1x64xi32, #tpu.memory_space<vmem>>
    %dma_wait3A_190 = tpu.memref_squeeze %dma_wait3A_189 : memref<1x64xi32, #tpu.memory_space<vmem>> -> memref<64xi32, #tpu.memory_space<vmem>>
    %dma_wait3A_191 = arith.constant 0 : i32
    %dma_wait3A_192 = tpu.memref_slice %arg4[%dma_wait3A_191] : memref<655360xi32, #tpu.memory_space<hbm>> -> memref<64xi32, #tpu.memory_space<hbm>>
    %dma_wait3A_193 = arith.constant 0 : i32
    %dma_wait3A_194 = tpu.memref_slice %arg7[%dma_wait3A_187, %dma_wait3A_193] : memref<8x64xi32, #tpu.memory_space<vmem>> -> memref<1x64xi32, #tpu.memory_space<vmem>>
    %dma_wait3A_195 = tpu.memref_squeeze %dma_wait3A_194 : memref<1x64xi32, #tpu.memory_space<vmem>> -> memref<64xi32, #tpu.memory_space<vmem>>
    %dma_wait3A_196 = arith.constant 0 : i32
    %dma_wait3A_197 = tpu.memref_slice %arg4[%dma_wait3A_196] : memref<655360xi32, #tpu.memory_space<hbm>> -> memref<64xi32, #tpu.memory_space<hbm>>
    tpu.wait_dma2 semaphore(%arg11 : memref<!tpu.dma_semaphore, #tpu.memory_space<semaphore_mem>>) src(%dma_wait3A_197 : memref<64xi32, #tpu.memory_space<hbm>>) dst(%dma_wait3A_195 : memref<64xi32, #tpu.memory_space<vmem>>)
    %dma_start3A_198 = arith.constant 0 : i32
    %dma_start3A_199 = arith.constant 0 : i32
    %dma_start3A_200 = arith.constant 0 : i32
    %dma_start3A_201 = tpu.memref_slice %arg8[%dma_start3A_199, %dma_start3A_200] : memref<128x128xf32, #tpu.memory_space<vmem>> -> memref<64x128xf32, #tpu.memory_space<vmem>>
    %dma_start3A_202 = arith.constant 0 : i32
    %dma_start3A_203 = tpu.memref_slice %arg6[%dma_start3A_198, %dma_start3A_202] : memref<8x64xi32, #tpu.memory_space<vmem>> -> memref<1x64xi32, #tpu.memory_space<vmem>>
    %dma_start3A_204 = tpu.memref_squeeze %dma_start3A_203 : memref<1x64xi32, #tpu.memory_space<vmem>> -> memref<64xi32, #tpu.memory_space<vmem>>
    %dma_start3A_205 = arith.constant 0 : i32
    %dma_start3A_206 = arith.constant 0 : i32
    %dma_start3A_207 = tpu.memref_slice %arg2[%dma_start3A_205, %dma_start3A_206] : memref<20000x128xf32, #tpu.memory_space<hbm>> -> memref<20000x128xf32, #tpu.memory_space<hbm>>
    tpu.enqueue_indirect_dma source(%dma_start3A_207 : memref<20000x128xf32, #tpu.memory_space<hbm>>) target(%dma_start3A_201 : memref<64x128xf32, #tpu.memory_space<vmem>>) offsets(%dma_start3A_204 : memref<64xi32, #tpu.memory_space<vmem>>) semaphore(%arg19 : memref<!tpu.dma_semaphore, #tpu.memory_space<semaphore_mem>>)
    %dma_wait3A_208 = arith.constant 1 : i32
    %dma_wait3A_209 = arith.constant 0 : i32
    %dma_wait3A_210 = tpu.memref_slice %arg6[%dma_wait3A_208, %dma_wait3A_209] : memref<8x64xi32, #tpu.memory_space<vmem>> -> memref<1x64xi32, #tpu.memory_space<vmem>>
    %dma_wait3A_211 = tpu.memref_squeeze %dma_wait3A_210 : memref<1x64xi32, #tpu.memory_space<vmem>> -> memref<64xi32, #tpu.memory_space<vmem>>
    %dma_wait3A_212 = arith.constant 0 : i32
    %dma_wait3A_213 = tpu.memref_slice %arg3[%dma_wait3A_212] : memref<655360xi32, #tpu.memory_space<hbm>> -> memref<64xi32, #tpu.memory_space<hbm>>
    %dma_wait3A_214 = arith.constant 0 : i32
    %dma_wait3A_215 = tpu.memref_slice %arg6[%dma_wait3A_208, %dma_wait3A_214] : memref<8x64xi32, #tpu.memory_space<vmem>> -> memref<1x64xi32, #tpu.memory_space<vmem>>
    %dma_wait3A_216 = tpu.memref_squeeze %dma_wait3A_215 : memref<1x64xi32, #tpu.memory_space<vmem>> -> memref<64xi32, #tpu.memory_space<vmem>>
    %dma_wait3A_217 = arith.constant 0 : i32
    %dma_wait3A_218 = tpu.memref_slice %arg3[%dma_wait3A_217] : memref<655360xi32, #tpu.memory_space<hbm>> -> memref<64xi32, #tpu.memory_space<hbm>>
    tpu.wait_dma2 semaphore(%arg12 : memref<!tpu.dma_semaphore, #tpu.memory_space<semaphore_mem>>) src(%dma_wait3A_218 : memref<64xi32, #tpu.memory_space<hbm>>) dst(%dma_wait3A_216 : memref<64xi32, #tpu.memory_space<vmem>>)
    %dma_wait3A_219 = arith.constant 1 : i32
    %dma_wait3A_220 = arith.constant 0 : i32
    %dma_wait3A_221 = tpu.memref_slice %arg7[%dma_wait3A_219, %dma_wait3A_220] : memref<8x64xi32, #tpu.memory_space<vmem>> -> memref<1x64xi32, #tpu.memory_space<vmem>>
    %dma_wait3A_222 = tpu.memref_squeeze %dma_wait3A_221 : memref<1x64xi32, #tpu.memory_space<vmem>> -> memref<64xi32, #tpu.memory_space<vmem>>
    %dma_wait3A_223 = arith.constant 0 : i32
    %dma_wait3A_224 = tpu.memref_slice %arg4[%dma_wait3A_223] : memref<655360xi32, #tpu.memory_space<hbm>> -> memref<64xi32, #tpu.memory_space<hbm>>
    %dma_wait3A_225 = arith.constant 0 : i32
    %dma_wait3A_226 = tpu.memref_slice %arg7[%dma_wait3A_219, %dma_wait3A_225] : memref<8x64xi32, #tpu.memory_space<vmem>> -> memref<1x64xi32, #tpu.memory_space<vmem>>
    %dma_wait3A_227 = tpu.memref_squeeze %dma_wait3A_226 : memref<1x64xi32, #tpu.memory_space<vmem>> -> memref<64xi32, #tpu.memory_space<vmem>>
    %dma_wait3A_228 = arith.constant 0 : i32
    %dma_wait3A_229 = tpu.memref_slice %arg4[%dma_wait3A_228] : memref<655360xi32, #tpu.memory_space<hbm>> -> memref<64xi32, #tpu.memory_space<hbm>>
    tpu.wait_dma2 semaphore(%arg12 : memref<!tpu.dma_semaphore, #tpu.memory_space<semaphore_mem>>) src(%dma_wait3A_229 : memref<64xi32, #tpu.memory_space<hbm>>) dst(%dma_wait3A_227 : memref<64xi32, #tpu.memory_space<vmem>>)
    %dma_start3A_230 = arith.constant 1 : i32
    %dma_start3A_231 = arith.constant 64 : i32
    %dma_start3A_232 = arith.constant 0 : i32
    %dma_start3A_233 = tpu.memref_slice %arg8[%dma_start3A_231, %dma_start3A_232] : memref<128x128xf32, #tpu.memory_space<vmem>> -> memref<64x128xf32, #tpu.memory_space<vmem>>
    %dma_start3A_234 = arith.constant 0 : i32
    %dma_start3A_235 = tpu.memref_slice %arg6[%dma_start3A_230, %dma_start3A_234] : memref<8x64xi32, #tpu.memory_space<vmem>> -> memref<1x64xi32, #tpu.memory_space<vmem>>
    %dma_start3A_236 = tpu.memref_squeeze %dma_start3A_235 : memref<1x64xi32, #tpu.memory_space<vmem>> -> memref<64xi32, #tpu.memory_space<vmem>>
    %dma_start3A_237 = arith.constant 0 : i32
    %dma_start3A_238 = arith.constant 0 : i32
    %dma_start3A_239 = tpu.memref_slice %arg2[%dma_start3A_237, %dma_start3A_238] : memref<20000x128xf32, #tpu.memory_space<hbm>> -> memref<20000x128xf32, #tpu.memory_space<hbm>>
    tpu.enqueue_indirect_dma source(%dma_start3A_239 : memref<20000x128xf32, #tpu.memory_space<hbm>>) target(%dma_start3A_233 : memref<64x128xf32, #tpu.memory_space<vmem>>) offsets(%dma_start3A_236 : memref<64xi32, #tpu.memory_space<vmem>>) semaphore(%arg20 : memref<!tpu.dma_semaphore, #tpu.memory_space<semaphore_mem>>)
    %dma_wait3A_240 = arith.constant 2 : i32
    %dma_wait3A_241 = arith.constant 0 : i32
    %dma_wait3A_242 = tpu.memref_slice %arg6[%dma_wait3A_240, %dma_wait3A_241] : memref<8x64xi32, #tpu.memory_space<vmem>> -> memref<1x64xi32, #tpu.memory_space<vmem>>
    %dma_wait3A_243 = tpu.memref_squeeze %dma_wait3A_242 : memref<1x64xi32, #tpu.memory_space<vmem>> -> memref<64xi32, #tpu.memory_space<vmem>>
    %dma_wait3A_244 = arith.constant 0 : i32
    %dma_wait3A_245 = tpu.memref_slice %arg3[%dma_wait3A_244] : memref<655360xi32, #tpu.memory_space<hbm>> -> memref<64xi32, #tpu.memory_space<hbm>>
    %dma_wait3A_246 = arith.constant 0 : i32
    %dma_wait3A_247 = tpu.memref_slice %arg6[%dma_wait3A_240, %dma_wait3A_246] : memref<8x64xi32, #tpu.memory_space<vmem>> -> memref<1x64xi32, #tpu.memory_space<vmem>>
    %dma_wait3A_248 = tpu.memref_squeeze %dma_wait3A_247 : memref<1x64xi32, #tpu.memory_space<vmem>> -> memref<64xi32, #tpu.memory_space<vmem>>
    %dma_wait3A_249 = arith.constant 0 : i32
    %dma_wait3A_250 = tpu.memref_slice %arg3[%dma_wait3A_249] : memref<655360xi32, #tpu.memory_space<hbm>> -> memref<64xi32, #tpu.memory_space<hbm>>
    tpu.wait_dma2 semaphore(%arg13 : memref<!tpu.dma_semaphore, #tpu.memory_space<semaphore_mem>>) src(%dma_wait3A_250 : memref<64xi32, #tpu.memory_space<hbm>>) dst(%dma_wait3A_248 : memref<64xi32, #tpu.memory_space<vmem>>)
    %dma_wait3A_251 = arith.constant 2 : i32
    %dma_wait3A_252 = arith.constant 0 : i32
    %dma_wait3A_253 = tpu.memref_slice %arg7[%dma_wait3A_251, %dma_wait3A_252] : memref<8x64xi32, #tpu.memory_space<vmem>> -> memref<1x64xi32, #tpu.memory_space<vmem>>
    %dma_wait3A_254 = tpu.memref_squeeze %dma_wait3A_253 : memref<1x64xi32, #tpu.memory_space<vmem>> -> memref<64xi32, #tpu.memory_space<vmem>>
    %dma_wait3A_255 = arith.constant 0 : i32
    %dma_wait3A_256 = tpu.memref_slice %arg4[%dma_wait3A_255] : memref<655360xi32, #tpu.memory_space<hbm>> -> memref<64xi32, #tpu.memory_space<hbm>>
    %dma_wait3A_257 = arith.constant 0 : i32
    %dma_wait3A_258 = tpu.memref_slice %arg7[%dma_wait3A_251, %dma_wait3A_257] : memref<8x64xi32, #tpu.memory_space<vmem>> -> memref<1x64xi32, #tpu.memory_space<vmem>>
    %dma_wait3A_259 = tpu.memref_squeeze %dma_wait3A_258 : memref<1x64xi32, #tpu.memory_space<vmem>> -> memref<64xi32, #tpu.memory_space<vmem>>
    %dma_wait3A_260 = arith.constant 0 : i32
    %dma_wait3A_261 = tpu.memref_slice %arg4[%dma_wait3A_260] : memref<655360xi32, #tpu.memory_space<hbm>> -> memref<64xi32, #tpu.memory_space<hbm>>
    tpu.wait_dma2 semaphore(%arg13 : memref<!tpu.dma_semaphore, #tpu.memory_space<semaphore_mem>>) src(%dma_wait3A_261 : memref<64xi32, #tpu.memory_space<hbm>>) dst(%dma_wait3A_259 : memref<64xi32, #tpu.memory_space<vmem>>)
    %dma_start3A_262 = arith.constant 2 : i32
    %dma_start3A_263 = arith.constant 0 : i32
    %dma_start3A_264 = arith.constant 0 : i32
    %dma_start3A_265 = tpu.memref_slice %arg9[%dma_start3A_263, %dma_start3A_264] : memref<128x128xf32, #tpu.memory_space<vmem>> -> memref<64x128xf32, #tpu.memory_space<vmem>>
    %dma_start3A_266 = arith.constant 0 : i32
    %dma_start3A_267 = tpu.memref_slice %arg6[%dma_start3A_262, %dma_start3A_266] : memref<8x64xi32, #tpu.memory_space<vmem>> -> memref<1x64xi32, #tpu.memory_space<vmem>>
    %dma_start3A_268 = tpu.memref_squeeze %dma_start3A_267 : memref<1x64xi32, #tpu.memory_space<vmem>> -> memref<64xi32, #tpu.memory_space<vmem>>
    %dma_start3A_269 = arith.constant 0 : i32
    %dma_start3A_270 = arith.constant 0 : i32
    %dma_start3A_271 = tpu.memref_slice %arg2[%dma_start3A_269, %dma_start3A_270] : memref<20000x128xf32, #tpu.memory_space<hbm>> -> memref<20000x128xf32, #tpu.memory_space<hbm>>
    tpu.enqueue_indirect_dma source(%dma_start3A_271 : memref<20000x128xf32, #tpu.memory_space<hbm>>) target(%dma_start3A_265 : memref<64x128xf32, #tpu.memory_space<vmem>>) offsets(%dma_start3A_268 : memref<64xi32, #tpu.memory_space<vmem>>) semaphore(%arg21 : memref<!tpu.dma_semaphore, #tpu.memory_space<semaphore_mem>>)
    %dma_wait3A_272 = arith.constant 3 : i32
    %dma_wait3A_273 = arith.constant 0 : i32
    %dma_wait3A_274 = tpu.memref_slice %arg6[%dma_wait3A_272, %dma_wait3A_273] : memref<8x64xi32, #tpu.memory_space<vmem>> -> memref<1x64xi32, #tpu.memory_space<vmem>>
    %dma_wait3A_275 = tpu.memref_squeeze %dma_wait3A_274 : memref<1x64xi32, #tpu.memory_space<vmem>> -> memref<64xi32, #tpu.memory_space<vmem>>
    %dma_wait3A_276 = arith.constant 0 : i32
    %dma_wait3A_277 = tpu.memref_slice %arg3[%dma_wait3A_276] : memref<655360xi32, #tpu.memory_space<hbm>> -> memref<64xi32, #tpu.memory_space<hbm>>
    %dma_wait3A_278 = arith.constant 0 : i32
    %dma_wait3A_279 = tpu.memref_slice %arg6[%dma_wait3A_272, %dma_wait3A_278] : memref<8x64xi32, #tpu.memory_space<vmem>> -> memref<1x64xi32, #tpu.memory_space<vmem>>
    %dma_wait3A_280 = tpu.memref_squeeze %dma_wait3A_279 : memref<1x64xi32, #tpu.memory_space<vmem>> -> memref<64xi32, #tpu.memory_space<vmem>>
    %dma_wait3A_281 = arith.constant 0 : i32
    %dma_wait3A_282 = tpu.memref_slice %arg3[%dma_wait3A_281] : memref<655360xi32, #tpu.memory_space<hbm>> -> memref<64xi32, #tpu.memory_space<hbm>>
    tpu.wait_dma2 semaphore(%arg14 : memref<!tpu.dma_semaphore, #tpu.memory_space<semaphore_mem>>) src(%dma_wait3A_282 : memref<64xi32, #tpu.memory_space<hbm>>) dst(%dma_wait3A_280 : memref<64xi32, #tpu.memory_space<vmem>>)
    %dma_wait3A_283 = arith.constant 3 : i32
    %dma_wait3A_284 = arith.constant 0 : i32
    %dma_wait3A_285 = tpu.memref_slice %arg7[%dma_wait3A_283, %dma_wait3A_284] : memref<8x64xi32, #tpu.memory_space<vmem>> -> memref<1x64xi32, #tpu.memory_space<vmem>>
    %dma_wait3A_286 = tpu.memref_squeeze %dma_wait3A_285 : memref<1x64xi32, #tpu.memory_space<vmem>> -> memref<64xi32, #tpu.memory_space<vmem>>
    %dma_wait3A_287 = arith.constant 0 : i32
    %dma_wait3A_288 = tpu.memref_slice %arg4[%dma_wait3A_287] : memref<655360xi32, #tpu.memory_space<hbm>> -> memref<64xi32, #tpu.memory_space<hbm>>
    %dma_wait3A_289 = arith.constant 0 : i32
    %dma_wait3A_290 = tpu.memref_slice %arg7[%dma_wait3A_283, %dma_wait3A_289] : memref<8x64xi32, #tpu.memory_space<vmem>> -> memref<1x64xi32, #tpu.memory_space<vmem>>
    %dma_wait3A_291 = tpu.memref_squeeze %dma_wait3A_290 : memref<1x64xi32, #tpu.memory_space<vmem>> -> memref<64xi32, #tpu.memory_space<vmem>>
    %dma_wait3A_292 = arith.constant 0 : i32
    %dma_wait3A_293 = tpu.memref_slice %arg4[%dma_wait3A_292] : memref<655360xi32, #tpu.memory_space<hbm>> -> memref<64xi32, #tpu.memory_space<hbm>>
    tpu.wait_dma2 semaphore(%arg14 : memref<!tpu.dma_semaphore, #tpu.memory_space<semaphore_mem>>) src(%dma_wait3A_293 : memref<64xi32, #tpu.memory_space<hbm>>) dst(%dma_wait3A_291 : memref<64xi32, #tpu.memory_space<vmem>>)
    %dma_start3A_294 = arith.constant 3 : i32
    %dma_start3A_295 = arith.constant 64 : i32
    %dma_start3A_296 = arith.constant 0 : i32
    %dma_start3A_297 = tpu.memref_slice %arg9[%dma_start3A_295, %dma_start3A_296] : memref<128x128xf32, #tpu.memory_space<vmem>> -> memref<64x128xf32, #tpu.memory_space<vmem>>
    %dma_start3A_298 = arith.constant 0 : i32
    %dma_start3A_299 = tpu.memref_slice %arg6[%dma_start3A_294, %dma_start3A_298] : memref<8x64xi32, #tpu.memory_space<vmem>> -> memref<1x64xi32, #tpu.memory_space<vmem>>
    %dma_start3A_300 = tpu.memref_squeeze %dma_start3A_299 : memref<1x64xi32, #tpu.memory_space<vmem>> -> memref<64xi32, #tpu.memory_space<vmem>>
    %dma_start3A_301 = arith.constant 0 : i32
    %dma_start3A_302 = arith.constant 0 : i32
    %dma_start3A_303 = tpu.memref_slice %arg2[%dma_start3A_301, %dma_start3A_302] : memref<20000x128xf32, #tpu.memory_space<hbm>> -> memref<20000x128xf32, #tpu.memory_space<hbm>>
    tpu.enqueue_indirect_dma source(%dma_start3A_303 : memref<20000x128xf32, #tpu.memory_space<hbm>>) target(%dma_start3A_297 : memref<64x128xf32, #tpu.memory_space<vmem>>) offsets(%dma_start3A_300 : memref<64xi32, #tpu.memory_space<vmem>>) semaphore(%arg22 : memref<!tpu.dma_semaphore, #tpu.memory_space<semaphore_mem>>)
    %scan3A = arith.constant 0 : i32
    %scan3A_304 = arith.constant 0 : i32
    %scan3A_305 = arith.constant 40 : i32
    %scan3A_306 = arith.addi %scan3A_304, %scan3A_305 : i32
    %scan3A_307 = arith.constant 1 : i32
    scf.for %scan3A_325 = %scan3A_304 to %scan3A_306 step %scan3A_307  : i32 {
      %mul3A_326 = arith.constant 8 : i32
      %mul3A_327 = arith.muli %mul3A_326, %scan3A_325 : i32
      %add3A_328 = arith.constant 0 : i32
      %add3A_329 = arith.addi %mul3A_327, %add3A_328 : i32
      %dma_wait3A_330 = arith.constant 0 : i32
      %dma_wait3A_331 = arith.constant 0 : i32
      %dma_wait3A_332 = arith.constant 0 : i32
      %dma_wait3A_333 = tpu.memref_slice %arg8[%dma_wait3A_331, %dma_wait3A_332] : memref<128x128xf32, #tpu.memory_space<vmem>> -> memref<64x128xf32, #tpu.memory_space<vmem>>
      %dma_wait3A_334 = arith.constant 0 : i32
      %dma_wait3A_335 = tpu.memref_slice %arg6[%dma_wait3A_330, %dma_wait3A_334] : memref<8x64xi32, #tpu.memory_space<vmem>> -> memref<1x64xi32, #tpu.memory_space<vmem>>
      %dma_wait3A_336 = tpu.memref_squeeze %dma_wait3A_335 : memref<1x64xi32, #tpu.memory_space<vmem>> -> memref<64xi32, #tpu.memory_space<vmem>>
      %dma_wait3A_337 = arith.constant 0 : i32
      %dma_wait3A_338 = arith.constant 0 : i32
      %dma_wait3A_339 = tpu.memref_slice %arg2[%dma_wait3A_337, %dma_wait3A_338] : memref<20000x128xf32, #tpu.memory_space<hbm>> -> memref<20000x128xf32, #tpu.memory_space<hbm>>
      tpu.wait_indirect_dma semaphore(%arg19 : memref<!tpu.dma_semaphore, #tpu.memory_space<semaphore_mem>>) src(%dma_wait3A_339 : memref<20000x128xf32, #tpu.memory_space<hbm>>) dst(%dma_wait3A_333 : memref<64x128xf32, #tpu.memory_space<vmem>>)
      %run_scoped3A = arith.constant 0 : i32
      "tpu.region"() ({
        %run_scoped3A_643 = tpu.sem_alloc : memref<!tpu.dma_semaphore, #tpu.memory_space<semaphore_mem>>
        %dma_start3A_644 = arith.constant 0 : i32
        %dma_start3A_645 = arith.constant 0 : i32
        %dma_start3A_646 = tpu.memref_slice %arg8[%dma_start3A_644, %dma_start3A_645] : memref<128x128xf32, #tpu.memory_space<vmem>> -> memref<64x128xf32, #tpu.memory_space<vmem>>
        %dma_start3A_647 = arith.constant 0 : i32
        %dma_start3A_648 = tpu.memref_slice %arg7[%run_scoped3A, %dma_start3A_647] : memref<8x64xi32, #tpu.memory_space<vmem>> -> memref<1x64xi32, #tpu.memory_space<vmem>>
        %dma_start3A_649 = tpu.memref_squeeze %dma_start3A_648 : memref<1x64xi32, #tpu.memory_space<vmem>> -> memref<64xi32, #tpu.memory_space<vmem>>
        %dma_start3A_650 = arith.constant 0 : i32
        %dma_start3A_651 = arith.constant 0 : i32
        %dma_start3A_652 = tpu.memref_slice %arg10[%dma_start3A_650, %dma_start3A_651] : memref<10008x128xf32, #tpu.memory_space<vmem_shared>> -> memref<10008x128xf32, #tpu.memory_space<vmem_shared>>
        tpu.enqueue_indirect_dma source(%dma_start3A_646 : memref<64x128xf32, #tpu.memory_space<vmem>>) target(%dma_start3A_652 : memref<10008x128xf32, #tpu.memory_space<vmem_shared>>) offsets(%dma_start3A_649 : memref<64xi32, #tpu.memory_space<vmem>>) semaphore(%run_scoped3A_643 : memref<!tpu.dma_semaphore, #tpu.memory_space<semaphore_mem>>) {add = true}
        %dma_wait3A_653 = arith.constant 0 : i32
        %dma_wait3A_654 = arith.constant 0 : i32
        %dma_wait3A_655 = tpu.memref_slice %arg8[%dma_wait3A_653, %dma_wait3A_654] : memref<128x128xf32, #tpu.memory_space<vmem>> -> memref<64x128xf32, #tpu.memory_space<vmem>>
        %dma_wait3A_656 = arith.constant 0 : i32
        %dma_wait3A_657 = tpu.memref_slice %arg7[%run_scoped3A, %dma_wait3A_656] : memref<8x64xi32, #tpu.memory_space<vmem>> -> memref<1x64xi32, #tpu.memory_space<vmem>>
        %dma_wait3A_658 = tpu.memref_squeeze %dma_wait3A_657 : memref<1x64xi32, #tpu.memory_space<vmem>> -> memref<64xi32, #tpu.memory_space<vmem>>
        %dma_wait3A_659 = arith.constant 0 : i32
        %dma_wait3A_660 = arith.constant 0 : i32
        %dma_wait3A_661 = tpu.memref_slice %arg10[%dma_wait3A_659, %dma_wait3A_660] : memref<10008x128xf32, #tpu.memory_space<vmem_shared>> -> memref<10008x128xf32, #tpu.memory_space<vmem_shared>>
        tpu.wait_indirect_dma semaphore(%run_scoped3A_643 : memref<!tpu.dma_semaphore, #tpu.memory_space<semaphore_mem>>) src(%dma_wait3A_655 : memref<64x128xf32, #tpu.memory_space<vmem>>) dst(%dma_wait3A_661 : memref<10008x128xf32, #tpu.memory_space<vmem_shared>>)
        tpu.yield
      }) : () -> ()
      %add3A_340 = arith.constant 8 : i32
      %add3A_341 = arith.addi %add3A_329, %add3A_340 : i32
      %lt3A_342 = arith.constant 320 : i32
      %lt3A_343 = arith.cmpi slt, %add3A_341, %lt3A_342 : i32
      %convert_element_type3A_344 = arith.extui %lt3A_343 : i1 to i32
      %cond3A_345 = arith.constant 0 : i32
      %cond3A_346 = arith.cmpi ne, %convert_element_type3A_344, %cond3A_345 : i32
      scf.if %cond3A_346 {
        %add3A_643 = arith.constant 8 : i32
        %add3A_644 = arith.addi %add3A_329, %add3A_643 : i32
        %mul3A_645 = arith.constant 64 : i32
        %mul3A_646 = arith.muli %add3A_644, %mul3A_645 : i32
        %add3A_647 = arith.addi %add3A_17, %mul3A_646 : i32
        %dma_start3A_648 = arith.constant 0 : i32
        %dma_start3A_649 = arith.constant 0 : i32
        %dma_start3A_650 = tpu.memref_slice %arg6[%dma_start3A_648, %dma_start3A_649] : memref<8x64xi32, #tpu.memory_space<vmem>> -> memref<1x64xi32, #tpu.memory_space<vmem>>
        %dma_start3A_651 = tpu.memref_squeeze %dma_start3A_650 : memref<1x64xi32, #tpu.memory_space<vmem>> -> memref<64xi32, #tpu.memory_space<vmem>>
        %dma_start3A_652 = tpu.memref_slice %arg3[%add3A_647] : memref<655360xi32, #tpu.memory_space<hbm>> -> memref<64xi32, #tpu.memory_space<hbm>>
        %dma_start3A_653 = arith.constant 0 : i32
        %dma_start3A_654 = tpu.memref_slice %arg6[%dma_start3A_648, %dma_start3A_653] : memref<8x64xi32, #tpu.memory_space<vmem>> -> memref<1x64xi32, #tpu.memory_space<vmem>>
        %dma_start3A_655 = tpu.memref_squeeze %dma_start3A_654 : memref<1x64xi32, #tpu.memory_space<vmem>> -> memref<64xi32, #tpu.memory_space<vmem>>
        %dma_start3A_656 = tpu.memref_slice %arg3[%add3A_647] : memref<655360xi32, #tpu.memory_space<hbm>> -> memref<64xi32, #tpu.memory_space<hbm>>
        tpu.enqueue_dma source(%dma_start3A_656 : memref<64xi32, #tpu.memory_space<hbm>>) target(%dma_start3A_655 : memref<64xi32, #tpu.memory_space<vmem>>) target_semaphore(%arg11 : memref<!tpu.dma_semaphore, #tpu.memory_space<semaphore_mem>>)
        %dma_start3A_657 = arith.constant 0 : i32
        %dma_start3A_658 = arith.constant 0 : i32
        %dma_start3A_659 = tpu.memref_slice %arg7[%dma_start3A_657, %dma_start3A_658] : memref<8x64xi32, #tpu.memory_space<vmem>> -> memref<1x64xi32, #tpu.memory_space<vmem>>
        %dma_start3A_660 = tpu.memref_squeeze %dma_start3A_659 : memref<1x64xi32, #tpu.memory_space<vmem>> -> memref<64xi32, #tpu.memory_space<vmem>>
        %dma_start3A_661 = tpu.memref_slice %arg4[%add3A_647] : memref<655360xi32, #tpu.memory_space<hbm>> -> memref<64xi32, #tpu.memory_space<hbm>>
        %dma_start3A_662 = arith.constant 0 : i32
        %dma_start3A_663 = tpu.memref_slice %arg7[%dma_start3A_657, %dma_start3A_662] : memref<8x64xi32, #tpu.memory_space<vmem>> -> memref<1x64xi32, #tpu.memory_space<vmem>>
        %dma_start3A_664 = tpu.memref_squeeze %dma_start3A_663 : memref<1x64xi32, #tpu.memory_space<vmem>> -> memref<64xi32, #tpu.memory_space<vmem>>
        %dma_start3A_665 = tpu.memref_slice %arg4[%add3A_647] : memref<655360xi32, #tpu.memory_space<hbm>> -> memref<64xi32, #tpu.memory_space<hbm>>
        tpu.enqueue_dma source(%dma_start3A_665 : memref<64xi32, #tpu.memory_space<hbm>>) target(%dma_start3A_664 : memref<64xi32, #tpu.memory_space<vmem>>) target_semaphore(%arg11 : memref<!tpu.dma_semaphore, #tpu.memory_space<semaphore_mem>>)
      } else {
      }
      %dma_wait3A_347 = arith.constant 4 : i32
      %dma_wait3A_348 = arith.constant 0 : i32
      %dma_wait3A_349 = tpu.memref_slice %arg6[%dma_wait3A_347, %dma_wait3A_348] : memref<8x64xi32, #tpu.memory_space<vmem>> -> memref<1x64xi32, #tpu.memory_space<vmem>>
      %dma_wait3A_350 = tpu.memref_squeeze %dma_wait3A_349 : memref<1x64xi32, #tpu.memory_space<vmem>> -> memref<64xi32, #tpu.memory_space<vmem>>
      %dma_wait3A_351 = arith.constant 0 : i32
      %dma_wait3A_352 = tpu.memref_slice %arg3[%dma_wait3A_351] : memref<655360xi32, #tpu.memory_space<hbm>> -> memref<64xi32, #tpu.memory_space<hbm>>
      %dma_wait3A_353 = arith.constant 0 : i32
      %dma_wait3A_354 = tpu.memref_slice %arg6[%dma_wait3A_347, %dma_wait3A_353] : memref<8x64xi32, #tpu.memory_space<vmem>> -> memref<1x64xi32, #tpu.memory_space<vmem>>
      %dma_wait3A_355 = tpu.memref_squeeze %dma_wait3A_354 : memref<1x64xi32, #tpu.memory_space<vmem>> -> memref<64xi32, #tpu.memory_space<vmem>>
      %dma_wait3A_356 = arith.constant 0 : i32
      %dma_wait3A_357 = tpu.memref_slice %arg3[%dma_wait3A_356] : memref<655360xi32, #tpu.memory_space<hbm>> -> memref<64xi32, #tpu.memory_space<hbm>>
      tpu.wait_dma2 semaphore(%arg15 : memref<!tpu.dma_semaphore, #tpu.memory_space<semaphore_mem>>) src(%dma_wait3A_357 : memref<64xi32, #tpu.memory_space<hbm>>) dst(%dma_wait3A_355 : memref<64xi32, #tpu.memory_space<vmem>>)
      %dma_wait3A_358 = arith.constant 4 : i32
      %dma_wait3A_359 = arith.constant 0 : i32
      %dma_wait3A_360 = tpu.memref_slice %arg7[%dma_wait3A_358, %dma_wait3A_359] : memref<8x64xi32, #tpu.memory_space<vmem>> -> memref<1x64xi32, #tpu.memory_space<vmem>>
      %dma_wait3A_361 = tpu.memref_squeeze %dma_wait3A_360 : memref<1x64xi32, #tpu.memory_space<vmem>> -> memref<64xi32, #tpu.memory_space<vmem>>
      %dma_wait3A_362 = arith.constant 0 : i32
      %dma_wait3A_363 = tpu.memref_slice %arg4[%dma_wait3A_362] : memref<655360xi32, #tpu.memory_space<hbm>> -> memref<64xi32, #tpu.memory_space<hbm>>
      %dma_wait3A_364 = arith.constant 0 : i32
      %dma_wait3A_365 = tpu.memref_slice %arg7[%dma_wait3A_358, %dma_wait3A_364] : memref<8x64xi32, #tpu.memory_space<vmem>> -> memref<1x64xi32, #tpu.memory_space<vmem>>
      %dma_wait3A_366 = tpu.memref_squeeze %dma_wait3A_365 : memref<1x64xi32, #tpu.memory_space<vmem>> -> memref<64xi32, #tpu.memory_space<vmem>>
      %dma_wait3A_367 = arith.constant 0 : i32
      %dma_wait3A_368 = tpu.memref_slice %arg4[%dma_wait3A_367] : memref<655360xi32, #tpu.memory_space<hbm>> -> memref<64xi32, #tpu.memory_space<hbm>>
      tpu.wait_dma2 semaphore(%arg15 : memref<!tpu.dma_semaphore, #tpu.memory_space<semaphore_mem>>) src(%dma_wait3A_368 : memref<64xi32, #tpu.memory_space<hbm>>) dst(%dma_wait3A_366 : memref<64xi32, #tpu.memory_space<vmem>>)
      %dma_start3A_369 = arith.constant 4 : i32
      %dma_start3A_370 = arith.constant 0 : i32
      %dma_start3A_371 = arith.constant 0 : i32
      %dma_start3A_372 = tpu.memref_slice %arg8[%dma_start3A_370, %dma_start3A_371] : memref<128x128xf32, #tpu.memory_space<vmem>> -> memref<64x128xf32, #tpu.memory_space<vmem>>
      %dma_start3A_373 = arith.constant 0 : i32
      %dma_start3A_374 = tpu.memref_slice %arg6[%dma_start3A_369, %dma_start3A_373] : memref<8x64xi32, #tpu.memory_space<vmem>> -> memref<1x64xi32, #tpu.memory_space<vmem>>
      %dma_start3A_375 = tpu.memref_squeeze %dma_start3A_374 : memref<1x64xi32, #tpu.memory_space<vmem>> -> memref<64xi32, #tpu.memory_space<vmem>>
      %dma_start3A_376 = arith.constant 0 : i32
      %dma_start3A_377 = arith.constant 0 : i32
      %dma_start3A_378 = tpu.memref_slice %arg2[%dma_start3A_376, %dma_start3A_377] : memref<20000x128xf32, #tpu.memory_space<hbm>> -> memref<20000x128xf32, #tpu.memory_space<hbm>>
      tpu.enqueue_indirect_dma source(%dma_start3A_378 : memref<20000x128xf32, #tpu.memory_space<hbm>>) target(%dma_start3A_372 : memref<64x128xf32, #tpu.memory_space<vmem>>) offsets(%dma_start3A_375 : memref<64xi32, #tpu.memory_space<vmem>>) semaphore(%arg19 : memref<!tpu.dma_semaphore, #tpu.memory_space<semaphore_mem>>)
      %add3A_379 = arith.constant 1 : i32
      %add3A_380 = arith.addi %mul3A_327, %add3A_379 : i32
      %dma_wait3A_381 = arith.constant 1 : i32
      %dma_wait3A_382 = arith.constant 64 : i32
      %dma_wait3A_383 = arith.constant 0 : i32
      %dma_wait3A_384 = tpu.memref_slice %arg8[%dma_wait3A_382, %dma_wait3A_383] : memref<128x128xf32, #tpu.memory_space<vmem>> -> memref<64x128xf32, #tpu.memory_space<vmem>>
      %dma_wait3A_385 = arith.constant 0 : i32
      %dma_wait3A_386 = tpu.memref_slice %arg6[%dma_wait3A_381, %dma_wait3A_385] : memref<8x64xi32, #tpu.memory_space<vmem>> -> memref<1x64xi32, #tpu.memory_space<vmem>>
      %dma_wait3A_387 = tpu.memref_squeeze %dma_wait3A_386 : memref<1x64xi32, #tpu.memory_space<vmem>> -> memref<64xi32, #tpu.memory_space<vmem>>
      %dma_wait3A_388 = arith.constant 0 : i32
      %dma_wait3A_389 = arith.constant 0 : i32
      %dma_wait3A_390 = tpu.memref_slice %arg2[%dma_wait3A_388, %dma_wait3A_389] : memref<20000x128xf32, #tpu.memory_space<hbm>> -> memref<20000x128xf32, #tpu.memory_space<hbm>>
      tpu.wait_indirect_dma semaphore(%arg20 : memref<!tpu.dma_semaphore, #tpu.memory_space<semaphore_mem>>) src(%dma_wait3A_390 : memref<20000x128xf32, #tpu.memory_space<hbm>>) dst(%dma_wait3A_384 : memref<64x128xf32, #tpu.memory_space<vmem>>)
      %run_scoped3A_391 = arith.constant 1 : i32
      "tpu.region"() ({
        %run_scoped3A_643 = tpu.sem_alloc : memref<!tpu.dma_semaphore, #tpu.memory_space<semaphore_mem>>
        %dma_start3A_644 = arith.constant 64 : i32
        %dma_start3A_645 = arith.constant 0 : i32
        %dma_start3A_646 = tpu.memref_slice %arg8[%dma_start3A_644, %dma_start3A_645] : memref<128x128xf32, #tpu.memory_space<vmem>> -> memref<64x128xf32, #tpu.memory_space<vmem>>
        %dma_start3A_647 = arith.constant 0 : i32
        %dma_start3A_648 = tpu.memref_slice %arg7[%run_scoped3A_391, %dma_start3A_647] : memref<8x64xi32, #tpu.memory_space<vmem>> -> memref<1x64xi32, #tpu.memory_space<vmem>>
        %dma_start3A_649 = tpu.memref_squeeze %dma_start3A_648 : memref<1x64xi32, #tpu.memory_space<vmem>> -> memref<64xi32, #tpu.memory_space<vmem>>
        %dma_start3A_650 = arith.constant 0 : i32
        %dma_start3A_651 = arith.constant 0 : i32
        %dma_start3A_652 = tpu.memref_slice %arg10[%dma_start3A_650, %dma_start3A_651] : memref<10008x128xf32, #tpu.memory_space<vmem_shared>> -> memref<10008x128xf32, #tpu.memory_space<vmem_shared>>
        tpu.enqueue_indirect_dma source(%dma_start3A_646 : memref<64x128xf32, #tpu.memory_space<vmem>>) target(%dma_start3A_652 : memref<10008x128xf32, #tpu.memory_space<vmem_shared>>) offsets(%dma_start3A_649 : memref<64xi32, #tpu.memory_space<vmem>>) semaphore(%run_scoped3A_643 : memref<!tpu.dma_semaphore, #tpu.memory_space<semaphore_mem>>) {add = true}
        %dma_wait3A_653 = arith.constant 64 : i32
        %dma_wait3A_654 = arith.constant 0 : i32
        %dma_wait3A_655 = tpu.memref_slice %arg8[%dma_wait3A_653, %dma_wait3A_654] : memref<128x128xf32, #tpu.memory_space<vmem>> -> memref<64x128xf32, #tpu.memory_space<vmem>>
        %dma_wait3A_656 = arith.constant 0 : i32
        %dma_wait3A_657 = tpu.memref_slice %arg7[%run_scoped3A_391, %dma_wait3A_656] : memref<8x64xi32, #tpu.memory_space<vmem>> -> memref<1x64xi32, #tpu.memory_space<vmem>>
        %dma_wait3A_658 = tpu.memref_squeeze %dma_wait3A_657 : memref<1x64xi32, #tpu.memory_space<vmem>> -> memref<64xi32, #tpu.memory_space<vmem>>
        %dma_wait3A_659 = arith.constant 0 : i32
        %dma_wait3A_660 = arith.constant 0 : i32
        %dma_wait3A_661 = tpu.memref_slice %arg10[%dma_wait3A_659, %dma_wait3A_660] : memref<10008x128xf32, #tpu.memory_space<vmem_shared>> -> memref<10008x128xf32, #tpu.memory_space<vmem_shared>>
        tpu.wait_indirect_dma semaphore(%run_scoped3A_643 : memref<!tpu.dma_semaphore, #tpu.memory_space<semaphore_mem>>) src(%dma_wait3A_655 : memref<64x128xf32, #tpu.memory_space<vmem>>) dst(%dma_wait3A_661 : memref<10008x128xf32, #tpu.memory_space<vmem_shared>>)
        tpu.yield
      }) : () -> ()
      %add3A_392 = arith.constant 8 : i32
      %add3A_393 = arith.addi %add3A_380, %add3A_392 : i32
      %lt3A_394 = arith.constant 320 : i32
      %lt3A_395 = arith.cmpi slt, %add3A_393, %lt3A_394 : i32
      %convert_element_type3A_396 = arith.extui %lt3A_395 : i1 to i32
      %cond3A_397 = arith.constant 0 : i32
      %cond3A_398 = arith.cmpi ne, %convert_element_type3A_396, %cond3A_397 : i32
      scf.if %cond3A_398 {
        %add3A_643 = arith.constant 8 : i32
        %add3A_644 = arith.addi %add3A_380, %add3A_643 : i32
        %mul3A_645 = arith.constant 64 : i32
        %mul3A_646 = arith.muli %add3A_644, %mul3A_645 : i32
        %add3A_647 = arith.addi %add3A_17, %mul3A_646 : i32
        %dma_start3A_648 = arith.constant 1 : i32
        %dma_start3A_649 = arith.constant 0 : i32
        %dma_start3A_650 = tpu.memref_slice %arg6[%dma_start3A_648, %dma_start3A_649] : memref<8x64xi32, #tpu.memory_space<vmem>> -> memref<1x64xi32, #tpu.memory_space<vmem>>
        %dma_start3A_651 = tpu.memref_squeeze %dma_start3A_650 : memref<1x64xi32, #tpu.memory_space<vmem>> -> memref<64xi32, #tpu.memory_space<vmem>>
        %dma_start3A_652 = tpu.memref_slice %arg3[%add3A_647] : memref<655360xi32, #tpu.memory_space<hbm>> -> memref<64xi32, #tpu.memory_space<hbm>>
        %dma_start3A_653 = arith.constant 0 : i32
        %dma_start3A_654 = tpu.memref_slice %arg6[%dma_start3A_648, %dma_start3A_653] : memref<8x64xi32, #tpu.memory_space<vmem>> -> memref<1x64xi32, #tpu.memory_space<vmem>>
        %dma_start3A_655 = tpu.memref_squeeze %dma_start3A_654 : memref<1x64xi32, #tpu.memory_space<vmem>> -> memref<64xi32, #tpu.memory_space<vmem>>
        %dma_start3A_656 = tpu.memref_slice %arg3[%add3A_647] : memref<655360xi32, #tpu.memory_space<hbm>> -> memref<64xi32, #tpu.memory_space<hbm>>
        tpu.enqueue_dma source(%dma_start3A_656 : memref<64xi32, #tpu.memory_space<hbm>>) target(%dma_start3A_655 : memref<64xi32, #tpu.memory_space<vmem>>) target_semaphore(%arg12 : memref<!tpu.dma_semaphore, #tpu.memory_space<semaphore_mem>>)
        %dma_start3A_657 = arith.constant 1 : i32
        %dma_start3A_658 = arith.constant 0 : i32
        %dma_start3A_659 = tpu.memref_slice %arg7[%dma_start3A_657, %dma_start3A_658] : memref<8x64xi32, #tpu.memory_space<vmem>> -> memref<1x64xi32, #tpu.memory_space<vmem>>
        %dma_start3A_660 = tpu.memref_squeeze %dma_start3A_659 : memref<1x64xi32, #tpu.memory_space<vmem>> -> memref<64xi32, #tpu.memory_space<vmem>>
        %dma_start3A_661 = tpu.memref_slice %arg4[%add3A_647] : memref<655360xi32, #tpu.memory_space<hbm>> -> memref<64xi32, #tpu.memory_space<hbm>>
        %dma_start3A_662 = arith.constant 0 : i32
        %dma_start3A_663 = tpu.memref_slice %arg7[%dma_start3A_657, %dma_start3A_662] : memref<8x64xi32, #tpu.memory_space<vmem>> -> memref<1x64xi32, #tpu.memory_space<vmem>>
        %dma_start3A_664 = tpu.memref_squeeze %dma_start3A_663 : memref<1x64xi32, #tpu.memory_space<vmem>> -> memref<64xi32, #tpu.memory_space<vmem>>
        %dma_start3A_665 = tpu.memref_slice %arg4[%add3A_647] : memref<655360xi32, #tpu.memory_space<hbm>> -> memref<64xi32, #tpu.memory_space<hbm>>
        tpu.enqueue_dma source(%dma_start3A_665 : memref<64xi32, #tpu.memory_space<hbm>>) target(%dma_start3A_664 : memref<64xi32, #tpu.memory_space<vmem>>) target_semaphore(%arg12 : memref<!tpu.dma_semaphore, #tpu.memory_space<semaphore_mem>>)
      } else {
      }
      %dma_wait3A_399 = arith.constant 5 : i32
      %dma_wait3A_400 = arith.constant 0 : i32
      %dma_wait3A_401 = tpu.memref_slice %arg6[%dma_wait3A_399, %dma_wait3A_400] : memref<8x64xi32, #tpu.memory_space<vmem>> -> memref<1x64xi32, #tpu.memory_space<vmem>>
      %dma_wait3A_402 = tpu.memref_squeeze %dma_wait3A_401 : memref<1x64xi32, #tpu.memory_space<vmem>> -> memref<64xi32, #tpu.memory_space<vmem>>
      %dma_wait3A_403 = arith.constant 0 : i32
      %dma_wait3A_404 = tpu.memref_slice %arg3[%dma_wait3A_403] : memref<655360xi32, #tpu.memory_space<hbm>> -> memref<64xi32, #tpu.memory_space<hbm>>
      %dma_wait3A_405 = arith.constant 0 : i32
      %dma_wait3A_406 = tpu.memref_slice %arg6[%dma_wait3A_399, %dma_wait3A_405] : memref<8x64xi32, #tpu.memory_space<vmem>> -> memref<1x64xi32, #tpu.memory_space<vmem>>
      %dma_wait3A_407 = tpu.memref_squeeze %dma_wait3A_406 : memref<1x64xi32, #tpu.memory_space<vmem>> -> memref<64xi32, #tpu.memory_space<vmem>>
      %dma_wait3A_408 = arith.constant 0 : i32
      %dma_wait3A_409 = tpu.memref_slice %arg3[%dma_wait3A_408] : memref<655360xi32, #tpu.memory_space<hbm>> -> memref<64xi32, #tpu.memory_space<hbm>>
      tpu.wait_dma2 semaphore(%arg16 : memref<!tpu.dma_semaphore, #tpu.memory_space<semaphore_mem>>) src(%dma_wait3A_409 : memref<64xi32, #tpu.memory_space<hbm>>) dst(%dma_wait3A_407 : memref<64xi32, #tpu.memory_space<vmem>>)
      %dma_wait3A_410 = arith.constant 5 : i32
      %dma_wait3A_411 = arith.constant 0 : i32
      %dma_wait3A_412 = tpu.memref_slice %arg7[%dma_wait3A_410, %dma_wait3A_411] : memref<8x64xi32, #tpu.memory_space<vmem>> -> memref<1x64xi32, #tpu.memory_space<vmem>>
      %dma_wait3A_413 = tpu.memref_squeeze %dma_wait3A_412 : memref<1x64xi32, #tpu.memory_space<vmem>> -> memref<64xi32, #tpu.memory_space<vmem>>
      %dma_wait3A_414 = arith.constant 0 : i32
      %dma_wait3A_415 = tpu.memref_slice %arg4[%dma_wait3A_414] : memref<655360xi32, #tpu.memory_space<hbm>> -> memref<64xi32, #tpu.memory_space<hbm>>
      %dma_wait3A_416 = arith.constant 0 : i32
      %dma_wait3A_417 = tpu.memref_slice %arg7[%dma_wait3A_410, %dma_wait3A_416] : memref<8x64xi32, #tpu.memory_space<vmem>> -> memref<1x64xi32, #tpu.memory_space<vmem>>
      %dma_wait3A_418 = tpu.memref_squeeze %dma_wait3A_417 : memref<1x64xi32, #tpu.memory_space<vmem>> -> memref<64xi32, #tpu.memory_space<vmem>>
      %dma_wait3A_419 = arith.constant 0 : i32
      %dma_wait3A_420 = tpu.memref_slice %arg4[%dma_wait3A_419] : memref<655360xi32, #tpu.memory_space<hbm>> -> memref<64xi32, #tpu.memory_space<hbm>>
      tpu.wait_dma2 semaphore(%arg16 : memref<!tpu.dma_semaphore, #tpu.memory_space<semaphore_mem>>) src(%dma_wait3A_420 : memref<64xi32, #tpu.memory_space<hbm>>) dst(%dma_wait3A_418 : memref<64xi32, #tpu.memory_space<vmem>>)
      %dma_start3A_421 = arith.constant 5 : i32
      %dma_start3A_422 = arith.constant 64 : i32
      %dma_start3A_423 = arith.constant 0 : i32
      %dma_start3A_424 = tpu.memref_slice %arg8[%dma_start3A_422, %dma_start3A_423] : memref<128x128xf32, #tpu.memory_space<vmem>> -> memref<64x128xf32, #tpu.memory_space<vmem>>
      %dma_start3A_425 = arith.constant 0 : i32
      %dma_start3A_426 = tpu.memref_slice %arg6[%dma_start3A_421, %dma_start3A_425] : memref<8x64xi32, #tpu.memory_space<vmem>> -> memref<1x64xi32, #tpu.memory_space<vmem>>
      %dma_start3A_427 = tpu.memref_squeeze %dma_start3A_426 : memref<1x64xi32, #tpu.memory_space<vmem>> -> memref<64xi32, #tpu.memory_space<vmem>>
      %dma_start3A_428 = arith.constant 0 : i32
      %dma_start3A_429 = arith.constant 0 : i32
      %dma_start3A_430 = tpu.memref_slice %arg2[%dma_start3A_428, %dma_start3A_429] : memref<20000x128xf32, #tpu.memory_space<hbm>> -> memref<20000x128xf32, #tpu.memory_space<hbm>>
      tpu.enqueue_indirect_dma source(%dma_start3A_430 : memref<20000x128xf32, #tpu.memory_space<hbm>>) target(%dma_start3A_424 : memref<64x128xf32, #tpu.memory_space<vmem>>) offsets(%dma_start3A_427 : memref<64xi32, #tpu.memory_space<vmem>>) semaphore(%arg20 : memref<!tpu.dma_semaphore, #tpu.memory_space<semaphore_mem>>)
      %add3A_431 = arith.constant 2 : i32
      %add3A_432 = arith.addi %mul3A_327, %add3A_431 : i32
      %dma_wait3A_433 = arith.constant 2 : i32
      %dma_wait3A_434 = arith.constant 0 : i32
      %dma_wait3A_435 = arith.constant 0 : i32
      %dma_wait3A_436 = tpu.memref_slice %arg9[%dma_wait3A_434, %dma_wait3A_435] : memref<128x128xf32, #tpu.memory_space<vmem>> -> memref<64x128xf32, #tpu.memory_space<vmem>>
      %dma_wait3A_437 = arith.constant 0 : i32
      %dma_wait3A_438 = tpu.memref_slice %arg6[%dma_wait3A_433, %dma_wait3A_437] : memref<8x64xi32, #tpu.memory_space<vmem>> -> memref<1x64xi32, #tpu.memory_space<vmem>>
      %dma_wait3A_439 = tpu.memref_squeeze %dma_wait3A_438 : memref<1x64xi32, #tpu.memory_space<vmem>> -> memref<64xi32, #tpu.memory_space<vmem>>
      %dma_wait3A_440 = arith.constant 0 : i32
      %dma_wait3A_441 = arith.constant 0 : i32
      %dma_wait3A_442 = tpu.memref_slice %arg2[%dma_wait3A_440, %dma_wait3A_441] : memref<20000x128xf32, #tpu.memory_space<hbm>> -> memref<20000x128xf32, #tpu.memory_space<hbm>>
      tpu.wait_indirect_dma semaphore(%arg21 : memref<!tpu.dma_semaphore, #tpu.memory_space<semaphore_mem>>) src(%dma_wait3A_442 : memref<20000x128xf32, #tpu.memory_space<hbm>>) dst(%dma_wait3A_436 : memref<64x128xf32, #tpu.memory_space<vmem>>)
      %run_scoped3A_443 = arith.constant 2 : i32
      "tpu.region"() ({
        %run_scoped3A_643 = tpu.sem_alloc : memref<!tpu.dma_semaphore, #tpu.memory_space<semaphore_mem>>
        %dma_start3A_644 = arith.constant 0 : i32
        %dma_start3A_645 = arith.constant 0 : i32
        %dma_start3A_646 = tpu.memref_slice %arg9[%dma_start3A_644, %dma_start3A_645] : memref<128x128xf32, #tpu.memory_space<vmem>> -> memref<64x128xf32, #tpu.memory_space<vmem>>
        %dma_start3A_647 = arith.constant 0 : i32
        %dma_start3A_648 = tpu.memref_slice %arg7[%run_scoped3A_443, %dma_start3A_647] : memref<8x64xi32, #tpu.memory_space<vmem>> -> memref<1x64xi32, #tpu.memory_space<vmem>>
        %dma_start3A_649 = tpu.memref_squeeze %dma_start3A_648 : memref<1x64xi32, #tpu.memory_space<vmem>> -> memref<64xi32, #tpu.memory_space<vmem>>
        %dma_start3A_650 = arith.constant 0 : i32
        %dma_start3A_651 = arith.constant 0 : i32
        %dma_start3A_652 = tpu.memref_slice %arg10[%dma_start3A_650, %dma_start3A_651] : memref<10008x128xf32, #tpu.memory_space<vmem_shared>> -> memref<10008x128xf32, #tpu.memory_space<vmem_shared>>
        tpu.enqueue_indirect_dma source(%dma_start3A_646 : memref<64x128xf32, #tpu.memory_space<vmem>>) target(%dma_start3A_652 : memref<10008x128xf32, #tpu.memory_space<vmem_shared>>) offsets(%dma_start3A_649 : memref<64xi32, #tpu.memory_space<vmem>>) semaphore(%run_scoped3A_643 : memref<!tpu.dma_semaphore, #tpu.memory_space<semaphore_mem>>) {add = true}
        %dma_wait3A_653 = arith.constant 0 : i32
        %dma_wait3A_654 = arith.constant 0 : i32
        %dma_wait3A_655 = tpu.memref_slice %arg9[%dma_wait3A_653, %dma_wait3A_654] : memref<128x128xf32, #tpu.memory_space<vmem>> -> memref<64x128xf32, #tpu.memory_space<vmem>>
        %dma_wait3A_656 = arith.constant 0 : i32
        %dma_wait3A_657 = tpu.memref_slice %arg7[%run_scoped3A_443, %dma_wait3A_656] : memref<8x64xi32, #tpu.memory_space<vmem>> -> memref<1x64xi32, #tpu.memory_space<vmem>>
        %dma_wait3A_658 = tpu.memref_squeeze %dma_wait3A_657 : memref<1x64xi32, #tpu.memory_space<vmem>> -> memref<64xi32, #tpu.memory_space<vmem>>
        %dma_wait3A_659 = arith.constant 0 : i32
        %dma_wait3A_660 = arith.constant 0 : i32
        %dma_wait3A_661 = tpu.memref_slice %arg10[%dma_wait3A_659, %dma_wait3A_660] : memref<10008x128xf32, #tpu.memory_space<vmem_shared>> -> memref<10008x128xf32, #tpu.memory_space<vmem_shared>>
        tpu.wait_indirect_dma semaphore(%run_scoped3A_643 : memref<!tpu.dma_semaphore, #tpu.memory_space<semaphore_mem>>) src(%dma_wait3A_655 : memref<64x128xf32, #tpu.memory_space<vmem>>) dst(%dma_wait3A_661 : memref<10008x128xf32, #tpu.memory_space<vmem_shared>>)
        tpu.yield
      }) : () -> ()
      %add3A_444 = arith.constant 8 : i32
      %add3A_445 = arith.addi %add3A_432, %add3A_444 : i32
      %lt3A_446 = arith.constant 320 : i32
      %lt3A_447 = arith.cmpi slt, %add3A_445, %lt3A_446 : i32
      %convert_element_type3A_448 = arith.extui %lt3A_447 : i1 to i32
      %cond3A_449 = arith.constant 0 : i32
      %cond3A_450 = arith.cmpi ne, %convert_element_type3A_448, %cond3A_449 : i32
      scf.if %cond3A_450 {
        %add3A_643 = arith.constant 8 : i32
        %add3A_644 = arith.addi %add3A_432, %add3A_643 : i32
        %mul3A_645 = arith.constant 64 : i32
        %mul3A_646 = arith.muli %add3A_644, %mul3A_645 : i32
        %add3A_647 = arith.addi %add3A_17, %mul3A_646 : i32
        %dma_start3A_648 = arith.constant 2 : i32
        %dma_start3A_649 = arith.constant 0 : i32
        %dma_start3A_650 = tpu.memref_slice %arg6[%dma_start3A_648, %dma_start3A_649] : memref<8x64xi32, #tpu.memory_space<vmem>> -> memref<1x64xi32, #tpu.memory_space<vmem>>
        %dma_start3A_651 = tpu.memref_squeeze %dma_start3A_650 : memref<1x64xi32, #tpu.memory_space<vmem>> -> memref<64xi32, #tpu.memory_space<vmem>>
        %dma_start3A_652 = tpu.memref_slice %arg3[%add3A_647] : memref<655360xi32, #tpu.memory_space<hbm>> -> memref<64xi32, #tpu.memory_space<hbm>>
        %dma_start3A_653 = arith.constant 0 : i32
        %dma_start3A_654 = tpu.memref_slice %arg6[%dma_start3A_648, %dma_start3A_653] : memref<8x64xi32, #tpu.memory_space<vmem>> -> memref<1x64xi32, #tpu.memory_space<vmem>>
        %dma_start3A_655 = tpu.memref_squeeze %dma_start3A_654 : memref<1x64xi32, #tpu.memory_space<vmem>> -> memref<64xi32, #tpu.memory_space<vmem>>
        %dma_start3A_656 = tpu.memref_slice %arg3[%add3A_647] : memref<655360xi32, #tpu.memory_space<hbm>> -> memref<64xi32, #tpu.memory_space<hbm>>
        tpu.enqueue_dma source(%dma_start3A_656 : memref<64xi32, #tpu.memory_space<hbm>>) target(%dma_start3A_655 : memref<64xi32, #tpu.memory_space<vmem>>) target_semaphore(%arg13 : memref<!tpu.dma_semaphore, #tpu.memory_space<semaphore_mem>>)
        %dma_start3A_657 = arith.constant 2 : i32
        %dma_start3A_658 = arith.constant 0 : i32
        %dma_start3A_659 = tpu.memref_slice %arg7[%dma_start3A_657, %dma_start3A_658] : memref<8x64xi32, #tpu.memory_space<vmem>> -> memref<1x64xi32, #tpu.memory_space<vmem>>
        %dma_start3A_660 = tpu.memref_squeeze %dma_start3A_659 : memref<1x64xi32, #tpu.memory_space<vmem>> -> memref<64xi32, #tpu.memory_space<vmem>>
        %dma_start3A_661 = tpu.memref_slice %arg4[%add3A_647] : memref<655360xi32, #tpu.memory_space<hbm>> -> memref<64xi32, #tpu.memory_space<hbm>>
        %dma_start3A_662 = arith.constant 0 : i32
        %dma_start3A_663 = tpu.memref_slice %arg7[%dma_start3A_657, %dma_start3A_662] : memref<8x64xi32, #tpu.memory_space<vmem>> -> memref<1x64xi32, #tpu.memory_space<vmem>>
        %dma_start3A_664 = tpu.memref_squeeze %dma_start3A_663 : memref<1x64xi32, #tpu.memory_space<vmem>> -> memref<64xi32, #tpu.memory_space<vmem>>
        %dma_start3A_665 = tpu.memref_slice %arg4[%add3A_647] : memref<655360xi32, #tpu.memory_space<hbm>> -> memref<64xi32, #tpu.memory_space<hbm>>
        tpu.enqueue_dma source(%dma_start3A_665 : memref<64xi32, #tpu.memory_space<hbm>>) target(%dma_start3A_664 : memref<64xi32, #tpu.memory_space<vmem>>) target_semaphore(%arg13 : memref<!tpu.dma_semaphore, #tpu.memory_space<semaphore_mem>>)
      } else {
      }
      %dma_wait3A_451 = arith.constant 6 : i32
      %dma_wait3A_452 = arith.constant 0 : i32
      %dma_wait3A_453 = tpu.memref_slice %arg6[%dma_wait3A_451, %dma_wait3A_452] : memref<8x64xi32, #tpu.memory_space<vmem>> -> memref<1x64xi32, #tpu.memory_space<vmem>>
      %dma_wait3A_454 = tpu.memref_squeeze %dma_wait3A_453 : memref<1x64xi32, #tpu.memory_space<vmem>> -> memref<64xi32, #tpu.memory_space<vmem>>
      %dma_wait3A_455 = arith.constant 0 : i32
      %dma_wait3A_456 = tpu.memref_slice %arg3[%dma_wait3A_455] : memref<655360xi32, #tpu.memory_space<hbm>> -> memref<64xi32, #tpu.memory_space<hbm>>
      %dma_wait3A_457 = arith.constant 0 : i32
      %dma_wait3A_458 = tpu.memref_slice %arg6[%dma_wait3A_451, %dma_wait3A_457] : memref<8x64xi32, #tpu.memory_space<vmem>> -> memref<1x64xi32, #tpu.memory_space<vmem>>
      %dma_wait3A_459 = tpu.memref_squeeze %dma_wait3A_458 : memref<1x64xi32, #tpu.memory_space<vmem>> -> memref<64xi32, #tpu.memory_space<vmem>>
      %dma_wait3A_460 = arith.constant 0 : i32
      %dma_wait3A_461 = tpu.memref_slice %arg3[%dma_wait3A_460] : memref<655360xi32, #tpu.memory_space<hbm>> -> memref<64xi32, #tpu.memory_space<hbm>>
      tpu.wait_dma2 semaphore(%arg17 : memref<!tpu.dma_semaphore, #tpu.memory_space<semaphore_mem>>) src(%dma_wait3A_461 : memref<64xi32, #tpu.memory_space<hbm>>) dst(%dma_wait3A_459 : memref<64xi32, #tpu.memory_space<vmem>>)
      %dma_wait3A_462 = arith.constant 6 : i32
      %dma_wait3A_463 = arith.constant 0 : i32
      %dma_wait3A_464 = tpu.memref_slice %arg7[%dma_wait3A_462, %dma_wait3A_463] : memref<8x64xi32, #tpu.memory_space<vmem>> -> memref<1x64xi32, #tpu.memory_space<vmem>>
      %dma_wait3A_465 = tpu.memref_squeeze %dma_wait3A_464 : memref<1x64xi32, #tpu.memory_space<vmem>> -> memref<64xi32, #tpu.memory_space<vmem>>
      %dma_wait3A_466 = arith.constant 0 : i32
      %dma_wait3A_467 = tpu.memref_slice %arg4[%dma_wait3A_466] : memref<655360xi32, #tpu.memory_space<hbm>> -> memref<64xi32, #tpu.memory_space<hbm>>
      %dma_wait3A_468 = arith.constant 0 : i32
      %dma_wait3A_469 = tpu.memref_slice %arg7[%dma_wait3A_462, %dma_wait3A_468] : memref<8x64xi32, #tpu.memory_space<vmem>> -> memref<1x64xi32, #tpu.memory_space<vmem>>
      %dma_wait3A_470 = tpu.memref_squeeze %dma_wait3A_469 : memref<1x64xi32, #tpu.memory_space<vmem>> -> memref<64xi32, #tpu.memory_space<vmem>>
      %dma_wait3A_471 = arith.constant 0 : i32
      %dma_wait3A_472 = tpu.memref_slice %arg4[%dma_wait3A_471] : memref<655360xi32, #tpu.memory_space<hbm>> -> memref<64xi32, #tpu.memory_space<hbm>>
      tpu.wait_dma2 semaphore(%arg17 : memref<!tpu.dma_semaphore, #tpu.memory_space<semaphore_mem>>) src(%dma_wait3A_472 : memref<64xi32, #tpu.memory_space<hbm>>) dst(%dma_wait3A_470 : memref<64xi32, #tpu.memory_space<vmem>>)
      %dma_start3A_473 = arith.constant 6 : i32
      %dma_start3A_474 = arith.constant 0 : i32
      %dma_start3A_475 = arith.constant 0 : i32
      %dma_start3A_476 = tpu.memref_slice %arg9[%dma_start3A_474, %dma_start3A_475] : memref<128x128xf32, #tpu.memory_space<vmem>> -> memref<64x128xf32, #tpu.memory_space<vmem>>
      %dma_start3A_477 = arith.constant 0 : i32
      %dma_start3A_478 = tpu.memref_slice %arg6[%dma_start3A_473, %dma_start3A_477] : memref<8x64xi32, #tpu.memory_space<vmem>> -> memref<1x64xi32, #tpu.memory_space<vmem>>
      %dma_start3A_479 = tpu.memref_squeeze %dma_start3A_478 : memref<1x64xi32, #tpu.memory_space<vmem>> -> memref<64xi32, #tpu.memory_space<vmem>>
      %dma_start3A_480 = arith.constant 0 : i32
      %dma_start3A_481 = arith.constant 0 : i32
      %dma_start3A_482 = tpu.memref_slice %arg2[%dma_start3A_480, %dma_start3A_481] : memref<20000x128xf32, #tpu.memory_space<hbm>> -> memref<20000x128xf32, #tpu.memory_space<hbm>>
      tpu.enqueue_indirect_dma source(%dma_start3A_482 : memref<20000x128xf32, #tpu.memory_space<hbm>>) target(%dma_start3A_476 : memref<64x128xf32, #tpu.memory_space<vmem>>) offsets(%dma_start3A_479 : memref<64xi32, #tpu.memory_space<vmem>>) semaphore(%arg21 : memref<!tpu.dma_semaphore, #tpu.memory_space<semaphore_mem>>)
      %add3A_483 = arith.constant 3 : i32
      %add3A_484 = arith.addi %mul3A_327, %add3A_483 : i32
      %dma_wait3A_485 = arith.constant 3 : i32
      %dma_wait3A_486 = arith.constant 64 : i32
      %dma_wait3A_487 = arith.constant 0 : i32
      %dma_wait3A_488 = tpu.memref_slice %arg9[%dma_wait3A_486, %dma_wait3A_487] : memref<128x128xf32, #tpu.memory_space<vmem>> -> memref<64x128xf32, #tpu.memory_space<vmem>>
      %dma_wait3A_489 = arith.constant 0 : i32
      %dma_wait3A_490 = tpu.memref_slice %arg6[%dma_wait3A_485, %dma_wait3A_489] : memref<8x64xi32, #tpu.memory_space<vmem>> -> memref<1x64xi32, #tpu.memory_space<vmem>>
      %dma_wait3A_491 = tpu.memref_squeeze %dma_wait3A_490 : memref<1x64xi32, #tpu.memory_space<vmem>> -> memref<64xi32, #tpu.memory_space<vmem>>
      %dma_wait3A_492 = arith.constant 0 : i32
      %dma_wait3A_493 = arith.constant 0 : i32
      %dma_wait3A_494 = tpu.memref_slice %arg2[%dma_wait3A_492, %dma_wait3A_493] : memref<20000x128xf32, #tpu.memory_space<hbm>> -> memref<20000x128xf32, #tpu.memory_space<hbm>>
      tpu.wait_indirect_dma semaphore(%arg22 : memref<!tpu.dma_semaphore, #tpu.memory_space<semaphore_mem>>) src(%dma_wait3A_494 : memref<20000x128xf32, #tpu.memory_space<hbm>>) dst(%dma_wait3A_488 : memref<64x128xf32, #tpu.memory_space<vmem>>)
      %run_scoped3A_495 = arith.constant 3 : i32
      "tpu.region"() ({
        %run_scoped3A_643 = tpu.sem_alloc : memref<!tpu.dma_semaphore, #tpu.memory_space<semaphore_mem>>
        %dma_start3A_644 = arith.constant 64 : i32
        %dma_start3A_645 = arith.constant 0 : i32
        %dma_start3A_646 = tpu.memref_slice %arg9[%dma_start3A_644, %dma_start3A_645] : memref<128x128xf32, #tpu.memory_space<vmem>> -> memref<64x128xf32, #tpu.memory_space<vmem>>
        %dma_start3A_647 = arith.constant 0 : i32
        %dma_start3A_648 = tpu.memref_slice %arg7[%run_scoped3A_495, %dma_start3A_647] : memref<8x64xi32, #tpu.memory_space<vmem>> -> memref<1x64xi32, #tpu.memory_space<vmem>>
        %dma_start3A_649 = tpu.memref_squeeze %dma_start3A_648 : memref<1x64xi32, #tpu.memory_space<vmem>> -> memref<64xi32, #tpu.memory_space<vmem>>
        %dma_start3A_650 = arith.constant 0 : i32
        %dma_start3A_651 = arith.constant 0 : i32
        %dma_start3A_652 = tpu.memref_slice %arg10[%dma_start3A_650, %dma_start3A_651] : memref<10008x128xf32, #tpu.memory_space<vmem_shared>> -> memref<10008x128xf32, #tpu.memory_space<vmem_shared>>
        tpu.enqueue_indirect_dma source(%dma_start3A_646 : memref<64x128xf32, #tpu.memory_space<vmem>>) target(%dma_start3A_652 : memref<10008x128xf32, #tpu.memory_space<vmem_shared>>) offsets(%dma_start3A_649 : memref<64xi32, #tpu.memory_space<vmem>>) semaphore(%run_scoped3A_643 : memref<!tpu.dma_semaphore, #tpu.memory_space<semaphore_mem>>) {add = true}
        %dma_wait3A_653 = arith.constant 64 : i32
        %dma_wait3A_654 = arith.constant 0 : i32
        %dma_wait3A_655 = tpu.memref_slice %arg9[%dma_wait3A_653, %dma_wait3A_654] : memref<128x128xf32, #tpu.memory_space<vmem>> -> memref<64x128xf32, #tpu.memory_space<vmem>>
        %dma_wait3A_656 = arith.constant 0 : i32
        %dma_wait3A_657 = tpu.memref_slice %arg7[%run_scoped3A_495, %dma_wait3A_656] : memref<8x64xi32, #tpu.memory_space<vmem>> -> memref<1x64xi32, #tpu.memory_space<vmem>>
        %dma_wait3A_658 = tpu.memref_squeeze %dma_wait3A_657 : memref<1x64xi32, #tpu.memory_space<vmem>> -> memref<64xi32, #tpu.memory_space<vmem>>
        %dma_wait3A_659 = arith.constant 0 : i32
        %dma_wait3A_660 = arith.constant 0 : i32
        %dma_wait3A_661 = tpu.memref_slice %arg10[%dma_wait3A_659, %dma_wait3A_660] : memref<10008x128xf32, #tpu.memory_space<vmem_shared>> -> memref<10008x128xf32, #tpu.memory_space<vmem_shared>>
        tpu.wait_indirect_dma semaphore(%run_scoped3A_643 : memref<!tpu.dma_semaphore, #tpu.memory_space<semaphore_mem>>) src(%dma_wait3A_655 : memref<64x128xf32, #tpu.memory_space<vmem>>) dst(%dma_wait3A_661 : memref<10008x128xf32, #tpu.memory_space<vmem_shared>>)
        tpu.yield
      }) : () -> ()
      %add3A_496 = arith.constant 8 : i32
      %add3A_497 = arith.addi %add3A_484, %add3A_496 : i32
      %lt3A_498 = arith.constant 320 : i32
      %lt3A_499 = arith.cmpi slt, %add3A_497, %lt3A_498 : i32
      %convert_element_type3A_500 = arith.extui %lt3A_499 : i1 to i32
      %cond3A_501 = arith.constant 0 : i32
      %cond3A_502 = arith.cmpi ne, %convert_element_type3A_500, %cond3A_501 : i32
      scf.if %cond3A_502 {
        %add3A_643 = arith.constant 8 : i32
        %add3A_644 = arith.addi %add3A_484, %add3A_643 : i32
        %mul3A_645 = arith.constant 64 : i32
        %mul3A_646 = arith.muli %add3A_644, %mul3A_645 : i32
        %add3A_647 = arith.addi %add3A_17, %mul3A_646 : i32
        %dma_start3A_648 = arith.constant 3 : i32
        %dma_start3A_649 = arith.constant 0 : i32
        %dma_start3A_650 = tpu.memref_slice %arg6[%dma_start3A_648, %dma_start3A_649] : memref<8x64xi32, #tpu.memory_space<vmem>> -> memref<1x64xi32, #tpu.memory_space<vmem>>
        %dma_start3A_651 = tpu.memref_squeeze %dma_start3A_650 : memref<1x64xi32, #tpu.memory_space<vmem>> -> memref<64xi32, #tpu.memory_space<vmem>>
        %dma_start3A_652 = tpu.memref_slice %arg3[%add3A_647] : memref<655360xi32, #tpu.memory_space<hbm>> -> memref<64xi32, #tpu.memory_space<hbm>>
        %dma_start3A_653 = arith.constant 0 : i32
        %dma_start3A_654 = tpu.memref_slice %arg6[%dma_start3A_648, %dma_start3A_653] : memref<8x64xi32, #tpu.memory_space<vmem>> -> memref<1x64xi32, #tpu.memory_space<vmem>>
        %dma_start3A_655 = tpu.memref_squeeze %dma_start3A_654 : memref<1x64xi32, #tpu.memory_space<vmem>> -> memref<64xi32, #tpu.memory_space<vmem>>
        %dma_start3A_656 = tpu.memref_slice %arg3[%add3A_647] : memref<655360xi32, #tpu.memory_space<hbm>> -> memref<64xi32, #tpu.memory_space<hbm>>
        tpu.enqueue_dma source(%dma_start3A_656 : memref<64xi32, #tpu.memory_space<hbm>>) target(%dma_start3A_655 : memref<64xi32, #tpu.memory_space<vmem>>) target_semaphore(%arg14 : memref<!tpu.dma_semaphore, #tpu.memory_space<semaphore_mem>>)
        %dma_start3A_657 = arith.constant 3 : i32
        %dma_start3A_658 = arith.constant 0 : i32
        %dma_start3A_659 = tpu.memref_slice %arg7[%dma_start3A_657, %dma_start3A_658] : memref<8x64xi32, #tpu.memory_space<vmem>> -> memref<1x64xi32, #tpu.memory_space<vmem>>
        %dma_start3A_660 = tpu.memref_squeeze %dma_start3A_659 : memref<1x64xi32, #tpu.memory_space<vmem>> -> memref<64xi32, #tpu.memory_space<vmem>>
        %dma_start3A_661 = tpu.memref_slice %arg4[%add3A_647] : memref<655360xi32, #tpu.memory_space<hbm>> -> memref<64xi32, #tpu.memory_space<hbm>>
        %dma_start3A_662 = arith.constant 0 : i32
        %dma_start3A_663 = tpu.memref_slice %arg7[%dma_start3A_657, %dma_start3A_662] : memref<8x64xi32, #tpu.memory_space<vmem>> -> memref<1x64xi32, #tpu.memory_space<vmem>>
        %dma_start3A_664 = tpu.memref_squeeze %dma_start3A_663 : memref<1x64xi32, #tpu.memory_space<vmem>> -> memref<64xi32, #tpu.memory_space<vmem>>
        %dma_start3A_665 = tpu.memref_slice %arg4[%add3A_647] : memref<655360xi32, #tpu.memory_space<hbm>> -> memref<64xi32, #tpu.memory_space<hbm>>
        tpu.enqueue_dma source(%dma_start3A_665 : memref<64xi32, #tpu.memory_space<hbm>>) target(%dma_start3A_664 : memref<64xi32, #tpu.memory_space<vmem>>) target_semaphore(%arg14 : memref<!tpu.dma_semaphore, #tpu.memory_space<semaphore_mem>>)
      } else {
      }
      %dma_wait3A_503 = arith.constant 7 : i32
      %dma_wait3A_504 = arith.constant 0 : i32
      %dma_wait3A_505 = tpu.memref_slice %arg6[%dma_wait3A_503, %dma_wait3A_504] : memref<8x64xi32, #tpu.memory_space<vmem>> -> memref<1x64xi32, #tpu.memory_space<vmem>>
      %dma_wait3A_506 = tpu.memref_squeeze %dma_wait3A_505 : memref<1x64xi32, #tpu.memory_space<vmem>> -> memref<64xi32, #tpu.memory_space<vmem>>
      %dma_wait3A_507 = arith.constant 0 : i32
      %dma_wait3A_508 = tpu.memref_slice %arg3[%dma_wait3A_507] : memref<655360xi32, #tpu.memory_space<hbm>> -> memref<64xi32, #tpu.memory_space<hbm>>
      %dma_wait3A_509 = arith.constant 0 : i32
      %dma_wait3A_510 = tpu.memref_slice %arg6[%dma_wait3A_503, %dma_wait3A_509] : memref<8x64xi32, #tpu.memory_space<vmem>> -> memref<1x64xi32, #tpu.memory_space<vmem>>
      %dma_wait3A_511 = tpu.memref_squeeze %dma_wait3A_510 : memref<1x64xi32, #tpu.memory_space<vmem>> -> memref<64xi32, #tpu.memory_space<vmem>>
      %dma_wait3A_512 = arith.constant 0 : i32
      %dma_wait3A_513 = tpu.memref_slice %arg3[%dma_wait3A_512] : memref<655360xi32, #tpu.memory_space<hbm>> -> memref<64xi32, #tpu.memory_space<hbm>>
      tpu.wait_dma2 semaphore(%arg18 : memref<!tpu.dma_semaphore, #tpu.memory_space<semaphore_mem>>) src(%dma_wait3A_513 : memref<64xi32, #tpu.memory_space<hbm>>) dst(%dma_wait3A_511 : memref<64xi32, #tpu.memory_space<vmem>>)
      %dma_wait3A_514 = arith.constant 7 : i32
      %dma_wait3A_515 = arith.constant 0 : i32
      %dma_wait3A_516 = tpu.memref_slice %arg7[%dma_wait3A_514, %dma_wait3A_515] : memref<8x64xi32, #tpu.memory_space<vmem>> -> memref<1x64xi32, #tpu.memory_space<vmem>>
      %dma_wait3A_517 = tpu.memref_squeeze %dma_wait3A_516 : memref<1x64xi32, #tpu.memory_space<vmem>> -> memref<64xi32, #tpu.memory_space<vmem>>
      %dma_wait3A_518 = arith.constant 0 : i32
      %dma_wait3A_519 = tpu.memref_slice %arg4[%dma_wait3A_518] : memref<655360xi32, #tpu.memory_space<hbm>> -> memref<64xi32, #tpu.memory_space<hbm>>
      %dma_wait3A_520 = arith.constant 0 : i32
      %dma_wait3A_521 = tpu.memref_slice %arg7[%dma_wait3A_514, %dma_wait3A_520] : memref<8x64xi32, #tpu.memory_space<vmem>> -> memref<1x64xi32, #tpu.memory_space<vmem>>
      %dma_wait3A_522 = tpu.memref_squeeze %dma_wait3A_521 : memref<1x64xi32, #tpu.memory_space<vmem>> -> memref<64xi32, #tpu.memory_space<vmem>>
      %dma_wait3A_523 = arith.constant 0 : i32
      %dma_wait3A_524 = tpu.memref_slice %arg4[%dma_wait3A_523] : memref<655360xi32, #tpu.memory_space<hbm>> -> memref<64xi32, #tpu.memory_space<hbm>>
      tpu.wait_dma2 semaphore(%arg18 : memref<!tpu.dma_semaphore, #tpu.memory_space<semaphore_mem>>) src(%dma_wait3A_524 : memref<64xi32, #tpu.memory_space<hbm>>) dst(%dma_wait3A_522 : memref<64xi32, #tpu.memory_space<vmem>>)
      %dma_start3A_525 = arith.constant 7 : i32
      %dma_start3A_526 = arith.constant 64 : i32
      %dma_start3A_527 = arith.constant 0 : i32
      %dma_start3A_528 = tpu.memref_slice %arg9[%dma_start3A_526, %dma_start3A_527] : memref<128x128xf32, #tpu.memory_space<vmem>> -> memref<64x128xf32, #tpu.memory_space<vmem>>
      %dma_start3A_529 = arith.constant 0 : i32
      %dma_start3A_530 = tpu.memref_slice %arg6[%dma_start3A_525, %dma_start3A_529] : memref<8x64xi32, #tpu.memory_space<vmem>> -> memref<1x64xi32, #tpu.memory_space<vmem>>
      %dma_start3A_531 = tpu.memref_squeeze %dma_start3A_530 : memref<1x64xi32, #tpu.memory_space<vmem>> -> memref<64xi32, #tpu.memory_space<vmem>>
      %dma_start3A_532 = arith.constant 0 : i32
      %dma_start3A_533 = arith.constant 0 : i32
      %dma_start3A_534 = tpu.memref_slice %arg2[%dma_start3A_532, %dma_start3A_533] : memref<20000x128xf32, #tpu.memory_space<hbm>> -> memref<20000x128xf32, #tpu.memory_space<hbm>>
      tpu.enqueue_indirect_dma source(%dma_start3A_534 : memref<20000x128xf32, #tpu.memory_space<hbm>>) target(%dma_start3A_528 : memref<64x128xf32, #tpu.memory_space<vmem>>) offsets(%dma_start3A_531 : memref<64xi32, #tpu.memory_space<vmem>>) semaphore(%arg22 : memref<!tpu.dma_semaphore, #tpu.memory_space<semaphore_mem>>)
      %add3A_535 = arith.constant 4 : i32
      %add3A_536 = arith.addi %mul3A_327, %add3A_535 : i32
      %dma_wait3A_537 = arith.constant 4 : i32
      %dma_wait3A_538 = arith.constant 0 : i32
      %dma_wait3A_539 = arith.constant 0 : i32
      %dma_wait3A_540 = tpu.memref_slice %arg8[%dma_wait3A_538, %dma_wait3A_539] : memref<128x128xf32, #tpu.memory_space<vmem>> -> memref<64x128xf32, #tpu.memory_space<vmem>>
      %dma_wait3A_541 = arith.constant 0 : i32
      %dma_wait3A_542 = tpu.memref_slice %arg6[%dma_wait3A_537, %dma_wait3A_541] : memref<8x64xi32, #tpu.memory_space<vmem>> -> memref<1x64xi32, #tpu.memory_space<vmem>>
      %dma_wait3A_543 = tpu.memref_squeeze %dma_wait3A_542 : memref<1x64xi32, #tpu.memory_space<vmem>> -> memref<64xi32, #tpu.memory_space<vmem>>
      %dma_wait3A_544 = arith.constant 0 : i32
      %dma_wait3A_545 = arith.constant 0 : i32
      %dma_wait3A_546 = tpu.memref_slice %arg2[%dma_wait3A_544, %dma_wait3A_545] : memref<20000x128xf32, #tpu.memory_space<hbm>> -> memref<20000x128xf32, #tpu.memory_space<hbm>>
      tpu.wait_indirect_dma semaphore(%arg19 : memref<!tpu.dma_semaphore, #tpu.memory_space<semaphore_mem>>) src(%dma_wait3A_546 : memref<20000x128xf32, #tpu.memory_space<hbm>>) dst(%dma_wait3A_540 : memref<64x128xf32, #tpu.memory_space<vmem>>)
      %run_scoped3A_547 = arith.constant 4 : i32
      "tpu.region"() ({
        %run_scoped3A_643 = tpu.sem_alloc : memref<!tpu.dma_semaphore, #tpu.memory_space<semaphore_mem>>
        %dma_start3A_644 = arith.constant 0 : i32
        %dma_start3A_645 = arith.constant 0 : i32
        %dma_start3A_646 = tpu.memref_slice %arg8[%dma_start3A_644, %dma_start3A_645] : memref<128x128xf32, #tpu.memory_space<vmem>> -> memref<64x128xf32, #tpu.memory_space<vmem>>
        %dma_start3A_647 = arith.constant 0 : i32
        %dma_start3A_648 = tpu.memref_slice %arg7[%run_scoped3A_547, %dma_start3A_647] : memref<8x64xi32, #tpu.memory_space<vmem>> -> memref<1x64xi32, #tpu.memory_space<vmem>>
        %dma_start3A_649 = tpu.memref_squeeze %dma_start3A_648 : memref<1x64xi32, #tpu.memory_space<vmem>> -> memref<64xi32, #tpu.memory_space<vmem>>
        %dma_start3A_650 = arith.constant 0 : i32
        %dma_start3A_651 = arith.constant 0 : i32
        %dma_start3A_652 = tpu.memref_slice %arg10[%dma_start3A_650, %dma_start3A_651] : memref<10008x128xf32, #tpu.memory_space<vmem_shared>> -> memref<10008x128xf32, #tpu.memory_space<vmem_shared>>
        tpu.enqueue_indirect_dma source(%dma_start3A_646 : memref<64x128xf32, #tpu.memory_space<vmem>>) target(%dma_start3A_652 : memref<10008x128xf32, #tpu.memory_space<vmem_shared>>) offsets(%dma_start3A_649 : memref<64xi32, #tpu.memory_space<vmem>>) semaphore(%run_scoped3A_643 : memref<!tpu.dma_semaphore, #tpu.memory_space<semaphore_mem>>) {add = true}
        %dma_wait3A_653 = arith.constant 0 : i32
        %dma_wait3A_654 = arith.constant 0 : i32
        %dma_wait3A_655 = tpu.memref_slice %arg8[%dma_wait3A_653, %dma_wait3A_654] : memref<128x128xf32, #tpu.memory_space<vmem>> -> memref<64x128xf32, #tpu.memory_space<vmem>>
        %dma_wait3A_656 = arith.constant 0 : i32
        %dma_wait3A_657 = tpu.memref_slice %arg7[%run_scoped3A_547, %dma_wait3A_656] : memref<8x64xi32, #tpu.memory_space<vmem>> -> memref<1x64xi32, #tpu.memory_space<vmem>>
        %dma_wait3A_658 = tpu.memref_squeeze %dma_wait3A_657 : memref<1x64xi32, #tpu.memory_space<vmem>> -> memref<64xi32, #tpu.memory_space<vmem>>
        %dma_wait3A_659 = arith.constant 0 : i32
        %dma_wait3A_660 = arith.constant 0 : i32
        %dma_wait3A_661 = tpu.memref_slice %arg10[%dma_wait3A_659, %dma_wait3A_660] : memref<10008x128xf32, #tpu.memory_space<vmem_shared>> -> memref<10008x128xf32, #tpu.memory_space<vmem_shared>>
        tpu.wait_indirect_dma semaphore(%run_scoped3A_643 : memref<!tpu.dma_semaphore, #tpu.memory_space<semaphore_mem>>) src(%dma_wait3A_655 : memref<64x128xf32, #tpu.memory_space<vmem>>) dst(%dma_wait3A_661 : memref<10008x128xf32, #tpu.memory_space<vmem_shared>>)
        tpu.yield
      }) : () -> ()
      %add3A_548 = arith.constant 8 : i32
      %add3A_549 = arith.addi %add3A_536, %add3A_548 : i32
      %lt3A_550 = arith.constant 320 : i32
      %lt3A_551 = arith.cmpi slt, %add3A_549, %lt3A_550 : i32
      %convert_element_type3A_552 = arith.extui %lt3A_551 : i1 to i32
      %cond3A_553 = arith.constant 0 : i32
      %cond3A_554 = arith.cmpi ne, %convert_element_type3A_552, %cond3A_553 : i32
      scf.if %cond3A_554 {
        %add3A_643 = arith.constant 8 : i32
        %add3A_644 = arith.addi %add3A_536, %add3A_643 : i32
        %mul3A_645 = arith.constant 64 : i32
        %mul3A_646 = arith.muli %add3A_644, %mul3A_645 : i32
        %add3A_647 = arith.addi %add3A_17, %mul3A_646 : i32
        %dma_start3A_648 = arith.constant 4 : i32
        %dma_start3A_649 = arith.constant 0 : i32
        %dma_start3A_650 = tpu.memref_slice %arg6[%dma_start3A_648, %dma_start3A_649] : memref<8x64xi32, #tpu.memory_space<vmem>> -> memref<1x64xi32, #tpu.memory_space<vmem>>
        %dma_start3A_651 = tpu.memref_squeeze %dma_start3A_650 : memref<1x64xi32, #tpu.memory_space<vmem>> -> memref<64xi32, #tpu.memory_space<vmem>>
        %dma_start3A_652 = tpu.memref_slice %arg3[%add3A_647] : memref<655360xi32, #tpu.memory_space<hbm>> -> memref<64xi32, #tpu.memory_space<hbm>>
        %dma_start3A_653 = arith.constant 0 : i32
        %dma_start3A_654 = tpu.memref_slice %arg6[%dma_start3A_648, %dma_start3A_653] : memref<8x64xi32, #tpu.memory_space<vmem>> -> memref<1x64xi32, #tpu.memory_space<vmem>>
        %dma_start3A_655 = tpu.memref_squeeze %dma_start3A_654 : memref<1x64xi32, #tpu.memory_space<vmem>> -> memref<64xi32, #tpu.memory_space<vmem>>
        %dma_start3A_656 = tpu.memref_slice %arg3[%add3A_647] : memref<655360xi32, #tpu.memory_space<hbm>> -> memref<64xi32, #tpu.memory_space<hbm>>
        tpu.enqueue_dma source(%dma_start3A_656 : memref<64xi32, #tpu.memory_space<hbm>>) target(%dma_start3A_655 : memref<64xi32, #tpu.memory_space<vmem>>) target_semaphore(%arg15 : memref<!tpu.dma_semaphore, #tpu.memory_space<semaphore_mem>>)
        %dma_start3A_657 = arith.constant 4 : i32
        %dma_start3A_658 = arith.constant 0 : i32
        %dma_start3A_659 = tpu.memref_slice %arg7[%dma_start3A_657, %dma_start3A_658] : memref<8x64xi32, #tpu.memory_space<vmem>> -> memref<1x64xi32, #tpu.memory_space<vmem>>
        %dma_start3A_660 = tpu.memref_squeeze %dma_start3A_659 : memref<1x64xi32, #tpu.memory_space<vmem>> -> memref<64xi32, #tpu.memory_space<vmem>>
        %dma_start3A_661 = tpu.memref_slice %arg4[%add3A_647] : memref<655360xi32, #tpu.memory_space<hbm>> -> memref<64xi32, #tpu.memory_space<hbm>>
        %dma_start3A_662 = arith.constant 0 : i32
        %dma_start3A_663 = tpu.memref_slice %arg7[%dma_start3A_657, %dma_start3A_662] : memref<8x64xi32, #tpu.memory_space<vmem>> -> memref<1x64xi32, #tpu.memory_space<vmem>>
        %dma_start3A_664 = tpu.memref_squeeze %dma_start3A_663 : memref<1x64xi32, #tpu.memory_space<vmem>> -> memref<64xi32, #tpu.memory_space<vmem>>
        %dma_start3A_665 = tpu.memref_slice %arg4[%add3A_647] : memref<655360xi32, #tpu.memory_space<hbm>> -> memref<64xi32, #tpu.memory_space<hbm>>
        tpu.enqueue_dma source(%dma_start3A_665 : memref<64xi32, #tpu.memory_space<hbm>>) target(%dma_start3A_664 : memref<64xi32, #tpu.memory_space<vmem>>) target_semaphore(%arg15 : memref<!tpu.dma_semaphore, #tpu.memory_space<semaphore_mem>>)
      } else {
      }
      %add3A_555 = arith.constant 4 : i32
      %add3A_556 = arith.addi %add3A_536, %add3A_555 : i32
      %lt3A_557 = arith.constant 320 : i32
      %lt3A_558 = arith.cmpi slt, %add3A_556, %lt3A_557 : i32
      %convert_element_type3A_559 = arith.extui %lt3A_558 : i1 to i32
      %cond3A_560 = arith.constant 0 : i32
      %cond3A_561 = arith.cmpi ne, %convert_element_type3A_559, %cond3A_560 : i32
      scf.if %cond3A_561 {
        %dma_wait3A_643 = arith.constant 0 : i32
        %dma_wait3A_644 = arith.constant 0 : i32
        %dma_wait3A_645 = tpu.memref_slice %arg6[%dma_wait3A_643, %dma_wait3A_644] : memref<8x64xi32, #tpu.memory_space<vmem>> -> memref<1x64xi32, #tpu.memory_space<vmem>>
        %dma_wait3A_646 = tpu.memref_squeeze %dma_wait3A_645 : memref<1x64xi32, #tpu.memory_space<vmem>> -> memref<64xi32, #tpu.memory_space<vmem>>
        %dma_wait3A_647 = arith.constant 0 : i32
        %dma_wait3A_648 = tpu.memref_slice %arg3[%dma_wait3A_647] : memref<655360xi32, #tpu.memory_space<hbm>> -> memref<64xi32, #tpu.memory_space<hbm>>
        %dma_wait3A_649 = arith.constant 0 : i32
        %dma_wait3A_650 = tpu.memref_slice %arg6[%dma_wait3A_643, %dma_wait3A_649] : memref<8x64xi32, #tpu.memory_space<vmem>> -> memref<1x64xi32, #tpu.memory_space<vmem>>
        %dma_wait3A_651 = tpu.memref_squeeze %dma_wait3A_650 : memref<1x64xi32, #tpu.memory_space<vmem>> -> memref<64xi32, #tpu.memory_space<vmem>>
        %dma_wait3A_652 = arith.constant 0 : i32
        %dma_wait3A_653 = tpu.memref_slice %arg3[%dma_wait3A_652] : memref<655360xi32, #tpu.memory_space<hbm>> -> memref<64xi32, #tpu.memory_space<hbm>>
        tpu.wait_dma2 semaphore(%arg11 : memref<!tpu.dma_semaphore, #tpu.memory_space<semaphore_mem>>) src(%dma_wait3A_653 : memref<64xi32, #tpu.memory_space<hbm>>) dst(%dma_wait3A_651 : memref<64xi32, #tpu.memory_space<vmem>>)
        %dma_wait3A_654 = arith.constant 0 : i32
        %dma_wait3A_655 = arith.constant 0 : i32
        %dma_wait3A_656 = tpu.memref_slice %arg7[%dma_wait3A_654, %dma_wait3A_655] : memref<8x64xi32, #tpu.memory_space<vmem>> -> memref<1x64xi32, #tpu.memory_space<vmem>>
        %dma_wait3A_657 = tpu.memref_squeeze %dma_wait3A_656 : memref<1x64xi32, #tpu.memory_space<vmem>> -> memref<64xi32, #tpu.memory_space<vmem>>
        %dma_wait3A_658 = arith.constant 0 : i32
        %dma_wait3A_659 = tpu.memref_slice %arg4[%dma_wait3A_658] : memref<655360xi32, #tpu.memory_space<hbm>> -> memref<64xi32, #tpu.memory_space<hbm>>
        %dma_wait3A_660 = arith.constant 0 : i32
        %dma_wait3A_661 = tpu.memref_slice %arg7[%dma_wait3A_654, %dma_wait3A_660] : memref<8x64xi32, #tpu.memory_space<vmem>> -> memref<1x64xi32, #tpu.memory_space<vmem>>
        %dma_wait3A_662 = tpu.memref_squeeze %dma_wait3A_661 : memref<1x64xi32, #tpu.memory_space<vmem>> -> memref<64xi32, #tpu.memory_space<vmem>>
        %dma_wait3A_663 = arith.constant 0 : i32
        %dma_wait3A_664 = tpu.memref_slice %arg4[%dma_wait3A_663] : memref<655360xi32, #tpu.memory_space<hbm>> -> memref<64xi32, #tpu.memory_space<hbm>>
        tpu.wait_dma2 semaphore(%arg11 : memref<!tpu.dma_semaphore, #tpu.memory_space<semaphore_mem>>) src(%dma_wait3A_664 : memref<64xi32, #tpu.memory_space<hbm>>) dst(%dma_wait3A_662 : memref<64xi32, #tpu.memory_space<vmem>>)
        %dma_start3A_665 = arith.constant 0 : i32
        %dma_start3A_666 = arith.constant 0 : i32
        %dma_start3A_667 = arith.constant 0 : i32
        %dma_start3A_668 = tpu.memref_slice %arg8[%dma_start3A_666, %dma_start3A_667] : memref<128x128xf32, #tpu.memory_space<vmem>> -> memref<64x128xf32, #tpu.memory_space<vmem>>
        %dma_start3A_669 = arith.constant 0 : i32
        %dma_start3A_670 = tpu.memref_slice %arg6[%dma_start3A_665, %dma_start3A_669] : memref<8x64xi32, #tpu.memory_space<vmem>> -> memref<1x64xi32, #tpu.memory_space<vmem>>
        %dma_start3A_671 = tpu.memref_squeeze %dma_start3A_670 : memref<1x64xi32, #tpu.memory_space<vmem>> -> memref<64xi32, #tpu.memory_space<vmem>>
        %dma_start3A_672 = arith.constant 0 : i32
        %dma_start3A_673 = arith.constant 0 : i32
        %dma_start3A_674 = tpu.memref_slice %arg2[%dma_start3A_672, %dma_start3A_673] : memref<20000x128xf32, #tpu.memory_space<hbm>> -> memref<20000x128xf32, #tpu.memory_space<hbm>>
        tpu.enqueue_indirect_dma source(%dma_start3A_674 : memref<20000x128xf32, #tpu.memory_space<hbm>>) target(%dma_start3A_668 : memref<64x128xf32, #tpu.memory_space<vmem>>) offsets(%dma_start3A_671 : memref<64xi32, #tpu.memory_space<vmem>>) semaphore(%arg19 : memref<!tpu.dma_semaphore, #tpu.memory_space<semaphore_mem>>)
      } else {
      }
      %add3A_562 = arith.constant 5 : i32
      %add3A_563 = arith.addi %mul3A_327, %add3A_562 : i32
      %dma_wait3A_564 = arith.constant 5 : i32
      %dma_wait3A_565 = arith.constant 64 : i32
      %dma_wait3A_566 = arith.constant 0 : i32
      %dma_wait3A_567 = tpu.memref_slice %arg8[%dma_wait3A_565, %dma_wait3A_566] : memref<128x128xf32, #tpu.memory_space<vmem>> -> memref<64x128xf32, #tpu.memory_space<vmem>>
      %dma_wait3A_568 = arith.constant 0 : i32
      %dma_wait3A_569 = tpu.memref_slice %arg6[%dma_wait3A_564, %dma_wait3A_568] : memref<8x64xi32, #tpu.memory_space<vmem>> -> memref<1x64xi32, #tpu.memory_space<vmem>>
      %dma_wait3A_570 = tpu.memref_squeeze %dma_wait3A_569 : memref<1x64xi32, #tpu.memory_space<vmem>> -> memref<64xi32, #tpu.memory_space<vmem>>
      %dma_wait3A_571 = arith.constant 0 : i32
      %dma_wait3A_572 = arith.constant 0 : i32
      %dma_wait3A_573 = tpu.memref_slice %arg2[%dma_wait3A_571, %dma_wait3A_572] : memref<20000x128xf32, #tpu.memory_space<hbm>> -> memref<20000x128xf32, #tpu.memory_space<hbm>>
      tpu.wait_indirect_dma semaphore(%arg20 : memref<!tpu.dma_semaphore, #tpu.memory_space<semaphore_mem>>) src(%dma_wait3A_573 : memref<20000x128xf32, #tpu.memory_space<hbm>>) dst(%dma_wait3A_567 : memref<64x128xf32, #tpu.memory_space<vmem>>)
      %run_scoped3A_574 = arith.constant 5 : i32
      "tpu.region"() ({
        %run_scoped3A_643 = tpu.sem_alloc : memref<!tpu.dma_semaphore, #tpu.memory_space<semaphore_mem>>
        %dma_start3A_644 = arith.constant 64 : i32
        %dma_start3A_645 = arith.constant 0 : i32
        %dma_start3A_646 = tpu.memref_slice %arg8[%dma_start3A_644, %dma_start3A_645] : memref<128x128xf32, #tpu.memory_space<vmem>> -> memref<64x128xf32, #tpu.memory_space<vmem>>
        %dma_start3A_647 = arith.constant 0 : i32
        %dma_start3A_648 = tpu.memref_slice %arg7[%run_scoped3A_574, %dma_start3A_647] : memref<8x64xi32, #tpu.memory_space<vmem>> -> memref<1x64xi32, #tpu.memory_space<vmem>>
        %dma_start3A_649 = tpu.memref_squeeze %dma_start3A_648 : memref<1x64xi32, #tpu.memory_space<vmem>> -> memref<64xi32, #tpu.memory_space<vmem>>
        %dma_start3A_650 = arith.constant 0 : i32
        %dma_start3A_651 = arith.constant 0 : i32
        %dma_start3A_652 = tpu.memref_slice %arg10[%dma_start3A_650, %dma_start3A_651] : memref<10008x128xf32, #tpu.memory_space<vmem_shared>> -> memref<10008x128xf32, #tpu.memory_space<vmem_shared>>
        tpu.enqueue_indirect_dma source(%dma_start3A_646 : memref<64x128xf32, #tpu.memory_space<vmem>>) target(%dma_start3A_652 : memref<10008x128xf32, #tpu.memory_space<vmem_shared>>) offsets(%dma_start3A_649 : memref<64xi32, #tpu.memory_space<vmem>>) semaphore(%run_scoped3A_643 : memref<!tpu.dma_semaphore, #tpu.memory_space<semaphore_mem>>) {add = true}
        %dma_wait3A_653 = arith.constant 64 : i32
        %dma_wait3A_654 = arith.constant 0 : i32
        %dma_wait3A_655 = tpu.memref_slice %arg8[%dma_wait3A_653, %dma_wait3A_654] : memref<128x128xf32, #tpu.memory_space<vmem>> -> memref<64x128xf32, #tpu.memory_space<vmem>>
        %dma_wait3A_656 = arith.constant 0 : i32
        %dma_wait3A_657 = tpu.memref_slice %arg7[%run_scoped3A_574, %dma_wait3A_656] : memref<8x64xi32, #tpu.memory_space<vmem>> -> memref<1x64xi32, #tpu.memory_space<vmem>>
        %dma_wait3A_658 = tpu.memref_squeeze %dma_wait3A_657 : memref<1x64xi32, #tpu.memory_space<vmem>> -> memref<64xi32, #tpu.memory_space<vmem>>
        %dma_wait3A_659 = arith.constant 0 : i32
        %dma_wait3A_660 = arith.constant 0 : i32
        %dma_wait3A_661 = tpu.memref_slice %arg10[%dma_wait3A_659, %dma_wait3A_660] : memref<10008x128xf32, #tpu.memory_space<vmem_shared>> -> memref<10008x128xf32, #tpu.memory_space<vmem_shared>>
        tpu.wait_indirect_dma semaphore(%run_scoped3A_643 : memref<!tpu.dma_semaphore, #tpu.memory_space<semaphore_mem>>) src(%dma_wait3A_655 : memref<64x128xf32, #tpu.memory_space<vmem>>) dst(%dma_wait3A_661 : memref<10008x128xf32, #tpu.memory_space<vmem_shared>>)
        tpu.yield
      }) : () -> ()
      %add3A_575 = arith.constant 8 : i32
      %add3A_576 = arith.addi %add3A_563, %add3A_575 : i32
      %lt3A_577 = arith.constant 320 : i32
      %lt3A_578 = arith.cmpi slt, %add3A_576, %lt3A_577 : i32
      %convert_element_type3A_579 = arith.extui %lt3A_578 : i1 to i32
      %cond3A_580 = arith.constant 0 : i32
      %cond3A_581 = arith.cmpi ne, %convert_element_type3A_579, %cond3A_580 : i32
      scf.if %cond3A_581 {
        %add3A_643 = arith.constant 8 : i32
        %add3A_644 = arith.addi %add3A_563, %add3A_643 : i32
        %mul3A_645 = arith.constant 64 : i32
        %mul3A_646 = arith.muli %add3A_644, %mul3A_645 : i32
        %add3A_647 = arith.addi %add3A_17, %mul3A_646 : i32
        %dma_start3A_648 = arith.constant 5 : i32
        %dma_start3A_649 = arith.constant 0 : i32
        %dma_start3A_650 = tpu.memref_slice %arg6[%dma_start3A_648, %dma_start3A_649] : memref<8x64xi32, #tpu.memory_space<vmem>> -> memref<1x64xi32, #tpu.memory_space<vmem>>
        %dma_start3A_651 = tpu.memref_squeeze %dma_start3A_650 : memref<1x64xi32, #tpu.memory_space<vmem>> -> memref<64xi32, #tpu.memory_space<vmem>>
        %dma_start3A_652 = tpu.memref_slice %arg3[%add3A_647] : memref<655360xi32, #tpu.memory_space<hbm>> -> memref<64xi32, #tpu.memory_space<hbm>>
        %dma_start3A_653 = arith.constant 0 : i32
        %dma_start3A_654 = tpu.memref_slice %arg6[%dma_start3A_648, %dma_start3A_653] : memref<8x64xi32, #tpu.memory_space<vmem>> -> memref<1x64xi32, #tpu.memory_space<vmem>>
        %dma_start3A_655 = tpu.memref_squeeze %dma_start3A_654 : memref<1x64xi32, #tpu.memory_space<vmem>> -> memref<64xi32, #tpu.memory_space<vmem>>
        %dma_start3A_656 = tpu.memref_slice %arg3[%add3A_647] : memref<655360xi32, #tpu.memory_space<hbm>> -> memref<64xi32, #tpu.memory_space<hbm>>
        tpu.enqueue_dma source(%dma_start3A_656 : memref<64xi32, #tpu.memory_space<hbm>>) target(%dma_start3A_655 : memref<64xi32, #tpu.memory_space<vmem>>) target_semaphore(%arg16 : memref<!tpu.dma_semaphore, #tpu.memory_space<semaphore_mem>>)
        %dma_start3A_657 = arith.constant 5 : i32
        %dma_start3A_658 = arith.constant 0 : i32
        %dma_start3A_659 = tpu.memref_slice %arg7[%dma_start3A_657, %dma_start3A_658] : memref<8x64xi32, #tpu.memory_space<vmem>> -> memref<1x64xi32, #tpu.memory_space<vmem>>
        %dma_start3A_660 = tpu.memref_squeeze %dma_start3A_659 : memref<1x64xi32, #tpu.memory_space<vmem>> -> memref<64xi32, #tpu.memory_space<vmem>>
        %dma_start3A_661 = tpu.memref_slice %arg4[%add3A_647] : memref<655360xi32, #tpu.memory_space<hbm>> -> memref<64xi32, #tpu.memory_space<hbm>>
        %dma_start3A_662 = arith.constant 0 : i32
        %dma_start3A_663 = tpu.memref_slice %arg7[%dma_start3A_657, %dma_start3A_662] : memref<8x64xi32, #tpu.memory_space<vmem>> -> memref<1x64xi32, #tpu.memory_space<vmem>>
        %dma_start3A_664 = tpu.memref_squeeze %dma_start3A_663 : memref<1x64xi32, #tpu.memory_space<vmem>> -> memref<64xi32, #tpu.memory_space<vmem>>
        %dma_start3A_665 = tpu.memref_slice %arg4[%add3A_647] : memref<655360xi32, #tpu.memory_space<hbm>> -> memref<64xi32, #tpu.memory_space<hbm>>
        tpu.enqueue_dma source(%dma_start3A_665 : memref<64xi32, #tpu.memory_space<hbm>>) target(%dma_start3A_664 : memref<64xi32, #tpu.memory_space<vmem>>) target_semaphore(%arg16 : memref<!tpu.dma_semaphore, #tpu.memory_space<semaphore_mem>>)
      } else {
      }
      %add3A_582 = arith.constant 4 : i32
      %add3A_583 = arith.addi %add3A_563, %add3A_582 : i32
      %lt3A_584 = arith.constant 320 : i32
      %lt3A_585 = arith.cmpi slt, %add3A_583, %lt3A_584 : i32
      %convert_element_type3A_586 = arith.extui %lt3A_585 : i1 to i32
      %cond3A_587 = arith.constant 0 : i32
      %cond3A_588 = arith.cmpi ne, %convert_element_type3A_586, %cond3A_587 : i32
      scf.if %cond3A_588 {
        %dma_wait3A_643 = arith.constant 1 : i32
        %dma_wait3A_644 = arith.constant 0 : i32
        %dma_wait3A_645 = tpu.memref_slice %arg6[%dma_wait3A_643, %dma_wait3A_644] : memref<8x64xi32, #tpu.memory_space<vmem>> -> memref<1x64xi32, #tpu.memory_space<vmem>>
        %dma_wait3A_646 = tpu.memref_squeeze %dma_wait3A_645 : memref<1x64xi32, #tpu.memory_space<vmem>> -> memref<64xi32, #tpu.memory_space<vmem>>
        %dma_wait3A_647 = arith.constant 0 : i32
        %dma_wait3A_648 = tpu.memref_slice %arg3[%dma_wait3A_647] : memref<655360xi32, #tpu.memory_space<hbm>> -> memref<64xi32, #tpu.memory_space<hbm>>
        %dma_wait3A_649 = arith.constant 0 : i32
        %dma_wait3A_650 = tpu.memref_slice %arg6[%dma_wait3A_643, %dma_wait3A_649] : memref<8x64xi32, #tpu.memory_space<vmem>> -> memref<1x64xi32, #tpu.memory_space<vmem>>
        %dma_wait3A_651 = tpu.memref_squeeze %dma_wait3A_650 : memref<1x64xi32, #tpu.memory_space<vmem>> -> memref<64xi32, #tpu.memory_space<vmem>>
        %dma_wait3A_652 = arith.constant 0 : i32
        %dma_wait3A_653 = tpu.memref_slice %arg3[%dma_wait3A_652] : memref<655360xi32, #tpu.memory_space<hbm>> -> memref<64xi32, #tpu.memory_space<hbm>>
        tpu.wait_dma2 semaphore(%arg12 : memref<!tpu.dma_semaphore, #tpu.memory_space<semaphore_mem>>) src(%dma_wait3A_653 : memref<64xi32, #tpu.memory_space<hbm>>) dst(%dma_wait3A_651 : memref<64xi32, #tpu.memory_space<vmem>>)
        %dma_wait3A_654 = arith.constant 1 : i32
        %dma_wait3A_655 = arith.constant 0 : i32
        %dma_wait3A_656 = tpu.memref_slice %arg7[%dma_wait3A_654, %dma_wait3A_655] : memref<8x64xi32, #tpu.memory_space<vmem>> -> memref<1x64xi32, #tpu.memory_space<vmem>>
        %dma_wait3A_657 = tpu.memref_squeeze %dma_wait3A_656 : memref<1x64xi32, #tpu.memory_space<vmem>> -> memref<64xi32, #tpu.memory_space<vmem>>
        %dma_wait3A_658 = arith.constant 0 : i32
        %dma_wait3A_659 = tpu.memref_slice %arg4[%dma_wait3A_658] : memref<655360xi32, #tpu.memory_space<hbm>> -> memref<64xi32, #tpu.memory_space<hbm>>
        %dma_wait3A_660 = arith.constant 0 : i32
        %dma_wait3A_661 = tpu.memref_slice %arg7[%dma_wait3A_654, %dma_wait3A_660] : memref<8x64xi32, #tpu.memory_space<vmem>> -> memref<1x64xi32, #tpu.memory_space<vmem>>
        %dma_wait3A_662 = tpu.memref_squeeze %dma_wait3A_661 : memref<1x64xi32, #tpu.memory_space<vmem>> -> memref<64xi32, #tpu.memory_space<vmem>>
        %dma_wait3A_663 = arith.constant 0 : i32
        %dma_wait3A_664 = tpu.memref_slice %arg4[%dma_wait3A_663] : memref<655360xi32, #tpu.memory_space<hbm>> -> memref<64xi32, #tpu.memory_space<hbm>>
        tpu.wait_dma2 semaphore(%arg12 : memref<!tpu.dma_semaphore, #tpu.memory_space<semaphore_mem>>) src(%dma_wait3A_664 : memref<64xi32, #tpu.memory_space<hbm>>) dst(%dma_wait3A_662 : memref<64xi32, #tpu.memory_space<vmem>>)
        %dma_start3A_665 = arith.constant 1 : i32
        %dma_start3A_666 = arith.constant 64 : i32
        %dma_start3A_667 = arith.constant 0 : i32
        %dma_start3A_668 = tpu.memref_slice %arg8[%dma_start3A_666, %dma_start3A_667] : memref<128x128xf32, #tpu.memory_space<vmem>> -> memref<64x128xf32, #tpu.memory_space<vmem>>
        %dma_start3A_669 = arith.constant 0 : i32
        %dma_start3A_670 = tpu.memref_slice %arg6[%dma_start3A_665, %dma_start3A_669] : memref<8x64xi32, #tpu.memory_space<vmem>> -> memref<1x64xi32, #tpu.memory_space<vmem>>
        %dma_start3A_671 = tpu.memref_squeeze %dma_start3A_670 : memref<1x64xi32, #tpu.memory_space<vmem>> -> memref<64xi32, #tpu.memory_space<vmem>>
        %dma_start3A_672 = arith.constant 0 : i32
        %dma_start3A_673 = arith.constant 0 : i32
        %dma_start3A_674 = tpu.memref_slice %arg2[%dma_start3A_672, %dma_start3A_673] : memref<20000x128xf32, #tpu.memory_space<hbm>> -> memref<20000x128xf32, #tpu.memory_space<hbm>>
        tpu.enqueue_indirect_dma source(%dma_start3A_674 : memref<20000x128xf32, #tpu.memory_space<hbm>>) target(%dma_start3A_668 : memref<64x128xf32, #tpu.memory_space<vmem>>) offsets(%dma_start3A_671 : memref<64xi32, #tpu.memory_space<vmem>>) semaphore(%arg20 : memref<!tpu.dma_semaphore, #tpu.memory_space<semaphore_mem>>)
      } else {
      }
      %add3A_589 = arith.constant 6 : i32
      %add3A_590 = arith.addi %mul3A_327, %add3A_589 : i32
      %dma_wait3A_591 = arith.constant 6 : i32
      %dma_wait3A_592 = arith.constant 0 : i32
      %dma_wait3A_593 = arith.constant 0 : i32
      %dma_wait3A_594 = tpu.memref_slice %arg9[%dma_wait3A_592, %dma_wait3A_593] : memref<128x128xf32, #tpu.memory_space<vmem>> -> memref<64x128xf32, #tpu.memory_space<vmem>>
      %dma_wait3A_595 = arith.constant 0 : i32
      %dma_wait3A_596 = tpu.memref_slice %arg6[%dma_wait3A_591, %dma_wait3A_595] : memref<8x64xi32, #tpu.memory_space<vmem>> -> memref<1x64xi32, #tpu.memory_space<vmem>>
      %dma_wait3A_597 = tpu.memref_squeeze %dma_wait3A_596 : memref<1x64xi32, #tpu.memory_space<vmem>> -> memref<64xi32, #tpu.memory_space<vmem>>
      %dma_wait3A_598 = arith.constant 0 : i32
      %dma_wait3A_599 = arith.constant 0 : i32
      %dma_wait3A_600 = tpu.memref_slice %arg2[%dma_wait3A_598, %dma_wait3A_599] : memref<20000x128xf32, #tpu.memory_space<hbm>> -> memref<20000x128xf32, #tpu.memory_space<hbm>>
      tpu.wait_indirect_dma semaphore(%arg21 : memref<!tpu.dma_semaphore, #tpu.memory_space<semaphore_mem>>) src(%dma_wait3A_600 : memref<20000x128xf32, #tpu.memory_space<hbm>>) dst(%dma_wait3A_594 : memref<64x128xf32, #tpu.memory_space<vmem>>)
      %run_scoped3A_601 = arith.constant 6 : i32
      "tpu.region"() ({
        %run_scoped3A_643 = tpu.sem_alloc : memref<!tpu.dma_semaphore, #tpu.memory_space<semaphore_mem>>
        %dma_start3A_644 = arith.constant 0 : i32
        %dma_start3A_645 = arith.constant 0 : i32
        %dma_start3A_646 = tpu.memref_slice %arg9[%dma_start3A_644, %dma_start3A_645] : memref<128x128xf32, #tpu.memory_space<vmem>> -> memref<64x128xf32, #tpu.memory_space<vmem>>
        %dma_start3A_647 = arith.constant 0 : i32
        %dma_start3A_648 = tpu.memref_slice %arg7[%run_scoped3A_601, %dma_start3A_647] : memref<8x64xi32, #tpu.memory_space<vmem>> -> memref<1x64xi32, #tpu.memory_space<vmem>>
        %dma_start3A_649 = tpu.memref_squeeze %dma_start3A_648 : memref<1x64xi32, #tpu.memory_space<vmem>> -> memref<64xi32, #tpu.memory_space<vmem>>
        %dma_start3A_650 = arith.constant 0 : i32
        %dma_start3A_651 = arith.constant 0 : i32
        %dma_start3A_652 = tpu.memref_slice %arg10[%dma_start3A_650, %dma_start3A_651] : memref<10008x128xf32, #tpu.memory_space<vmem_shared>> -> memref<10008x128xf32, #tpu.memory_space<vmem_shared>>
        tpu.enqueue_indirect_dma source(%dma_start3A_646 : memref<64x128xf32, #tpu.memory_space<vmem>>) target(%dma_start3A_652 : memref<10008x128xf32, #tpu.memory_space<vmem_shared>>) offsets(%dma_start3A_649 : memref<64xi32, #tpu.memory_space<vmem>>) semaphore(%run_scoped3A_643 : memref<!tpu.dma_semaphore, #tpu.memory_space<semaphore_mem>>) {add = true}
        %dma_wait3A_653 = arith.constant 0 : i32
        %dma_wait3A_654 = arith.constant 0 : i32
        %dma_wait3A_655 = tpu.memref_slice %arg9[%dma_wait3A_653, %dma_wait3A_654] : memref<128x128xf32, #tpu.memory_space<vmem>> -> memref<64x128xf32, #tpu.memory_space<vmem>>
        %dma_wait3A_656 = arith.constant 0 : i32
        %dma_wait3A_657 = tpu.memref_slice %arg7[%run_scoped3A_601, %dma_wait3A_656] : memref<8x64xi32, #tpu.memory_space<vmem>> -> memref<1x64xi32, #tpu.memory_space<vmem>>
        %dma_wait3A_658 = tpu.memref_squeeze %dma_wait3A_657 : memref<1x64xi32, #tpu.memory_space<vmem>> -> memref<64xi32, #tpu.memory_space<vmem>>
        %dma_wait3A_659 = arith.constant 0 : i32
        %dma_wait3A_660 = arith.constant 0 : i32
        %dma_wait3A_661 = tpu.memref_slice %arg10[%dma_wait3A_659, %dma_wait3A_660] : memref<10008x128xf32, #tpu.memory_space<vmem_shared>> -> memref<10008x128xf32, #tpu.memory_space<vmem_shared>>
        tpu.wait_indirect_dma semaphore(%run_scoped3A_643 : memref<!tpu.dma_semaphore, #tpu.memory_space<semaphore_mem>>) src(%dma_wait3A_655 : memref<64x128xf32, #tpu.memory_space<vmem>>) dst(%dma_wait3A_661 : memref<10008x128xf32, #tpu.memory_space<vmem_shared>>)
        tpu.yield
      }) : () -> ()
      %add3A_602 = arith.constant 8 : i32
      %add3A_603 = arith.addi %add3A_590, %add3A_602 : i32
      %lt3A_604 = arith.constant 320 : i32
      %lt3A_605 = arith.cmpi slt, %add3A_603, %lt3A_604 : i32
      %convert_element_type3A_606 = arith.extui %lt3A_605 : i1 to i32
      %cond3A_607 = arith.constant 0 : i32
      %cond3A_608 = arith.cmpi ne, %convert_element_type3A_606, %cond3A_607 : i32
      scf.if %cond3A_608 {
        %add3A_643 = arith.constant 8 : i32
        %add3A_644 = arith.addi %add3A_590, %add3A_643 : i32
        %mul3A_645 = arith.constant 64 : i32
        %mul3A_646 = arith.muli %add3A_644, %mul3A_645 : i32
        %add3A_647 = arith.addi %add3A_17, %mul3A_646 : i32
        %dma_start3A_648 = arith.constant 6 : i32
        %dma_start3A_649 = arith.constant 0 : i32
        %dma_start3A_650 = tpu.memref_slice %arg6[%dma_start3A_648, %dma_start3A_649] : memref<8x64xi32, #tpu.memory_space<vmem>> -> memref<1x64xi32, #tpu.memory_space<vmem>>
        %dma_start3A_651 = tpu.memref_squeeze %dma_start3A_650 : memref<1x64xi32, #tpu.memory_space<vmem>> -> memref<64xi32, #tpu.memory_space<vmem>>
        %dma_start3A_652 = tpu.memref_slice %arg3[%add3A_647] : memref<655360xi32, #tpu.memory_space<hbm>> -> memref<64xi32, #tpu.memory_space<hbm>>
        %dma_start3A_653 = arith.constant 0 : i32
        %dma_start3A_654 = tpu.memref_slice %arg6[%dma_start3A_648, %dma_start3A_653] : memref<8x64xi32, #tpu.memory_space<vmem>> -> memref<1x64xi32, #tpu.memory_space<vmem>>
        %dma_start3A_655 = tpu.memref_squeeze %dma_start3A_654 : memref<1x64xi32, #tpu.memory_space<vmem>> -> memref<64xi32, #tpu.memory_space<vmem>>
        %dma_start3A_656 = tpu.memref_slice %arg3[%add3A_647] : memref<655360xi32, #tpu.memory_space<hbm>> -> memref<64xi32, #tpu.memory_space<hbm>>
        tpu.enqueue_dma source(%dma_start3A_656 : memref<64xi32, #tpu.memory_space<hbm>>) target(%dma_start3A_655 : memref<64xi32, #tpu.memory_space<vmem>>) target_semaphore(%arg17 : memref<!tpu.dma_semaphore, #tpu.memory_space<semaphore_mem>>)
        %dma_start3A_657 = arith.constant 6 : i32
        %dma_start3A_658 = arith.constant 0 : i32
        %dma_start3A_659 = tpu.memref_slice %arg7[%dma_start3A_657, %dma_start3A_658] : memref<8x64xi32, #tpu.memory_space<vmem>> -> memref<1x64xi32, #tpu.memory_space<vmem>>
        %dma_start3A_660 = tpu.memref_squeeze %dma_start3A_659 : memref<1x64xi32, #tpu.memory_space<vmem>> -> memref<64xi32, #tpu.memory_space<vmem>>
        %dma_start3A_661 = tpu.memref_slice %arg4[%add3A_647] : memref<655360xi32, #tpu.memory_space<hbm>> -> memref<64xi32, #tpu.memory_space<hbm>>
        %dma_start3A_662 = arith.constant 0 : i32
        %dma_start3A_663 = tpu.memref_slice %arg7[%dma_start3A_657, %dma_start3A_662] : memref<8x64xi32, #tpu.memory_space<vmem>> -> memref<1x64xi32, #tpu.memory_space<vmem>>
        %dma_start3A_664 = tpu.memref_squeeze %dma_start3A_663 : memref<1x64xi32, #tpu.memory_space<vmem>> -> memref<64xi32, #tpu.memory_space<vmem>>
        %dma_start3A_665 = tpu.memref_slice %arg4[%add3A_647] : memref<655360xi32, #tpu.memory_space<hbm>> -> memref<64xi32, #tpu.memory_space<hbm>>
        tpu.enqueue_dma source(%dma_start3A_665 : memref<64xi32, #tpu.memory_space<hbm>>) target(%dma_start3A_664 : memref<64xi32, #tpu.memory_space<vmem>>) target_semaphore(%arg17 : memref<!tpu.dma_semaphore, #tpu.memory_space<semaphore_mem>>)
      } else {
      }
      %add3A_609 = arith.constant 4 : i32
      %add3A_610 = arith.addi %add3A_590, %add3A_609 : i32
      %lt3A_611 = arith.constant 320 : i32
      %lt3A_612 = arith.cmpi slt, %add3A_610, %lt3A_611 : i32
      %convert_element_type3A_613 = arith.extui %lt3A_612 : i1 to i32
      %cond3A_614 = arith.constant 0 : i32
      %cond3A_615 = arith.cmpi ne, %convert_element_type3A_613, %cond3A_614 : i32
      scf.if %cond3A_615 {
        %dma_wait3A_643 = arith.constant 2 : i32
        %dma_wait3A_644 = arith.constant 0 : i32
        %dma_wait3A_645 = tpu.memref_slice %arg6[%dma_wait3A_643, %dma_wait3A_644] : memref<8x64xi32, #tpu.memory_space<vmem>> -> memref<1x64xi32, #tpu.memory_space<vmem>>
        %dma_wait3A_646 = tpu.memref_squeeze %dma_wait3A_645 : memref<1x64xi32, #tpu.memory_space<vmem>> -> memref<64xi32, #tpu.memory_space<vmem>>
        %dma_wait3A_647 = arith.constant 0 : i32
        %dma_wait3A_648 = tpu.memref_slice %arg3[%dma_wait3A_647] : memref<655360xi32, #tpu.memory_space<hbm>> -> memref<64xi32, #tpu.memory_space<hbm>>
        %dma_wait3A_649 = arith.constant 0 : i32
        %dma_wait3A_650 = tpu.memref_slice %arg6[%dma_wait3A_643, %dma_wait3A_649] : memref<8x64xi32, #tpu.memory_space<vmem>> -> memref<1x64xi32, #tpu.memory_space<vmem>>
        %dma_wait3A_651 = tpu.memref_squeeze %dma_wait3A_650 : memref<1x64xi32, #tpu.memory_space<vmem>> -> memref<64xi32, #tpu.memory_space<vmem>>
        %dma_wait3A_652 = arith.constant 0 : i32
        %dma_wait3A_653 = tpu.memref_slice %arg3[%dma_wait3A_652] : memref<655360xi32, #tpu.memory_space<hbm>> -> memref<64xi32, #tpu.memory_space<hbm>>
        tpu.wait_dma2 semaphore(%arg13 : memref<!tpu.dma_semaphore, #tpu.memory_space<semaphore_mem>>) src(%dma_wait3A_653 : memref<64xi32, #tpu.memory_space<hbm>>) dst(%dma_wait3A_651 : memref<64xi32, #tpu.memory_space<vmem>>)
        %dma_wait3A_654 = arith.constant 2 : i32
        %dma_wait3A_655 = arith.constant 0 : i32
        %dma_wait3A_656 = tpu.memref_slice %arg7[%dma_wait3A_654, %dma_wait3A_655] : memref<8x64xi32, #tpu.memory_space<vmem>> -> memref<1x64xi32, #tpu.memory_space<vmem>>
        %dma_wait3A_657 = tpu.memref_squeeze %dma_wait3A_656 : memref<1x64xi32, #tpu.memory_space<vmem>> -> memref<64xi32, #tpu.memory_space<vmem>>
        %dma_wait3A_658 = arith.constant 0 : i32
        %dma_wait3A_659 = tpu.memref_slice %arg4[%dma_wait3A_658] : memref<655360xi32, #tpu.memory_space<hbm>> -> memref<64xi32, #tpu.memory_space<hbm>>
        %dma_wait3A_660 = arith.constant 0 : i32
        %dma_wait3A_661 = tpu.memref_slice %arg7[%dma_wait3A_654, %dma_wait3A_660] : memref<8x64xi32, #tpu.memory_space<vmem>> -> memref<1x64xi32, #tpu.memory_space<vmem>>
        %dma_wait3A_662 = tpu.memref_squeeze %dma_wait3A_661 : memref<1x64xi32, #tpu.memory_space<vmem>> -> memref<64xi32, #tpu.memory_space<vmem>>
        %dma_wait3A_663 = arith.constant 0 : i32
        %dma_wait3A_664 = tpu.memref_slice %arg4[%dma_wait3A_663] : memref<655360xi32, #tpu.memory_space<hbm>> -> memref<64xi32, #tpu.memory_space<hbm>>
        tpu.wait_dma2 semaphore(%arg13 : memref<!tpu.dma_semaphore, #tpu.memory_space<semaphore_mem>>) src(%dma_wait3A_664 : memref<64xi32, #tpu.memory_space<hbm>>) dst(%dma_wait3A_662 : memref<64xi32, #tpu.memory_space<vmem>>)
        %dma_start3A_665 = arith.constant 2 : i32
        %dma_start3A_666 = arith.constant 0 : i32
        %dma_start3A_667 = arith.constant 0 : i32
        %dma_start3A_668 = tpu.memref_slice %arg9[%dma_start3A_666, %dma_start3A_667] : memref<128x128xf32, #tpu.memory_space<vmem>> -> memref<64x128xf32, #tpu.memory_space<vmem>>
        %dma_start3A_669 = arith.constant 0 : i32
        %dma_start3A_670 = tpu.memref_slice %arg6[%dma_start3A_665, %dma_start3A_669] : memref<8x64xi32, #tpu.memory_space<vmem>> -> memref<1x64xi32, #tpu.memory_space<vmem>>
        %dma_start3A_671 = tpu.memref_squeeze %dma_start3A_670 : memref<1x64xi32, #tpu.memory_space<vmem>> -> memref<64xi32, #tpu.memory_space<vmem>>
        %dma_start3A_672 = arith.constant 0 : i32
        %dma_start3A_673 = arith.constant 0 : i32
        %dma_start3A_674 = tpu.memref_slice %arg2[%dma_start3A_672, %dma_start3A_673] : memref<20000x128xf32, #tpu.memory_space<hbm>> -> memref<20000x128xf32, #tpu.memory_space<hbm>>
        tpu.enqueue_indirect_dma source(%dma_start3A_674 : memref<20000x128xf32, #tpu.memory_space<hbm>>) target(%dma_start3A_668 : memref<64x128xf32, #tpu.memory_space<vmem>>) offsets(%dma_start3A_671 : memref<64xi32, #tpu.memory_space<vmem>>) semaphore(%arg21 : memref<!tpu.dma_semaphore, #tpu.memory_space<semaphore_mem>>)
      } else {
      }
      %add3A_616 = arith.constant 7 : i32
      %add3A_617 = arith.addi %mul3A_327, %add3A_616 : i32
      %dma_wait3A_618 = arith.constant 7 : i32
      %dma_wait3A_619 = arith.constant 64 : i32
      %dma_wait3A_620 = arith.constant 0 : i32
      %dma_wait3A_621 = tpu.memref_slice %arg9[%dma_wait3A_619, %dma_wait3A_620] : memref<128x128xf32, #tpu.memory_space<vmem>> -> memref<64x128xf32, #tpu.memory_space<vmem>>
      %dma_wait3A_622 = arith.constant 0 : i32
      %dma_wait3A_623 = tpu.memref_slice %arg6[%dma_wait3A_618, %dma_wait3A_622] : memref<8x64xi32, #tpu.memory_space<vmem>> -> memref<1x64xi32, #tpu.memory_space<vmem>>
      %dma_wait3A_624 = tpu.memref_squeeze %dma_wait3A_623 : memref<1x64xi32, #tpu.memory_space<vmem>> -> memref<64xi32, #tpu.memory_space<vmem>>
      %dma_wait3A_625 = arith.constant 0 : i32
      %dma_wait3A_626 = arith.constant 0 : i32
      %dma_wait3A_627 = tpu.memref_slice %arg2[%dma_wait3A_625, %dma_wait3A_626] : memref<20000x128xf32, #tpu.memory_space<hbm>> -> memref<20000x128xf32, #tpu.memory_space<hbm>>
      tpu.wait_indirect_dma semaphore(%arg22 : memref<!tpu.dma_semaphore, #tpu.memory_space<semaphore_mem>>) src(%dma_wait3A_627 : memref<20000x128xf32, #tpu.memory_space<hbm>>) dst(%dma_wait3A_621 : memref<64x128xf32, #tpu.memory_space<vmem>>)
      %run_scoped3A_628 = arith.constant 7 : i32
      "tpu.region"() ({
        %run_scoped3A_643 = tpu.sem_alloc : memref<!tpu.dma_semaphore, #tpu.memory_space<semaphore_mem>>
        %dma_start3A_644 = arith.constant 64 : i32
        %dma_start3A_645 = arith.constant 0 : i32
        %dma_start3A_646 = tpu.memref_slice %arg9[%dma_start3A_644, %dma_start3A_645] : memref<128x128xf32, #tpu.memory_space<vmem>> -> memref<64x128xf32, #tpu.memory_space<vmem>>
        %dma_start3A_647 = arith.constant 0 : i32
        %dma_start3A_648 = tpu.memref_slice %arg7[%run_scoped3A_628, %dma_start3A_647] : memref<8x64xi32, #tpu.memory_space<vmem>> -> memref<1x64xi32, #tpu.memory_space<vmem>>
        %dma_start3A_649 = tpu.memref_squeeze %dma_start3A_648 : memref<1x64xi32, #tpu.memory_space<vmem>> -> memref<64xi32, #tpu.memory_space<vmem>>
        %dma_start3A_650 = arith.constant 0 : i32
        %dma_start3A_651 = arith.constant 0 : i32
        %dma_start3A_652 = tpu.memref_slice %arg10[%dma_start3A_650, %dma_start3A_651] : memref<10008x128xf32, #tpu.memory_space<vmem_shared>> -> memref<10008x128xf32, #tpu.memory_space<vmem_shared>>
        tpu.enqueue_indirect_dma source(%dma_start3A_646 : memref<64x128xf32, #tpu.memory_space<vmem>>) target(%dma_start3A_652 : memref<10008x128xf32, #tpu.memory_space<vmem_shared>>) offsets(%dma_start3A_649 : memref<64xi32, #tpu.memory_space<vmem>>) semaphore(%run_scoped3A_643 : memref<!tpu.dma_semaphore, #tpu.memory_space<semaphore_mem>>) {add = true}
        %dma_wait3A_653 = arith.constant 64 : i32
        %dma_wait3A_654 = arith.constant 0 : i32
        %dma_wait3A_655 = tpu.memref_slice %arg9[%dma_wait3A_653, %dma_wait3A_654] : memref<128x128xf32, #tpu.memory_space<vmem>> -> memref<64x128xf32, #tpu.memory_space<vmem>>
        %dma_wait3A_656 = arith.constant 0 : i32
        %dma_wait3A_657 = tpu.memref_slice %arg7[%run_scoped3A_628, %dma_wait3A_656] : memref<8x64xi32, #tpu.memory_space<vmem>> -> memref<1x64xi32, #tpu.memory_space<vmem>>
        %dma_wait3A_658 = tpu.memref_squeeze %dma_wait3A_657 : memref<1x64xi32, #tpu.memory_space<vmem>> -> memref<64xi32, #tpu.memory_space<vmem>>
        %dma_wait3A_659 = arith.constant 0 : i32
        %dma_wait3A_660 = arith.constant 0 : i32
        %dma_wait3A_661 = tpu.memref_slice %arg10[%dma_wait3A_659, %dma_wait3A_660] : memref<10008x128xf32, #tpu.memory_space<vmem_shared>> -> memref<10008x128xf32, #tpu.memory_space<vmem_shared>>
        tpu.wait_indirect_dma semaphore(%run_scoped3A_643 : memref<!tpu.dma_semaphore, #tpu.memory_space<semaphore_mem>>) src(%dma_wait3A_655 : memref<64x128xf32, #tpu.memory_space<vmem>>) dst(%dma_wait3A_661 : memref<10008x128xf32, #tpu.memory_space<vmem_shared>>)
        tpu.yield
      }) : () -> ()
      %add3A_629 = arith.constant 8 : i32
      %add3A_630 = arith.addi %add3A_617, %add3A_629 : i32
      %lt3A_631 = arith.constant 320 : i32
      %lt3A_632 = arith.cmpi slt, %add3A_630, %lt3A_631 : i32
      %convert_element_type3A_633 = arith.extui %lt3A_632 : i1 to i32
      %cond3A_634 = arith.constant 0 : i32
      %cond3A_635 = arith.cmpi ne, %convert_element_type3A_633, %cond3A_634 : i32
      scf.if %cond3A_635 {
        %add3A_643 = arith.constant 8 : i32
        %add3A_644 = arith.addi %add3A_617, %add3A_643 : i32
        %mul3A_645 = arith.constant 64 : i32
        %mul3A_646 = arith.muli %add3A_644, %mul3A_645 : i32
        %add3A_647 = arith.addi %add3A_17, %mul3A_646 : i32
        %dma_start3A_648 = arith.constant 7 : i32
        %dma_start3A_649 = arith.constant 0 : i32
        %dma_start3A_650 = tpu.memref_slice %arg6[%dma_start3A_648, %dma_start3A_649] : memref<8x64xi32, #tpu.memory_space<vmem>> -> memref<1x64xi32, #tpu.memory_space<vmem>>
        %dma_start3A_651 = tpu.memref_squeeze %dma_start3A_650 : memref<1x64xi32, #tpu.memory_space<vmem>> -> memref<64xi32, #tpu.memory_space<vmem>>
        %dma_start3A_652 = tpu.memref_slice %arg3[%add3A_647] : memref<655360xi32, #tpu.memory_space<hbm>> -> memref<64xi32, #tpu.memory_space<hbm>>
        %dma_start3A_653 = arith.constant 0 : i32
        %dma_start3A_654 = tpu.memref_slice %arg6[%dma_start3A_648, %dma_start3A_653] : memref<8x64xi32, #tpu.memory_space<vmem>> -> memref<1x64xi32, #tpu.memory_space<vmem>>
        %dma_start3A_655 = tpu.memref_squeeze %dma_start3A_654 : memref<1x64xi32, #tpu.memory_space<vmem>> -> memref<64xi32, #tpu.memory_space<vmem>>
        %dma_start3A_656 = tpu.memref_slice %arg3[%add3A_647] : memref<655360xi32, #tpu.memory_space<hbm>> -> memref<64xi32, #tpu.memory_space<hbm>>
        tpu.enqueue_dma source(%dma_start3A_656 : memref<64xi32, #tpu.memory_space<hbm>>) target(%dma_start3A_655 : memref<64xi32, #tpu.memory_space<vmem>>) target_semaphore(%arg18 : memref<!tpu.dma_semaphore, #tpu.memory_space<semaphore_mem>>)
        %dma_start3A_657 = arith.constant 7 : i32
        %dma_start3A_658 = arith.constant 0 : i32
        %dma_start3A_659 = tpu.memref_slice %arg7[%dma_start3A_657, %dma_start3A_658] : memref<8x64xi32, #tpu.memory_space<vmem>> -> memref<1x64xi32, #tpu.memory_space<vmem>>
        %dma_start3A_660 = tpu.memref_squeeze %dma_start3A_659 : memref<1x64xi32, #tpu.memory_space<vmem>> -> memref<64xi32, #tpu.memory_space<vmem>>
        %dma_start3A_661 = tpu.memref_slice %arg4[%add3A_647] : memref<655360xi32, #tpu.memory_space<hbm>> -> memref<64xi32, #tpu.memory_space<hbm>>
        %dma_start3A_662 = arith.constant 0 : i32
        %dma_start3A_663 = tpu.memref_slice %arg7[%dma_start3A_657, %dma_start3A_662] : memref<8x64xi32, #tpu.memory_space<vmem>> -> memref<1x64xi32, #tpu.memory_space<vmem>>
        %dma_start3A_664 = tpu.memref_squeeze %dma_start3A_663 : memref<1x64xi32, #tpu.memory_space<vmem>> -> memref<64xi32, #tpu.memory_space<vmem>>
        %dma_start3A_665 = tpu.memref_slice %arg4[%add3A_647] : memref<655360xi32, #tpu.memory_space<hbm>> -> memref<64xi32, #tpu.memory_space<hbm>>
        tpu.enqueue_dma source(%dma_start3A_665 : memref<64xi32, #tpu.memory_space<hbm>>) target(%dma_start3A_664 : memref<64xi32, #tpu.memory_space<vmem>>) target_semaphore(%arg18 : memref<!tpu.dma_semaphore, #tpu.memory_space<semaphore_mem>>)
      } else {
      }
      %add3A_636 = arith.constant 4 : i32
      %add3A_637 = arith.addi %add3A_617, %add3A_636 : i32
      %lt3A_638 = arith.constant 320 : i32
      %lt3A_639 = arith.cmpi slt, %add3A_637, %lt3A_638 : i32
      %convert_element_type3A_640 = arith.extui %lt3A_639 : i1 to i32
      %cond3A_641 = arith.constant 0 : i32
      %cond3A_642 = arith.cmpi ne, %convert_element_type3A_640, %cond3A_641 : i32
      scf.if %cond3A_642 {
        %dma_wait3A_643 = arith.constant 3 : i32
        %dma_wait3A_644 = arith.constant 0 : i32
        %dma_wait3A_645 = tpu.memref_slice %arg6[%dma_wait3A_643, %dma_wait3A_644] : memref<8x64xi32, #tpu.memory_space<vmem>> -> memref<1x64xi32, #tpu.memory_space<vmem>>
        %dma_wait3A_646 = tpu.memref_squeeze %dma_wait3A_645 : memref<1x64xi32, #tpu.memory_space<vmem>> -> memref<64xi32, #tpu.memory_space<vmem>>
        %dma_wait3A_647 = arith.constant 0 : i32
        %dma_wait3A_648 = tpu.memref_slice %arg3[%dma_wait3A_647] : memref<655360xi32, #tpu.memory_space<hbm>> -> memref<64xi32, #tpu.memory_space<hbm>>
        %dma_wait3A_649 = arith.constant 0 : i32
        %dma_wait3A_650 = tpu.memref_slice %arg6[%dma_wait3A_643, %dma_wait3A_649] : memref<8x64xi32, #tpu.memory_space<vmem>> -> memref<1x64xi32, #tpu.memory_space<vmem>>
        %dma_wait3A_651 = tpu.memref_squeeze %dma_wait3A_650 : memref<1x64xi32, #tpu.memory_space<vmem>> -> memref<64xi32, #tpu.memory_space<vmem>>
        %dma_wait3A_652 = arith.constant 0 : i32
        %dma_wait3A_653 = tpu.memref_slice %arg3[%dma_wait3A_652] : memref<655360xi32, #tpu.memory_space<hbm>> -> memref<64xi32, #tpu.memory_space<hbm>>
        tpu.wait_dma2 semaphore(%arg14 : memref<!tpu.dma_semaphore, #tpu.memory_space<semaphore_mem>>) src(%dma_wait3A_653 : memref<64xi32, #tpu.memory_space<hbm>>) dst(%dma_wait3A_651 : memref<64xi32, #tpu.memory_space<vmem>>)
        %dma_wait3A_654 = arith.constant 3 : i32
        %dma_wait3A_655 = arith.constant 0 : i32
        %dma_wait3A_656 = tpu.memref_slice %arg7[%dma_wait3A_654, %dma_wait3A_655] : memref<8x64xi32, #tpu.memory_space<vmem>> -> memref<1x64xi32, #tpu.memory_space<vmem>>
        %dma_wait3A_657 = tpu.memref_squeeze %dma_wait3A_656 : memref<1x64xi32, #tpu.memory_space<vmem>> -> memref<64xi32, #tpu.memory_space<vmem>>
        %dma_wait3A_658 = arith.constant 0 : i32
        %dma_wait3A_659 = tpu.memref_slice %arg4[%dma_wait3A_658] : memref<655360xi32, #tpu.memory_space<hbm>> -> memref<64xi32, #tpu.memory_space<hbm>>
        %dma_wait3A_660 = arith.constant 0 : i32
        %dma_wait3A_661 = tpu.memref_slice %arg7[%dma_wait3A_654, %dma_wait3A_660] : memref<8x64xi32, #tpu.memory_space<vmem>> -> memref<1x64xi32, #tpu.memory_space<vmem>>
        %dma_wait3A_662 = tpu.memref_squeeze %dma_wait3A_661 : memref<1x64xi32, #tpu.memory_space<vmem>> -> memref<64xi32, #tpu.memory_space<vmem>>
        %dma_wait3A_663 = arith.constant 0 : i32
        %dma_wait3A_664 = tpu.memref_slice %arg4[%dma_wait3A_663] : memref<655360xi32, #tpu.memory_space<hbm>> -> memref<64xi32, #tpu.memory_space<hbm>>
        tpu.wait_dma2 semaphore(%arg14 : memref<!tpu.dma_semaphore, #tpu.memory_space<semaphore_mem>>) src(%dma_wait3A_664 : memref<64xi32, #tpu.memory_space<hbm>>) dst(%dma_wait3A_662 : memref<64xi32, #tpu.memory_space<vmem>>)
        %dma_start3A_665 = arith.constant 3 : i32
        %dma_start3A_666 = arith.constant 64 : i32
        %dma_start3A_667 = arith.constant 0 : i32
        %dma_start3A_668 = tpu.memref_slice %arg9[%dma_start3A_666, %dma_start3A_667] : memref<128x128xf32, #tpu.memory_space<vmem>> -> memref<64x128xf32, #tpu.memory_space<vmem>>
        %dma_start3A_669 = arith.constant 0 : i32
        %dma_start3A_670 = tpu.memref_slice %arg6[%dma_start3A_665, %dma_start3A_669] : memref<8x64xi32, #tpu.memory_space<vmem>> -> memref<1x64xi32, #tpu.memory_space<vmem>>
        %dma_start3A_671 = tpu.memref_squeeze %dma_start3A_670 : memref<1x64xi32, #tpu.memory_space<vmem>> -> memref<64xi32, #tpu.memory_space<vmem>>
        %dma_start3A_672 = arith.constant 0 : i32
        %dma_start3A_673 = arith.constant 0 : i32
        %dma_start3A_674 = tpu.memref_slice %arg2[%dma_start3A_672, %dma_start3A_673] : memref<20000x128xf32, #tpu.memory_space<hbm>> -> memref<20000x128xf32, #tpu.memory_space<hbm>>
        tpu.enqueue_indirect_dma source(%dma_start3A_674 : memref<20000x128xf32, #tpu.memory_space<hbm>>) target(%dma_start3A_668 : memref<64x128xf32, #tpu.memory_space<vmem>>) offsets(%dma_start3A_671 : memref<64xi32, #tpu.memory_space<vmem>>) semaphore(%arg22 : memref<!tpu.dma_semaphore, #tpu.memory_space<semaphore_mem>>)
      } else {
      }
    }
    %scan3A_308 = arith.constant 40 : i32
    %barrier3A_309 = arith.constant 0 : index
    tpu.barrier barrier_id(%barrier3A_309)
    %while3A_310 = arith.constant 0 : i32
    %while3A_311 = arith.constant 0 : i32
    %while3A_312 = arith.subi %add3A_2, %while3A_311 : i32
    %while3A_313 = arith.addi %while3A_311, %while3A_312 : i32
    %while3A_314 = arith.constant 1 : i32
    %while3A_315 = arith.divsi %while3A_312, %while3A_314 : i32
    %while3A_316 = arith.muli %while3A_315, %while3A_314 : i32
    %while3A_317 = arith.addi %while3A_311, %while3A_316 : i32
    %while3A_318 = arith.constant 1 : i32
    scf.for %while3A_325 = %while3A_311 to %while3A_317 step %while3A_318  : i32 {
      %mul3A_326 = arith.constant 16 : i32
      %mul3A_327 = arith.muli %while3A_325, %mul3A_326 : i32
      %add3A_328 = arith.addi %arg1, %mul3A_327 : i32
      %mul3A_329 = arith.constant 128 : i32
      %mul3A_330 = arith.muli %add3A_328, %mul3A_329 : i32
      "tpu.region"() ({
        %run_scoped3A = tpu.sem_alloc : memref<!tpu.dma_semaphore, #tpu.memory_space<semaphore_mem>>
        %dma_start3A_334 = arith.constant 0 : i32
        %dma_start3A_335 = tpu.memref_slice %arg10[%mul3A_330, %dma_start3A_334] : memref<10008x128xf32, #tpu.memory_space<vmem_shared>> -> memref<128x128xf32, #tpu.memory_space<vmem_shared>>
        %dma_start3A_336 = arith.constant 0 : i32
        %dma_start3A_337 = tpu.memref_slice %arg10[%mul3A_330, %dma_start3A_336] : memref<10008x128xf32, #tpu.memory_space<vmem_shared>> -> memref<128x128xf32, #tpu.memory_space<vmem_shared>>
        tpu.enqueue_dma source(%dma_start3A_337 : memref<128x128xf32, #tpu.memory_space<vmem_shared>>) target(%arg8 : memref<128x128xf32, #tpu.memory_space<vmem>>) target_semaphore(%run_scoped3A : memref<!tpu.dma_semaphore, #tpu.memory_space<semaphore_mem>>)
        %dma_wait3A_338 = arith.constant 0 : i32
        %dma_wait3A_339 = tpu.memref_slice %arg10[%mul3A_330, %dma_wait3A_338] : memref<10008x128xf32, #tpu.memory_space<vmem_shared>> -> memref<128x128xf32, #tpu.memory_space<vmem_shared>>
        %dma_wait3A_340 = arith.constant 0 : i32
        %dma_wait3A_341 = tpu.memref_slice %arg10[%mul3A_330, %dma_wait3A_340] : memref<10008x128xf32, #tpu.memory_space<vmem_shared>> -> memref<128x128xf32, #tpu.memory_space<vmem_shared>>
        tpu.wait_dma2 semaphore(%run_scoped3A : memref<!tpu.dma_semaphore, #tpu.memory_space<semaphore_mem>>) src(%dma_wait3A_341 : memref<128x128xf32, #tpu.memory_space<vmem_shared>>) dst(%arg8 : memref<128x128xf32, #tpu.memory_space<vmem>>)
        tpu.yield
      }) : () -> ()
      %mul3A_331 = arith.constant 10000 : i32
      %mul3A_332 = arith.muli %arg0, %mul3A_331 : i32
      %add3A_333 = arith.addi %mul3A_332, %mul3A_330 : i32
      "tpu.region"() ({
        %run_scoped3A = tpu.sem_alloc : memref<!tpu.dma_semaphore, #tpu.memory_space<semaphore_mem>>
        %dma_start3A_334 = arith.constant 0 : i32
        %dma_start3A_335 = tpu.memref_slice %arg5[%add3A_333, %dma_start3A_334] : memref<20000x128xf32, #tpu.memory_space<hbm>> -> memref<128x128xf32, #tpu.memory_space<hbm>>
        %dma_start3A_336 = arith.constant 0 : i32
        %dma_start3A_337 = tpu.memref_slice %arg5[%add3A_333, %dma_start3A_336] : memref<20000x128xf32, #tpu.memory_space<hbm>> -> memref<128x128xf32, #tpu.memory_space<hbm>>
        tpu.enqueue_dma source(%arg8 : memref<128x128xf32, #tpu.memory_space<vmem>>) target(%dma_start3A_337 : memref<128x128xf32, #tpu.memory_space<hbm>>) target_semaphore(%run_scoped3A : memref<!tpu.dma_semaphore, #tpu.memory_space<semaphore_mem>>)
        %dma_wait3A_338 = arith.constant 0 : i32
        %dma_wait3A_339 = tpu.memref_slice %arg5[%add3A_333, %dma_wait3A_338] : memref<20000x128xf32, #tpu.memory_space<hbm>> -> memref<128x128xf32, #tpu.memory_space<hbm>>
        %dma_wait3A_340 = arith.constant 0 : i32
        %dma_wait3A_341 = tpu.memref_slice %arg5[%add3A_333, %dma_wait3A_340] : memref<20000x128xf32, #tpu.memory_space<hbm>> -> memref<128x128xf32, #tpu.memory_space<hbm>>
        tpu.wait_dma2 semaphore(%run_scoped3A : memref<!tpu.dma_semaphore, #tpu.memory_space<semaphore_mem>>) src(%arg8 : memref<128x128xf32, #tpu.memory_space<vmem>>) dst(%dma_wait3A_341 : memref<128x128xf32, #tpu.memory_space<hbm>>)
        tpu.yield
      }) : () -> ()
    }
    %while3A_319 = arith.constant 1 : i32
    scf.for %while3A_325 = %while3A_317 to %while3A_313 step %while3A_319  : i32 {
      %mul3A_326 = arith.constant 16 : i32
      %mul3A_327 = arith.muli %while3A_325, %mul3A_326 : i32
      %add3A_328 = arith.addi %arg1, %mul3A_327 : i32
      %mul3A_329 = arith.constant 128 : i32
      %mul3A_330 = arith.muli %add3A_328, %mul3A_329 : i32
      "tpu.region"() ({
        %run_scoped3A = tpu.sem_alloc : memref<!tpu.dma_semaphore, #tpu.memory_space<semaphore_mem>>
        %dma_start3A_334 = arith.constant 0 : i32
        %dma_start3A_335 = tpu.memref_slice %arg10[%mul3A_330, %dma_start3A_334] : memref<10008x128xf32, #tpu.memory_space<vmem_shared>> -> memref<128x128xf32, #tpu.memory_space<vmem_shared>>
        %dma_start3A_336 = arith.constant 0 : i32
        %dma_start3A_337 = tpu.memref_slice %arg10[%mul3A_330, %dma_start3A_336] : memref<10008x128xf32, #tpu.memory_space<vmem_shared>> -> memref<128x128xf32, #tpu.memory_space<vmem_shared>>
        tpu.enqueue_dma source(%dma_start3A_337 : memref<128x128xf32, #tpu.memory_space<vmem_shared>>) target(%arg8 : memref<128x128xf32, #tpu.memory_space<vmem>>) target_semaphore(%run_scoped3A : memref<!tpu.dma_semaphore, #tpu.memory_space<semaphore_mem>>)
        %dma_wait3A_338 = arith.constant 0 : i32
        %dma_wait3A_339 = tpu.memref_slice %arg10[%mul3A_330, %dma_wait3A_338] : memref<10008x128xf32, #tpu.memory_space<vmem_shared>> -> memref<128x128xf32, #tpu.memory_space<vmem_shared>>
        %dma_wait3A_340 = arith.constant 0 : i32
        %dma_wait3A_341 = tpu.memref_slice %arg10[%mul3A_330, %dma_wait3A_340] : memref<10008x128xf32, #tpu.memory_space<vmem_shared>> -> memref<128x128xf32, #tpu.memory_space<vmem_shared>>
        tpu.wait_dma2 semaphore(%run_scoped3A : memref<!tpu.dma_semaphore, #tpu.memory_space<semaphore_mem>>) src(%dma_wait3A_341 : memref<128x128xf32, #tpu.memory_space<vmem_shared>>) dst(%arg8 : memref<128x128xf32, #tpu.memory_space<vmem>>)
        tpu.yield
      }) : () -> ()
      %mul3A_331 = arith.constant 10000 : i32
      %mul3A_332 = arith.muli %arg0, %mul3A_331 : i32
      %add3A_333 = arith.addi %mul3A_332, %mul3A_330 : i32
      "tpu.region"() ({
        %run_scoped3A = tpu.sem_alloc : memref<!tpu.dma_semaphore, #tpu.memory_space<semaphore_mem>>
        %dma_start3A_334 = arith.constant 0 : i32
        %dma_start3A_335 = tpu.memref_slice %arg5[%add3A_333, %dma_start3A_334] : memref<20000x128xf32, #tpu.memory_space<hbm>> -> memref<128x128xf32, #tpu.memory_space<hbm>>
        %dma_start3A_336 = arith.constant 0 : i32
        %dma_start3A_337 = tpu.memref_slice %arg5[%add3A_333, %dma_start3A_336] : memref<20000x128xf32, #tpu.memory_space<hbm>> -> memref<128x128xf32, #tpu.memory_space<hbm>>
        tpu.enqueue_dma source(%arg8 : memref<128x128xf32, #tpu.memory_space<vmem>>) target(%dma_start3A_337 : memref<128x128xf32, #tpu.memory_space<hbm>>) target_semaphore(%run_scoped3A : memref<!tpu.dma_semaphore, #tpu.memory_space<semaphore_mem>>)
        %dma_wait3A_338 = arith.constant 0 : i32
        %dma_wait3A_339 = tpu.memref_slice %arg5[%add3A_333, %dma_wait3A_338] : memref<20000x128xf32, #tpu.memory_space<hbm>> -> memref<128x128xf32, #tpu.memory_space<hbm>>
        %dma_wait3A_340 = arith.constant 0 : i32
        %dma_wait3A_341 = tpu.memref_slice %arg5[%add3A_333, %dma_wait3A_340] : memref<20000x128xf32, #tpu.memory_space<hbm>> -> memref<128x128xf32, #tpu.memory_space<hbm>>
        tpu.wait_dma2 semaphore(%run_scoped3A : memref<!tpu.dma_semaphore, #tpu.memory_space<semaphore_mem>>) src(%arg8 : memref<128x128xf32, #tpu.memory_space<vmem>>) dst(%dma_wait3A_341 : memref<128x128xf32, #tpu.memory_space<hbm>>)
        tpu.yield
      }) : () -> ()
    }
    %eq3A_320 = arith.constant 15 : i32
    %eq3A_321 = arith.cmpi eq, %arg1, %eq3A_320 : i32
    %convert_element_type3A_322 = arith.extui %eq3A_321 : i1 to i32
    %cond3A_323 = arith.constant 0 : i32
    %cond3A_324 = arith.cmpi ne, %convert_element_type3A_322, %cond3A_323 : i32
    scf.if %cond3A_324 {
      "tpu.region"() ({
        %run_scoped3A = tpu.sem_alloc : memref<!tpu.dma_semaphore, #tpu.memory_space<semaphore_mem>>
        %dma_start3A_329 = arith.constant 0 : i32
        %dma_start3A_330 = arith.constant 0 : i32
        %dma_start3A_331 = tpu.memref_slice %arg8[%dma_start3A_329, %dma_start3A_330] : memref<128x128xf32, #tpu.memory_space<vmem>> -> memref<16x128xf32, #tpu.memory_space<vmem>>
        %dma_start3A_332 = arith.constant 9984 : i32
        %dma_start3A_333 = arith.constant 0 : i32
        %dma_start3A_334 = tpu.memref_slice %arg10[%dma_start3A_332, %dma_start3A_333] : memref<10008x128xf32, #tpu.memory_space<vmem_shared>> -> memref<16x128xf32, #tpu.memory_space<vmem_shared>>
        %dma_start3A_335 = arith.constant 0 : i32
        %dma_start3A_336 = arith.constant 0 : i32
        %dma_start3A_337 = tpu.memref_slice %arg8[%dma_start3A_335, %dma_start3A_336] : memref<128x128xf32, #tpu.memory_space<vmem>> -> memref<16x128xf32, #tpu.memory_space<vmem>>
        %dma_start3A_338 = arith.constant 9984 : i32
        %dma_start3A_339 = arith.constant 0 : i32
        %dma_start3A_340 = tpu.memref_slice %arg10[%dma_start3A_338, %dma_start3A_339] : memref<10008x128xf32, #tpu.memory_space<vmem_shared>> -> memref<16x128xf32, #tpu.memory_space<vmem_shared>>
        tpu.enqueue_dma source(%dma_start3A_340 : memref<16x128xf32, #tpu.memory_space<vmem_shared>>) target(%dma_start3A_337 : memref<16x128xf32, #tpu.memory_space<vmem>>) target_semaphore(%run_scoped3A : memref<!tpu.dma_semaphore, #tpu.memory_space<semaphore_mem>>)
        %dma_wait3A_341 = arith.constant 0 : i32
        %dma_wait3A_342 = arith.constant 0 : i32
        %dma_wait3A_343 = tpu.memref_slice %arg8[%dma_wait3A_341, %dma_wait3A_342] : memref<128x128xf32, #tpu.memory_space<vmem>> -> memref<16x128xf32, #tpu.memory_space<vmem>>
        %dma_wait3A_344 = arith.constant 9984 : i32
        %dma_wait3A_345 = arith.constant 0 : i32
        %dma_wait3A_346 = tpu.memref_slice %arg10[%dma_wait3A_344, %dma_wait3A_345] : memref<10008x128xf32, #tpu.memory_space<vmem_shared>> -> memref<16x128xf32, #tpu.memory_space<vmem_shared>>
        %dma_wait3A_347 = arith.constant 0 : i32
        %dma_wait3A_348 = arith.constant 0 : i32
        %dma_wait3A_349 = tpu.memref_slice %arg8[%dma_wait3A_347, %dma_wait3A_348] : memref<128x128xf32, #tpu.memory_space<vmem>> -> memref<16x128xf32, #tpu.memory_space<vmem>>
        %dma_wait3A_350 = arith.constant 9984 : i32
        %dma_wait3A_351 = arith.constant 0 : i32
        %dma_wait3A_352 = tpu.memref_slice %arg10[%dma_wait3A_350, %dma_wait3A_351] : memref<10008x128xf32, #tpu.memory_space<vmem_shared>> -> memref<16x128xf32, #tpu.memory_space<vmem_shared>>
        tpu.wait_dma2 semaphore(%run_scoped3A : memref<!tpu.dma_semaphore, #tpu.memory_space<semaphore_mem>>) src(%dma_wait3A_352 : memref<16x128xf32, #tpu.memory_space<vmem_shared>>) dst(%dma_wait3A_349 : memref<16x128xf32, #tpu.memory_space<vmem>>)
        tpu.yield
      }) : () -> ()
      %mul3A_325 = arith.constant 10000 : i32
      %mul3A_326 = arith.muli %arg0, %mul3A_325 : i32
      %add3A_327 = arith.constant 9984 : i32
      %add3A_328 = arith.addi %mul3A_326, %add3A_327 : i32
      "tpu.region"() ({
        %run_scoped3A = tpu.sem_alloc : memref<!tpu.dma_semaphore, #tpu.memory_space<semaphore_mem>>
        %dma_start3A_329 = arith.constant 0 : i32
        %dma_start3A_330 = arith.constant 0 : i32
        %dma_start3A_331 = tpu.memref_slice %arg8[%dma_start3A_329, %dma_start3A_330] : memref<128x128xf32, #tpu.memory_space<vmem>> -> memref<16x128xf32, #tpu.memory_space<vmem>>
        %dma_start3A_332 = arith.constant 0 : i32
        %dma_start3A_333 = tpu.memref_slice %arg5[%add3A_328, %dma_start3A_332] : memref<20000x128xf32, #tpu.memory_space<hbm>> -> memref<16x128xf32, #tpu.memory_space<hbm>>
        %dma_start3A_334 = arith.constant 0 : i32
        %dma_start3A_335 = tpu.memref_slice %arg5[%add3A_328, %dma_start3A_334] : memref<20000x128xf32, #tpu.memory_space<hbm>> -> memref<16x128xf32, #tpu.memory_space<hbm>>
        %dma_start3A_336 = arith.constant 0 : i32
        %dma_start3A_337 = arith.constant 0 : i32
        %dma_start3A_338 = tpu.memref_slice %arg8[%dma_start3A_336, %dma_start3A_337] : memref<128x128xf32, #tpu.memory_space<vmem>> -> memref<16x128xf32, #tpu.memory_space<vmem>>
        tpu.enqueue_dma source(%dma_start3A_338 : memref<16x128xf32, #tpu.memory_space<vmem>>) target(%dma_start3A_335 : memref<16x128xf32, #tpu.memory_space<hbm>>) target_semaphore(%run_scoped3A : memref<!tpu.dma_semaphore, #tpu.memory_space<semaphore_mem>>)
        %dma_wait3A_339 = arith.constant 0 : i32
        %dma_wait3A_340 = arith.constant 0 : i32
        %dma_wait3A_341 = tpu.memref_slice %arg8[%dma_wait3A_339, %dma_wait3A_340] : memref<128x128xf32, #tpu.memory_space<vmem>> -> memref<16x128xf32, #tpu.memory_space<vmem>>
        %dma_wait3A_342 = arith.constant 0 : i32
        %dma_wait3A_343 = tpu.memref_slice %arg5[%add3A_328, %dma_wait3A_342] : memref<20000x128xf32, #tpu.memory_space<hbm>> -> memref<16x128xf32, #tpu.memory_space<hbm>>
        %dma_wait3A_344 = arith.constant 0 : i32
        %dma_wait3A_345 = tpu.memref_slice %arg5[%add3A_328, %dma_wait3A_344] : memref<20000x128xf32, #tpu.memory_space<hbm>> -> memref<16x128xf32, #tpu.memory_space<hbm>>
        %dma_wait3A_346 = arith.constant 0 : i32
        %dma_wait3A_347 = arith.constant 0 : i32
        %dma_wait3A_348 = tpu.memref_slice %arg8[%dma_wait3A_346, %dma_wait3A_347] : memref<128x128xf32, #tpu.memory_space<vmem>> -> memref<16x128xf32, #tpu.memory_space<vmem>>
        tpu.wait_dma2 semaphore(%run_scoped3A : memref<!tpu.dma_semaphore, #tpu.memory_space<semaphore_mem>>) src(%dma_wait3A_348 : memref<16x128xf32, #tpu.memory_space<vmem>>) dst(%dma_wait3A_345 : memref<16x128xf32, #tpu.memory_space<hbm>>)
        tpu.yield
      }) : () -> ()
    } else {
    }
    return
  }
}

module attributes {stable_mosaic.version = 14 : i64} {
  func.func @_prep_body(%arg0: i32, %arg1: memref<1000x1xf32, #tpu.memory_space<vmem>>, %arg2: memref<1000x128xf32, #tpu.memory_space<vmem>>, %arg3: memref<128x128xf32, #tpu.memory_space<vmem>>, %arg4: memref<1000x128xf32, #tpu.memory_space<vmem>>) attributes {dimension_semantics = [#tpu.dimension_semantics<arbitrary>], iteration_bounds = array<i64: 20>, scalar_prefetch = 0 : i64, scratch_operands = 0 : i64, tpu.core_type = #tpu.core_type<tc>, window_params = [{transform_indices = @transform_0, window_bounds = array<i64: 1000, 1>}, {transform_indices = @transform_1, window_bounds = array<i64: 1000, 128>}, {pipeline_mode = #tpu.pipeline_mode<synchronous>, transform_indices = @transform_2, window_bounds = array<i64: 128, 128>}, {transform_indices = @transform_3, window_bounds = array<i64: 1000, 128>}]} {
    %get3A = arith.constant 0 : index
    %get3A_0 = arith.constant 0 : index
    %get3A_1 = vector.load %arg1[%get3A, %get3A_0] : memref<1000x1xf32, #tpu.memory_space<vmem>>, vector<1000x1xf32>
    %add3A = arith.constant 1.000000e+00 : f32
    %add3A_2 = vector.broadcast %add3A : f32 to vector<1000x1xf32>
    %add3A_3 = arith.addf %get3A_1, %add3A_2 : vector<1000x1xf32>
    %rsqrt3A = math.rsqrt %add3A_3 : vector<1000x1xf32>
    %get3A_4 = arith.constant 0 : index
    %get3A_5 = arith.constant 0 : index
    %get3A_6 = vector.load %arg2[%get3A_4, %get3A_5] : memref<1000x128xf32, #tpu.memory_space<vmem>>, vector<1000x128xf32>
    %get3A_7 = arith.constant 0 : index
    %get3A_8 = arith.constant 0 : index
    %get3A_9 = vector.load %arg3[%get3A_7, %get3A_8] : memref<128x128xf32, #tpu.memory_space<vmem>>, vector<128x128xf32>
    %dot_general3A = arith.constant dense<0.000000e+00> : vector<1000x128xf32>
    %dot_general3A_10 = tpu.matmul %get3A_6, %get3A_9, %dot_general3A {dimension_numbers = #tpu.dot_dimension_numbers<[1], [0], [0], [1], [0, 0, 1, 1], [], []>, transpose_lhs_hint = false} : vector<1000x128xf32>, vector<128x128xf32>, vector<1000x128xf32> -> vector<1000x128xf32>
    %mul3A = vector.broadcast %rsqrt3A : vector<1000x1xf32> to vector<1000x128xf32>
    %mul3A_11 = arith.mulf %dot_general3A_10, %mul3A : vector<1000x128xf32>
    %swap3A = arith.constant 0 : index
    %swap3A_12 = arith.constant 0 : index
    %swap3A_13 = vector.load %arg4[%swap3A, %swap3A_12] : memref<1000x128xf32, #tpu.memory_space<vmem>>, vector<1000x128xf32>
    tpu.vector_store %arg4[%swap3A, %swap3A_12], %mul3A_11 {strides = array<i32>} : memref<1000x128xf32, #tpu.memory_space<vmem>>, vector<1000x128xf32>,
    return
  }
  func.func @transform_0(%arg0: i32) -> (i32, i32) {
    %c0_i32 = arith.constant 0 : i32
    %c0_i32_0 = arith.constant 0 : i32
    return %arg0, %c0_i32 : i32, i32
  }
  func.func @transform_1(%arg0: i32) -> (i32, i32) {
    %c0_i32 = arith.constant 0 : i32
    %c0_i32_0 = arith.constant 0 : i32
    return %arg0, %c0_i32 : i32, i32
  }
  func.func @transform_2(%arg0: i32) -> (i32, i32) {
    %c0_i32 = arith.constant 0 : i32
    %c0_i32_0 = arith.constant 0 : i32
    %c0_i32_1 = arith.constant 0 : i32
    return %c0_i32, %c0_i32_0 : i32, i32
  }
  func.func @transform_3(%arg0: i32) -> (i32, i32) {
    %c0_i32 = arith.constant 0 : i32
    %c0_i32_0 = arith.constant 0 : i32
    return %arg0, %c0_i32 : i32, i32
  }
}

module attributes {stable_mosaic.version = 14 : i64} {
  func.func @_mid_body(%arg0: i32, %arg1: memref<1000x1xf32, #tpu.memory_space<vmem>>, %arg2: memref<1000x128xf32, #tpu.memory_space<vmem>>, %arg3: memref<1x128xf32, #tpu.memory_space<vmem>>, %arg4: memref<128x128xf32, #tpu.memory_space<vmem>>, %arg5: memref<1000x128xf32, #tpu.memory_space<vmem>>) attributes {dimension_semantics = [#tpu.dimension_semantics<arbitrary>], iteration_bounds = array<i64: 20>, scalar_prefetch = 0 : i64, scratch_operands = 0 : i64, tpu.core_type = #tpu.core_type<tc>, window_params = [{transform_indices = @transform_0, window_bounds = array<i64: 1000, 1>}, {transform_indices = @transform_1, window_bounds = array<i64: 1000, 128>}, {pipeline_mode = #tpu.pipeline_mode<synchronous>, transform_indices = @transform_2, window_bounds = array<i64: 1, 128>}, {pipeline_mode = #tpu.pipeline_mode<synchronous>, transform_indices = @transform_3, window_bounds = array<i64: 128, 128>}, {transform_indices = @transform_4, window_bounds = array<i64: 1000, 128>}]} {
    %get3A = arith.constant 0 : index
    %get3A_0 = arith.constant 0 : index
    %get3A_1 = vector.load %arg1[%get3A, %get3A_0] : memref<1000x1xf32, #tpu.memory_space<vmem>>, vector<1000x1xf32>
    %add3A = arith.constant 1.000000e+00 : f32
    %add3A_2 = vector.broadcast %add3A : f32 to vector<1000x1xf32>
    %add3A_3 = arith.addf %get3A_1, %add3A_2 : vector<1000x1xf32>
    %rsqrt3A = math.rsqrt %add3A_3 : vector<1000x1xf32>
    %get3A_4 = arith.constant 0 : index
    %get3A_5 = arith.constant 0 : index
    %get3A_6 = vector.load %arg2[%get3A_4, %get3A_5] : memref<1000x128xf32, #tpu.memory_space<vmem>>, vector<1000x128xf32>
    %mul3A = vector.broadcast %rsqrt3A : vector<1000x1xf32> to vector<1000x128xf32>
    %mul3A_7 = arith.mulf %get3A_6, %mul3A : vector<1000x128xf32>
    %get3A_8 = arith.constant 0 : index
    %get3A_9 = arith.constant 0 : index
    %get3A_10 = vector.load %arg3[%get3A_8, %get3A_9] : memref<1x128xf32, #tpu.memory_space<vmem>>, vector<1x128xf32>
    %add3A_11 = vector.broadcast %get3A_10 : vector<1x128xf32> to vector<1000x128xf32>
    %add3A_12 = arith.addf %mul3A_7, %add3A_11 : vector<1000x128xf32>
    %max3A = arith.constant 0.000000e+00 : f32
    %max3A_13 = vector.broadcast %max3A : f32 to vector<1000x128xf32>
    %max3A_14 = arith.maximumf %add3A_12, %max3A_13 : vector<1000x128xf32>
    %get3A_15 = arith.constant 0 : index
    %get3A_16 = arith.constant 0 : index
    %get3A_17 = vector.load %arg4[%get3A_15, %get3A_16] : memref<128x128xf32, #tpu.memory_space<vmem>>, vector<128x128xf32>
    %dot_general3A = arith.constant dense<0.000000e+00> : vector<1000x128xf32>
    %dot_general3A_18 = tpu.matmul %max3A_14, %get3A_17, %dot_general3A {dimension_numbers = #tpu.dot_dimension_numbers<[1], [0], [0], [1], [0, 0, 1, 1], [], []>, transpose_lhs_hint = false} : vector<1000x128xf32>, vector<128x128xf32>, vector<1000x128xf32> -> vector<1000x128xf32>
    %mul3A_19 = vector.broadcast %rsqrt3A : vector<1000x1xf32> to vector<1000x128xf32>
    %mul3A_20 = arith.mulf %dot_general3A_18, %mul3A_19 : vector<1000x128xf32>
    %swap3A = arith.constant 0 : index
    %swap3A_21 = arith.constant 0 : index
    %swap3A_22 = vector.load %arg5[%swap3A, %swap3A_21] : memref<1000x128xf32, #tpu.memory_space<vmem>>, vector<1000x128xf32>
    tpu.vector_store %arg5[%swap3A, %swap3A_21], %mul3A_20 {strides = array<i32>} : memref<1000x128xf32, #tpu.memory_space<vmem>>, vector<1000x128xf32>,
    return
  }
  func.func @transform_0(%arg0: i32) -> (i32, i32) {
    %c0_i32 = arith.constant 0 : i32
    %c0_i32_0 = arith.constant 0 : i32
    return %arg0, %c0_i32 : i32, i32
  }
  func.func @transform_1(%arg0: i32) -> (i32, i32) {
    %c0_i32 = arith.constant 0 : i32
    %c0_i32_0 = arith.constant 0 : i32
    return %arg0, %c0_i32 : i32, i32
  }
  func.func @transform_2(%arg0: i32) -> (i32, i32) {
    %c0_i32 = arith.constant 0 : i32
    %c0_i32_0 = arith.constant 0 : i32
    %c0_i32_1 = arith.constant 0 : i32
    return %c0_i32, %c0_i32_0 : i32, i32
  }
  func.func @transform_3(%arg0: i32) -> (i32, i32) {
    %c0_i32 = arith.constant 0 : i32
    %c0_i32_0 = arith.constant 0 : i32
    %c0_i32_1 = arith.constant 0 : i32
    return %c0_i32, %c0_i32_0 : i32, i32
  }
  func.func @transform_4(%arg0: i32) -> (i32, i32) {
    %c0_i32 = arith.constant 0 : i32
    %c0_i32_0 = arith.constant 0 : i32
    return %arg0, %c0_i32 : i32, i32
  }
}

module attributes {stable_mosaic.version = 14 : i64} {
  func.func @_fin_body(%arg0: i32, %arg1: memref<1000x1xf32, #tpu.memory_space<vmem>>, %arg2: memref<1000x128xf32, #tpu.memory_space<vmem>>, %arg3: memref<1x128xf32, #tpu.memory_space<vmem>>, %arg4: memref<1000x128xf32, #tpu.memory_space<vmem>>) attributes {dimension_semantics = [#tpu.dimension_semantics<arbitrary>], iteration_bounds = array<i64: 20>, scalar_prefetch = 0 : i64, scratch_operands = 0 : i64, tpu.core_type = #tpu.core_type<tc>, window_params = [{transform_indices = @transform_0, window_bounds = array<i64: 1000, 1>}, {transform_indices = @transform_1, window_bounds = array<i64: 1000, 128>}, {pipeline_mode = #tpu.pipeline_mode<synchronous>, transform_indices = @transform_2, window_bounds = array<i64: 1, 128>}, {transform_indices = @transform_3, window_bounds = array<i64: 1000, 128>}]} {
    %get3A = arith.constant 0 : index
    %get3A_0 = arith.constant 0 : index
    %get3A_1 = vector.load %arg1[%get3A, %get3A_0] : memref<1000x1xf32, #tpu.memory_space<vmem>>, vector<1000x1xf32>
    %add3A = arith.constant 1.000000e+00 : f32
    %add3A_2 = vector.broadcast %add3A : f32 to vector<1000x1xf32>
    %add3A_3 = arith.addf %get3A_1, %add3A_2 : vector<1000x1xf32>
    %rsqrt3A = math.rsqrt %add3A_3 : vector<1000x1xf32>
    %get3A_4 = arith.constant 0 : index
    %get3A_5 = arith.constant 0 : index
    %get3A_6 = vector.load %arg2[%get3A_4, %get3A_5] : memref<1000x128xf32, #tpu.memory_space<vmem>>, vector<1000x128xf32>
    %mul3A = vector.broadcast %rsqrt3A : vector<1000x1xf32> to vector<1000x128xf32>
    %mul3A_7 = arith.mulf %get3A_6, %mul3A : vector<1000x128xf32>
    %get3A_8 = arith.constant 0 : index
    %get3A_9 = arith.constant 0 : index
    %get3A_10 = vector.load %arg3[%get3A_8, %get3A_9] : memref<1x128xf32, #tpu.memory_space<vmem>>, vector<1x128xf32>
    %add3A_11 = vector.broadcast %get3A_10 : vector<1x128xf32> to vector<1000x128xf32>
    %add3A_12 = arith.addf %mul3A_7, %add3A_11 : vector<1000x128xf32>
    %swap3A = arith.constant 0 : index
    %swap3A_13 = arith.constant 0 : index
    %swap3A_14 = vector.load %arg4[%swap3A, %swap3A_13] : memref<1000x128xf32, #tpu.memory_space<vmem>>, vector<1000x128xf32>
    tpu.vector_store %arg4[%swap3A, %swap3A_13], %add3A_12 {strides = array<i32>} : memref<1000x128xf32, #tpu.memory_space<vmem>>, vector<1000x128xf32>,
    return
  }
  func.func @transform_0(%arg0: i32) -> (i32, i32) {
    %c0_i32 = arith.constant 0 : i32
    %c0_i32_0 = arith.constant 0 : i32
    return %arg0, %c0_i32 : i32, i32
  }
  func.func @transform_1(%arg0: i32) -> (i32, i32) {
    %c0_i32 = arith.constant 0 : i32
    %c0_i32_0 = arith.constant 0 : i32
    return %arg0, %c0_i32 : i32, i32
  }
  func.func @transform_2(%arg0: i32) -> (i32, i32) {
    %c0_i32 = arith.constant 0 : i32
    %c0_i32_0 = arith.constant 0 : i32
    %c0_i32_1 = arith.constant 0 : i32
    return %c0_i32, %c0_i32_0 : i32, i32
  }
  func.func @transform_3(%arg0: i32) -> (i32, i32) {
    %c0_i32 = arith.constant 0 : i32
    %c0_i32_0 = arith.constant 0 : i32
    return %arg0, %c0_i32 : i32, i32
  }
}

</mosaic_0001>

<sc_bundles>
// kernel: kernel.11.cloned.1.call-start
scs
__scs_entry_jumppad:
0x0: {  	(pc) =	sbr.rel $0x88, $3  }
0x1: {  	(tag) =	ssettag $0x0;
	lr =	simm.s32 $0x1  }
0x2: {  	[smem:$0x3F99] =	sst lr;
	_ =	strace $0xD0000000  }
0x3: {  	_ = 	snop  }
0x4: {  	_ = 	snop  }
0x5: {  	_ = 	snop  }
0x6: {  	_ = 	snop  }
0x7: {  	_ = 	snop  }
__scs_overlays_trampoline_lowered:
0x8: {  	[smem:$0x3FA8] =	sst s0  }
0x9: {  	[smem:$0x3FA9] =	sst s1  }
0xa: {  	[smem:$0x3FAA] =	sst s2  }
0xb: {  	[smem:$0x3FAB] =	sst s3  }
0xc: {  	[smem:$0x3FAC] =	sst s4  }
0xd: {  	[smem:$0x3FAD] =	sst s5  }
0xe: {  	[smem:$0x3FAE] =	sst s6  }
0xf: {  	[smem:$0x3FAF] =	sst s7  }
0x10: {  	[smem:$0x3FB0] =	sst s8  }
0x11: {  	[smem:$0x3FB1] =	sst s9;
	s0 =	simm.s32 @!p0 $0x0  }
0x12: {  	s1 =	sld [smem:$0x3F97];
	s0 =	simm.s32 @p0 $0x1  }
0x13: {  	[smem:$0x3FB2] =	sst s0;
	s0 =	simm.s32 @!p1 $0x0  }
0x14: {  	s2 =	sld [smem:$0x3F96];
	s0 =	simm.s32 @p1 $0x1  }
0x15: {  	[smem:$0x3FB3] =	sst s0;
	s0 =	simm.s32 @!p2 $0x0  }
0x16: {  	s3 =	sld [smem:$0x3FDB];
	s0 =	simm.s32 @p2 $0x1  }
0x17: {  	s4 =	simm.s32 $0x1BF5;
	[smem:$0x3FB5] =	sst s0  }
0x18: {  	s0 =	sld [smem:$0x3F98];
	_ =	swait.ge [sflag:s4], $0x0  }
0x19: {  	s7 =	sld [smem:$0x3F99]  }
0x1a: {  	s8 =	sadd.s32 $0xFFFFE003, lr  }
0x1b: {  	s9 =	sadd.s32 $0xFFFFFEF7, lr;
	s5 =	simm.s32 $0xFFFFFFFF;
	p2 =	slt.u32 s8, $0xFFFFF086  }
0x1c: {  	p1 =	slt.u32 s9, $0xF7A;
	s5 =	simm.s32 @!p2 $0x0  }
0x1d: {  	s5 =	simm.s32 @p1 $0x1;
	p0 =	seq.s32 s7, s2  }
0x1e: {  	s7 =	smul.u32 @!p0 $0xF7A, s2;
	p2 =	seq.s32 @!p0 s5, $0x0  }
0x1f: {  	s9 =	smul.u32 $0xF7A, s1;
	s8 =	simm.s32 @!p0 $0x1BF5;
	p2 =	por !p2, p0  }
0x20: {  	[sflag:s8] =	ssyncset.s32 @!p0 $0xFFFFF086;
	s6 =	sadd.s32 @!p0 s3, s7;
	s7 =	simm.s32 @!p0 $0x108  }
0x21: {  	s3 =	sadd.s32 s3, s9;
	s6 =	sadd.s32 @!p0 $0x88, s6;
	s7 =	simm.s32 @p2 $0x1082  }
0x22: {  	[simem:s7], [sflag:s8] =	dma.local @!p0 [hbm:s6], $0xF7A  }
0x23: {  	s9 =	sor.u32 $0xD0000000, s2;
	s6 =	simm.s32 $0x108;
	_ =	swait.ge @!p0 [sflag:s8], $0x0  }
0x24: {  	s3 =	sadd.s32 $0x88, s3;
	s6 =	simm.s32 @!p1 $0x1082;
	[sflag:s4] =	ssyncset.s32 $0xFFFFF086  }
0x25: {  	[simem:s6], [sflag:s4] =	dma.local [hbm:s3], $0xF7A  }
0x26: {  	[smem:$0x3F99] =	sst s1;
	(tag) =	ssettag s2;
	_ =	strace s9  }
0x27: {  	s1 =	sld [smem:$0x3FA9]  }
0x28: {  	s2 =	sld [smem:$0x3FAA]  }
0x29: {  	s4 =	sld [smem:$0x3FAC]  }
0x2a: {  	p0 =	seq.s32 s5, $0x0;
	s5 =	sld [smem:$0x3FAD]  }
0x2b: {  	s6 =	sld [smem:$0x3FAE]  }
0x2c: {  	s7 =	sld [smem:$0x3FAF]  }
0x2d: {  	s3 =	simm.s32 $0x108;
	s8 =	sld [smem:$0x3FB0]  }
0x2e: {  	s3 =	simm.s32 @!p0 $0x1082;
	s9 =	sld [smem:$0x3FB1]  }
0x2f: {  	lr =	sadd.s32 s0, s3;
	s0 =	sld [smem:$0x3FA8]  }
0x30: {  	s3 =	sld [smem:$0x3FAB]  }
0x31: {  	[smem:$0x3FB4] =	sst s10  }
0x32: {  	s10 =	sld [smem:$0x3FB2];
	_ =	sdelay $0x3  }
0x33: {  	p0 =	seq.s32 s10, $0x1;
	s10 =	sld [smem:$0x3FB4];
	_ =	sdelay $0x3  }
0x34: {  	[smem:$0x3FB4] =	sst s10  }
0x35: {  	s10 =	sld [smem:$0x3FB3];
	_ =	sdelay $0x3  }
0x36: {  	p1 =	seq.s32 s10, $0x1;
	s10 =	sld [smem:$0x3FB4];
	_ =	sdelay $0x3  }
0x37: {  	[smem:$0x3FB4] =	sst s10  }
0x38: {  	s10 =	sld [smem:$0x3FB5]  }
0x39: {  	_ = 	snop;
	(pc) =	sbr.ind lr, $3  }
0x3a: {  	_ = 	snop  }
0x3b: {  	_ = 	snop  }
0x3c: {  	p2 =	seq.s32 s10, $0x1;
	s10 =	sld [smem:$0x3FB4]  }
0x3d: {  	_ =	shalt  }
0x3e: {  	_ =	shalt  }
0x3f: {  	_ =	shalt  }
0x40: {  	_ =	shalt  }
0x41: {  	_ =	shalt  }
0x42: {  	_ =	shalt  }
0x43: {  	_ =	shalt  }
0x44: {  	_ =	shalt  }
0x45: {  	_ =	shalt  }
0x46: {  	_ =	shalt  }
0x47: {  	_ =	shalt  }
0x48: {  	_ =	shalt  }
0x49: {  	_ =	shalt  }
0x4a: {  	_ =	shalt  }
0x4b: {  	_ =	shalt  }
0x4c: {  	_ =	shalt  }
0x4d: {  	_ =	shalt  }
0x4e: {  	_ =	shalt  }
0x4f: {  	_ =	shalt  }
0x50: {  	_ =	shalt  }
0x51: {  	_ =	shalt  }
0x52: {  	_ =	shalt  }
0x53: {  	_ =	shalt  }
0x54: {  	_ =	shalt  }
0x55: {  	_ =	shalt  }
0x56: {  	_ =	shalt  }
0x57: {  	_ =	shalt  }
0x58: {  	_ =	shalt  }
0x59: {  	_ =	shalt  }
0x5a: {  	_ =	shalt  }
0x5b: {  	_ =	shalt  }
0x5c: {  	_ =	shalt  }
0x5d: {  	_ =	shalt  }
0x5e: {  	_ =	shalt  }
0x5f: {  	_ =	shalt  }
0x60: {  	_ =	shalt  }
0x61: {  	_ =	shalt  }
0x62: {  	_ =	shalt  }
0x63: {  	_ =	shalt  }
0x64: {  	_ =	shalt  }
0x65: {  	_ =	shalt  }
0x66: {  	_ =	shalt  }
0x67: {  	_ =	shalt  }
0x68: {  	_ =	shalt  }
0x69: {  	_ =	shalt  }
0x6a: {  	_ =	shalt  }
0x6b: {  	_ =	shalt  }
0x6c: {  	_ =	shalt  }
0x6d: {  	_ =	shalt  }
0x6e: {  	_ =	shalt  }
0x6f: {  	_ =	shalt  }
0x70: {  	_ =	shalt  }
0x71: {  	_ =	shalt  }
0x72: {  	_ =	shalt  }
0x73: {  	_ =	shalt  }
0x74: {  	_ =	shalt  }
0x75: {  	_ =	shalt  }
0x76: {  	_ =	shalt  }
0x77: {  	_ =	shalt  }
0x78: {  	_ =	shalt  }
0x79: {  	_ =	shalt  }
0x7a: {  	_ =	shalt  }
0x7b: {  	_ =	shalt  }
0x7c: {  	_ =	shalt  }
0x7d: {  	_ =	shalt  }
0x7e: {  	_ =	shalt  }
0x7f: {  	_ =	shalt  }
0x80: {  	_ =	shalt  }
0x81: {  	_ =	shalt  }
0x82: {  	_ =	shalt  }
0x83: {  	_ =	shalt  }
0x84: {  	_ =	shalt  }
0x85: {  	_ =	shalt  }
0x86: {  	_ =	shalt  }
0x87: {  	_ =	shalt  }
.Lfunc_end0:
.L_simem_size_0:
called_computation.1_lowered:
.L_overlay_start_0:
0x88: {  	s2 =	sld [smem:$0x3FD9]  }
0x89: {  	s3 =	sld [smem:$0x3FFE];
	_ =	sdelay $0x1  }
0x8a: {  	s1 =	srdreg.scid  }
0x8b: {  	s0 =	sand.u32 $0x1, s1  }
0x8c: {  	s14 =	sshll.u32 s0, $0xA;
	s2 =	sadd.s32 s3, s2  }
0x8d: {  	s2 =	sadd.s32 s2, s14  }
0x8e: {  	[smem:$0x3FC0] =	sst s2  }
0x8f: {  	_ = 	snop  }
0x90: {  	s2 =	sld [smem:$0x3FD0];
	_ =	sdelay $0x2  }
0x91: {  	s15 =	simm.s32 $0xA;
	s4 =	simm.s32 $0x10  }
0x92: {  	[smem:s4], [sflag:s15] =	dma.local [hbm:s2], $0x1  }
0x93: {  	_ =	swait.eq [sflag:s15], $0x1  }
0x94: {  	[sflag:s15] =	ssyncset.done $0x0  }
0x95: {  	s16 =	sld [smem:$0x10];
	[sflag:s15] =	ssyncadd.s32 $0xFFFFFFFF  }
0x96: {  	s17 =	sld [smem:$0x11];
	(tm) =	ssettm $0x1  }
0x97: {  	s18 =	sld [smem:$0x3FFB];
	_ =	sdelay $0x3  }
0x98: {  	_ =	strace s18  }
0x99: {  	s4 =	sld [smem:$0x3FFC];
	_ =	sdelay $0x3  }
0x9a: {  	_ =	strace s4  }
0x9b: {  	s4 =	sld [smem:$0x3FFD];
	_ =	sdelay $0x3  }
0x9c: {  	_ =	strace s4  }
0x9d: {  	_ =	strace $0x8FFFFFFF  }
0x9e: {  	s19 =	sld [smem:$0x3FDB];
	_ =	sdelay $0x1  }
0x9f: {  	s5 =	simm.s32 $_scs_section_size  }
0xa0: {  	s6 =	simm.s32 $_size__tile_overlayer_lowered;
	s7 =	simm.s32 $_tile_overlayer_lowered  }
0xa1: {  	s22 =	simm.s32 $0x1BFF;
	s21 =	sshll.u32 s7, $0x1;
	s4 =	sadd.s32 s5, s19  }
0xa2: {  	s8 =	simm.s32 $0x0;
	s20 =	sshll.u32 s6, $0x1;
	s6 =	sadd.s32 s21, s4  }
0xa3: {  	[timem:s8], [sflag:s22] =	dma.local [hbm:s6], s20  }
0xa4: {  	_ =	swait.ge [sflag:s22], s20  }
0xa5: {  	s5 =	ssub.s32 $0x0, s20;
	[sflag:s22] =	ssyncset.done $0x0  }
0xa6: {  	[sflag:s22] =	ssyncadd.s32 s5;
	_ =	sdelay $0x1  }
0xa7: {  	s23 =	simm.s32 $0x1B8B  }
0xa8: {  	_ =	swait.ge [sflag:s23], $0x1  }
0xa9: {  	[sflag:s23] =	ssyncset.done $0x0  }
0xaa: {  	s25 =	simm.s32 $0x1B8E;
	s24 =	sld [smem:$0x3FFE];
	[sflag:s23] =	ssyncadd.s32 $0xFFFFFFFF  }
0xab: {  	s26 =	simm.s32 $execute0_lowered;
	[smem:$0x3FD2] =	sst s25  }
0xac: {  	s6 =	sshll.u32 s26, $0x1;
	_ =	strace $0x80000049;
	[dreg:$0x1] =	wrdreg $0xFFFFFFFF  }
0xad: {  	s28 =	simm.s32 $_size_execute0_lowered;
	s4 =	sadd.s32 s4, s6;
	[dreg:$0x0] =	wrdreg $0x0  }
0xae: {  	s6 =	sshll.u32 s28, $0x1;
	[dreg:$0x2] =	wrdreg s4  }
0xaf: {  	[dreg:$0x3] =	wrdreg s6  }
0xb0: {  	[dreg:$0x4] =	wrdreg $0xC0  }
0xb1: {  	_ =	task [dreg:s8], $0x5FFFF  }
0xb2: {  	[dreg:$0x1] =	wrdreg $0xFFFFFFFF  }
0xb3: {  	[dreg:$0x0] =	wrdreg $0x60  }
0xb4: {  	[dreg:$0x2] =	wrdreg s24  }
0xb5: {  	[dreg:$0x3] =	wrdreg s17  }
0xb6: {  	[dreg:$0x4] =	wrdreg s16  }
0xb7: {  	[dreg:$0x5] =	wrdreg $0x88000  }
0xb8: {  	[dreg:$0x6] =	wrdreg $0x9  }
0xb9: {  	_ =	task.clear_ibuf [dreg:s8], $0x7FFFF;
	_ =	strace $0x90000049  }
0xba: {  	s29 =	simm.s32 $0x9;
	_ =	strace $0x8000004B  }
0xbb: {  	_ =	swait.ge [sflag:s29], $0x1  }
0xbc: {  	[sflag:s29] =	ssyncadd.s32 $0xFFFFFFFF  }
0xbd: {  	_ =	strace $0x9000004B  }
0xbe: {  	_ =	sfence  }
0xbf: {  	s30 =	sld [smem:$0x0];
	_ =	sdelay $0x2  }
0xc0: {  	s31 =	sshll.u32 s1, $0xD;
	s1 =	sshrl.u32 s1, $0x2  }
0xc1: {  	s3 =	sand.u32 $0x4000, s31;
	s1 =	sadd.s32 s1, s30  }
0xc2: {  	s0 =	sor.u32 s3, s0;
	s1 =	sshll.u32 s1, $0x11  }
0xc3: {  	s0 =	sor.u32 s1, s0  }
0xc4: {  	s0 =	sadd.s32 $0x8F2B, s0  }
0xc5: {  	[sflag:s0] =	ssyncadd.remote.s32 $0x1  }
0xc6: {  	_ =	sfence.sel $0xFFFF  }
0xc7: {  	[dreg:$0x0] =	wrdreg $0xFFFFFFFF;
	(pc) =	sbr.abs _section_cstart, $3  }
0xc8: {  	[dreg:$0x1] =	wrdreg $0xFFFFFFFF  }
0xc9: {  	_ =	task.clear_ibuf [dreg:s8], $0x2FFFF;
	_ =	strace $0x9FFFFFFF  }
0xca: {  	(tm) =	ssettm $0x7FFFFFFF  }
0xcb: {  	_ =	shalt  }
tec
execute0_lowered:
.L_overlay_start_1:
0x0: {  	(tag) =	ssettag $0x1  }
0x1: {  	s0 =	srdreg.scid;
	s12 =	stileid.u32  }
0x2: {  	s3 =	rddreg [dreg:$0x1];
	s5 =	sand.u32 $0x1, s0;
	s2 =	smul.u32 $0x5000, s12  }
0x3: {  	s4 =	rddreg [dreg:$0x2];
	s1 =	simm.s32 $0x0;
	s0 =	smul.u32 $0x50000, s5  }
0x4: {  	s30 =	simm.s32 $0x5;
	[smem:$0x7FF] =	sst s1  }
0x5: {  	p0 =	slt.u32 s12, $0xE;
	s6 =	ssub.s32 $0x2, s5;
	s0 =	sadd.s32 s2, s0  }
0x6: {  	s30 =	simm.s32 @!p0 $0x4;
	s7 =	sshrl.u32 s6, $0x1;
	s2 =	sshrl.u32 s0, $0x3  }
0x7: {  	p0 =	sne.s32 s12, $0xF;
	s6 =	ssub.s32 s6, s7;
	s20 =	sadd.s32 s3, s2  }
0x8: {  	s21 =	sadd.s32 s4, s2;
	s22 =	sor.u32 $0x8, s2;
	[dreg:$0x5] =	wrdreg s20  }
0x9: {  	s14 =	sor.u32 $0x3C0, s0;
	[dreg:$0x6] =	wrdreg s21;
	s8 =	sadd.s32 s3, s22  }
0xa: {  	s23 =	sor.u32 $0x10, s2;
	s7 =	sadd.s32 s4, s22;
	[dreg:$0x7] =	wrdreg s8  }
0xb: {  	s25 =	sor.u32 $0x18, s2;
	s24 =	sadd.s32 s3, s23;
	[dreg:$0x8] =	wrdreg s7  }
0xc: {  	s28 =	sor.u32 $0x20, s2;
	s26 =	sadd.s32 s3, s25;
	[dreg:$0x9] =	wrdreg s24  }
0xd: {  	s9 =	sor.u32 $0x28, s2;
	s29 =	sadd.s32 s3, s28;
	[dreg:$0xb] =	wrdreg s26  }
0xe: {  	s11 =	sor.u32 $0x30, s2;
	s10 =	sadd.s32 s3, s9;
	[dreg:$0xd] =	wrdreg s29  }
0xf: {  	s2 =	sor.u32 $0x38, s2;
	s13 =	sadd.s32 s3, s11;
	[dreg:$0xf] =	wrdreg s10  }
0x10: {  	s18 =	sor.u32 $0x380, s0;
	s15 =	sadd.s32 s3, s2;
	[dreg:$0x11] =	wrdreg s13  }
0x11: {  	s16 =	sshrl.u32 s14, $0x3;
	s2 =	sadd.s32 s4, s2;
	[dreg:$0x13] =	wrdreg s15  }
0x12: {  	s19 =	sor.u32 $0x340, s0;
	s17 =	sadd.s32 s16, s4;
	[dreg:$0x14] =	wrdreg s2  }
0x13: {  	s21 =	sor.u32 $0x300, s0;
	s7 =	sadd.s32 s4, s23;
	[dreg:$0x15] =	wrdreg s17  }
0x14: {  	s2 =	sshrl.u32 s18, $0x3;
	[dreg:$0xa] =	wrdreg s7;
	s7 =	sadd.s32 s4, s25  }
0x15: {  	s22 =	sshrl.u32 s21, $0x3;
	s20 =	sadd.s32 s2, s4;
	[dreg:$0xc] =	wrdreg s7  }
0x16: {  	s10 =	sor.u32 $0x240, s0;
	s2 =	sadd.s32 s2, s3;
	[dreg:$0x17] =	wrdreg s20  }
0x17: {  	s24 =	sadd.s32 s22, s4;
	s25 =	sor.u32 $0x2C0, s0;
	[dreg:$0x18] =	wrdreg s2  }
0x18: {  	s13 =	sshrl.u32 s10, $0x3;
	s7 =	sadd.s32 s4, s28;
	[dreg:$0x1b] =	wrdreg s24  }
0x19: {  	s2 =	sadd.s32 s22, s3;
	s26 =	sshrl.u32 s25, $0x3;
	[dreg:$0xe] =	wrdreg s7  }
0x1a: {  	s28 =	sor.u32 $0x280, s0;
	s15 =	sadd.s32 s13, s4;
	[dreg:$0x1c] =	wrdreg s2  }
0x1b: {  	s0 =	sor.u32 $0x200, s0;
	s7 =	sadd.s32 s4, s9;
	[smem:$0x7F2] =	sst s15  }
0x1c: {  	s20 =	smul.u32 $0x27100, s5;
	s29 =	sadd.s32 s26, s4;
	[dreg:$0x10] =	wrdreg s7  }
0x1d: {  	s2 =	sadd.s32 s26, s3;
	s9 =	sshrl.u32 s28, $0x3;
	[dreg:$0x1d] =	wrdreg s29  }
0x1e: {  	s7 =	sadd.s32 s4, s11;
	[dreg:$0x1e] =	wrdreg s2;
	s11 =	sadd.s32 s9, s4  }
0x1f: {  	s2 =	sadd.s32 s9, s3;
	s9 =	smul.u32 $0x138800, s5;
	s5 =	rddreg [dreg:$0x3]  }
0x20: {  	s25 =	sshll.u32 s12, $0xE;
	s14 =	sshrl.u32 s0, $0x3;
	[dreg:$0x12] =	wrdreg s7  }
0x21: {  	s28 =	smax.u32 s6, $0x1;
	s15 =	simm.s32 $0x800;
	[dreg:$0x1f] =	wrdreg s11  }
0x22: {  	s6 =	simm.s32 $0x40;
	s17 =	sadd.s32 s14, s4;
	[smem:$0x7F1] =	sst s2  }
0x23: {  	s18 =	sadd.s32 s14, s3;
	s14 =	simm.s32 $0x3;
	[smem:$0x7F4] =	sst s17  }
0x24: {  	s7 =	sadd.s32 s16, s3;
	s16 =	sadd.s32 s13, s3;
	[smem:$0x7F5] =	sst s18  }
0x25: {  	s11 =	sshll.u32 s12, $0xB;
	s31 =	sadd.s32 s25, s5;
	s13 =	simm.s32 $0x5  }
0x26: {  	s29 =	sadd.s32 $0x138000, s5;
	s17 =	simm.s32 $0x300;
	[dreg:$0x16] =	wrdreg s7  }
0x27: {  	s12 =	simm.s32 $0x4;
	s18 =	simm.s32 $0x6800;
	[smem:$0x7F3] =	sst s16  }
0x28: {  	s25 =	simm.s32 $0x8;
	s7 =	sshrl.u32 s19, $0x3;
	s19 =	rddreg [dreg:$0x0]  }
0x29: {  	s16 =	simm.s32 $0xD;
	s23 =	sadd.s32 s7, s4;
	s7 =	sadd.s32 s7, s3  }
0x2a: {  	s4 =	sadd.s32 $0x1E00, s19;
	s3 =	simm.s32 $0x0;
	[dreg:$0x19] =	wrdreg s23  }
0x2b: {  	[dreg:$0x1a] =	wrdreg s7;
	s7 =	sadd.s32 $0x50000, s19;
	s10 =	sadd.s32 s20, s4  }
0x2c: {  	s23 =	sshrl.u32 s9, $0x3;
	s21 =	sadd.s32 s11, s10;
	s8 =	sadd.s32 s20, s7  }
0x2d: {  	[smem:$0x7F6] =	sst s21;
	s22 =	sadd.s32 s11, s8;
	s8 =	sadd.s32 $0x27000, s23  }
0x2e: {  	s9 =	simm.s32 $0x780;
	[smem:$0x7F7] =	sst s22;
	s24 =	sadd.s32 s7, s8  }
0x2f: {  	s26 =	sadd.s32 s4, s8;
	_ =	strace $0x8000004A;
	[smem:$0x7F8] =	sst s24  }
0x30: {  	s19 =	simm.s32 $0x9;
	s10 =	simm.s32 $0x700;
	[smem:$0x7F9] =	sst s26  }
0x31: {  	s20 =	simm.s32 $0xA;
	s11 =	simm.s32 $0x380;
	[smem:$0x7FA] =	sst s28  }
0x32: {  	s21 =	simm.s32 $0x6;
	s23 =	simm.s32 $0x7;
	[smem:$0x7FB] =	sst s29  }
0x33: {  	s7 =	simm.s32 $0x2800;
	s8 =	simm.s32 $0x4800;
	[smem:$0x7FC] =	sst s30  }
0x34: {  	s22 =	simm.s32 $0xB;
	s24 =	simm.s32 $0xC;
	[smem:$0x7FD] =	sst s31  }
.LBB2_1:
0x35: {  	s28 =	sld [smem:$0x7F6];
	_ =	sdelay $0x1  }
0x36: {  	[smem:$0x7F0] =	sst s3  }
0x37: {  	[tilespmem:s15], [sflag:$0xD] =	stream.linear.gather [hbm4b:s28+s1], $0x4000, $0x38;
	[tilespmem:$0x1C0C0] =	vst v63  }
0x38: {  	p1 =	sne.s32 s30, $0x1;
	_ =	swait.ge [sflag:s16], $0x4000  }
.Ltmp0:
0x39: {  	[sflag:s16] =	ssyncset.done $0x0;
	(pc) =	sbr.rel @!p1 .LBB2_3-.Ltmp0, $4  }
0x3a: {  	[sflag:s16] =	ssyncadd.s32 $0xFFFFC000  }
0x3b: {  	[spmem:s31] =	stream.linear.scatter [tilespmem:s15], [sflag:$0xD], $0x4000, $0x38;
	[tilespmem:$0x1C0C0] =	vst v63  }
0x3c: {  	_ =	swait.ge [sflag:s16], $0x4000  }
0x3d: {  	s26 =	sadd.s32 $0xFFFFFFFF, s30;
	s29 =	smov.u32 s31;
	[sflag:s16] =	ssyncset.done $0x0  }
.LBB2_2:
0x3e: {  	[sflag:s16] =	ssyncadd.s32 $0xFFFFC000;
	s28 =	sadd.s32 $0x8000, s28;
	s29 =	sadd.s32 $0x40000, s29  }
0x3f: {  	[tilespmem:s15], [sflag:$0xD] =	stream.linear.gather [hbm4b:s28+s1], $0x4000, $0x38;
	[tilespmem:$0x1C0C0] =	vst v63  }
0x40: {  	p2 =	sne.s32 s26, $0x1;
	s26 =	sadd.s32 $0xFFFFFFFF, s26;
	_ =	swait.ge [sflag:s16], $0x4000  }
.Ltmp1:
0x41: {  	[sflag:s16] =	ssyncset.done $0x0;
	(pc) =	sbr.rel @p2 .LBB2_2-.Ltmp1, $4  }
0x42: {  	[sflag:s16] =	ssyncadd.s32 $0xFFFFC000  }
0x43: {  	[spmem:s29] =	stream.linear.scatter [tilespmem:s15], [sflag:$0xD], $0x4000, $0x38;
	[tilespmem:$0x1C0C0] =	vst v63  }
0x44: {  	_ =	swait.ge [sflag:s16], $0x4000  }
0x45: {  	[sflag:s16] =	ssyncset.done $0x0  }
.LBB2_3:
0x46: {  	s0 =	sld [smem:$0x7F9];
	_ =	sdelay $0x1  }
0x47: {  	[sflag:s16] =	ssyncadd.s32 $0xFFFFC000;
	s26 =	simm.s32 @!p0 $0x0;
	s28 =	simm.s32 @!p0 $0x800  }
0x48: {  	[tilespmem:s28], [sflag:$0xD] =	stream.linear.gather @!p0 [hbm4b:s0+s26], $0x800, $0x38;
	[tilespmem:$0x1C0C0] =	vst v63  }
0x49: {  	s26 =	simm.s32 @!p0 $0xD  }
0x4a: {  	_ =	swait.ge @!p0 [sflag:s26], $0x800  }
0x4b: {  	s0 =	sld [smem:$0x7FB]  }
0x4c: {  	[sflag:s26] =	ssyncset.done @!p0 $0x0  }
0x4d: {  	[sflag:s26] =	ssyncadd.s32 @!p0 $0xFFFFF800  }
0x4e: {  	[spmem:s0] =	stream.linear.scatter @!p0 [tilespmem:s28], [sflag:$0xD], $0x800, $0x38;
	[tilespmem:$0x1C0C0] =	vst v63  }
0x4f: {  	_ =	swait.ge @!p0 [sflag:s26], $0x800  }
0x50: {  	[sflag:s26] =	ssyncset.done @!p0 $0x0  }
0x51: {  	[sflag:s26] =	ssyncadd.s32 @!p0 $0xFFFFF800  }
0x52: {  	[bflag:$0x0] =	sbarrier.arrive $0xFFFF  }
0x53: {  	s26 =	simm.s32 $0x0;
	s2 =	rddreg [dreg:$0x5]  }
0x54: {  	[tilespmem:s26], [sflag:$0x1] =	stream.linear.gather [hbm4b:s2+s26], $0x40, $0x38;
	[tilespmem:$0x1C0C0] =	vst v63  }
0x55: {  	s3 =	rddreg [dreg:$0x6];
	s2 =	simm.s32 $0x400  }
0x56: {  	[tilespmem:s2], [sflag:$0x1] =	stream.linear.gather [hbm4b:s3+s26], $0x40, $0x38;
	[tilespmem:$0x1C0C0] =	vst v63  }
0x57: {  	s28 =	rddreg [dreg:$0x7];
	s2 =	simm.s32 $0x80  }
0x58: {  	[tilespmem:s2], [sflag:$0x2] =	stream.linear.gather [hbm4b:s28+s26], $0x40, $0x38;
	[tilespmem:$0x1C0C0] =	vst v63  }
0x59: {  	s29 =	rddreg [dreg:$0x8];
	s3 =	simm.s32 $0x480  }
0x5a: {  	[tilespmem:s3], [sflag:$0x2] =	stream.linear.gather [hbm4b:s29+s26], $0x40, $0x38;
	[tilespmem:$0x1C0C0] =	vst v63  }
0x5b: {  	s30 =	rddreg [dreg:$0x9];
	s3 =	simm.s32 $0x100  }
0x5c: {  	[tilespmem:s3], [sflag:$0x3] =	stream.linear.gather [hbm4b:s30+s26], $0x40, $0x38;
	[tilespmem:$0x1C0C0] =	vst v63  }
0x5d: {  	s31 =	rddreg [dreg:$0xa];
	s29 =	simm.s32 $0x500  }
0x5e: {  	[tilespmem:s29], [sflag:$0x3] =	stream.linear.gather [hbm4b:s31+s26], $0x40, $0x38;
	[tilespmem:$0x1C0C0] =	vst v63  }
0x5f: {  	s28 =	simm.s32 $0x180;
	s30 =	rddreg [dreg:$0xb]  }
0x60: {  	[tilespmem:s28], [sflag:$0x4] =	stream.linear.gather [hbm4b:s30+s26], $0x40, $0x38;
	[tilespmem:$0x1C0C0] =	vst v63  }
0x61: {  	s31 =	rddreg [dreg:$0xc];
	s29 =	simm.s32 $0x580  }
0x62: {  	[tilespmem:s29], [sflag:$0x4] =	stream.linear.gather [hbm4b:s31+s26], $0x40, $0x38;
	[tilespmem:$0x1C0C0] =	vst v63  }
0x63: {  	s30 =	rddreg [dreg:$0xd];
	s31 =	simm.s32 $0x200  }
0x64: {  	[tilespmem:s31], [sflag:$0x5] =	stream.linear.gather [hbm4b:s30+s26], $0x40, $0x38;
	[tilespmem:$0x1C0C0] =	vst v63  }
0x65: {  	s30 =	rddreg [dreg:$0xe];
	s31 =	simm.s32 $0x600  }
0x66: {  	[tilespmem:s31], [sflag:$0x5] =	stream.linear.gather [hbm4b:s30+s26], $0x40, $0x38;
	[tilespmem:$0x1C0C0] =	vst v63  }
0x67: {  	s30 =	rddreg [dreg:$0xf];
	s31 =	simm.s32 $0x280  }
0x68: {  	[tilespmem:s31], [sflag:$0x6] =	stream.linear.gather [hbm4b:s30+s26], $0x40, $0x38;
	[tilespmem:$0x1C0C0] =	vst v63  }
0x69: {  	s30 =	rddreg [dreg:$0x10];
	s31 =	simm.s32 $0x680  }
0x6a: {  	[tilespmem:s31], [sflag:$0x6] =	stream.linear.gather [hbm4b:s30+s26], $0x40, $0x38;
	[tilespmem:$0x1C0C0] =	vst v63  }
0x6b: {  	s29 =	rddreg [dreg:$0x11]  }
0x6c: {  	[tilespmem:s17], [sflag:$0x7] =	stream.linear.gather [hbm4b:s29+s26], $0x40, $0x38;
	[tilespmem:$0x1C0C0] =	vst v63  }
0x6d: {  	s30 =	rddreg [dreg:$0x12]  }
0x6e: {  	[tilespmem:s10], [sflag:$0x7] =	stream.linear.gather [hbm4b:s30+s26], $0x40, $0x38;
	[tilespmem:$0x1C0C0] =	vst v63  }
0x6f: {  	s31 =	rddreg [dreg:$0x13]  }
0x70: {  	[tilespmem:s11], [sflag:$0x8] =	stream.linear.gather [hbm4b:s31+s26], $0x40, $0x38;
	[tilespmem:$0x1C0C0] =	vst v63  }
0x71: {  	s29 =	rddreg [dreg:$0x14];
	s30 =	simm.s32 $0x1  }
0x72: {  	[tilespmem:s9], [sflag:$0x8] =	stream.linear.gather [hbm4b:s29+s26], $0x40, $0x38;
	[tilespmem:$0x1C0C0] =	vst v63  }
0x73: {  	_ =	swait.ge [sflag:s30], $0x40  }
0x74: {  	[sflag:s30] =	ssyncset.done $0x0  }
0x75: {  	[sflag:s30] =	ssyncadd.s32 $0xFFFFFFC0  }
0x76: {  	_ =	swait.ge [sflag:s30], $0x40  }
0x77: {  	[sflag:s30] =	ssyncset.done $0x0  }
0x78: {  	s31 =	simm.s32 $0x2;
	[sflag:s30] =	ssyncadd.s32 $0xFFFFFFC0  }
0x79: {  	[tilespmem:s15], [sflag:$0x9] =	stream.indirect.gather [hbm4b:s4+s6], $0x80, s26, s6, $0xb8;
	[tilespmem:$0x1C0C0] =	vst v63  }
0x7a: {  	_ =	swait.ge [sflag:s31], $0x40  }
0x7b: {  	[sflag:s31] =	ssyncset.done $0x0  }
0x7c: {  	[sflag:s31] =	ssyncadd.s32 $0xFFFFFFC0  }
0x7d: {  	_ =	swait.ge [sflag:s31], $0x40  }
0x7e: {  	[sflag:s31] =	ssyncset.done $0x0  }
0x7f: {  	[sflag:s31] =	ssyncadd.s32 $0xFFFFFFC0  }
0x80: {  	[tilespmem:s7], [sflag:$0xA] =	stream.indirect.gather [hbm4b:s4+s6], $0x80, s2, s6, $0xb8;
	[tilespmem:$0x1C0C0] =	vst v63  }
0x81: {  	_ =	swait.ge [sflag:s14], $0x40  }
0x82: {  	[sflag:s14] =	ssyncset.done $0x0  }
0x83: {  	[sflag:s14] =	ssyncadd.s32 $0xFFFFFFC0  }
0x84: {  	_ =	swait.ge [sflag:s14], $0x40  }
0x85: {  	[sflag:s14] =	ssyncset.done $0x0  }
0x86: {  	[sflag:s14] =	ssyncadd.s32 $0xFFFFFFC0  }
0x87: {  	[tilespmem:s8], [sflag:$0xB] =	stream.indirect.gather [hbm4b:s4+s6], $0x80, s3, s6, $0xb8;
	[tilespmem:$0x1C0C0] =	vst v63  }
0x88: {  	_ =	swait.ge [sflag:s12], $0x40  }
0x89: {  	[sflag:s12] =	ssyncset.done $0x0  }
0x8a: {  	[sflag:s12] =	ssyncadd.s32 $0xFFFFFFC0  }
0x8b: {  	_ =	swait.ge [sflag:s12], $0x40  }
0x8c: {  	[sflag:s12] =	ssyncset.done $0x0  }
0x8d: {  	[sflag:s12] =	ssyncadd.s32 $0xFFFFFFC0  }
0x8e: {  	[tilespmem:s18], [sflag:$0xC] =	stream.indirect.gather [hbm4b:s4+s6], $0x80, s28, s6, $0xb8;
	[tilespmem:$0x1C0C0] =	vst v63  }
.LBB2_4:
0x8f: {  	_ =	swait.ge [sflag:s19], $0x2000  }
0x90: {  	[sflag:s19] =	ssyncset.done $0x0  }
0x91: {  	s0 =	simm.s32 $0x400;
	[sflag:s19] =	ssyncadd.s32 $0xFFFFE000  }
0x92: {  	[spmem:s5] =	stream.indirect.scatter.add.f32 [tilespmem:s15], [sflag:$0xD], $0x80, s0, s6, $0xb8;
	[tilespmem:$0x1C0C0] =	vst v63  }
0x93: {  	_ =	swait.ge [sflag:s16], $0x2000  }
0x94: {  	s0 =	sld [smem:$0x7F5];
	_ =	sdelay $0x1  }
0x95: {  	p2 =	seq.s32 s26, $0x9C0  }
0x96: {  	[sflag:s16] =	ssyncset.done $0x0;
	s29 =	sadd.s32 @!p2 s26, s0;
	s0 =	sld [smem:$0x7F4]  }
0x97: {  	s28 =	simm.s32 @!p2 $0x0;
	[sflag:s16] =	ssyncadd.s32 $0xFFFFE000  }
0x98: {  	[tilespmem:s28], [sflag:$0x1] =	stream.linear.gather @!p2 [hbm4b:s29+s28], $0x40, $0x38;
	[tilespmem:$0x1C0C0] =	vst v63  }
0x99: {  	s30 =	simm.s32 @!p2 $0x400;
	s29 =	sadd.s32 @!p2 s26, s0  }
0x9a: {  	[tilespmem:s30], [sflag:$0x1] =	stream.linear.gather @!p2 [hbm4b:s29+s28], $0x40, $0x38;
	[tilespmem:$0x1C0C0] =	vst v63  }
0x9b: {  	_ =	swait.ge [sflag:s13], $0x40  }
0x9c: {  	[sflag:s13] =	ssyncset.done $0x0  }
0x9d: {  	[sflag:s13] =	ssyncadd.s32 $0xFFFFFFC0  }
0x9e: {  	_ =	swait.ge [sflag:s13], $0x40  }
0x9f: {  	[sflag:s13] =	ssyncset.done $0x0  }
0xa0: {  	s30 =	simm.s32 $0x200;
	[sflag:s13] =	ssyncadd.s32 $0xFFFFFFC0  }
0xa1: {  	[tilespmem:s15], [sflag:$0x9] =	stream.indirect.gather [hbm4b:s4+s6], $0x80, s30, s6, $0xb8;
	[tilespmem:$0x1C0C0] =	vst v63  }
0xa2: {  	_ =	swait.ge [sflag:s20], $0x2000  }
0xa3: {  	[sflag:s20] =	ssyncset.done $0x0  }
0xa4: {  	s31 =	simm.s32 $0x480;
	[sflag:s20] =	ssyncadd.s32 $0xFFFFE000  }
0xa5: {  	[spmem:s5] =	stream.indirect.scatter.add.f32 [tilespmem:s7], [sflag:$0xD], $0x80, s31, s6, $0xb8;
	[tilespmem:$0x1C0C0] =	vst v63  }
0xa6: {  	_ =	swait.ge [sflag:s16], $0x2000  }
0xa7: {  	s0 =	sld [smem:$0x7F3];
	_ =	sdelay $0x2  }
0xa8: {  	[sflag:s16] =	ssyncset.done $0x0;
	s30 =	sadd.s32 @!p2 s26, s0;
	s0 =	sld [smem:$0x7F2]  }
0xa9: {  	s29 =	simm.s32 @!p2 $0x80;
	[sflag:s16] =	ssyncadd.s32 $0xFFFFE000  }
0xaa: {  	[tilespmem:s29], [sflag:$0x2] =	stream.linear.gather @!p2 [hbm4b:s30+s28], $0x40, $0x38;
	[tilespmem:$0x1C0C0] =	vst v63  }
0xab: {  	s31 =	simm.s32 @!p2 $0x480;
	s30 =	sadd.s32 @!p2 s26, s0  }
0xac: {  	[tilespmem:s31], [sflag:$0x2] =	stream.linear.gather @!p2 [hbm4b:s30+s28], $0x40, $0x38;
	[tilespmem:$0x1C0C0] =	vst v63  }
0xad: {  	_ =	swait.ge [sflag:s21], $0x40  }
0xae: {  	[sflag:s21] =	ssyncset.done $0x0  }
0xaf: {  	[sflag:s21] =	ssyncadd.s32 $0xFFFFFFC0  }
0xb0: {  	_ =	swait.ge [sflag:s21], $0x40  }
0xb1: {  	[sflag:s21] =	ssyncset.done $0x0  }
0xb2: {  	s2 =	simm.s32 $0x280;
	[sflag:s21] =	ssyncadd.s32 $0xFFFFFFC0  }
0xb3: {  	[tilespmem:s7], [sflag:$0xA] =	stream.indirect.gather [hbm4b:s4+s6], $0x80, s2, s6, $0xb8;
	[tilespmem:$0x1C0C0] =	vst v63  }
0xb4: {  	_ =	swait.ge [sflag:s22], $0x2000  }
0xb5: {  	[sflag:s22] =	ssyncset.done $0x0  }
0xb6: {  	s3 =	simm.s32 $0x500;
	[sflag:s22] =	ssyncadd.s32 $0xFFFFE000  }
0xb7: {  	[spmem:s5] =	stream.indirect.scatter.add.f32 [tilespmem:s8], [sflag:$0xD], $0x80, s3, s6, $0xb8;
	[tilespmem:$0x1C0C0] =	vst v63  }
0xb8: {  	_ =	swait.ge [sflag:s16], $0x2000  }
0xb9: {  	s0 =	sld [smem:$0x7F1];
	_ =	sdelay $0x1  }
0xba: {  	s31 =	simm.s32 @!p2 $0x100;
	[sflag:s16] =	ssyncset.done $0x0  }
0xbb: {  	[sflag:s16] =	ssyncadd.s32 $0xFFFFE000;
	s30 =	sadd.s32 @!p2 s26, s0;
	s0 =	rddreg [dreg:$0x1f]  }
0xbc: {  	[tilespmem:s31], [sflag:$0x3] =	stream.linear.gather @!p2 [hbm4b:s30+s28], $0x40, $0x38;
	[tilespmem:$0x1C0C0] =	vst v63  }
0xbd: {  	s30 =	sadd.s32 @!p2 s26, s0;
	s31 =	simm.s32 @!p2 $0x500  }
0xbe: {  	[tilespmem:s31], [sflag:$0x3] =	stream.linear.gather @!p2 [hbm4b:s30+s28], $0x40, $0x38;
	[tilespmem:$0x1C0C0] =	vst v63  }
0xbf: {  	_ =	swait.ge [sflag:s23], $0x40  }
0xc0: {  	[sflag:s23] =	ssyncset.done $0x0  }
0xc1: {  	[sflag:s23] =	ssyncadd.s32 $0xFFFFFFC0  }
0xc2: {  	_ =	swait.ge [sflag:s23], $0x40  }
0xc3: {  	[sflag:s23] =	ssyncset.done $0x0  }
0xc4: {  	[sflag:s23] =	ssyncadd.s32 $0xFFFFFFC0  }
0xc5: {  	[tilespmem:s8], [sflag:$0xB] =	stream.indirect.gather [hbm4b:s4+s6], $0x80, s17, s6, $0xb8;
	[tilespmem:$0x1C0C0] =	vst v63  }
0xc6: {  	_ =	swait.ge [sflag:s24], $0x2000  }
0xc7: {  	[sflag:s24] =	ssyncset.done $0x0  }
0xc8: {  	s30 =	simm.s32 $0x580;
	[sflag:s24] =	ssyncadd.s32 $0xFFFFE000  }
0xc9: {  	[spmem:s5] =	stream.indirect.scatter.add.f32 [tilespmem:s18], [sflag:$0xD], $0x80, s30, s6, $0xb8;
	[tilespmem:$0x1C0C0] =	vst v63  }
0xca: {  	_ =	swait.ge [sflag:s16], $0x2000  }
0xcb: {  	s31 =	simm.s32 @!p2 $0x180;
	[sflag:s16] =	ssyncset.done $0x0;
	s0 =	rddreg [dreg:$0x1e]  }
0xcc: {  	[sflag:s16] =	ssyncadd.s32 $0xFFFFE000;
	s30 =	sadd.s32 @!p2 s26, s0;
	s0 =	rddreg [dreg:$0x1d]  }
0xcd: {  	[tilespmem:s31], [sflag:$0x4] =	stream.linear.gather @!p2 [hbm4b:s30+s28], $0x40, $0x38;
	[tilespmem:$0x1C0C0] =	vst v63  }
0xce: {  	s30 =	sadd.s32 @!p2 s26, s0;
	s31 =	simm.s32 @!p2 $0x580  }
0xcf: {  	[tilespmem:s31], [sflag:$0x4] =	stream.linear.gather @!p2 [hbm4b:s30+s28], $0x40, $0x38;
	[tilespmem:$0x1C0C0] =	vst v63  }
0xd0: {  	_ =	swait.ge [sflag:s25], $0x40  }
0xd1: {  	[sflag:s25] =	ssyncset.done $0x0  }
0xd2: {  	[sflag:s25] =	ssyncadd.s32 $0xFFFFFFC0  }
0xd3: {  	_ =	swait.ge [sflag:s25], $0x40  }
0xd4: {  	[sflag:s25] =	ssyncset.done $0x0  }
0xd5: {  	[sflag:s25] =	ssyncadd.s32 $0xFFFFFFC0  }
0xd6: {  	[tilespmem:s18], [sflag:$0xC] =	stream.indirect.gather [hbm4b:s4+s6], $0x80, s11, s6, $0xb8;
	[tilespmem:$0x1C0C0] =	vst v63  }
0xd7: {  	_ =	swait.ge [sflag:s19], $0x2000  }
0xd8: {  	[sflag:s19] =	ssyncset.done $0x0  }
0xd9: {  	s31 =	simm.s32 $0x600;
	[sflag:s19] =	ssyncadd.s32 $0xFFFFE000  }
0xda: {  	[spmem:s5] =	stream.indirect.scatter.add.f32 [tilespmem:s15], [sflag:$0xD], $0x80, s31, s6, $0xb8;
	[tilespmem:$0x1C0C0] =	vst v63  }
0xdb: {  	_ =	swait.ge [sflag:s16], $0x2000  }
0xdc: {  	[sflag:s16] =	ssyncset.done $0x0  }
0xdd: {  	s30 =	simm.s32 @p2 $0xA;
	[sflag:s16] =	ssyncadd.s32 $0xFFFFE000  }
0xde: {  	_ =	swait.ge @p2 [sflag:s30], $0x2000  }
0xdf: {  	s0 =	simm.s32 @p2 $0x2800;
	[sflag:s30] =	ssyncset.done @p2 $0x0  }
0xe0: {  	s31 =	simm.s32 @p2 $0x680;
	[sflag:s30] =	ssyncadd.s32 @p2 $0xFFFFE000;
	s30 =	simm.s32 @p2 $0x40  }
0xe1: {  	[spmem:s5] =	stream.indirect.scatter.add.f32 @p2 [tilespmem:s0], [sflag:$0xD], $0x80, s31, s30, $0xb8;
	[tilespmem:$0x1C0C0] =	vst v63  }
0xe2: {  	s0 =	simm.s32 @p2 $0xD  }
0xe3: {  	_ =	swait.ge @p2 [sflag:s0], $0x2000  }
0xe4: {  	[sflag:s0] =	ssyncset.done @p2 $0x0  }
0xe5: {  	[sflag:s0] =	ssyncadd.s32 @p2 $0xFFFFE000;
	s0 =	rddreg [dreg:$0x1c]  }
0xe6: {  	s30 =	simm.s32 @!p2 $0x200;
	s0 =	sadd.s32 @!p2 s26, s0  }
0xe7: {  	[tilespmem:s30], [sflag:$0x5] =	stream.linear.gather @!p2 [hbm4b:s0+s28], $0x40, $0x38;
	[tilespmem:$0x1C0C0] =	vst v63  }
0xe8: {  	s0 =	rddreg [dreg:$0x1b]  }
0xe9: {  	s30 =	simm.s32 @!p2 $0x600;
	s0 =	sadd.s32 @!p2 s26, s0  }
0xea: {  	[tilespmem:s30], [sflag:$0x5] =	stream.linear.gather @!p2 [hbm4b:s0+s28], $0x40, $0x38;
	[tilespmem:$0x1C0C0] =	vst v63  }
0xeb: {  	s0 =	simm.s32 @!p2 $0x1  }
0xec: {  	_ =	swait.ge @!p2 [sflag:s0], $0x40  }
0xed: {  	[sflag:s0] =	ssyncset.done @!p2 $0x0  }
0xee: {  	[sflag:s0] =	ssyncadd.s32 @!p2 $0xFFFFFFC0  }
0xef: {  	_ =	swait.ge @!p2 [sflag:s0], $0x40  }
0xf0: {  	[sflag:s0] =	ssyncset.done @!p2 $0x0  }
0xf1: {  	s30 =	simm.s32 @!p2 $0x800;
	[sflag:s0] =	ssyncadd.s32 @!p2 $0xFFFFFFC0;
	s0 =	simm.s32 @!p2 $0x40  }
0xf2: {  	[tilespmem:s30], [sflag:$0x9] =	stream.indirect.gather @!p2 [hbm4b:s4+s0], $0x80, s28, s0, $0xb8;
	[tilespmem:$0x1C0C0] =	vst v63  }
0xf3: {  	s30 =	simm.s32 @!p2 $0xA  }
0xf4: {  	_ =	swait.ge @!p2 [sflag:s30], $0x2000  }
0xf5: {  	s2 =	simm.s32 @!p2 $0xD;
	[sflag:s30] =	ssyncset.done @!p2 $0x0  }
0xf6: {  	s31 =	simm.s32 @!p2 $0x2800;
	[sflag:s30] =	ssyncadd.s32 @!p2 $0xFFFFE000;
	s30 =	simm.s32 @!p2 $0x680  }
0xf7: {  	[spmem:s5] =	stream.indirect.scatter.add.f32 @!p2 [tilespmem:s31], [sflag:$0xD], $0x80, s30, s0, $0xb8;
	[tilespmem:$0x1C0C0] =	vst v63  }
0xf8: {  	_ =	swait.ge @!p2 [sflag:s2], $0x2000  }
0xf9: {  	[sflag:s2] =	ssyncset.done @!p2 $0x0  }
0xfa: {  	[sflag:s2] =	ssyncadd.s32 @!p2 $0xFFFFE000;
	s2 =	rddreg [dreg:$0x1a]  }
0xfb: {  	s3 =	simm.s32 @!p2 $0x280;
	s2 =	sadd.s32 @!p2 s26, s2  }
0xfc: {  	[tilespmem:s3], [sflag:$0x6] =	stream.linear.gather @!p2 [hbm4b:s2+s28], $0x40, $0x38;
	[tilespmem:$0x1C0C0] =	vst v63  }
0xfd: {  	s2 =	rddreg [dreg:$0x19]  }
0xfe: {  	s2 =	sadd.s32 @!p2 s26, s2  }
0xff: {  	[tilespmem:s30], [sflag:$0x6] =	stream.linear.gather @!p2 [hbm4b:s2+s28], $0x40, $0x38;
	[tilespmem:$0x1C0C0] =	vst v63  }
0x100: {  	s2 =	simm.s32 @!p2 $0x2  }
0x101: {  	_ =	swait.ge @!p2 [sflag:s2], $0x40  }
0x102: {  	[sflag:s2] =	ssyncset.done @!p2 $0x0  }
0x103: {  	[sflag:s2] =	ssyncadd.s32 @!p2 $0xFFFFFFC0  }
0x104: {  	_ =	swait.ge @!p2 [sflag:s2], $0x40  }
0x105: {  	[sflag:s2] =	ssyncset.done @!p2 $0x0  }
0x106: {  	[sflag:s2] =	ssyncadd.s32 @!p2 $0xFFFFFFC0  }
0x107: {  	[tilespmem:s31], [sflag:$0xA] =	stream.indirect.gather @!p2 [hbm4b:s4+s0], $0x80, s29, s0, $0xb8;
	[tilespmem:$0x1C0C0] =	vst v63  }
0x108: {  	_ =	swait.ge [sflag:s22], $0x2000  }
0x109: {  	[sflag:s22] =	ssyncset.done $0x0  }
.Ltmp2:
0x10a: {  	[sflag:s22] =	ssyncadd.s32 $0xFFFFE000;
	(pc) =	sbr.rel @p2 .LBB2_6-.Ltmp2, $4  }
0x10b: {  	[spmem:s5] =	stream.indirect.scatter.add.f32 [tilespmem:s8], [sflag:$0xD], $0x80, s10, s6, $0xb8;
	[tilespmem:$0x1C0C0] =	vst v63  }
0x10c: {  	_ =	swait.ge [sflag:s16], $0x2000  }
0x10d: {  	[sflag:s16] =	ssyncset.done $0x0  }
0x10e: {  	[sflag:s16] =	ssyncadd.s32 $0xFFFFE000  }
0x10f: {  	s0 =	rddreg [dreg:$0x18]  }
0x110: {  	s3 =	rddreg [dreg:$0x17];
	s0 =	sadd.s32 s26, s0  }
0x111: {  	[tilespmem:s17], [sflag:$0x7] =	stream.linear.gather [hbm4b:s0+s1], $0x40, $0x38;
	[tilespmem:$0x1C0C0] =	vst v63  }
0x112: {  	s0 =	sadd.s32 s26, s3  }
0x113: {  	[tilespmem:s10], [sflag:$0x7] =	stream.linear.gather [hbm4b:s0+s1], $0x40, $0x38;
	[tilespmem:$0x1C0C0] =	vst v63  }
0x114: {  	_ =	swait.ge [sflag:s14], $0x40  }
0x115: {  	[sflag:s14] =	ssyncset.done $0x0  }
0x116: {  	[sflag:s14] =	ssyncadd.s32 $0xFFFFFFC0  }
0x117: {  	_ =	swait.ge [sflag:s14], $0x40  }
0x118: {  	[sflag:s14] =	ssyncset.done $0x0  }
0x119: {  	s28 =	simm.s32 $0x100;
	[sflag:s14] =	ssyncadd.s32 $0xFFFFFFC0  }
0x11a: {  	[tilespmem:s8], [sflag:$0xB] =	stream.indirect.gather [hbm4b:s4+s6], $0x80, s28, s6, $0xb8;
	[tilespmem:$0x1C0C0] =	vst v63  }
0x11b: {  	_ =	swait.ge [sflag:s24], $0x2000  }
0x11c: {  	[sflag:s24] =	ssyncset.done $0x0  }
0x11d: {  	[sflag:s24] =	ssyncadd.s32 $0xFFFFE000  }
0x11e: {  	[spmem:s5] =	stream.indirect.scatter.add.f32 [tilespmem:s18], [sflag:$0xD], $0x80, s9, s6, $0xb8;
	[tilespmem:$0x1C0C0] =	vst v63  }
0x11f: {  	_ =	swait.ge [sflag:s16], $0x2000  }
0x120: {  	[sflag:s16] =	ssyncset.done $0x0;
	s29 =	rddreg [dreg:$0x16]  }
0x121: {  	s30 =	rddreg [dreg:$0x15];
	[sflag:s16] =	ssyncadd.s32 $0xFFFFE000;
	s0 =	sadd.s32 s26, s29  }
0x122: {  	[tilespmem:s11], [sflag:$0x8] =	stream.linear.gather [hbm4b:s0+s1], $0x40, $0x38;
	[tilespmem:$0x1C0C0] =	vst v63  }
0x123: {  	s0 =	sadd.s32 s26, s30  }
0x124: {  	[tilespmem:s9], [sflag:$0x8] =	stream.linear.gather [hbm4b:s0+s1], $0x40, $0x38;
	[tilespmem:$0x1C0C0] =	vst v63  }
0x125: {  	_ =	swait.ge [sflag:s12], $0x40  }
0x126: {  	[sflag:s12] =	ssyncset.done $0x0  }
.Ltmp3:
0x127: {  	[sflag:s12] =	ssyncadd.s32 $0xFFFFFFC0;
	(pc) =	sbr.rel .LBB2_4-.Ltmp3, $4  }
0x128: {  	_ =	swait.ge [sflag:s12], $0x40  }
0x129: {  	[sflag:s12] =	ssyncset.done $0x0  }
0x12a: {  	s31 =	simm.s32 $0x180;
	s26 =	sadd.s32 $0x40, s26;
	[sflag:s12] =	ssyncadd.s32 $0xFFFFFFC0  }
0x12b: {  	[tilespmem:s18], [sflag:$0xC] =	stream.indirect.gather [hbm4b:s4+s6], $0x80, s31, s6, $0xb8;
	[tilespmem:$0x1C0C0] =	vst v63  }
.LBB2_6:
0x12c: {  	_ =	swait.ge [sflag:s24], $0x2000  }
0x12d: {  	[sflag:s24] =	ssyncset.done $0x0  }
0x12e: {  	[sflag:s24] =	ssyncadd.s32 $0xFFFFE000  }
0x12f: {  	[spmem:s5] =	stream.indirect.scatter.add.f32 [tilespmem:s18], [sflag:$0xD], $0x80, s9, s6, $0xb8;
	[tilespmem:$0x1C0C0] =	vst v63  }
0x130: {  	_ =	swait.ge [sflag:s16], $0x2000  }
0x131: {  	[sflag:s16] =	ssyncset.done $0x0  }
0x132: {  	[sflag:s16] =	ssyncadd.s32 $0xFFFFE000  }
0x133: {  	[bflag:$0x0] =	sbarrier.arrive $0xFFFF  }
0x134: {  	s31 =	sld [smem:$0x7FD];
	_ =	sdelay $0x2  }
0x135: {  	[tilespmem:s15], [sflag:$0xD] =	stream.linear.gather [spmem:s31], $0x4000, $0x38;
	[tilespmem:$0x1C0C0] =	vst v63  }
0x136: {  	_ =	swait.ge [sflag:s16], $0x4000  }
0x137: {  	s28 =	sld [smem:$0x7F7]  }
0x138: {  	[sflag:s16] =	ssyncset.done $0x0  }
0x139: {  	[sflag:s16] =	ssyncadd.s32 $0xFFFFC000  }
0x13a: {  	[hbm4b:s28+s1] =	stream.linear.scatter [tilespmem:s15], [sflag:$0xD], $0x4000, $0x38;
	[tilespmem:$0x1C0C0] =	vst v63  }
.Ltmp4:
0x13b: {  	_ =	swait.ge [sflag:s16], $0x4000;
	(pc) =	sbr.rel @!p1 .LBB2_8-.Ltmp4, $2  }
0x13c: {  	s30 =	sld [smem:$0x7FC];
	_ =	sdelay $0x2  }
0x13d: {  	s29 =	smov.u32 s31;
	[sflag:s16] =	ssyncset.done $0x0;
	s26 =	sadd.s32 $0xFFFFFFFF, s30  }
.LBB2_7:
0x13e: {  	[sflag:s16] =	ssyncadd.s32 $0xFFFFC000;
	s28 =	sadd.s32 $0x8000, s28;
	s29 =	sadd.s32 $0x40000, s29  }
0x13f: {  	[tilespmem:s15], [sflag:$0xD] =	stream.linear.gather [spmem:s29], $0x4000, $0x38;
	[tilespmem:$0x1C0C0] =	vst v63  }
0x140: {  	p1 =	sne.s32 s26, $0x1;
	s26 =	sadd.s32 $0xFFFFFFFF, s26;
	_ =	swait.ge [sflag:s16], $0x4000  }
.Ltmp5:
0x141: {  	[sflag:s16] =	ssyncset.done $0x0;
	(pc) =	sbr.rel @p1 .LBB2_7-.Ltmp5, $4  }
0x142: {  	[sflag:s16] =	ssyncadd.s32 $0xFFFFC000  }
0x143: {  	[hbm4b:s28+s1] =	stream.linear.scatter [tilespmem:s15], [sflag:$0xD], $0x4000, $0x38;
	[tilespmem:$0x1C0C0] =	vst v63  }
0x144: {  	_ =	swait.ge [sflag:s16], $0x4000  }
0x145: {  	[sflag:s16] =	ssyncset.done $0x0  }
.LBB2_8:
0x146: {  	s2 =	sld [smem:$0x7FB];
	_ =	sdelay $0x1  }
0x147: {  	[sflag:s16] =	ssyncadd.s32 $0xFFFFC000;
	s0 =	simm.s32 @!p0 $0x800  }
0x148: {  	[tilespmem:s0], [sflag:$0xD] =	stream.linear.gather @!p0 [spmem:s2], $0x800, $0x38;
	[tilespmem:$0x1C0C0] =	vst v63  }
0x149: {  	s2 =	simm.s32 @!p0 $0xD  }
0x14a: {  	_ =	swait.ge @!p0 [sflag:s2], $0x800  }
0x14b: {  	s26 =	sld [smem:$0x7F8]  }
0x14c: {  	[sflag:s2] =	ssyncset.done @!p0 $0x0  }
0x14d: {  	s3 =	simm.s32 @!p0 $0x0;
	[sflag:s2] =	ssyncadd.s32 @!p0 $0xFFFFF800  }
0x14e: {  	[hbm4b:s26+s3] =	stream.linear.scatter @!p0 [tilespmem:s0], [sflag:$0xD], $0x800, $0x38;
	[tilespmem:$0x1C0C0] =	vst v63  }
0x14f: {  	_ =	swait.ge @!p0 [sflag:s2], $0x800  }
0x150: {  	s28 =	sld [smem:$0x7F0]  }
0x151: {  	s29 =	sld [smem:$0x7FA];
	_ =	sdelay $0x1  }
0x152: {  	s3 =	sadd.s32 $0x1, s28  }
0x153: {  	p1 =	sne.s32 s3, s29  }
.Ltmp6:
0x154: {  	_ = 	snop;
	(pc) =	sbr.rel @p1 .LBB2_1-.Ltmp6, $3  }
0x155: {  	_ =	sdelay $0x1  }
0x156: {  	[sflag:s2] =	ssyncset.done @!p0 $0x0  }
0x157: {  	[sflag:s2] =	ssyncadd.s32 @!p0 $0xFFFFF800  }
0x158: {  	_ =	sfence.sel $0x180000  }
0x159: {  	[bflag:$0x0] =	sbarrier.arrive $0xFFFF  }
0x15a: {  	_ =	strace $0x9000004A  }
0x15b: {  	s0 =	stileid.u32;
	[bflag:$0x2] =	sbarrier.arrive $0xFFFF  }
0x15c: {  	p0 =	sne.s32 s0, $0x0;
	s0 =	rddreg [dreg:$0x4]  }
0x15d: {  	s0 =	sadd.s32 @!p0 $0x100000, s0  }
0x15e: {  	[sflag:s0] =	ssyncadd.tile.s32 @!p0 $0x1;
	_ =	shalt  }
.Lfunc_end2:
_tile_overlayer_lowered:
.L_overlay_start_2:
0x15f: {  	(tag) =	ssettag $0x2  }
0x160: {  	s0 =	rddreg [dreg:$0x0];
	s2 =	stileid.u32  }
0x161: {  	s1 =	rddreg [dreg:$0x1];
	p0 =	sne.s32 s2, $0x0  }
0x162: {  	s3 =	rddreg [dreg:$0x2];
	[bflag:$0x3] =	sbarrier.arrive $0xFFFF;
	s2 =	simm.s32 @!p0 $0x1C0D  }
0x163: {  	[timem:s3], [sflag:s2] =	dma.local @!p0 [hbm:s0], s1  }
0x164: {  	s0 =	simm.s32 @!p0 $0xD  }
0x165: {  	_ =	swait.ge @!p0 [sflag:s0], s1  }
0x166: {  	s1 =	ssub.s32 @!p0 $0x0, s1;
	[sflag:s0] =	ssyncset.done @!p0 $0x0  }
0x167: {  	[sflag:s0] =	ssyncadd.s32 @!p0 s1  }
0x168: {  	[bflag:$0x3] =	sbarrier.arrive $0xFFFF  }
0x169: {  	_ =	shalt  }

// kernel: kernel.14.cloned.1.call-start
scs
__scs_entry_jumppad:
0x0: {  	(pc) =	sbr.rel $0x88, $3  }
0x1: {  	(tag) =	ssettag $0x0;
	lr =	simm.s32 $0x1  }
0x2: {  	[smem:$0x3F99] =	sst lr;
	_ =	strace $0xD0000000  }
0x3: {  	_ = 	snop  }
0x4: {  	_ = 	snop  }
0x5: {  	_ = 	snop  }
0x6: {  	_ = 	snop  }
0x7: {  	_ = 	snop  }
__scs_overlays_trampoline_lowered:
0x8: {  	[smem:$0x3FA8] =	sst s0  }
0x9: {  	[smem:$0x3FA9] =	sst s1  }
0xa: {  	[smem:$0x3FAA] =	sst s2  }
0xb: {  	[smem:$0x3FAB] =	sst s3  }
0xc: {  	[smem:$0x3FAC] =	sst s4  }
0xd: {  	[smem:$0x3FAD] =	sst s5  }
0xe: {  	[smem:$0x3FAE] =	sst s6  }
0xf: {  	[smem:$0x3FAF] =	sst s7  }
0x10: {  	[smem:$0x3FB0] =	sst s8  }
0x11: {  	[smem:$0x3FB1] =	sst s9;
	s0 =	simm.s32 @!p0 $0x0  }
0x12: {  	s1 =	sld [smem:$0x3F97];
	s0 =	simm.s32 @p0 $0x1  }
0x13: {  	[smem:$0x3FB2] =	sst s0;
	s0 =	simm.s32 @!p1 $0x0  }
0x14: {  	s2 =	sld [smem:$0x3F96];
	s0 =	simm.s32 @p1 $0x1  }
0x15: {  	[smem:$0x3FB3] =	sst s0;
	s0 =	simm.s32 @!p2 $0x0  }
0x16: {  	s3 =	sld [smem:$0x3FDB];
	s0 =	simm.s32 @p2 $0x1  }
0x17: {  	s4 =	simm.s32 $0x1BF5;
	[smem:$0x3FB5] =	sst s0  }
0x18: {  	s0 =	sld [smem:$0x3F98];
	_ =	swait.ge [sflag:s4], $0x0  }
0x19: {  	s7 =	sld [smem:$0x3F99]  }
0x1a: {  	s8 =	sadd.s32 $0xFFFFE003, lr  }
0x1b: {  	s9 =	sadd.s32 $0xFFFFFEF7, lr;
	s5 =	simm.s32 $0xFFFFFFFF;
	p2 =	slt.u32 s8, $0xFFFFF086  }
0x1c: {  	p1 =	slt.u32 s9, $0xF7A;
	s5 =	simm.s32 @!p2 $0x0  }
0x1d: {  	s5 =	simm.s32 @p1 $0x1;
	p0 =	seq.s32 s7, s2  }
0x1e: {  	s7 =	smul.u32 @!p0 $0xF7A, s2;
	p2 =	seq.s32 @!p0 s5, $0x0  }
0x1f: {  	s9 =	smul.u32 $0xF7A, s1;
	s8 =	simm.s32 @!p0 $0x1BF5;
	p2 =	por !p2, p0  }
0x20: {  	[sflag:s8] =	ssyncset.s32 @!p0 $0xFFFFF086;
	s6 =	sadd.s32 @!p0 s3, s7;
	s7 =	simm.s32 @!p0 $0x108  }
0x21: {  	s3 =	sadd.s32 s3, s9;
	s6 =	sadd.s32 @!p0 $0x88, s6;
	s7 =	simm.s32 @p2 $0x1082  }
0x22: {  	[simem:s7], [sflag:s8] =	dma.local @!p0 [hbm:s6], $0xF7A  }
0x23: {  	s9 =	sor.u32 $0xD0000000, s2;
	s6 =	simm.s32 $0x108;
	_ =	swait.ge @!p0 [sflag:s8], $0x0  }
0x24: {  	s3 =	sadd.s32 $0x88, s3;
	s6 =	simm.s32 @!p1 $0x1082;
	[sflag:s4] =	ssyncset.s32 $0xFFFFF086  }
0x25: {  	[simem:s6], [sflag:s4] =	dma.local [hbm:s3], $0xF7A  }
0x26: {  	[smem:$0x3F99] =	sst s1;
	(tag) =	ssettag s2;
	_ =	strace s9  }
0x27: {  	s1 =	sld [smem:$0x3FA9]  }
0x28: {  	s2 =	sld [smem:$0x3FAA]  }
0x29: {  	s4 =	sld [smem:$0x3FAC]  }
0x2a: {  	p0 =	seq.s32 s5, $0x0;
	s5 =	sld [smem:$0x3FAD]  }
0x2b: {  	s6 =	sld [smem:$0x3FAE]  }
0x2c: {  	s7 =	sld [smem:$0x3FAF]  }
0x2d: {  	s3 =	simm.s32 $0x108;
	s8 =	sld [smem:$0x3FB0]  }
0x2e: {  	s3 =	simm.s32 @!p0 $0x1082;
	s9 =	sld [smem:$0x3FB1]  }
0x2f: {  	lr =	sadd.s32 s0, s3;
	s0 =	sld [smem:$0x3FA8]  }
0x30: {  	s3 =	sld [smem:$0x3FAB]  }
0x31: {  	[smem:$0x3FB4] =	sst s10  }
0x32: {  	s10 =	sld [smem:$0x3FB2];
	_ =	sdelay $0x3  }
0x33: {  	p0 =	seq.s32 s10, $0x1;
	s10 =	sld [smem:$0x3FB4];
	_ =	sdelay $0x3  }
0x34: {  	[smem:$0x3FB4] =	sst s10  }
0x35: {  	s10 =	sld [smem:$0x3FB3];
	_ =	sdelay $0x3  }
0x36: {  	p1 =	seq.s32 s10, $0x1;
	s10 =	sld [smem:$0x3FB4];
	_ =	sdelay $0x3  }
0x37: {  	[smem:$0x3FB4] =	sst s10  }
0x38: {  	s10 =	sld [smem:$0x3FB5]  }
0x39: {  	_ = 	snop;
	(pc) =	sbr.ind lr, $3  }
0x3a: {  	_ = 	snop  }
0x3b: {  	_ = 	snop  }
0x3c: {  	p2 =	seq.s32 s10, $0x1;
	s10 =	sld [smem:$0x3FB4]  }
0x3d: {  	_ =	shalt  }
0x3e: {  	_ =	shalt  }
0x3f: {  	_ =	shalt  }
0x40: {  	_ =	shalt  }
0x41: {  	_ =	shalt  }
0x42: {  	_ =	shalt  }
0x43: {  	_ =	shalt  }
0x44: {  	_ =	shalt  }
0x45: {  	_ =	shalt  }
0x46: {  	_ =	shalt  }
0x47: {  	_ =	shalt  }
0x48: {  	_ =	shalt  }
0x49: {  	_ =	shalt  }
0x4a: {  	_ =	shalt  }
0x4b: {  	_ =	shalt  }
0x4c: {  	_ =	shalt  }
0x4d: {  	_ =	shalt  }
0x4e: {  	_ =	shalt  }
0x4f: {  	_ =	shalt  }
0x50: {  	_ =	shalt  }
0x51: {  	_ =	shalt  }
0x52: {  	_ =	shalt  }
0x53: {  	_ =	shalt  }
0x54: {  	_ =	shalt  }
0x55: {  	_ =	shalt  }
0x56: {  	_ =	shalt  }
0x57: {  	_ =	shalt  }
0x58: {  	_ =	shalt  }
0x59: {  	_ =	shalt  }
0x5a: {  	_ =	shalt  }
0x5b: {  	_ =	shalt  }
0x5c: {  	_ =	shalt  }
0x5d: {  	_ =	shalt  }
0x5e: {  	_ =	shalt  }
0x5f: {  	_ =	shalt  }
0x60: {  	_ =	shalt  }
0x61: {  	_ =	shalt  }
0x62: {  	_ =	shalt  }
0x63: {  	_ =	shalt  }
0x64: {  	_ =	shalt  }
0x65: {  	_ =	shalt  }
0x66: {  	_ =	shalt  }
0x67: {  	_ =	shalt  }
0x68: {  	_ =	shalt  }
0x69: {  	_ =	shalt  }
0x6a: {  	_ =	shalt  }
0x6b: {  	_ =	shalt  }
0x6c: {  	_ =	shalt  }
0x6d: {  	_ =	shalt  }
0x6e: {  	_ =	shalt  }
0x6f: {  	_ =	shalt  }
0x70: {  	_ =	shalt  }
0x71: {  	_ =	shalt  }
0x72: {  	_ =	shalt  }
0x73: {  	_ =	shalt  }
0x74: {  	_ =	shalt  }
0x75: {  	_ =	shalt  }
0x76: {  	_ =	shalt  }
0x77: {  	_ =	shalt  }
0x78: {  	_ =	shalt  }
0x79: {  	_ =	shalt  }
0x7a: {  	_ =	shalt  }
0x7b: {  	_ =	shalt  }
0x7c: {  	_ =	shalt  }
0x7d: {  	_ =	shalt  }
0x7e: {  	_ =	shalt  }
0x7f: {  	_ =	shalt  }
0x80: {  	_ =	shalt  }
0x81: {  	_ =	shalt  }
0x82: {  	_ =	shalt  }
0x83: {  	_ =	shalt  }
0x84: {  	_ =	shalt  }
0x85: {  	_ =	shalt  }
0x86: {  	_ =	shalt  }
0x87: {  	_ =	shalt  }
.Lfunc_end0:
.L_simem_size_0:
called_computation.2_lowered:
.L_overlay_start_0:
0x88: {  	s2 =	sld [smem:$0x3FD9]  }
0x89: {  	s3 =	sld [smem:$0x3FFE];
	_ =	sdelay $0x1  }
0x8a: {  	s1 =	srdreg.scid  }
0x8b: {  	s0 =	sand.u32 $0x1, s1  }
0x8c: {  	s14 =	sshll.u32 s0, $0xA;
	s2 =	sadd.s32 s3, s2  }
0x8d: {  	s2 =	sadd.s32 s2, s14  }
0x8e: {  	[smem:$0x3FC0] =	sst s2  }
0x8f: {  	_ = 	snop  }
0x90: {  	s2 =	sld [smem:$0x3FD0];
	_ =	sdelay $0x2  }
0x91: {  	s15 =	simm.s32 $0xA;
	s4 =	simm.s32 $0x10  }
0x92: {  	[smem:s4], [sflag:s15] =	dma.local [hbm:s2], $0x1  }
0x93: {  	_ =	swait.eq [sflag:s15], $0x1  }
0x94: {  	[sflag:s15] =	ssyncset.done $0x0  }
0x95: {  	s16 =	sld [smem:$0x10];
	[sflag:s15] =	ssyncadd.s32 $0xFFFFFFFF  }
0x96: {  	s17 =	sld [smem:$0x11];
	(tm) =	ssettm $0x1  }
0x97: {  	s18 =	sld [smem:$0x3FFB];
	_ =	sdelay $0x3  }
0x98: {  	_ =	strace s18  }
0x99: {  	s4 =	sld [smem:$0x3FFC];
	_ =	sdelay $0x3  }
0x9a: {  	_ =	strace s4  }
0x9b: {  	s4 =	sld [smem:$0x3FFD];
	_ =	sdelay $0x3  }
0x9c: {  	_ =	strace s4  }
0x9d: {  	_ =	strace $0x8FFFFFFF  }
0x9e: {  	s19 =	sld [smem:$0x3FDB];
	_ =	sdelay $0x1  }
0x9f: {  	s5 =	simm.s32 $_scs_section_size  }
0xa0: {  	s6 =	simm.s32 $_size__tile_overlayer_lowered;
	s7 =	simm.s32 $_tile_overlayer_lowered  }
0xa1: {  	s22 =	simm.s32 $0x1BFF;
	s21 =	sshll.u32 s7, $0x1;
	s4 =	sadd.s32 s5, s19  }
0xa2: {  	s8 =	simm.s32 $0x0;
	s20 =	sshll.u32 s6, $0x1;
	s6 =	sadd.s32 s21, s4  }
0xa3: {  	[timem:s8], [sflag:s22] =	dma.local [hbm:s6], s20  }
0xa4: {  	_ =	swait.ge [sflag:s22], s20  }
0xa5: {  	s5 =	ssub.s32 $0x0, s20;
	[sflag:s22] =	ssyncset.done $0x0  }
0xa6: {  	[sflag:s22] =	ssyncadd.s32 s5;
	_ =	sdelay $0x1  }
0xa7: {  	s23 =	simm.s32 $0x1B8B  }
0xa8: {  	_ =	swait.ge [sflag:s23], $0x1  }
0xa9: {  	[sflag:s23] =	ssyncset.done $0x0  }
0xaa: {  	s25 =	simm.s32 $0x1B8E;
	s24 =	sld [smem:$0x3FFE];
	[sflag:s23] =	ssyncadd.s32 $0xFFFFFFFF  }
0xab: {  	s26 =	simm.s32 $execute0_lowered;
	[smem:$0x3FD2] =	sst s25  }
0xac: {  	s6 =	sshll.u32 s26, $0x1;
	_ =	strace $0x8000004C;
	[dreg:$0x1] =	wrdreg $0xFFFFFFFF  }
0xad: {  	s28 =	simm.s32 $_size_execute0_lowered;
	s4 =	sadd.s32 s4, s6;
	[dreg:$0x0] =	wrdreg $0x0  }
0xae: {  	s6 =	sshll.u32 s28, $0x1;
	[dreg:$0x2] =	wrdreg s4  }
0xaf: {  	[dreg:$0x3] =	wrdreg s6  }
0xb0: {  	[dreg:$0x4] =	wrdreg $0xC0  }
0xb1: {  	_ =	task [dreg:s8], $0x5FFFF  }
0xb2: {  	[dreg:$0x1] =	wrdreg $0xFFFFFFFF  }
0xb3: {  	[dreg:$0x0] =	wrdreg $0x60  }
0xb4: {  	[dreg:$0x2] =	wrdreg s24  }
0xb5: {  	[dreg:$0x3] =	wrdreg s17  }
0xb6: {  	[dreg:$0x4] =	wrdreg s16  }
0xb7: {  	[dreg:$0x5] =	wrdreg $0x88000  }
0xb8: {  	[dreg:$0x6] =	wrdreg $0x9  }
0xb9: {  	_ =	task.clear_ibuf [dreg:s8], $0x7FFFF;
	_ =	strace $0x9000004C  }
0xba: {  	s29 =	simm.s32 $0x9;
	_ =	strace $0x8000004E  }
0xbb: {  	_ =	swait.ge [sflag:s29], $0x1  }
0xbc: {  	[sflag:s29] =	ssyncadd.s32 $0xFFFFFFFF  }
0xbd: {  	_ =	strace $0x9000004E  }
0xbe: {  	_ =	sfence  }
0xbf: {  	s30 =	sld [smem:$0x0];
	_ =	sdelay $0x2  }
0xc0: {  	s31 =	sshll.u32 s1, $0xD;
	s1 =	sshrl.u32 s1, $0x2  }
0xc1: {  	s3 =	sand.u32 $0x4000, s31;
	s1 =	sadd.s32 s1, s30  }
0xc2: {  	s0 =	sor.u32 s3, s0;
	s1 =	sshll.u32 s1, $0x11  }
0xc3: {  	s0 =	sor.u32 s1, s0  }
0xc4: {  	s0 =	sadd.s32 $0x8F2B, s0  }
0xc5: {  	[sflag:s0] =	ssyncadd.remote.s32 $0x1  }
0xc6: {  	_ =	sfence.sel $0xFFFF  }
0xc7: {  	[dreg:$0x0] =	wrdreg $0xFFFFFFFF;
	(pc) =	sbr.abs _section_cstart, $3  }
0xc8: {  	[dreg:$0x1] =	wrdreg $0xFFFFFFFF  }
0xc9: {  	_ =	task.clear_ibuf [dreg:s8], $0x2FFFF;
	_ =	strace $0x9FFFFFFF  }
0xca: {  	(tm) =	ssettm $0x7FFFFFFF  }
0xcb: {  	_ =	shalt  }
tec
execute0_lowered:
.L_overlay_start_1:
0x0: {  	(tag) =	ssettag $0x1  }
0x1: {  	s0 =	srdreg.scid;
	s12 =	stileid.u32  }
0x2: {  	s3 =	rddreg [dreg:$0x1];
	s5 =	sand.u32 $0x1, s0;
	s2 =	smul.u32 $0x5000, s12  }
0x3: {  	s4 =	rddreg [dreg:$0x2];
	s1 =	simm.s32 $0x0;
	s0 =	smul.u32 $0x50000, s5  }
0x4: {  	s30 =	simm.s32 $0x5;
	[smem:$0x7FF] =	sst s1  }
0x5: {  	p0 =	slt.u32 s12, $0xE;
	s6 =	ssub.s32 $0x2, s5;
	s0 =	sadd.s32 s2, s0  }
0x6: {  	s30 =	simm.s32 @!p0 $0x4;
	s7 =	sshrl.u32 s6, $0x1;
	s2 =	sshrl.u32 s0, $0x3  }
0x7: {  	p0 =	sne.s32 s12, $0xF;
	s6 =	ssub.s32 s6, s7;
	s20 =	sadd.s32 s3, s2  }
0x8: {  	s21 =	sadd.s32 s4, s2;
	s22 =	sor.u32 $0x8, s2;
	[dreg:$0x5] =	wrdreg s20  }
0x9: {  	s14 =	sor.u32 $0x3C0, s0;
	[dreg:$0x6] =	wrdreg s21;
	s8 =	sadd.s32 s3, s22  }
0xa: {  	s23 =	sor.u32 $0x10, s2;
	s7 =	sadd.s32 s4, s22;
	[dreg:$0x7] =	wrdreg s8  }
0xb: {  	s25 =	sor.u32 $0x18, s2;
	s24 =	sadd.s32 s3, s23;
	[dreg:$0x8] =	wrdreg s7  }
0xc: {  	s28 =	sor.u32 $0x20, s2;
	s26 =	sadd.s32 s3, s25;
	[dreg:$0x9] =	wrdreg s24  }
0xd: {  	s9 =	sor.u32 $0x28, s2;
	s29 =	sadd.s32 s3, s28;
	[dreg:$0xb] =	wrdreg s26  }
0xe: {  	s11 =	sor.u32 $0x30, s2;
	s10 =	sadd.s32 s3, s9;
	[dreg:$0xd] =	wrdreg s29  }
0xf: {  	s2 =	sor.u32 $0x38, s2;
	s13 =	sadd.s32 s3, s11;
	[dreg:$0xf] =	wrdreg s10  }
0x10: {  	s18 =	sor.u32 $0x380, s0;
	s15 =	sadd.s32 s3, s2;
	[dreg:$0x11] =	wrdreg s13  }
0x11: {  	s16 =	sshrl.u32 s14, $0x3;
	s2 =	sadd.s32 s4, s2;
	[dreg:$0x13] =	wrdreg s15  }
0x12: {  	s19 =	sor.u32 $0x340, s0;
	s17 =	sadd.s32 s16, s4;
	[dreg:$0x14] =	wrdreg s2  }
0x13: {  	s21 =	sor.u32 $0x300, s0;
	s7 =	sadd.s32 s4, s23;
	[dreg:$0x15] =	wrdreg s17  }
0x14: {  	s2 =	sshrl.u32 s18, $0x3;
	[dreg:$0xa] =	wrdreg s7;
	s7 =	sadd.s32 s4, s25  }
0x15: {  	s22 =	sshrl.u32 s21, $0x3;
	s20 =	sadd.s32 s2, s4;
	[dreg:$0xc] =	wrdreg s7  }
0x16: {  	s10 =	sor.u32 $0x240, s0;
	s2 =	sadd.s32 s2, s3;
	[dreg:$0x17] =	wrdreg s20  }
0x17: {  	s24 =	sadd.s32 s22, s4;
	s25 =	sor.u32 $0x2C0, s0;
	[dreg:$0x18] =	wrdreg s2  }
0x18: {  	s13 =	sshrl.u32 s10, $0x3;
	s7 =	sadd.s32 s4, s28;
	[dreg:$0x1b] =	wrdreg s24  }
0x19: {  	s2 =	sadd.s32 s22, s3;
	s26 =	sshrl.u32 s25, $0x3;
	[dreg:$0xe] =	wrdreg s7  }
0x1a: {  	s28 =	sor.u32 $0x280, s0;
	s15 =	sadd.s32 s13, s4;
	[dreg:$0x1c] =	wrdreg s2  }
0x1b: {  	s0 =	sor.u32 $0x200, s0;
	s7 =	sadd.s32 s4, s9;
	[smem:$0x7F2] =	sst s15  }
0x1c: {  	s20 =	smul.u32 $0x27100, s5;
	s29 =	sadd.s32 s26, s4;
	[dreg:$0x10] =	wrdreg s7  }
0x1d: {  	s2 =	sadd.s32 s26, s3;
	s9 =	sshrl.u32 s28, $0x3;
	[dreg:$0x1d] =	wrdreg s29  }
0x1e: {  	s7 =	sadd.s32 s4, s11;
	[dreg:$0x1e] =	wrdreg s2;
	s11 =	sadd.s32 s9, s4  }
0x1f: {  	s2 =	sadd.s32 s9, s3;
	s9 =	smul.u32 $0x138800, s5;
	s5 =	rddreg [dreg:$0x3]  }
0x20: {  	s25 =	sshll.u32 s12, $0xE;
	s14 =	sshrl.u32 s0, $0x3;
	[dreg:$0x12] =	wrdreg s7  }
0x21: {  	s28 =	smax.u32 s6, $0x1;
	s15 =	simm.s32 $0x800;
	[dreg:$0x1f] =	wrdreg s11  }
0x22: {  	s6 =	simm.s32 $0x40;
	s17 =	sadd.s32 s14, s4;
	[smem:$0x7F1] =	sst s2  }
0x23: {  	s18 =	sadd.s32 s14, s3;
	s14 =	simm.s32 $0x3;
	[smem:$0x7F4] =	sst s17  }
0x24: {  	s7 =	sadd.s32 s16, s3;
	s16 =	sadd.s32 s13, s3;
	[smem:$0x7F5] =	sst s18  }
0x25: {  	s11 =	sshll.u32 s12, $0xB;
	s31 =	sadd.s32 s25, s5;
	s13 =	simm.s32 $0x5  }
0x26: {  	s29 =	sadd.s32 $0x138000, s5;
	s17 =	simm.s32 $0x300;
	[dreg:$0x16] =	wrdreg s7  }
0x27: {  	s12 =	simm.s32 $0x4;
	s18 =	simm.s32 $0x6800;
	[smem:$0x7F3] =	sst s16  }
0x28: {  	s25 =	simm.s32 $0x8;
	s7 =	sshrl.u32 s19, $0x3;
	s19 =	rddreg [dreg:$0x0]  }
0x29: {  	s16 =	simm.s32 $0xD;
	s23 =	sadd.s32 s7, s4;
	s7 =	sadd.s32 s7, s3  }
0x2a: {  	s4 =	sadd.s32 $0x1E00, s19;
	s3 =	simm.s32 $0x0;
	[dreg:$0x19] =	wrdreg s23  }
0x2b: {  	[dreg:$0x1a] =	wrdreg s7;
	s7 =	sadd.s32 $0x50000, s19;
	s10 =	sadd.s32 s20, s4  }
0x2c: {  	s23 =	sshrl.u32 s9, $0x3;
	s21 =	sadd.s32 s11, s10;
	s8 =	sadd.s32 s20, s7  }
0x2d: {  	[smem:$0x7F6] =	sst s21;
	s22 =	sadd.s32 s11, s8;
	s8 =	sadd.s32 $0x27000, s23  }
0x2e: {  	s9 =	simm.s32 $0x780;
	[smem:$0x7F7] =	sst s22;
	s24 =	sadd.s32 s7, s8  }
0x2f: {  	s26 =	sadd.s32 s4, s8;
	_ =	strace $0x8000004D;
	[smem:$0x7F8] =	sst s24  }
0x30: {  	s19 =	simm.s32 $0x9;
	s10 =	simm.s32 $0x700;
	[smem:$0x7F9] =	sst s26  }
0x31: {  	s20 =	simm.s32 $0xA;
	s11 =	simm.s32 $0x380;
	[smem:$0x7FA] =	sst s28  }
0x32: {  	s21 =	simm.s32 $0x6;
	s23 =	simm.s32 $0x7;
	[smem:$0x7FB] =	sst s29  }
0x33: {  	s7 =	simm.s32 $0x2800;
	s8 =	simm.s32 $0x4800;
	[smem:$0x7FC] =	sst s30  }
0x34: {  	s22 =	simm.s32 $0xB;
	s24 =	simm.s32 $0xC;
	[smem:$0x7FD] =	sst s31  }
.LBB2_1:
0x35: {  	s28 =	sld [smem:$0x7F6];
	_ =	sdelay $0x1  }
0x36: {  	[smem:$0x7F0] =	sst s3  }
0x37: {  	[tilespmem:s15], [sflag:$0xD] =	stream.linear.gather [hbm4b:s28+s1], $0x4000, $0x38;
	[tilespmem:$0x1C0C0] =	vst v63  }
0x38: {  	p1 =	sne.s32 s30, $0x1;
	_ =	swait.ge [sflag:s16], $0x4000  }
.Ltmp0:
0x39: {  	[sflag:s16] =	ssyncset.done $0x0;
	(pc) =	sbr.rel @!p1 .LBB2_3-.Ltmp0, $4  }
0x3a: {  	[sflag:s16] =	ssyncadd.s32 $0xFFFFC000  }
0x3b: {  	[spmem:s31] =	stream.linear.scatter [tilespmem:s15], [sflag:$0xD], $0x4000, $0x38;
	[tilespmem:$0x1C0C0] =	vst v63  }
0x3c: {  	_ =	swait.ge [sflag:s16], $0x4000  }
0x3d: {  	s26 =	sadd.s32 $0xFFFFFFFF, s30;
	s29 =	smov.u32 s31;
	[sflag:s16] =	ssyncset.done $0x0  }
.LBB2_2:
0x3e: {  	[sflag:s16] =	ssyncadd.s32 $0xFFFFC000;
	s28 =	sadd.s32 $0x8000, s28;
	s29 =	sadd.s32 $0x40000, s29  }
0x3f: {  	[tilespmem:s15], [sflag:$0xD] =	stream.linear.gather [hbm4b:s28+s1], $0x4000, $0x38;
	[tilespmem:$0x1C0C0] =	vst v63  }
0x40: {  	p2 =	sne.s32 s26, $0x1;
	s26 =	sadd.s32 $0xFFFFFFFF, s26;
	_ =	swait.ge [sflag:s16], $0x4000  }
.Ltmp1:
0x41: {  	[sflag:s16] =	ssyncset.done $0x0;
	(pc) =	sbr.rel @p2 .LBB2_2-.Ltmp1, $4  }
0x42: {  	[sflag:s16] =	ssyncadd.s32 $0xFFFFC000  }
0x43: {  	[spmem:s29] =	stream.linear.scatter [tilespmem:s15], [sflag:$0xD], $0x4000, $0x38;
	[tilespmem:$0x1C0C0] =	vst v63  }
0x44: {  	_ =	swait.ge [sflag:s16], $0x4000  }
0x45: {  	[sflag:s16] =	ssyncset.done $0x0  }
.LBB2_3:
0x46: {  	s0 =	sld [smem:$0x7F9];
	_ =	sdelay $0x1  }
0x47: {  	[sflag:s16] =	ssyncadd.s32 $0xFFFFC000;
	s26 =	simm.s32 @!p0 $0x0;
	s28 =	simm.s32 @!p0 $0x800  }
0x48: {  	[tilespmem:s28], [sflag:$0xD] =	stream.linear.gather @!p0 [hbm4b:s0+s26], $0x800, $0x38;
	[tilespmem:$0x1C0C0] =	vst v63  }
0x49: {  	s26 =	simm.s32 @!p0 $0xD  }
0x4a: {  	_ =	swait.ge @!p0 [sflag:s26], $0x800  }
0x4b: {  	s0 =	sld [smem:$0x7FB]  }
0x4c: {  	[sflag:s26] =	ssyncset.done @!p0 $0x0  }
0x4d: {  	[sflag:s26] =	ssyncadd.s32 @!p0 $0xFFFFF800  }
0x4e: {  	[spmem:s0] =	stream.linear.scatter @!p0 [tilespmem:s28], [sflag:$0xD], $0x800, $0x38;
	[tilespmem:$0x1C0C0] =	vst v63  }
0x4f: {  	_ =	swait.ge @!p0 [sflag:s26], $0x800  }
0x50: {  	[sflag:s26] =	ssyncset.done @!p0 $0x0  }
0x51: {  	[sflag:s26] =	ssyncadd.s32 @!p0 $0xFFFFF800  }
0x52: {  	[bflag:$0x0] =	sbarrier.arrive $0xFFFF  }
0x53: {  	s26 =	simm.s32 $0x0;
	s2 =	rddreg [dreg:$0x5]  }
0x54: {  	[tilespmem:s26], [sflag:$0x1] =	stream.linear.gather [hbm4b:s2+s26], $0x40, $0x38;
	[tilespmem:$0x1C0C0] =	vst v63  }
0x55: {  	s3 =	rddreg [dreg:$0x6];
	s2 =	simm.s32 $0x400  }
0x56: {  	[tilespmem:s2], [sflag:$0x1] =	stream.linear.gather [hbm4b:s3+s26], $0x40, $0x38;
	[tilespmem:$0x1C0C0] =	vst v63  }
0x57: {  	s28 =	rddreg [dreg:$0x7];
	s2 =	simm.s32 $0x80  }
0x58: {  	[tilespmem:s2], [sflag:$0x2] =	stream.linear.gather [hbm4b:s28+s26], $0x40, $0x38;
	[tilespmem:$0x1C0C0] =	vst v63  }
0x59: {  	s29 =	rddreg [dreg:$0x8];
	s3 =	simm.s32 $0x480  }
0x5a: {  	[tilespmem:s3], [sflag:$0x2] =	stream.linear.gather [hbm4b:s29+s26], $0x40, $0x38;
	[tilespmem:$0x1C0C0] =	vst v63  }
0x5b: {  	s30 =	rddreg [dreg:$0x9];
	s3 =	simm.s32 $0x100  }
0x5c: {  	[tilespmem:s3], [sflag:$0x3] =	stream.linear.gather [hbm4b:s30+s26], $0x40, $0x38;
	[tilespmem:$0x1C0C0] =	vst v63  }
0x5d: {  	s31 =	rddreg [dreg:$0xa];
	s29 =	simm.s32 $0x500  }
0x5e: {  	[tilespmem:s29], [sflag:$0x3] =	stream.linear.gather [hbm4b:s31+s26], $0x40, $0x38;
	[tilespmem:$0x1C0C0] =	vst v63  }
0x5f: {  	s28 =	simm.s32 $0x180;
	s30 =	rddreg [dreg:$0xb]  }
0x60: {  	[tilespmem:s28], [sflag:$0x4] =	stream.linear.gather [hbm4b:s30+s26], $0x40, $0x38;
	[tilespmem:$0x1C0C0] =	vst v63  }
0x61: {  	s31 =	rddreg [dreg:$0xc];
	s29 =	simm.s32 $0x580  }
0x62: {  	[tilespmem:s29], [sflag:$0x4] =	stream.linear.gather [hbm4b:s31+s26], $0x40, $0x38;
	[tilespmem:$0x1C0C0] =	vst v63  }
0x63: {  	s30 =	rddreg [dreg:$0xd];
	s31 =	simm.s32 $0x200  }
0x64: {  	[tilespmem:s31], [sflag:$0x5] =	stream.linear.gather [hbm4b:s30+s26], $0x40, $0x38;
	[tilespmem:$0x1C0C0] =	vst v63  }
0x65: {  	s30 =	rddreg [dreg:$0xe];
	s31 =	simm.s32 $0x600  }
0x66: {  	[tilespmem:s31], [sflag:$0x5] =	stream.linear.gather [hbm4b:s30+s26], $0x40, $0x38;
	[tilespmem:$0x1C0C0] =	vst v63  }
0x67: {  	s30 =	rddreg [dreg:$0xf];
	s31 =	simm.s32 $0x280  }
0x68: {  	[tilespmem:s31], [sflag:$0x6] =	stream.linear.gather [hbm4b:s30+s26], $0x40, $0x38;
	[tilespmem:$0x1C0C0] =	vst v63  }
0x69: {  	s30 =	rddreg [dreg:$0x10];
	s31 =	simm.s32 $0x680  }
0x6a: {  	[tilespmem:s31], [sflag:$0x6] =	stream.linear.gather [hbm4b:s30+s26], $0x40, $0x38;
	[tilespmem:$0x1C0C0] =	vst v63  }
0x6b: {  	s29 =	rddreg [dreg:$0x11]  }
0x6c: {  	[tilespmem:s17], [sflag:$0x7] =	stream.linear.gather [hbm4b:s29+s26], $0x40, $0x38;
	[tilespmem:$0x1C0C0] =	vst v63  }
0x6d: {  	s30 =	rddreg [dreg:$0x12]  }
0x6e: {  	[tilespmem:s10], [sflag:$0x7] =	stream.linear.gather [hbm4b:s30+s26], $0x40, $0x38;
	[tilespmem:$0x1C0C0] =	vst v63  }
0x6f: {  	s31 =	rddreg [dreg:$0x13]  }
0x70: {  	[tilespmem:s11], [sflag:$0x8] =	stream.linear.gather [hbm4b:s31+s26], $0x40, $0x38;
	[tilespmem:$0x1C0C0] =	vst v63  }
0x71: {  	s29 =	rddreg [dreg:$0x14];
	s30 =	simm.s32 $0x1  }
0x72: {  	[tilespmem:s9], [sflag:$0x8] =	stream.linear.gather [hbm4b:s29+s26], $0x40, $0x38;
	[tilespmem:$0x1C0C0] =	vst v63  }
0x73: {  	_ =	swait.ge [sflag:s30], $0x40  }
0x74: {  	[sflag:s30] =	ssyncset.done $0x0  }
0x75: {  	[sflag:s30] =	ssyncadd.s32 $0xFFFFFFC0  }
0x76: {  	_ =	swait.ge [sflag:s30], $0x40  }
0x77: {  	[sflag:s30] =	ssyncset.done $0x0  }
0x78: {  	s31 =	simm.s32 $0x2;
	[sflag:s30] =	ssyncadd.s32 $0xFFFFFFC0  }
0x79: {  	[tilespmem:s15], [sflag:$0x9] =	stream.indirect.gather [hbm4b:s4+s6], $0x80, s26, s6, $0xb8;
	[tilespmem:$0x1C0C0] =	vst v63  }
0x7a: {  	_ =	swait.ge [sflag:s31], $0x40  }
0x7b: {  	[sflag:s31] =	ssyncset.done $0x0  }
0x7c: {  	[sflag:s31] =	ssyncadd.s32 $0xFFFFFFC0  }
0x7d: {  	_ =	swait.ge [sflag:s31], $0x40  }
0x7e: {  	[sflag:s31] =	ssyncset.done $0x0  }
0x7f: {  	[sflag:s31] =	ssyncadd.s32 $0xFFFFFFC0  }
0x80: {  	[tilespmem:s7], [sflag:$0xA] =	stream.indirect.gather [hbm4b:s4+s6], $0x80, s2, s6, $0xb8;
	[tilespmem:$0x1C0C0] =	vst v63  }
0x81: {  	_ =	swait.ge [sflag:s14], $0x40  }
0x82: {  	[sflag:s14] =	ssyncset.done $0x0  }
0x83: {  	[sflag:s14] =	ssyncadd.s32 $0xFFFFFFC0  }
0x84: {  	_ =	swait.ge [sflag:s14], $0x40  }
0x85: {  	[sflag:s14] =	ssyncset.done $0x0  }
0x86: {  	[sflag:s14] =	ssyncadd.s32 $0xFFFFFFC0  }
0x87: {  	[tilespmem:s8], [sflag:$0xB] =	stream.indirect.gather [hbm4b:s4+s6], $0x80, s3, s6, $0xb8;
	[tilespmem:$0x1C0C0] =	vst v63  }
0x88: {  	_ =	swait.ge [sflag:s12], $0x40  }
0x89: {  	[sflag:s12] =	ssyncset.done $0x0  }
0x8a: {  	[sflag:s12] =	ssyncadd.s32 $0xFFFFFFC0  }
0x8b: {  	_ =	swait.ge [sflag:s12], $0x40  }
0x8c: {  	[sflag:s12] =	ssyncset.done $0x0  }
0x8d: {  	[sflag:s12] =	ssyncadd.s32 $0xFFFFFFC0  }
0x8e: {  	[tilespmem:s18], [sflag:$0xC] =	stream.indirect.gather [hbm4b:s4+s6], $0x80, s28, s6, $0xb8;
	[tilespmem:$0x1C0C0] =	vst v63  }
.LBB2_4:
0x8f: {  	_ =	swait.ge [sflag:s19], $0x2000  }
0x90: {  	[sflag:s19] =	ssyncset.done $0x0  }
0x91: {  	s0 =	simm.s32 $0x400;
	[sflag:s19] =	ssyncadd.s32 $0xFFFFE000  }
0x92: {  	[spmem:s5] =	stream.indirect.scatter.add.f32 [tilespmem:s15], [sflag:$0xD], $0x80, s0, s6, $0xb8;
	[tilespmem:$0x1C0C0] =	vst v63  }
0x93: {  	_ =	swait.ge [sflag:s16], $0x2000  }
0x94: {  	s0 =	sld [smem:$0x7F5];
	_ =	sdelay $0x1  }
0x95: {  	p2 =	seq.s32 s26, $0x9C0  }
0x96: {  	[sflag:s16] =	ssyncset.done $0x0;
	s29 =	sadd.s32 @!p2 s26, s0;
	s0 =	sld [smem:$0x7F4]  }
0x97: {  	s28 =	simm.s32 @!p2 $0x0;
	[sflag:s16] =	ssyncadd.s32 $0xFFFFE000  }
0x98: {  	[tilespmem:s28], [sflag:$0x1] =	stream.linear.gather @!p2 [hbm4b:s29+s28], $0x40, $0x38;
	[tilespmem:$0x1C0C0] =	vst v63  }
0x99: {  	s30 =	simm.s32 @!p2 $0x400;
	s29 =	sadd.s32 @!p2 s26, s0  }
0x9a: {  	[tilespmem:s30], [sflag:$0x1] =	stream.linear.gather @!p2 [hbm4b:s29+s28], $0x40, $0x38;
	[tilespmem:$0x1C0C0] =	vst v63  }
0x9b: {  	_ =	swait.ge [sflag:s13], $0x40  }
0x9c: {  	[sflag:s13] =	ssyncset.done $0x0  }
0x9d: {  	[sflag:s13] =	ssyncadd.s32 $0xFFFFFFC0  }
0x9e: {  	_ =	swait.ge [sflag:s13], $0x40  }
0x9f: {  	[sflag:s13] =	ssyncset.done $0x0  }
0xa0: {  	s30 =	simm.s32 $0x200;
	[sflag:s13] =	ssyncadd.s32 $0xFFFFFFC0  }
0xa1: {  	[tilespmem:s15], [sflag:$0x9] =	stream.indirect.gather [hbm4b:s4+s6], $0x80, s30, s6, $0xb8;
	[tilespmem:$0x1C0C0] =	vst v63  }
0xa2: {  	_ =	swait.ge [sflag:s20], $0x2000  }
0xa3: {  	[sflag:s20] =	ssyncset.done $0x0  }
0xa4: {  	s31 =	simm.s32 $0x480;
	[sflag:s20] =	ssyncadd.s32 $0xFFFFE000  }
0xa5: {  	[spmem:s5] =	stream.indirect.scatter.add.f32 [tilespmem:s7], [sflag:$0xD], $0x80, s31, s6, $0xb8;
	[tilespmem:$0x1C0C0] =	vst v63  }
0xa6: {  	_ =	swait.ge [sflag:s16], $0x2000  }
0xa7: {  	s0 =	sld [smem:$0x7F3];
	_ =	sdelay $0x2  }
0xa8: {  	[sflag:s16] =	ssyncset.done $0x0;
	s30 =	sadd.s32 @!p2 s26, s0;
	s0 =	sld [smem:$0x7F2]  }
0xa9: {  	s29 =	simm.s32 @!p2 $0x80;
	[sflag:s16] =	ssyncadd.s32 $0xFFFFE000  }
0xaa: {  	[tilespmem:s29], [sflag:$0x2] =	stream.linear.gather @!p2 [hbm4b:s30+s28], $0x40, $0x38;
	[tilespmem:$0x1C0C0] =	vst v63  }
0xab: {  	s31 =	simm.s32 @!p2 $0x480;
	s30 =	sadd.s32 @!p2 s26, s0  }
0xac: {  	[tilespmem:s31], [sflag:$0x2] =	stream.linear.gather @!p2 [hbm4b:s30+s28], $0x40, $0x38;
	[tilespmem:$0x1C0C0] =	vst v63  }
0xad: {  	_ =	swait.ge [sflag:s21], $0x40  }
0xae: {  	[sflag:s21] =	ssyncset.done $0x0  }
0xaf: {  	[sflag:s21] =	ssyncadd.s32 $0xFFFFFFC0  }
0xb0: {  	_ =	swait.ge [sflag:s21], $0x40  }
0xb1: {  	[sflag:s21] =	ssyncset.done $0x0  }
0xb2: {  	s2 =	simm.s32 $0x280;
	[sflag:s21] =	ssyncadd.s32 $0xFFFFFFC0  }
0xb3: {  	[tilespmem:s7], [sflag:$0xA] =	stream.indirect.gather [hbm4b:s4+s6], $0x80, s2, s6, $0xb8;
	[tilespmem:$0x1C0C0] =	vst v63  }
0xb4: {  	_ =	swait.ge [sflag:s22], $0x2000  }
0xb5: {  	[sflag:s22] =	ssyncset.done $0x0  }
0xb6: {  	s3 =	simm.s32 $0x500;
	[sflag:s22] =	ssyncadd.s32 $0xFFFFE000  }
0xb7: {  	[spmem:s5] =	stream.indirect.scatter.add.f32 [tilespmem:s8], [sflag:$0xD], $0x80, s3, s6, $0xb8;
	[tilespmem:$0x1C0C0] =	vst v63  }
0xb8: {  	_ =	swait.ge [sflag:s16], $0x2000  }
0xb9: {  	s0 =	sld [smem:$0x7F1];
	_ =	sdelay $0x1  }
0xba: {  	s31 =	simm.s32 @!p2 $0x100;
	[sflag:s16] =	ssyncset.done $0x0  }
0xbb: {  	[sflag:s16] =	ssyncadd.s32 $0xFFFFE000;
	s30 =	sadd.s32 @!p2 s26, s0;
	s0 =	rddreg [dreg:$0x1f]  }
0xbc: {  	[tilespmem:s31], [sflag:$0x3] =	stream.linear.gather @!p2 [hbm4b:s30+s28], $0x40, $0x38;
	[tilespmem:$0x1C0C0] =	vst v63  }
0xbd: {  	s30 =	sadd.s32 @!p2 s26, s0;
	s31 =	simm.s32 @!p2 $0x500  }
0xbe: {  	[tilespmem:s31], [sflag:$0x3] =	stream.linear.gather @!p2 [hbm4b:s30+s28], $0x40, $0x38;
	[tilespmem:$0x1C0C0] =	vst v63  }
0xbf: {  	_ =	swait.ge [sflag:s23], $0x40  }
0xc0: {  	[sflag:s23] =	ssyncset.done $0x0  }
0xc1: {  	[sflag:s23] =	ssyncadd.s32 $0xFFFFFFC0  }
0xc2: {  	_ =	swait.ge [sflag:s23], $0x40  }
0xc3: {  	[sflag:s23] =	ssyncset.done $0x0  }
0xc4: {  	[sflag:s23] =	ssyncadd.s32 $0xFFFFFFC0  }
0xc5: {  	[tilespmem:s8], [sflag:$0xB] =	stream.indirect.gather [hbm4b:s4+s6], $0x80, s17, s6, $0xb8;
	[tilespmem:$0x1C0C0] =	vst v63  }
0xc6: {  	_ =	swait.ge [sflag:s24], $0x2000  }
0xc7: {  	[sflag:s24] =	ssyncset.done $0x0  }
0xc8: {  	s30 =	simm.s32 $0x580;
	[sflag:s24] =	ssyncadd.s32 $0xFFFFE000  }
0xc9: {  	[spmem:s5] =	stream.indirect.scatter.add.f32 [tilespmem:s18], [sflag:$0xD], $0x80, s30, s6, $0xb8;
	[tilespmem:$0x1C0C0] =	vst v63  }
0xca: {  	_ =	swait.ge [sflag:s16], $0x2000  }
0xcb: {  	s31 =	simm.s32 @!p2 $0x180;
	[sflag:s16] =	ssyncset.done $0x0;
	s0 =	rddreg [dreg:$0x1e]  }
0xcc: {  	[sflag:s16] =	ssyncadd.s32 $0xFFFFE000;
	s30 =	sadd.s32 @!p2 s26, s0;
	s0 =	rddreg [dreg:$0x1d]  }
0xcd: {  	[tilespmem:s31], [sflag:$0x4] =	stream.linear.gather @!p2 [hbm4b:s30+s28], $0x40, $0x38;
	[tilespmem:$0x1C0C0] =	vst v63  }
0xce: {  	s30 =	sadd.s32 @!p2 s26, s0;
	s31 =	simm.s32 @!p2 $0x580  }
0xcf: {  	[tilespmem:s31], [sflag:$0x4] =	stream.linear.gather @!p2 [hbm4b:s30+s28], $0x40, $0x38;
	[tilespmem:$0x1C0C0] =	vst v63  }
0xd0: {  	_ =	swait.ge [sflag:s25], $0x40  }
0xd1: {  	[sflag:s25] =	ssyncset.done $0x0  }
0xd2: {  	[sflag:s25] =	ssyncadd.s32 $0xFFFFFFC0  }
0xd3: {  	_ =	swait.ge [sflag:s25], $0x40  }
0xd4: {  	[sflag:s25] =	ssyncset.done $0x0  }
0xd5: {  	[sflag:s25] =	ssyncadd.s32 $0xFFFFFFC0  }
0xd6: {  	[tilespmem:s18], [sflag:$0xC] =	stream.indirect.gather [hbm4b:s4+s6], $0x80, s11, s6, $0xb8;
	[tilespmem:$0x1C0C0] =	vst v63  }
0xd7: {  	_ =	swait.ge [sflag:s19], $0x2000  }
0xd8: {  	[sflag:s19] =	ssyncset.done $0x0  }
0xd9: {  	s31 =	simm.s32 $0x600;
	[sflag:s19] =	ssyncadd.s32 $0xFFFFE000  }
0xda: {  	[spmem:s5] =	stream.indirect.scatter.add.f32 [tilespmem:s15], [sflag:$0xD], $0x80, s31, s6, $0xb8;
	[tilespmem:$0x1C0C0] =	vst v63  }
0xdb: {  	_ =	swait.ge [sflag:s16], $0x2000  }
0xdc: {  	[sflag:s16] =	ssyncset.done $0x0  }
0xdd: {  	s30 =	simm.s32 @p2 $0xA;
	[sflag:s16] =	ssyncadd.s32 $0xFFFFE000  }
0xde: {  	_ =	swait.ge @p2 [sflag:s30], $0x2000  }
0xdf: {  	s0 =	simm.s32 @p2 $0x2800;
	[sflag:s30] =	ssyncset.done @p2 $0x0  }
0xe0: {  	s31 =	simm.s32 @p2 $0x680;
	[sflag:s30] =	ssyncadd.s32 @p2 $0xFFFFE000;
	s30 =	simm.s32 @p2 $0x40  }
0xe1: {  	[spmem:s5] =	stream.indirect.scatter.add.f32 @p2 [tilespmem:s0], [sflag:$0xD], $0x80, s31, s30, $0xb8;
	[tilespmem:$0x1C0C0] =	vst v63  }
0xe2: {  	s0 =	simm.s32 @p2 $0xD  }
0xe3: {  	_ =	swait.ge @p2 [sflag:s0], $0x2000  }
0xe4: {  	[sflag:s0] =	ssyncset.done @p2 $0x0  }
0xe5: {  	[sflag:s0] =	ssyncadd.s32 @p2 $0xFFFFE000;
	s0 =	rddreg [dreg:$0x1c]  }
0xe6: {  	s30 =	simm.s32 @!p2 $0x200;
	s0 =	sadd.s32 @!p2 s26, s0  }
0xe7: {  	[tilespmem:s30], [sflag:$0x5] =	stream.linear.gather @!p2 [hbm4b:s0+s28], $0x40, $0x38;
	[tilespmem:$0x1C0C0] =	vst v63  }
0xe8: {  	s0 =	rddreg [dreg:$0x1b]  }
0xe9: {  	s30 =	simm.s32 @!p2 $0x600;
	s0 =	sadd.s32 @!p2 s26, s0  }
0xea: {  	[tilespmem:s30], [sflag:$0x5] =	stream.linear.gather @!p2 [hbm4b:s0+s28], $0x40, $0x38;
	[tilespmem:$0x1C0C0] =	vst v63  }
0xeb: {  	s0 =	simm.s32 @!p2 $0x1  }
0xec: {  	_ =	swait.ge @!p2 [sflag:s0], $0x40  }
0xed: {  	[sflag:s0] =	ssyncset.done @!p2 $0x0  }
0xee: {  	[sflag:s0] =	ssyncadd.s32 @!p2 $0xFFFFFFC0  }
0xef: {  	_ =	swait.ge @!p2 [sflag:s0], $0x40  }
0xf0: {  	[sflag:s0] =	ssyncset.done @!p2 $0x0  }
0xf1: {  	s30 =	simm.s32 @!p2 $0x800;
	[sflag:s0] =	ssyncadd.s32 @!p2 $0xFFFFFFC0;
	s0 =	simm.s32 @!p2 $0x40  }
0xf2: {  	[tilespmem:s30], [sflag:$0x9] =	stream.indirect.gather @!p2 [hbm4b:s4+s0], $0x80, s28, s0, $0xb8;
	[tilespmem:$0x1C0C0] =	vst v63  }
0xf3: {  	s30 =	simm.s32 @!p2 $0xA  }
0xf4: {  	_ =	swait.ge @!p2 [sflag:s30], $0x2000  }
0xf5: {  	s2 =	simm.s32 @!p2 $0xD;
	[sflag:s30] =	ssyncset.done @!p2 $0x0  }
0xf6: {  	s31 =	simm.s32 @!p2 $0x2800;
	[sflag:s30] =	ssyncadd.s32 @!p2 $0xFFFFE000;
	s30 =	simm.s32 @!p2 $0x680  }
0xf7: {  	[spmem:s5] =	stream.indirect.scatter.add.f32 @!p2 [tilespmem:s31], [sflag:$0xD], $0x80, s30, s0, $0xb8;
	[tilespmem:$0x1C0C0] =	vst v63  }
0xf8: {  	_ =	swait.ge @!p2 [sflag:s2], $0x2000  }
0xf9: {  	[sflag:s2] =	ssyncset.done @!p2 $0x0  }
0xfa: {  	[sflag:s2] =	ssyncadd.s32 @!p2 $0xFFFFE000;
	s2 =	rddreg [dreg:$0x1a]  }
0xfb: {  	s3 =	simm.s32 @!p2 $0x280;
	s2 =	sadd.s32 @!p2 s26, s2  }
0xfc: {  	[tilespmem:s3], [sflag:$0x6] =	stream.linear.gather @!p2 [hbm4b:s2+s28], $0x40, $0x38;
	[tilespmem:$0x1C0C0] =	vst v63  }
0xfd: {  	s2 =	rddreg [dreg:$0x19]  }
0xfe: {  	s2 =	sadd.s32 @!p2 s26, s2  }
0xff: {  	[tilespmem:s30], [sflag:$0x6] =	stream.linear.gather @!p2 [hbm4b:s2+s28], $0x40, $0x38;
	[tilespmem:$0x1C0C0] =	vst v63  }
0x100: {  	s2 =	simm.s32 @!p2 $0x2  }
0x101: {  	_ =	swait.ge @!p2 [sflag:s2], $0x40  }
0x102: {  	[sflag:s2] =	ssyncset.done @!p2 $0x0  }
0x103: {  	[sflag:s2] =	ssyncadd.s32 @!p2 $0xFFFFFFC0  }
0x104: {  	_ =	swait.ge @!p2 [sflag:s2], $0x40  }
0x105: {  	[sflag:s2] =	ssyncset.done @!p2 $0x0  }
0x106: {  	[sflag:s2] =	ssyncadd.s32 @!p2 $0xFFFFFFC0  }
0x107: {  	[tilespmem:s31], [sflag:$0xA] =	stream.indirect.gather @!p2 [hbm4b:s4+s0], $0x80, s29, s0, $0xb8;
	[tilespmem:$0x1C0C0] =	vst v63  }
0x108: {  	_ =	swait.ge [sflag:s22], $0x2000  }
0x109: {  	[sflag:s22] =	ssyncset.done $0x0  }
.Ltmp2:
0x10a: {  	[sflag:s22] =	ssyncadd.s32 $0xFFFFE000;
	(pc) =	sbr.rel @p2 .LBB2_6-.Ltmp2, $4  }
0x10b: {  	[spmem:s5] =	stream.indirect.scatter.add.f32 [tilespmem:s8], [sflag:$0xD], $0x80, s10, s6, $0xb8;
	[tilespmem:$0x1C0C0] =	vst v63  }
0x10c: {  	_ =	swait.ge [sflag:s16], $0x2000  }
0x10d: {  	[sflag:s16] =	ssyncset.done $0x0  }
0x10e: {  	[sflag:s16] =	ssyncadd.s32 $0xFFFFE000  }
0x10f: {  	s0 =	rddreg [dreg:$0x18]  }
0x110: {  	s3 =	rddreg [dreg:$0x17];
	s0 =	sadd.s32 s26, s0  }
0x111: {  	[tilespmem:s17], [sflag:$0x7] =	stream.linear.gather [hbm4b:s0+s1], $0x40, $0x38;
	[tilespmem:$0x1C0C0] =	vst v63  }
0x112: {  	s0 =	sadd.s32 s26, s3  }
0x113: {  	[tilespmem:s10], [sflag:$0x7] =	stream.linear.gather [hbm4b:s0+s1], $0x40, $0x38;
	[tilespmem:$0x1C0C0] =	vst v63  }
0x114: {  	_ =	swait.ge [sflag:s14], $0x40  }
0x115: {  	[sflag:s14] =	ssyncset.done $0x0  }
0x116: {  	[sflag:s14] =	ssyncadd.s32 $0xFFFFFFC0  }
0x117: {  	_ =	swait.ge [sflag:s14], $0x40  }
0x118: {  	[sflag:s14] =	ssyncset.done $0x0  }
0x119: {  	s28 =	simm.s32 $0x100;
	[sflag:s14] =	ssyncadd.s32 $0xFFFFFFC0  }
0x11a: {  	[tilespmem:s8], [sflag:$0xB] =	stream.indirect.gather [hbm4b:s4+s6], $0x80, s28, s6, $0xb8;
	[tilespmem:$0x1C0C0] =	vst v63  }
0x11b: {  	_ =	swait.ge [sflag:s24], $0x2000  }
0x11c: {  	[sflag:s24] =	ssyncset.done $0x0  }
0x11d: {  	[sflag:s24] =	ssyncadd.s32 $0xFFFFE000  }
0x11e: {  	[spmem:s5] =	stream.indirect.scatter.add.f32 [tilespmem:s18], [sflag:$0xD], $0x80, s9, s6, $0xb8;
	[tilespmem:$0x1C0C0] =	vst v63  }
0x11f: {  	_ =	swait.ge [sflag:s16], $0x2000  }
0x120: {  	[sflag:s16] =	ssyncset.done $0x0;
	s29 =	rddreg [dreg:$0x16]  }
0x121: {  	s30 =	rddreg [dreg:$0x15];
	[sflag:s16] =	ssyncadd.s32 $0xFFFFE000;
	s0 =	sadd.s32 s26, s29  }
0x122: {  	[tilespmem:s11], [sflag:$0x8] =	stream.linear.gather [hbm4b:s0+s1], $0x40, $0x38;
	[tilespmem:$0x1C0C0] =	vst v63  }
0x123: {  	s0 =	sadd.s32 s26, s30  }
0x124: {  	[tilespmem:s9], [sflag:$0x8] =	stream.linear.gather [hbm4b:s0+s1], $0x40, $0x38;
	[tilespmem:$0x1C0C0] =	vst v63  }
0x125: {  	_ =	swait.ge [sflag:s12], $0x40  }
0x126: {  	[sflag:s12] =	ssyncset.done $0x0  }
.Ltmp3:
0x127: {  	[sflag:s12] =	ssyncadd.s32 $0xFFFFFFC0;
	(pc) =	sbr.rel .LBB2_4-.Ltmp3, $4  }
0x128: {  	_ =	swait.ge [sflag:s12], $0x40  }
0x129: {  	[sflag:s12] =	ssyncset.done $0x0  }
0x12a: {  	s31 =	simm.s32 $0x180;
	s26 =	sadd.s32 $0x40, s26;
	[sflag:s12] =	ssyncadd.s32 $0xFFFFFFC0  }
0x12b: {  	[tilespmem:s18], [sflag:$0xC] =	stream.indirect.gather [hbm4b:s4+s6], $0x80, s31, s6, $0xb8;
	[tilespmem:$0x1C0C0] =	vst v63  }
.LBB2_6:
0x12c: {  	_ =	swait.ge [sflag:s24], $0x2000  }
0x12d: {  	[sflag:s24] =	ssyncset.done $0x0  }
0x12e: {  	[sflag:s24] =	ssyncadd.s32 $0xFFFFE000  }
0x12f: {  	[spmem:s5] =	stream.indirect.scatter.add.f32 [tilespmem:s18], [sflag:$0xD], $0x80, s9, s6, $0xb8;
	[tilespmem:$0x1C0C0] =	vst v63  }
0x130: {  	_ =	swait.ge [sflag:s16], $0x2000  }
0x131: {  	[sflag:s16] =	ssyncset.done $0x0  }
0x132: {  	[sflag:s16] =	ssyncadd.s32 $0xFFFFE000  }
0x133: {  	[bflag:$0x0] =	sbarrier.arrive $0xFFFF  }
0x134: {  	s31 =	sld [smem:$0x7FD];
	_ =	sdelay $0x2  }
0x135: {  	[tilespmem:s15], [sflag:$0xD] =	stream.linear.gather [spmem:s31], $0x4000, $0x38;
	[tilespmem:$0x1C0C0] =	vst v63  }
0x136: {  	_ =	swait.ge [sflag:s16], $0x4000  }
0x137: {  	s28 =	sld [smem:$0x7F7]  }
0x138: {  	[sflag:s16] =	ssyncset.done $0x0  }
0x139: {  	[sflag:s16] =	ssyncadd.s32 $0xFFFFC000  }
0x13a: {  	[hbm4b:s28+s1] =	stream.linear.scatter [tilespmem:s15], [sflag:$0xD], $0x4000, $0x38;
	[tilespmem:$0x1C0C0] =	vst v63  }
.Ltmp4:
0x13b: {  	_ =	swait.ge [sflag:s16], $0x4000;
	(pc) =	sbr.rel @!p1 .LBB2_8-.Ltmp4, $2  }
0x13c: {  	s30 =	sld [smem:$0x7FC];
	_ =	sdelay $0x2  }
0x13d: {  	s29 =	smov.u32 s31;
	[sflag:s16] =	ssyncset.done $0x0;
	s26 =	sadd.s32 $0xFFFFFFFF, s30  }
.LBB2_7:
0x13e: {  	[sflag:s16] =	ssyncadd.s32 $0xFFFFC000;
	s28 =	sadd.s32 $0x8000, s28;
	s29 =	sadd.s32 $0x40000, s29  }
0x13f: {  	[tilespmem:s15], [sflag:$0xD] =	stream.linear.gather [spmem:s29], $0x4000, $0x38;
	[tilespmem:$0x1C0C0] =	vst v63  }
0x140: {  	p1 =	sne.s32 s26, $0x1;
	s26 =	sadd.s32 $0xFFFFFFFF, s26;
	_ =	swait.ge [sflag:s16], $0x4000  }
.Ltmp5:
0x141: {  	[sflag:s16] =	ssyncset.done $0x0;
	(pc) =	sbr.rel @p1 .LBB2_7-.Ltmp5, $4  }
0x142: {  	[sflag:s16] =	ssyncadd.s32 $0xFFFFC000  }
0x143: {  	[hbm4b:s28+s1] =	stream.linear.scatter [tilespmem:s15], [sflag:$0xD], $0x4000, $0x38;
	[tilespmem:$0x1C0C0] =	vst v63  }
0x144: {  	_ =	swait.ge [sflag:s16], $0x4000  }
0x145: {  	[sflag:s16] =	ssyncset.done $0x0  }
.LBB2_8:
0x146: {  	s2 =	sld [smem:$0x7FB];
	_ =	sdelay $0x1  }
0x147: {  	[sflag:s16] =	ssyncadd.s32 $0xFFFFC000;
	s0 =	simm.s32 @!p0 $0x800  }
0x148: {  	[tilespmem:s0], [sflag:$0xD] =	stream.linear.gather @!p0 [spmem:s2], $0x800, $0x38;
	[tilespmem:$0x1C0C0] =	vst v63  }
0x149: {  	s2 =	simm.s32 @!p0 $0xD  }
0x14a: {  	_ =	swait.ge @!p0 [sflag:s2], $0x800  }
0x14b: {  	s26 =	sld [smem:$0x7F8]  }
0x14c: {  	[sflag:s2] =	ssyncset.done @!p0 $0x0  }
0x14d: {  	s3 =	simm.s32 @!p0 $0x0;
	[sflag:s2] =	ssyncadd.s32 @!p0 $0xFFFFF800  }
0x14e: {  	[hbm4b:s26+s3] =	stream.linear.scatter @!p0 [tilespmem:s0], [sflag:$0xD], $0x800, $0x38;
	[tilespmem:$0x1C0C0] =	vst v63  }
0x14f: {  	_ =	swait.ge @!p0 [sflag:s2], $0x800  }
0x150: {  	s28 =	sld [smem:$0x7F0]  }
0x151: {  	s29 =	sld [smem:$0x7FA];
	_ =	sdelay $0x1  }
0x152: {  	s3 =	sadd.s32 $0x1, s28  }
0x153: {  	p1 =	sne.s32 s3, s29  }
.Ltmp6:
0x154: {  	_ = 	snop;
	(pc) =	sbr.rel @p1 .LBB2_1-.Ltmp6, $3  }
0x155: {  	_ =	sdelay $0x1  }
0x156: {  	[sflag:s2] =	ssyncset.done @!p0 $0x0  }
0x157: {  	[sflag:s2] =	ssyncadd.s32 @!p0 $0xFFFFF800  }
0x158: {  	_ =	sfence.sel $0x180000  }
0x159: {  	[bflag:$0x0] =	sbarrier.arrive $0xFFFF  }
0x15a: {  	_ =	strace $0x9000004D  }
0x15b: {  	s0 =	stileid.u32;
	[bflag:$0x2] =	sbarrier.arrive $0xFFFF  }
0x15c: {  	p0 =	sne.s32 s0, $0x0;
	s0 =	rddreg [dreg:$0x4]  }
0x15d: {  	s0 =	sadd.s32 @!p0 $0x100000, s0  }
0x15e: {  	[sflag:s0] =	ssyncadd.tile.s32 @!p0 $0x1;
	_ =	shalt  }
.Lfunc_end2:
_tile_overlayer_lowered:
.L_overlay_start_2:
0x15f: {  	(tag) =	ssettag $0x2  }
0x160: {  	s0 =	rddreg [dreg:$0x0];
	s2 =	stileid.u32  }
0x161: {  	s1 =	rddreg [dreg:$0x1];
	p0 =	sne.s32 s2, $0x0  }
0x162: {  	s3 =	rddreg [dreg:$0x2];
	[bflag:$0x3] =	sbarrier.arrive $0xFFFF;
	s2 =	simm.s32 @!p0 $0x1C0D  }
0x163: {  	[timem:s3], [sflag:s2] =	dma.local @!p0 [hbm:s0], s1  }
0x164: {  	s0 =	simm.s32 @!p0 $0xD  }
0x165: {  	_ =	swait.ge @!p0 [sflag:s0], s1  }
0x166: {  	s1 =	ssub.s32 @!p0 $0x0, s1;
	[sflag:s0] =	ssyncset.done @!p0 $0x0  }
0x167: {  	[sflag:s0] =	ssyncadd.s32 @!p0 s1  }
0x168: {  	[bflag:$0x3] =	sbarrier.arrive $0xFFFF  }
0x169: {  	_ =	shalt  }

// kernel: kernel.8.cloned.1.call-start
scs
__scs_entry_jumppad:
0x0: {  	(pc) =	sbr.rel $0x88, $3  }
0x1: {  	(tag) =	ssettag $0x0;
	lr =	simm.s32 $0x1  }
0x2: {  	[smem:$0x3F99] =	sst lr;
	_ =	strace $0xD0000000  }
0x3: {  	_ = 	snop  }
0x4: {  	_ = 	snop  }
0x5: {  	_ = 	snop  }
0x6: {  	_ = 	snop  }
0x7: {  	_ = 	snop  }
__scs_overlays_trampoline_lowered:
0x8: {  	[smem:$0x3FA8] =	sst s0  }
0x9: {  	[smem:$0x3FA9] =	sst s1  }
0xa: {  	[smem:$0x3FAA] =	sst s2  }
0xb: {  	[smem:$0x3FAB] =	sst s3  }
0xc: {  	[smem:$0x3FAC] =	sst s4  }
0xd: {  	[smem:$0x3FAD] =	sst s5  }
0xe: {  	[smem:$0x3FAE] =	sst s6  }
0xf: {  	[smem:$0x3FAF] =	sst s7  }
0x10: {  	[smem:$0x3FB0] =	sst s8  }
0x11: {  	[smem:$0x3FB1] =	sst s9;
	s0 =	simm.s32 @!p0 $0x0  }
0x12: {  	s1 =	sld [smem:$0x3F97];
	s0 =	simm.s32 @p0 $0x1  }
0x13: {  	[smem:$0x3FB2] =	sst s0;
	s0 =	simm.s32 @!p1 $0x0  }
0x14: {  	s2 =	sld [smem:$0x3F96];
	s0 =	simm.s32 @p1 $0x1  }
0x15: {  	[smem:$0x3FB3] =	sst s0;
	s0 =	simm.s32 @!p2 $0x0  }
0x16: {  	s3 =	sld [smem:$0x3FDB];
	s0 =	simm.s32 @p2 $0x1  }
0x17: {  	s4 =	simm.s32 $0x1BF5;
	[smem:$0x3FB5] =	sst s0  }
0x18: {  	s0 =	sld [smem:$0x3F98];
	_ =	swait.ge [sflag:s4], $0x0  }
0x19: {  	s7 =	sld [smem:$0x3F99]  }
0x1a: {  	s8 =	sadd.s32 $0xFFFFE003, lr  }
0x1b: {  	s9 =	sadd.s32 $0xFFFFFEF7, lr;
	s5 =	simm.s32 $0xFFFFFFFF;
	p2 =	slt.u32 s8, $0xFFFFF086  }
0x1c: {  	p1 =	slt.u32 s9, $0xF7A;
	s5 =	simm.s32 @!p2 $0x0  }
0x1d: {  	s5 =	simm.s32 @p1 $0x1;
	p0 =	seq.s32 s7, s2  }
0x1e: {  	s7 =	smul.u32 @!p0 $0xF7A, s2;
	p2 =	seq.s32 @!p0 s5, $0x0  }
0x1f: {  	s9 =	smul.u32 $0xF7A, s1;
	s8 =	simm.s32 @!p0 $0x1BF5;
	p2 =	por !p2, p0  }
0x20: {  	[sflag:s8] =	ssyncset.s32 @!p0 $0xFFFFF086;
	s6 =	sadd.s32 @!p0 s3, s7;
	s7 =	simm.s32 @!p0 $0x108  }
0x21: {  	s3 =	sadd.s32 s3, s9;
	s6 =	sadd.s32 @!p0 $0x88, s6;
	s7 =	simm.s32 @p2 $0x1082  }
0x22: {  	[simem:s7], [sflag:s8] =	dma.local @!p0 [hbm:s6], $0xF7A  }
0x23: {  	s9 =	sor.u32 $0xD0000000, s2;
	s6 =	simm.s32 $0x108;
	_ =	swait.ge @!p0 [sflag:s8], $0x0  }
0x24: {  	s3 =	sadd.s32 $0x88, s3;
	s6 =	simm.s32 @!p1 $0x1082;
	[sflag:s4] =	ssyncset.s32 $0xFFFFF086  }
0x25: {  	[simem:s6], [sflag:s4] =	dma.local [hbm:s3], $0xF7A  }
0x26: {  	[smem:$0x3F99] =	sst s1;
	(tag) =	ssettag s2;
	_ =	strace s9  }
0x27: {  	s1 =	sld [smem:$0x3FA9]  }
0x28: {  	s2 =	sld [smem:$0x3FAA]  }
0x29: {  	s4 =	sld [smem:$0x3FAC]  }
0x2a: {  	p0 =	seq.s32 s5, $0x0;
	s5 =	sld [smem:$0x3FAD]  }
0x2b: {  	s6 =	sld [smem:$0x3FAE]  }
0x2c: {  	s7 =	sld [smem:$0x3FAF]  }
0x2d: {  	s3 =	simm.s32 $0x108;
	s8 =	sld [smem:$0x3FB0]  }
0x2e: {  	s3 =	simm.s32 @!p0 $0x1082;
	s9 =	sld [smem:$0x3FB1]  }
0x2f: {  	lr =	sadd.s32 s0, s3;
	s0 =	sld [smem:$0x3FA8]  }
0x30: {  	s3 =	sld [smem:$0x3FAB]  }
0x31: {  	[smem:$0x3FB4] =	sst s10  }
0x32: {  	s10 =	sld [smem:$0x3FB2];
	_ =	sdelay $0x3  }
0x33: {  	p0 =	seq.s32 s10, $0x1;
	s10 =	sld [smem:$0x3FB4];
	_ =	sdelay $0x3  }
0x34: {  	[smem:$0x3FB4] =	sst s10  }
0x35: {  	s10 =	sld [smem:$0x3FB3];
	_ =	sdelay $0x3  }
0x36: {  	p1 =	seq.s32 s10, $0x1;
	s10 =	sld [smem:$0x3FB4];
	_ =	sdelay $0x3  }
0x37: {  	[smem:$0x3FB4] =	sst s10  }
0x38: {  	s10 =	sld [smem:$0x3FB5]  }
0x39: {  	_ = 	snop;
	(pc) =	sbr.ind lr, $3  }
0x3a: {  	_ = 	snop  }
0x3b: {  	_ = 	snop  }
0x3c: {  	p2 =	seq.s32 s10, $0x1;
	s10 =	sld [smem:$0x3FB4]  }
0x3d: {  	_ =	shalt  }
0x3e: {  	_ =	shalt  }
0x3f: {  	_ =	shalt  }
0x40: {  	_ =	shalt  }
0x41: {  	_ =	shalt  }
0x42: {  	_ =	shalt  }
0x43: {  	_ =	shalt  }
0x44: {  	_ =	shalt  }
0x45: {  	_ =	shalt  }
0x46: {  	_ =	shalt  }
0x47: {  	_ =	shalt  }
0x48: {  	_ =	shalt  }
0x49: {  	_ =	shalt  }
0x4a: {  	_ =	shalt  }
0x4b: {  	_ =	shalt  }
0x4c: {  	_ =	shalt  }
0x4d: {  	_ =	shalt  }
0x4e: {  	_ =	shalt  }
0x4f: {  	_ =	shalt  }
0x50: {  	_ =	shalt  }
0x51: {  	_ =	shalt  }
0x52: {  	_ =	shalt  }
0x53: {  	_ =	shalt  }
0x54: {  	_ =	shalt  }
0x55: {  	_ =	shalt  }
0x56: {  	_ =	shalt  }
0x57: {  	_ =	shalt  }
0x58: {  	_ =	shalt  }
0x59: {  	_ =	shalt  }
0x5a: {  	_ =	shalt  }
0x5b: {  	_ =	shalt  }
0x5c: {  	_ =	shalt  }
0x5d: {  	_ =	shalt  }
0x5e: {  	_ =	shalt  }
0x5f: {  	_ =	shalt  }
0x60: {  	_ =	shalt  }
0x61: {  	_ =	shalt  }
0x62: {  	_ =	shalt  }
0x63: {  	_ =	shalt  }
0x64: {  	_ =	shalt  }
0x65: {  	_ =	shalt  }
0x66: {  	_ =	shalt  }
0x67: {  	_ =	shalt  }
0x68: {  	_ =	shalt  }
0x69: {  	_ =	shalt  }
0x6a: {  	_ =	shalt  }
0x6b: {  	_ =	shalt  }
0x6c: {  	_ =	shalt  }
0x6d: {  	_ =	shalt  }
0x6e: {  	_ =	shalt  }
0x6f: {  	_ =	shalt  }
0x70: {  	_ =	shalt  }
0x71: {  	_ =	shalt  }
0x72: {  	_ =	shalt  }
0x73: {  	_ =	shalt  }
0x74: {  	_ =	shalt  }
0x75: {  	_ =	shalt  }
0x76: {  	_ =	shalt  }
0x77: {  	_ =	shalt  }
0x78: {  	_ =	shalt  }
0x79: {  	_ =	shalt  }
0x7a: {  	_ =	shalt  }
0x7b: {  	_ =	shalt  }
0x7c: {  	_ =	shalt  }
0x7d: {  	_ =	shalt  }
0x7e: {  	_ =	shalt  }
0x7f: {  	_ =	shalt  }
0x80: {  	_ =	shalt  }
0x81: {  	_ =	shalt  }
0x82: {  	_ =	shalt  }
0x83: {  	_ =	shalt  }
0x84: {  	_ =	shalt  }
0x85: {  	_ =	shalt  }
0x86: {  	_ =	shalt  }
0x87: {  	_ =	shalt  }
.Lfunc_end0:
.L_simem_size_0:
called_computation_lowered:
.L_overlay_start_0:
0x88: {  	s2 =	sld [smem:$0x3FD9]  }
0x89: {  	s3 =	sld [smem:$0x3FFE];
	_ =	sdelay $0x1  }
0x8a: {  	s1 =	srdreg.scid  }
0x8b: {  	s0 =	sand.u32 $0x1, s1  }
0x8c: {  	s14 =	sshll.u32 s0, $0xA;
	s2 =	sadd.s32 s3, s2  }
0x8d: {  	s2 =	sadd.s32 s2, s14  }
0x8e: {  	[smem:$0x3FC0] =	sst s2  }
0x8f: {  	_ = 	snop  }
0x90: {  	s2 =	sld [smem:$0x3FD0];
	_ =	sdelay $0x2  }
0x91: {  	s15 =	simm.s32 $0xA;
	s4 =	simm.s32 $0x10  }
0x92: {  	[smem:s4], [sflag:s15] =	dma.local [hbm:s2], $0x1  }
0x93: {  	_ =	swait.eq [sflag:s15], $0x1  }
0x94: {  	[sflag:s15] =	ssyncset.done $0x0  }
0x95: {  	[sflag:s15] =	ssyncadd.s32 $0xFFFFFFFF  }
0x96: {  	s16 =	sld [smem:$0x10];
	(tm) =	ssettm $0x1  }
0x97: {  	s17 =	sld [smem:$0x3FFB];
	_ =	sdelay $0x3  }
0x98: {  	_ =	strace s17  }
0x99: {  	s3 =	sld [smem:$0x3FFC];
	_ =	sdelay $0x3  }
0x9a: {  	_ =	strace s3  }
0x9b: {  	s3 =	sld [smem:$0x3FFD];
	_ =	sdelay $0x3  }
0x9c: {  	_ =	strace s3  }
0x9d: {  	_ =	strace $0x8FFFFFFF  }
0x9e: {  	s18 =	sld [smem:$0x3FDB];
	_ =	sdelay $0x1  }
0x9f: {  	s19 =	simm.s32 $_scs_section_size  }
0xa0: {  	s5 =	simm.s32 $_size__tile_overlayer_lowered;
	s6 =	simm.s32 $_tile_overlayer_lowered  }
0xa1: {  	s22 =	simm.s32 $0x1BFF;
	s21 =	sshll.u32 s6, $0x1;
	s3 =	sadd.s32 s19, s18  }
0xa2: {  	s7 =	simm.s32 $0x0;
	s20 =	sshll.u32 s5, $0x1;
	s5 =	sadd.s32 s21, s3  }
0xa3: {  	[timem:s7], [sflag:s22] =	dma.local [hbm:s5], s20  }
0xa4: {  	_ =	swait.ge [sflag:s22], s20  }
0xa5: {  	s4 =	ssub.s32 $0x0, s20;
	[sflag:s22] =	ssyncset.done $0x0  }
0xa6: {  	[sflag:s22] =	ssyncadd.s32 s4;
	_ =	sdelay $0x1  }
0xa7: {  	s23 =	simm.s32 $0x1B8B  }
0xa8: {  	_ =	swait.ge [sflag:s23], $0x1  }
0xa9: {  	[sflag:s23] =	ssyncset.done $0x0  }
0xaa: {  	s25 =	simm.s32 $0x1B8E;
	s24 =	sld [smem:$0x3FFE];
	[sflag:s23] =	ssyncadd.s32 $0xFFFFFFFF  }
0xab: {  	s26 =	simm.s32 $execute0_lowered;
	[smem:$0x3FD2] =	sst s25  }
0xac: {  	s5 =	sshll.u32 s26, $0x1;
	_ =	strace $0x80000046;
	[dreg:$0x1] =	wrdreg $0xFFFFFFFF  }
0xad: {  	s28 =	simm.s32 $_size_execute0_lowered;
	s3 =	sadd.s32 s3, s5;
	[dreg:$0x0] =	wrdreg $0x0  }
0xae: {  	s5 =	sshll.u32 s28, $0x1;
	[dreg:$0x2] =	wrdreg s3  }
0xaf: {  	[dreg:$0x3] =	wrdreg s5  }
0xb0: {  	[dreg:$0x4] =	wrdreg $0xC0  }
0xb1: {  	_ =	task [dreg:s7], $0x5FFFF  }
0xb2: {  	[dreg:$0x1] =	wrdreg $0xFFFFFFFF  }
0xb3: {  	[dreg:$0x0] =	wrdreg $0x60  }
0xb4: {  	[dreg:$0x2] =	wrdreg s16  }
0xb5: {  	[dreg:$0x3] =	wrdreg s24  }
0xb6: {  	[dreg:$0x4] =	wrdreg $0x54800  }
0xb7: {  	[dreg:$0x5] =	wrdreg $0x9  }
0xb8: {  	_ =	task.clear_ibuf [dreg:s7], $0x6FFFF;
	_ =	strace $0x90000046  }
0xb9: {  	s29 =	simm.s32 $0x9;
	_ =	strace $0x80000048  }
0xba: {  	_ =	swait.ge [sflag:s29], $0x1  }
0xbb: {  	[sflag:s29] =	ssyncadd.s32 $0xFFFFFFFF  }
0xbc: {  	_ =	strace $0x90000048  }
0xbd: {  	_ =	sfence  }
0xbe: {  	s30 =	sld [smem:$0x0];
	_ =	sdelay $0x2  }
0xbf: {  	s31 =	sshll.u32 s1, $0xD;
	s1 =	sshrl.u32 s1, $0x2  }
0xc0: {  	s3 =	sand.u32 $0x4000, s31;
	s1 =	sadd.s32 s1, s30  }
0xc1: {  	s0 =	sor.u32 s3, s0;
	s1 =	sshll.u32 s1, $0x11  }
0xc2: {  	s0 =	sor.u32 s1, s0  }
0xc3: {  	s0 =	sadd.s32 $0x8F2B, s0  }
0xc4: {  	[sflag:s0] =	ssyncadd.remote.s32 $0x1  }
0xc5: {  	_ =	sfence.sel $0xFFFF  }
0xc6: {  	[dreg:$0x0] =	wrdreg $0xFFFFFFFF;
	(pc) =	sbr.abs _section_cstart, $3  }
0xc7: {  	[dreg:$0x1] =	wrdreg $0xFFFFFFFF  }
0xc8: {  	_ =	task.clear_ibuf [dreg:s7], $0x2FFFF;
	_ =	strace $0x9FFFFFFF  }
0xc9: {  	(tm) =	ssettm $0x7FFFFFFF  }
tec
execute0_lowered:
.L_overlay_start_1:
0x0: {  	(tag) =	ssettag $0x1  }
0x1: {  	s5 =	rddreg [dreg:$0x0]  }
0x2: {  	s1 =	srdreg.scid;
	s6 =	rddreg [dreg:$0x1]  }
0x3: {  	s0 =	stileid.u32;
	s2 =	rddreg [dreg:$0x2]  }
0x4: {  	s3 =	simm.s32 $0x0;
	s13 =	simm.s32 $0x2;
	s9 =	smul.u32 $0x3E8, s0  }
0x5: {  	s14 =	simm.s32 $0x5080;
	s15 =	simm.s32 $0x1;
	s11 =	smul.u32 $0x5000, s0  }
0x6: {  	s16 =	simm.s32 $0x80;
	s7 =	sand.u32 $0x1, s1;
	s30 =	smul.u32 $0xFA0, s0  }
0x7: {  	s17 =	simm.s32 $0x0;
	s1 =	rddreg [dreg:$0x3];
	s4 =	smul.u32 $0x2710, s7  }
0x8: {  	[smem:$0x7FF] =	sst s3;
	p0 =	sgt.u32 s0, $0x9;
	s8 =	smul.u32 $0x50000, s7  }
0x9: {  	_ =	strace $0x80000047;
	s7 =	ssub.s32 $0x2, s7;
	p1 =	sne.s32 @p0 s0, $0xA  }
0xa: {  	s12 =	sshrl.u32 s7, $0x1;
	s31 =	sshrl.u32 s30, $0x2;
	p1 =	por p1, !p0  }
0xb: {  	s10 =	sadd.s32 s9, s4;
	s4 =	sadd.s32 $0x1E00, s6;
	s8 =	sadd.s32 s11, s8  }
0xc: {  	s12 =	ssub.s32 s7, s12;
	s7 =	sadd.s32 $0x2710, s2;
	s9 =	sadd.s32 s9, s2  }
0xd: {  	s10 =	sshrl.u32 s10, $0x3;
	s8 =	sshrl.u32 s8, $0x3;
	s11 =	smax.u32 s12, $0x1  }
0xe: {  	s12 =	simm.s32 $0x5000;
	s10 =	sadd.s32 s10, s6;
	s5 =	sadd.s32 s5, s8  }
0xf: {  	s6 =	sadd.s32 $0x1E10, s6;
	s8 =	sadd.s32 s31, s2;
	s10 =	sadd.s32 $0x2000, s10  }
.LBB2_1:
0x10: {  	[tilespmem:s3], [sflag:$0x1] =	stream.linear.gather [hbm4b:s5+s3], $0x5000, $0x38;
	[tilespmem:$0x56F8] =	vst v63  }
0x11: {  	_ = 	snop  }
0x12: {  	[tilespmem:s12], [sflag:$0x2] =	stream.linear.gather [hbm4b:s4+s3], $0x80, $0x38;
	[tilespmem:$0x56F8] =	vst v63  }
0x13: {  	_ =	swait.ge [sflag:s13], $0x80  }
0x14: {  	[sflag:s13] =	ssyncset.done $0x0  }
0x15: {  	[sflag:s13] =	ssyncadd.s32 $0xFFFFFF80  }
0x16: {  	[tilespmem:s14], [sflag:$0x2] =	stream.linear.gather [hbm4b:s6+s3], $0x3E8, $0x38;
	[tilespmem:$0x56F8] =	vst v63  }
0x17: {  	_ =	swait.ge [sflag:s13], $0x3E8  }
0x18: {  	[sflag:s13] =	ssyncset.done $0x0  }
0x19: {  	s18 =	simm.s32 @!p1 $0x5080;
	[sflag:s13] =	ssyncadd.s32 $0xFFFFFC18  }
0x1a: {  	[spmem:s7] =	stream.linear.scatter @!p1 [tilespmem:s18], [sflag:$0x2], $0x8, $0x38;
	[tilespmem:$0x56F8] =	vst v63  }
0x1b: {  	s18 =	simm.s32 @!p1 $0x2  }
0x1c: {  	_ =	swait.ge @!p1 [sflag:s18], $0x8  }
0x1d: {  	[sflag:s18] =	ssyncset.done @!p1 $0x0  }
0x1e: {  	[sflag:s18] =	ssyncadd.s32 @!p1 $0xFFFFFFF8;
	s18 =	simm.s32 @!p0 $0x5080  }
0x1f: {  	[spmem:s8] =	stream.linear.scatter @!p0 [tilespmem:s18], [sflag:$0x2], $0x3E8, $0x38;
	[tilespmem:$0x56F8] =	vst v63  }
0x20: {  	s18 =	simm.s32 @!p0 $0x2  }
0x21: {  	_ =	swait.ge @!p0 [sflag:s18], $0x3E8  }
0x22: {  	[sflag:s18] =	ssyncset.done @!p0 $0x0  }
0x23: {  	[sflag:s18] =	ssyncadd.s32 @!p0 $0xFFFFFC18  }
0x24: {  	_ =	swait.ge [sflag:s15], $0x5000  }
0x25: {  	[sflag:s15] =	ssyncset.done $0x0  }
0x26: {  	[sflag:s15] =	ssyncadd.s32 $0xFFFFB000  }
0x27: {  	s31 =	simm.s32 $0x0;
	[bflag:$0x0] =	sbarrier.arrive $0xFFFF  }
0x28: {  	[spmem:s2] =	stream.indirect.scatter.add.f32 [tilespmem:s12], [sflag:$0x2], $0x1, s31, s16, $0xb8;
	[tilespmem:$0x56F8] =	vst v63  }
0x29: {  	_ =	swait.ge [sflag:s13], $0x80  }
0x2a: {  	s18 =	simm.s32 $0x200;
	[sflag:s13] =	ssyncset.done $0x0  }
.LBB2_2:
0x2b: {  	s19 =	sshra.s32 s18, $0x2;
	[sflag:s13] =	ssyncadd.s32 $0xFFFFFF80;
	p2 =	sne.s32 s18, $0x13E00  }
0x2c: {  	[spmem:s2] =	stream.indirect.scatter.add.f32 [tilespmem:s12], [sflag:$0x2], $0x1, s19, s16, $0xb8;
	[tilespmem:$0x56F8] =	vst v63  }
.Ltmp0:
0x2d: {  	_ = 	snop;
	(pc) =	sbr.rel @p2 .LBB2_2-.Ltmp0, $4  }
0x2e: {  	_ = 	snop  }
0x2f: {  	s18 =	sadd.s32 $0x200, s18  }
0x30: {  	_ =	swait.ge [sflag:s13], $0x80  }
0x31: {  	[sflag:s13] =	ssyncset.done $0x0  }
0x32: {  	[sflag:s13] =	ssyncadd.s32 $0xFFFFFF80  }
0x33: {  	s18 =	simm.s32 @!p0 $0x5080;
	s19 =	simm.s32 @!p0 $0x2;
	[bflag:$0x0] =	sbarrier.arrive $0xFFFF  }
0x34: {  	[tilespmem:s18], [sflag:$0x2] =	stream.linear.gather @!p0 [spmem:s9], $0x3E8, $0x38;
	[tilespmem:$0x56F8] =	vst v63  }
0x35: {  	s17 =	sadd.s32 $0x1, s17;
	_ =	swait.ge @!p0 [sflag:s19], $0x3E8  }
0x36: {  	p2 =	sne.s32 s17, s11;
	[sflag:s19] =	ssyncset.done @!p0 $0x0  }
.Ltmp1:
0x37: {  	s20 =	simm.s32 @!p0 $0x0;
	[sflag:s19] =	ssyncadd.s32 @!p0 $0xFFFFFC18;
	(pc) =	sbr.rel @p2 .LBB2_1-.Ltmp1, $4  }
0x38: {  	[hbm4b:s10+s20] =	stream.linear.scatter @!p0 [tilespmem:s18], [sflag:$0x2], $0x3E8, $0x38;
	[tilespmem:$0x56F8] =	vst v63  }
0x39: {  	_ =	swait.ge @!p0 [sflag:s19], $0x3E8  }
0x3a: {  	[sflag:s19] =	ssyncset.done @!p0 $0x0  }
0x3b: {  	[sflag:s19] =	ssyncadd.s32 @!p0 $0xFFFFFC18  }
0x3c: {  	_ =	sfence.sel $0x180000  }
0x3d: {  	[bflag:$0x0] =	sbarrier.arrive $0xFFFF  }
0x3e: {  	p0 =	sne.s32 s0, $0x0;
	_ =	strace $0x90000047  }
0x3f: {  	s0 =	sadd.s32 @!p0 $0x100000, s1;
	[bflag:$0x2] =	sbarrier.arrive $0xFFFF  }
0x40: {  	[sflag:s0] =	ssyncadd.tile.s32 @!p0 $0x1;
	_ =	shalt  }
.Lfunc_end2:
_tile_overlayer_lowered:
.L_overlay_start_2:
0x41: {  	(tag) =	ssettag $0x2  }
0x42: {  	s0 =	rddreg [dreg:$0x0];
	s2 =	stileid.u32  }
0x43: {  	s1 =	rddreg [dreg:$0x1];
	p0 =	sne.s32 s2, $0x0  }
0x44: {  	s3 =	rddreg [dreg:$0x2];
	[bflag:$0x3] =	sbarrier.arrive $0xFFFF;
	s2 =	simm.s32 @!p0 $0x1C02  }
0x45: {  	[timem:s3], [sflag:s2] =	dma.local @!p0 [hbm:s0], s1  }
0x46: {  	s0 =	simm.s32 @!p0 $0x2  }
0x47: {  	_ =	swait.ge @!p0 [sflag:s0], s1  }
0x48: {  	s1 =	ssub.s32 @!p0 $0x0, s1;
	[sflag:s0] =	ssyncset.done @!p0 $0x0  }
0x49: {  	[sflag:s0] =	ssyncadd.s32 @!p0 s1  }
0x4a: {  	[bflag:$0x3] =	sbarrier.arrive $0xFFFF  }
0x4b: {  	_ =	shalt  }

</sc_bundles>
